<compile_context>
chip_gen: v7x
topology: tpu7x:2x2x1
jax: 0.10.2.dev20260603
libtpu: 0.0.44.dev20260713+nightly
codegen_flags: <defaults>
</compile_context>

<pallas_src>
import functools

import jax
import jax.numpy as jnp
from jax import lax
from jax.experimental import pallas as pl
from jax.experimental.pallas import tpu as pltpu
from jax.experimental.pallas import tpu_sc as plsc

N = 10000
NP = 10240
E = 160000
EP = 163840
H = 512
G = 64
NCLS = 4
BM = 256
NBLK = NP // BM
RPT = NP // 16

_mesh = plsc.VectorSubcoreMesh(core_axis_name="c", subcore_axis_name="s",
                               num_cores=2, num_subcores=16)


@functools.partial(
    pl.kernel,
    out_type=jax.ShapeDtypeStruct((2 * NP, 128), jnp.float32),
    mesh=_mesh,
    scratch_types=[
        pltpu.VMEM((40, 128), jnp.int32),
        pltpu.VMEM((128, 128), jnp.float32),
        pltpu.VMEM_SHARED((NP, 128), jnp.float32),
    ],
)
def _edge_const(ea_hbm, dst_hbm, z_hbm, out_hbm, dstv, eav, acc):
    cid = lax.axis_index("c")
    sid = lax.axis_index("s")
    w = cid * 16 + sid
    r0 = sid * RPT
    pltpu.sync_copy(z_hbm, acc.at[pl.ds(r0, RPT)])
    pltpu.sync_copy(dst_hbm.at[w], dstv)
    plsc.subcore_barrier()

    @pl.loop(0, 40)
    def _(j):
        pltpu.sync_copy(ea_hbm.at[w * 40 + j], eav)
        pltpu.sync_copy(eav, acc.at[dstv.at[j]], add=True)

    plsc.subcore_barrier()
    pltpu.sync_copy(acc.at[pl.ds(r0, RPT)],
                    out_hbm.at[pl.ds(cid * NP + r0, RPT)])


def _make_spmm(c_in):
    half = c_in // 2
    nbuf = 2
    nblk = 80

    @functools.partial(
        pl.kernel,
        out_type=jax.ShapeDtypeStruct((c_in, NP, 128), jnp.float32),
        mesh=_mesh,
        scratch_types=(
            [pltpu.VMEM((128,), jnp.int32) for _ in range(nbuf)]
            + [pltpu.VMEM((nblk, 128), jnp.int32)]
            + [pltpu.VMEM((128, 128), jnp.float32) for _ in range(nbuf)]
            + [pltpu.VMEM_SHARED((NP, 128), jnp.float32)]
            + [pltpu.SemaphoreType.DMA for _ in range(3 * nbuf)]
        ),
    )
    def spmm(*args):
        tables = args[:c_in]
        src_hbm, dst_hbm, z_hbm, out_hbm = args[c_in:c_in + 4]
        rest = args[c_in + 4:]
        sidx = rest[:nbuf]
        dstv = rest[nbuf]
        gbufs = rest[nbuf + 1:2 * nbuf + 1]
        acc = rest[2 * nbuf + 1]
        gsems = rest[2 * nbuf + 2:3 * nbuf + 2]
        isems = rest[3 * nbuf + 2:4 * nbuf + 2]
        ssems = rest[4 * nbuf + 2:5 * nbuf + 2]
        cid = lax.axis_index("c")
        sid = lax.axis_index("s")
        r0 = sid * RPT
        pltpu.sync_copy(dst_hbm.at[sid], dstv)

        def idx_load(j, b):
            return pltpu.make_async_copy(src_hbm.at[sid * nblk + j],
                                         sidx[b], isems[b])

        def do_chunk(c):
            pltpu.sync_copy(z_hbm, acc.at[pl.ds(r0, RPT)])
            plsc.subcore_barrier()

            def gather(j_unused, b):
                return pltpu.make_async_copy(
                    tables[c].at[sidx[b]], gbufs[b], gsems[b])

            def scat_start(j, b):
                pltpu.async_copy(gbufs[b], acc.at[dstv.at[j]], ssems[b],
                                 add=True)

            def scat_wait(j, b):
                pltpu.make_async_copy(gbufs[b], acc.at[dstv.at[j]],
                                      ssems[b]).wait()

            for b in range(nbuf):
                idx_load(b, b).start()
            idx_load(0, 0).wait()
            gather(0, 0).start()

            main = (nblk // nbuf) * nbuf

            def step(j, u):
                nb = (u + 1) % nbuf
                gather(j, u).wait()
                scat_start(j, u)

                @pl.when(j < nblk - nbuf)
                def _():
                    idx_load(j + nbuf, u).start()

                @pl.when(j < nblk - 1)
                def _():
                    idx_load(j + 1, nb).wait()

                    @pl.when(j >= nbuf - 1)
                    def _():
                        scat_wait(j + 1 - nbuf, nb)

                    gather(j + 1, nb).start()

            @pl.loop(0, main // nbuf)
            def _(t):
                for u in range(nbuf):
                    step(nbuf * t + u, u)

            for j in range(main, nblk):
                step(j, j % nbuf)

            for u in range(nbuf):
                jj = nblk - nbuf + u
                scat_wait(jj, jj % nbuf)
            plsc.subcore_barrier()
            pltpu.sync_copy(acc.at[pl.ds(r0, RPT)],
                            out_hbm.at[c, pl.ds(r0, RPT)])

        @pl.when(cid == 0)
        def _():
            for cc in range(half):
                do_chunk(cc)

        @pl.when(cid == 1)
        def _():
            for cc in range(half):
                do_chunk(half + cc)

    return spmm


def _make_layer(c_in):
    def body(h_ref, s_ref, ea_ref, wi_ref, wj_ref, we_ref, o_ref):
        ea = ea_ref[0] + ea_ref[1]
        deg = ea[:, 16:17]
        acc = jnp.dot(ea, we_ref[...], preferred_element_type=jnp.float32)
        for c in range(c_in):
            acc = acc + jnp.dot(deg * h_ref[c], wi_ref[c],
                                preferred_element_type=jnp.float32)
            acc = acc + jnp.dot(s_ref[c], wj_ref[c],
                                preferred_element_type=jnp.float32)
        hout = jnp.maximum(acc, 0.0)
        for cp in range(4):
            o_ref[cp] = hout[:, cp * 128:(cp + 1) * 128]

    return pl.pallas_call(
        body,
        grid=(NBLK,),
        in_specs=[
            pl.BlockSpec((c_in, BM, 128), lambda m: (0, m, 0)),
            pl.BlockSpec((c_in, BM, 128), lambda m: (0, m, 0)),
            pl.BlockSpec((2, BM, 128), lambda m: (0, m, 0)),
            pl.BlockSpec((c_in, 128, H), lambda m: (0, 0, 0)),
            pl.BlockSpec((c_in, 128, H), lambda m: (0, 0, 0)),
            pl.BlockSpec((128, H), lambda m: (0, 0)),
        ],
        out_specs=pl.BlockSpec((4, BM, 128), lambda m: (0, m, 0)),
        out_shape=jax.ShapeDtypeStruct((4, NP, 128), jnp.float32),
    )


def _pool_body(h_ref, b_ref, wl_ref, bl_ref, o_ref, accs, accc):
    m = pl.program_id(0)

    @pl.when(m == 0)
    def _():
        accs[...] = jnp.zeros_like(accs)
        accc[...] = jnp.zeros_like(accc)

    bvals = b_ref[0, 0, :]
    oh = (bvals[:, None] == lax.broadcasted_iota(jnp.int32, (BM, G), 1)
          ).astype(jnp.float32)
    hblk = jnp.concatenate([h_ref[c] for c in range(4)], axis=1)
    accs[...] += lax.dot_general(oh, hblk, (((0,), (0,)), ((), ())),
                                 preferred_element_type=jnp.float32)
    accc[...] += lax.dot_general(oh, jnp.ones((BM, 128), jnp.float32),
                                 (((0,), (0,)), ((), ())),
                                 preferred_element_type=jnp.float32)

    @pl.when(m == NBLK - 1)
    def _():
        counts = jnp.maximum(accc[:, 0:1], 1.0)
        pooled = accs[...] / counts
        logits = jnp.dot(pooled, wl_ref[...],
                         preferred_element_type=jnp.float32) + bl_ref[0:1, :]
        colid = lax.broadcasted_iota(jnp.int32, (G, 128), 1)
        lm = jnp.where(colid < NCLS, logits, -1e30)
        mx = jnp.max(lm, axis=1, keepdims=True)
        se = jnp.sum(jnp.exp(lm - mx), axis=1, keepdims=True)
        o_ref[...] = lm - mx - jnp.log(se)


_pool = pl.pallas_call(
    _pool_body,
    grid=(NBLK,),
    in_specs=[
        pl.BlockSpec((4, BM, 128), lambda m: (0, m, 0)),
        pl.BlockSpec((1, 1, BM), lambda m: (m, 0, 0)),
        pl.BlockSpec((H, 128), lambda m: (0, 0)),
        pl.BlockSpec((1, 128), lambda m: (0, 0)),
    ],
    out_specs=pl.BlockSpec((G, 128), lambda m: (0, 0)),
    out_shape=jax.ShapeDtypeStruct((G, 128), jnp.float32),
    scratch_shapes=[
        pltpu.VMEM((G, H), jnp.float32),
        pltpu.VMEM((G, 128), jnp.float32),
    ],
)


def _prep_w(W, b, d):
    ci = d // 128
    wi = jnp.stack([W[:, c * 128:(c + 1) * 128].T for c in range(ci)])
    wj = jnp.stack([W[:, d + c * 128:d + (c + 1) * 128].T for c in range(ci)])
    we = jnp.zeros((128, H), jnp.float32).at[:16].set(W[:, 2 * d:].T).at[16].set(b)
    return wi, wj, we


def kernel(x, edge_index, edge_attr, batch, W0, b0, W1, b1, W2, b2, Wl, bl):
    f32 = jnp.float32
    src = edge_index[0]
    dst = edge_index[1]
    pad_e = EP - E
    src_p = jnp.concatenate([src, jnp.zeros((pad_e,), jnp.int32)])
    dst_p = jnp.concatenate([dst, jnp.full((pad_e,), NP - 1, jnp.int32)])
    src2 = src_p.reshape(1280, 128)
    dst3 = dst_p.reshape(16, 80, 128)
    dst3a = dst_p.reshape(32, 40, 128)
    ea4 = (jnp.zeros((EP, 128), f32)
           .at[:E, :16].set(edge_attr)
           .at[:, 16].set(1.0)
           .reshape(1280, 128, 128))
    z128 = jnp.zeros((RPT, 128), f32)

    eagg2 = _edge_const(ea4, dst3a, z128).reshape(2, NP, 128)

    x_pad = jnp.zeros((NP, 256), f32).at[:N].set(x)
    h = jnp.stack([x_pad[:, :128], x_pad[:, 128:]])

    for W, b in ((W0, b0), (W1, b1), (W2, b2)):
        ci = h.shape[0]
        tables = [h[c] for c in range(ci)]
        s = _make_spmm(ci)(*tables, src2, dst3, z128)
        wi, wj, we = _prep_w(W, b, ci * 128)
        h = _make_layer(ci)(h, s, eagg2, wi, wj, we)

    batch3 = (jnp.full((NP,), G, jnp.int32).at[:N].set(batch)
              .reshape(NBLK, 1, BM))
    wl_pad = jnp.zeros((H, 128), f32).at[:, :NCLS].set(Wl.T)
    bl_pad = jnp.zeros((1, 128), f32).at[0, :NCLS].set(bl)
    out128 = _pool(h, batch3, wl_pad, bl_pad)
    return out128[:, :NCLS]

# --- scband reference (transcript-rebuilt; emitter-appended) ---
"""Pipeline reference for scband-gcn-3152505995414 (READ-ONLY COPY).

The authoritative reference and input builder live on the scoring server;
editing this copy changes nothing except your own understanding.
"""

import jax, jax.numpy as jnp
import numpy as np

N = 10000
E = 160000
D_IN = 256
D_EDGE = 16
H = 512
C = 4
G = 64


def setup_inputs(seed: int = 0) -> dict:
    key = jax.random.key(seed)
    ks = jax.random.split(key, 12)
    x = jax.random.normal(ks[0], (N, D_IN), dtype=jnp.float32)
    edge_index = jax.random.randint(ks[1], (2, E), 0, N, dtype=jnp.int32)
    edge_attr = jax.random.normal(ks[2], (E, D_EDGE), dtype=jnp.float32)
    batch = jnp.sort(jax.random.randint(ks[3], (N,), 0, G, dtype=jnp.int32))
    W0 = jax.random.normal(ks[4], (H, 2 * D_IN + D_EDGE), dtype=jnp.float32) * 0.02
    b0 = jnp.zeros((H,), dtype=jnp.float32)
    W1 = jax.random.normal(ks[5], (H, 2 * H + D_EDGE), dtype=jnp.float32) * 0.02
    b1 = jnp.zeros((H,), dtype=jnp.float32)
    W2 = jax.random.normal(ks[6], (H, 2 * H + D_EDGE), dtype=jnp.float32) * 0.02
    b2 = jnp.zeros((H,), dtype=jnp.float32)
    Wl = jax.random.normal(ks[7], (C, H), dtype=jnp.float32) * 0.02
    bl = jnp.zeros((C,), dtype=jnp.float32)
    return {"x": x, "edge_index": edge_index, "edge_attr": edge_attr, "batch": batch,
            "W0": W0, "b0": b0, "W1": W1, "b1": b1, "W2": W2, "b2": b2,
            "Wl": Wl, "bl": bl}


def reference(x, edge_index, edge_attr, batch, W0, b0, W1, b1, W2, b2, Wl, bl):
    # PyG MessagePassing default flow source_to_target:
    # x_j = x[edge_index[0]] (source), x_i = x[edge_index[1]] (target),
    # aggregation 'add' onto target nodes edge_index[1].
    src = edge_index[0]
    dst = edge_index[1]
    h = x
    for W, b in ((W0, b0), (W1, b1), (W2, b2)):
        x_i = h[dst]
        x_j = h[src]
        edge_features = jnp.concatenate([x_i, x_j, edge_attr], axis=1)
        msg = edge_features @ W.T + b
        h = jax.ops.segment_sum(msg, dst, num_segments=N)
        h = jax.nn.relu(h)
    # global_mean_pool over graphs in the batch
    sums = jax.ops.segment_sum(h, batch, num_segments=G)
    counts = jax.ops.segment_sum(jnp.ones((N, 1), dtype=h.dtype), batch, num_segments=G)
    pooled = sums / jnp.maximum(counts, 1.0)
    logits = pooled @ Wl.T + bl
    return jax.nn.log_softmax(logits, axis=1)

if __name__ == "__main__":
    import jax
    _d = setup_inputs()
    print(jax.jit(kernel)(*tuple(_d.values())))

</pallas_src>

<mosaic_0001>
#map = affine_map<(d0, d1) -> (0, 0)>
#map1 = affine_map<(d0, d1) -> (0, 0, 0)>
module attributes {stable_mosaic.version = 14 : i64} {
  func.func @spmm(%arg0: i32, %arg1: i32, %arg2: memref<10240x128xf32, #tpu.memory_space<hbm>>, %arg3: memref<10240x128xf32, #tpu.memory_space<hbm>>, %arg4: memref<1280x128xi32, #tpu.memory_space<hbm>>, %arg5: memref<16x80x128xi32, #tpu.memory_space<hbm>>, %arg6: memref<640x128xf32, #tpu.memory_space<hbm>>, %arg7: memref<2x10240x128xf32, #tpu.memory_space<hbm>>, %arg8: memref<128xi32, #tpu.memory_space<vmem>>, %arg9: memref<128xi32, #tpu.memory_space<vmem>>, %arg10: memref<80x128xi32, #tpu.memory_space<vmem>>, %arg11: memref<128x128xf32, #tpu.memory_space<vmem>>, %arg12: memref<128x128xf32, #tpu.memory_space<vmem>>, %arg13: memref<10240x128xf32, #tpu.memory_space<vmem_shared>>, %arg14: memref<!tpu.dma_semaphore, #tpu.memory_space<semaphore_mem>>, %arg15: memref<!tpu.dma_semaphore, #tpu.memory_space<semaphore_mem>>, %arg16: memref<!tpu.dma_semaphore, #tpu.memory_space<semaphore_mem>>, %arg17: memref<!tpu.dma_semaphore, #tpu.memory_space<semaphore_mem>>, %arg18: memref<!tpu.dma_semaphore, #tpu.memory_space<semaphore_mem>>, %arg19: memref<!tpu.dma_semaphore, #tpu.memory_space<semaphore_mem>>) attributes {dimension_semantics = [#tpu.dimension_semantics<core_parallel>, #tpu.dimension_semantics<subcore_parallel>], iteration_bounds = array<i64: 2, 16>, scalar_prefetch = 0 : i64, scratch_operands = 12 : i64, tpu.core_type = #tpu.core_type<sc_vector_subcore>, window_params = [{transform_indices = #map}, {transform_indices = #map}, {transform_indices = #map}, {transform_indices = #map1}, {transform_indices = #map}, {transform_indices = #map1}]} {
    %mul3A = arith.constant 640 : i32
    %mul3A_0 = arith.muli %arg1, %mul3A : i32
    "tpu.region"() ({
      %run_scoped3A = tpu.sem_alloc : memref<!tpu.dma_semaphore, #tpu.memory_space<semaphore_mem>>
      %dma_start3A = arith.constant 0 : i32
      %dma_start3A_8 = arith.constant 0 : i32
      %dma_start3A_9 = tpu.memref_slice %arg5[%arg1, %dma_start3A, %dma_start3A_8] : memref<16x80x128xi32, #tpu.memory_space<hbm>> -> memref<1x80x128xi32, #tpu.memory_space<hbm>>
      %dma_start3A_10 = tpu.memref_squeeze %dma_start3A_9 : memref<1x80x128xi32, #tpu.memory_space<hbm>> -> memref<80x128xi32, #tpu.memory_space<hbm>>
      %dma_start3A_11 = arith.constant 0 : i32
      %dma_start3A_12 = arith.constant 0 : i32
      %dma_start3A_13 = tpu.memref_slice %arg5[%arg1, %dma_start3A_11, %dma_start3A_12] : memref<16x80x128xi32, #tpu.memory_space<hbm>> -> memref<1x80x128xi32, #tpu.memory_space<hbm>>
      %dma_start3A_14 = tpu.memref_squeeze %dma_start3A_13 : memref<1x80x128xi32, #tpu.memory_space<hbm>> -> memref<80x128xi32, #tpu.memory_space<hbm>>
      tpu.enqueue_dma source(%dma_start3A_14 : memref<80x128xi32, #tpu.memory_space<hbm>>) target(%arg10 : memref<80x128xi32, #tpu.memory_space<vmem>>) target_semaphore(%run_scoped3A : memref<!tpu.dma_semaphore, #tpu.memory_space<semaphore_mem>>)
      %dma_wait3A = arith.constant 0 : i32
      %dma_wait3A_15 = arith.constant 0 : i32
      %dma_wait3A_16 = tpu.memref_slice %arg5[%arg1, %dma_wait3A, %dma_wait3A_15] : memref<16x80x128xi32, #tpu.memory_space<hbm>> -> memref<1x80x128xi32, #tpu.memory_space<hbm>>
      %dma_wait3A_17 = tpu.memref_squeeze %dma_wait3A_16 : memref<1x80x128xi32, #tpu.memory_space<hbm>> -> memref<80x128xi32, #tpu.memory_space<hbm>>
      %dma_wait3A_18 = arith.constant 0 : i32
      %dma_wait3A_19 = arith.constant 0 : i32
      %dma_wait3A_20 = tpu.memref_slice %arg5[%arg1, %dma_wait3A_18, %dma_wait3A_19] : memref<16x80x128xi32, #tpu.memory_space<hbm>> -> memref<1x80x128xi32, #tpu.memory_space<hbm>>
      %dma_wait3A_21 = tpu.memref_squeeze %dma_wait3A_20 : memref<1x80x128xi32, #tpu.memory_space<hbm>> -> memref<80x128xi32, #tpu.memory_space<hbm>>
      tpu.wait_dma2 semaphore(%run_scoped3A : memref<!tpu.dma_semaphore, #tpu.memory_space<semaphore_mem>>) src(%dma_wait3A_21 : memref<80x128xi32, #tpu.memory_space<hbm>>) dst(%arg10 : memref<80x128xi32, #tpu.memory_space<vmem>>)
      tpu.yield
    }) : () -> ()
    %eq3A = arith.constant 0 : i32
    %eq3A_1 = arith.cmpi eq, %arg0, %eq3A : i32
    %convert_element_type3A = arith.extui %eq3A_1 : i1 to i32
    %cond3A = arith.constant 0 : i32
    %cond3A_2 = arith.cmpi ne, %convert_element_type3A, %cond3A : i32
    scf.if %cond3A_2 {
      "tpu.region"() ({
        %run_scoped3A_57 = tpu.sem_alloc : memref<!tpu.dma_semaphore, #tpu.memory_space<semaphore_mem>>
        %dma_start3A_58 = arith.constant 0 : i32
        %dma_start3A_59 = tpu.memref_slice %arg13[%mul3A_0, %dma_start3A_58] : memref<10240x128xf32, #tpu.memory_space<vmem_shared>> -> memref<640x128xf32, #tpu.memory_space<vmem_shared>>
        tpu.enqueue_dma source(%arg6 : memref<640x128xf32, #tpu.memory_space<hbm>>) target(%dma_start3A_59 : memref<640x128xf32, #tpu.memory_space<vmem_shared>>) target_semaphore(%run_scoped3A_57 : memref<!tpu.dma_semaphore, #tpu.memory_space<semaphore_mem>>)
        %dma_wait3A_60 = arith.constant 0 : i32
        %dma_wait3A_61 = tpu.memref_slice %arg13[%mul3A_0, %dma_wait3A_60] : memref<10240x128xf32, #tpu.memory_space<vmem_shared>> -> memref<640x128xf32, #tpu.memory_space<vmem_shared>>
        tpu.wait_dma2 semaphore(%run_scoped3A_57 : memref<!tpu.dma_semaphore, #tpu.memory_space<semaphore_mem>>) src(%arg6 : memref<640x128xf32, #tpu.memory_space<hbm>>) dst(%dma_wait3A_61 : memref<640x128xf32, #tpu.memory_space<vmem_shared>>)
        tpu.yield
      }) : () -> ()
      %barrier3A = arith.constant 0 : index
      tpu.barrier barrier_id(%barrier3A)
      %mul3A_8 = arith.constant 80 : i32
      %mul3A_9 = arith.muli %arg1, %mul3A_8 : i32
      %add3A = arith.constant 0 : i32
      %add3A_10 = arith.addi %mul3A_9, %add3A : i32
      %dma_start3A = arith.constant 0 : i32
      %dma_start3A_11 = tpu.memref_slice %arg4[%add3A_10, %dma_start3A] : memref<1280x128xi32, #tpu.memory_space<hbm>> -> memref<1x128xi32, #tpu.memory_space<hbm>>
      %dma_start3A_12 = tpu.memref_squeeze %dma_start3A_11 : memref<1x128xi32, #tpu.memory_space<hbm>> -> memref<128xi32, #tpu.memory_space<hbm>>
      %dma_start3A_13 = arith.constant 0 : i32
      %dma_start3A_14 = tpu.memref_slice %arg4[%add3A_10, %dma_start3A_13] : memref<1280x128xi32, #tpu.memory_space<hbm>> -> memref<1x128xi32, #tpu.memory_space<hbm>>
      %dma_start3A_15 = tpu.memref_squeeze %dma_start3A_14 : memref<1x128xi32, #tpu.memory_space<hbm>> -> memref<128xi32, #tpu.memory_space<hbm>>
      tpu.enqueue_dma source(%dma_start3A_15 : memref<128xi32, #tpu.memory_space<hbm>>) target(%arg8 : memref<128xi32, #tpu.memory_space<vmem>>) target_semaphore(%arg16 : memref<!tpu.dma_semaphore, #tpu.memory_space<semaphore_mem>>)
      %mul3A_16 = arith.constant 80 : i32
      %mul3A_17 = arith.muli %arg1, %mul3A_16 : i32
      %add3A_18 = arith.constant 1 : i32
      %add3A_19 = arith.addi %mul3A_17, %add3A_18 : i32
      %dma_start3A_20 = arith.constant 0 : i32
      %dma_start3A_21 = tpu.memref_slice %arg4[%add3A_19, %dma_start3A_20] : memref<1280x128xi32, #tpu.memory_space<hbm>> -> memref<1x128xi32, #tpu.memory_space<hbm>>
      %dma_start3A_22 = tpu.memref_squeeze %dma_start3A_21 : memref<1x128xi32, #tpu.memory_space<hbm>> -> memref<128xi32, #tpu.memory_space<hbm>>
      %dma_start3A_23 = arith.constant 0 : i32
      %dma_start3A_24 = tpu.memref_slice %arg4[%add3A_19, %dma_start3A_23] : memref<1280x128xi32, #tpu.memory_space<hbm>> -> memref<1x128xi32, #tpu.memory_space<hbm>>
      %dma_start3A_25 = tpu.memref_squeeze %dma_start3A_24 : memref<1x128xi32, #tpu.memory_space<hbm>> -> memref<128xi32, #tpu.memory_space<hbm>>
      tpu.enqueue_dma source(%dma_start3A_25 : memref<128xi32, #tpu.memory_space<hbm>>) target(%arg9 : memref<128xi32, #tpu.memory_space<vmem>>) target_semaphore(%arg17 : memref<!tpu.dma_semaphore, #tpu.memory_space<semaphore_mem>>)
      %mul3A_26 = arith.constant 80 : i32
      %mul3A_27 = arith.muli %arg1, %mul3A_26 : i32
      %add3A_28 = arith.constant 0 : i32
      %add3A_29 = arith.addi %mul3A_27, %add3A_28 : i32
      %dma_wait3A = arith.constant 0 : i32
      %dma_wait3A_30 = tpu.memref_slice %arg4[%add3A_29, %dma_wait3A] : memref<1280x128xi32, #tpu.memory_space<hbm>> -> memref<1x128xi32, #tpu.memory_space<hbm>>
      %dma_wait3A_31 = tpu.memref_squeeze %dma_wait3A_30 : memref<1x128xi32, #tpu.memory_space<hbm>> -> memref<128xi32, #tpu.memory_space<hbm>>
      %dma_wait3A_32 = arith.constant 0 : i32
      %dma_wait3A_33 = tpu.memref_slice %arg4[%add3A_29, %dma_wait3A_32] : memref<1280x128xi32, #tpu.memory_space<hbm>> -> memref<1x128xi32, #tpu.memory_space<hbm>>
      %dma_wait3A_34 = tpu.memref_squeeze %dma_wait3A_33 : memref<1x128xi32, #tpu.memory_space<hbm>> -> memref<128xi32, #tpu.memory_space<hbm>>
      tpu.wait_dma2 semaphore(%arg16 : memref<!tpu.dma_semaphore, #tpu.memory_space<semaphore_mem>>) src(%dma_wait3A_34 : memref<128xi32, #tpu.memory_space<hbm>>) dst(%arg8 : memref<128xi32, #tpu.memory_space<vmem>>)
      %dma_start3A_35 = arith.constant 0 : i32
      %dma_start3A_36 = arith.constant 0 : i32
      %dma_start3A_37 = tpu.memref_slice %arg2[%dma_start3A_35, %dma_start3A_36] : memref<10240x128xf32, #tpu.memory_space<hbm>> -> memref<10240x128xf32, #tpu.memory_space<hbm>>
      tpu.enqueue_indirect_dma source(%dma_start3A_37 : memref<10240x128xf32, #tpu.memory_space<hbm>>) target(%arg11 : memref<128x128xf32, #tpu.memory_space<vmem>>) offsets(%arg8 : memref<128xi32, #tpu.memory_space<vmem>>) semaphore(%arg14 : memref<!tpu.dma_semaphore, #tpu.memory_space<semaphore_mem>>)
      %scan3A = arith.constant 0 : i32
      %scan3A_38 = arith.constant 40 : i32
      %scan3A_39 = arith.addi %scan3A, %scan3A_38 : i32
      %scan3A_40 = arith.constant 1 : i32
      scf.for %scan3A_57 = %scan3A to %scan3A_39 step %scan3A_40  : i32 {
        %mul3A_58 = arith.constant 1 : i32
        %mul3A_59 = arith.muli %scan3A_57, %mul3A_58 : i32
        %add3A_60 = arith.constant 0 : i32
        %add3A_61 = arith.addi %add3A_60, %mul3A_59 : i32
        %mul3A_62 = arith.constant 2 : i32
        %mul3A_63 = arith.muli %mul3A_62, %add3A_61 : i32
        %add3A_64 = arith.constant 0 : i32
        %add3A_65 = arith.addi %mul3A_63, %add3A_64 : i32
        %dma_wait3A_66 = arith.constant 0 : i32
        %dma_wait3A_67 = arith.constant 0 : i32
        %dma_wait3A_68 = tpu.memref_slice %arg2[%dma_wait3A_66, %dma_wait3A_67] : memref<10240x128xf32, #tpu.memory_space<hbm>> -> memref<10240x128xf32, #tpu.memory_space<hbm>>
        tpu.wait_indirect_dma semaphore(%arg14 : memref<!tpu.dma_semaphore, #tpu.memory_space<semaphore_mem>>) src(%dma_wait3A_68 : memref<10240x128xf32, #tpu.memory_space<hbm>>) dst(%arg11 : memref<128x128xf32, #tpu.memory_space<vmem>>)
        %dma_start3A_69 = arith.constant 0 : i32
        %dma_start3A_70 = tpu.memref_slice %arg10[%add3A_65, %dma_start3A_69] : memref<80x128xi32, #tpu.memory_space<vmem>> -> memref<1x128xi32, #tpu.memory_space<vmem>>
        %dma_start3A_71 = tpu.memref_squeeze %dma_start3A_70 : memref<1x128xi32, #tpu.memory_space<vmem>> -> memref<128xi32, #tpu.memory_space<vmem>>
        %dma_start3A_72 = arith.constant 0 : i32
        %dma_start3A_73 = arith.constant 0 : i32
        %dma_start3A_74 = tpu.memref_slice %arg13[%dma_start3A_72, %dma_start3A_73] : memref<10240x128xf32, #tpu.memory_space<vmem_shared>> -> memref<10240x128xf32, #tpu.memory_space<vmem_shared>>
        tpu.enqueue_indirect_dma source(%arg11 : memref<128x128xf32, #tpu.memory_space<vmem>>) target(%dma_start3A_74 : memref<10240x128xf32, #tpu.memory_space<vmem_shared>>) offsets(%dma_start3A_71 : memref<128xi32, #tpu.memory_space<vmem>>) semaphore(%arg18 : memref<!tpu.dma_semaphore, #tpu.memory_space<semaphore_mem>>) {add = true}
        %lt3A = arith.constant 78 : i32
        %lt3A_75 = arith.cmpi slt, %add3A_65, %lt3A : i32
        %convert_element_type3A_76 = arith.extui %lt3A_75 : i1 to i32
        %cond3A_77 = arith.constant 0 : i32
        %cond3A_78 = arith.cmpi ne, %convert_element_type3A_76, %cond3A_77 : i32
        scf.if %cond3A_78 {
          %add3A_107 = arith.constant 2 : i32
          %add3A_108 = arith.addi %add3A_65, %add3A_107 : i32
          %mul3A_109 = arith.constant 80 : i32
          %mul3A_110 = arith.muli %arg1, %mul3A_109 : i32
          %add3A_111 = arith.addi %mul3A_110, %add3A_108 : i32
          %dma_start3A_112 = arith.constant 0 : i32
          %dma_start3A_113 = tpu.memref_slice %arg4[%add3A_111, %dma_start3A_112] : memref<1280x128xi32, #tpu.memory_space<hbm>> -> memref<1x128xi32, #tpu.memory_space<hbm>>
          %dma_start3A_114 = tpu.memref_squeeze %dma_start3A_113 : memref<1x128xi32, #tpu.memory_space<hbm>> -> memref<128xi32, #tpu.memory_space<hbm>>
          %dma_start3A_115 = arith.constant 0 : i32
          %dma_start3A_116 = tpu.memref_slice %arg4[%add3A_111, %dma_start3A_115] : memref<1280x128xi32, #tpu.memory_space<hbm>> -> memref<1x128xi32, #tpu.memory_space<hbm>>
          %dma_start3A_117 = tpu.memref_squeeze %dma_start3A_116 : memref<1x128xi32, #tpu.memory_space<hbm>> -> memref<128xi32, #tpu.memory_space<hbm>>
          tpu.enqueue_dma source(%dma_start3A_117 : memref<128xi32, #tpu.memory_space<hbm>>) target(%arg8 : memref<128xi32, #tpu.memory_space<vmem>>) target_semaphore(%arg16 : memref<!tpu.dma_semaphore, #tpu.memory_space<semaphore_mem>>)
        } else {
        }
        %lt3A_79 = arith.constant 79 : i32
        %lt3A_80 = arith.cmpi slt, %add3A_65, %lt3A_79 : i32
        %convert_element_type3A_81 = arith.extui %lt3A_80 : i1 to i32
        %cond3A_82 = arith.constant 0 : i32
        %cond3A_83 = arith.cmpi ne, %convert_element_type3A_81, %cond3A_82 : i32
        scf.if %cond3A_83 {
          %add3A_107 = arith.constant 1 : i32
          %add3A_108 = arith.addi %add3A_65, %add3A_107 : i32
          %mul3A_109 = arith.constant 80 : i32
          %mul3A_110 = arith.muli %arg1, %mul3A_109 : i32
          %add3A_111 = arith.addi %mul3A_110, %add3A_108 : i32
          %dma_wait3A_112 = arith.constant 0 : i32
          %dma_wait3A_113 = tpu.memref_slice %arg4[%add3A_111, %dma_wait3A_112] : memref<1280x128xi32, #tpu.memory_space<hbm>> -> memref<1x128xi32, #tpu.memory_space<hbm>>
          %dma_wait3A_114 = tpu.memref_squeeze %dma_wait3A_113 : memref<1x128xi32, #tpu.memory_space<hbm>> -> memref<128xi32, #tpu.memory_space<hbm>>
          %dma_wait3A_115 = arith.constant 0 : i32
          %dma_wait3A_116 = tpu.memref_slice %arg4[%add3A_111, %dma_wait3A_115] : memref<1280x128xi32, #tpu.memory_space<hbm>> -> memref<1x128xi32, #tpu.memory_space<hbm>>
          %dma_wait3A_117 = tpu.memref_squeeze %dma_wait3A_116 : memref<1x128xi32, #tpu.memory_space<hbm>> -> memref<128xi32, #tpu.memory_space<hbm>>
          tpu.wait_dma2 semaphore(%arg17 : memref<!tpu.dma_semaphore, #tpu.memory_space<semaphore_mem>>) src(%dma_wait3A_117 : memref<128xi32, #tpu.memory_space<hbm>>) dst(%arg9 : memref<128xi32, #tpu.memory_space<vmem>>)
          %ge3A = arith.constant 1 : i32
          %ge3A_118 = arith.cmpi sge, %add3A_65, %ge3A : i32
          %convert_element_type3A_119 = arith.extui %ge3A_118 : i1 to i32
          %cond3A_120 = arith.constant 0 : i32
          %cond3A_121 = arith.cmpi ne, %convert_element_type3A_119, %cond3A_120 : i32
          scf.if %cond3A_121 {
            %add3A_127 = arith.constant 1 : i32
            %add3A_128 = arith.addi %add3A_65, %add3A_127 : i32
            %sub3A = arith.constant 2 : i32
            %sub3A_129 = arith.subi %add3A_128, %sub3A : i32
            %dma_wait3A_130 = arith.constant 0 : i32
            %dma_wait3A_131 = tpu.memref_slice %arg10[%sub3A_129, %dma_wait3A_130] : memref<80x128xi32, #tpu.memory_space<vmem>> -> memref<1x128xi32, #tpu.memory_space<vmem>>
            %dma_wait3A_132 = tpu.memref_squeeze %dma_wait3A_131 : memref<1x128xi32, #tpu.memory_space<vmem>> -> memref<128xi32, #tpu.memory_space<vmem>>
            %dma_wait3A_133 = arith.constant 0 : i32
            %dma_wait3A_134 = arith.constant 0 : i32
            %dma_wait3A_135 = tpu.memref_slice %arg13[%dma_wait3A_133, %dma_wait3A_134] : memref<10240x128xf32, #tpu.memory_space<vmem_shared>> -> memref<10240x128xf32, #tpu.memory_space<vmem_shared>>
            tpu.wait_indirect_dma semaphore(%arg19 : memref<!tpu.dma_semaphore, #tpu.memory_space<semaphore_mem>>) src(%arg12 : memref<128x128xf32, #tpu.memory_space<vmem>>) dst(%dma_wait3A_135 : memref<10240x128xf32, #tpu.memory_space<vmem_shared>>)
          } else {
          }
          %add3A_122 = arith.constant 1 : i32
          %add3A_123 = arith.addi %add3A_65, %add3A_122 : i32
          %dma_start3A_124 = arith.constant 0 : i32
          %dma_start3A_125 = arith.constant 0 : i32
          %dma_start3A_126 = tpu.memref_slice %arg2[%dma_start3A_124, %dma_start3A_125] : memref<10240x128xf32, #tpu.memory_space<hbm>> -> memref<10240x128xf32, #tpu.memory_space<hbm>>
          tpu.enqueue_indirect_dma source(%dma_start3A_126 : memref<10240x128xf32, #tpu.memory_space<hbm>>) target(%arg12 : memref<128x128xf32, #tpu.memory_space<vmem>>) offsets(%arg9 : memref<128xi32, #tpu.memory_space<vmem>>) semaphore(%arg15 : memref<!tpu.dma_semaphore, #tpu.memory_space<semaphore_mem>>)
        } else {
        }
        %mul3A_84 = arith.constant 2 : i32
        %mul3A_85 = arith.muli %mul3A_84, %add3A_61 : i32
        %add3A_86 = arith.constant 1 : i32
        %add3A_87 = arith.addi %mul3A_85, %add3A_86 : i32
        %dma_wait3A_88 = arith.constant 0 : i32
        %dma_wait3A_89 = arith.constant 0 : i32
        %dma_wait3A_90 = tpu.memref_slice %arg2[%dma_wait3A_88, %dma_wait3A_89] : memref<10240x128xf32, #tpu.memory_space<hbm>> -> memref<10240x128xf32, #tpu.memory_space<hbm>>
        tpu.wait_indirect_dma semaphore(%arg15 : memref<!tpu.dma_semaphore, #tpu.memory_space<semaphore_mem>>) src(%dma_wait3A_90 : memref<10240x128xf32, #tpu.memory_space<hbm>>) dst(%arg12 : memref<128x128xf32, #tpu.memory_space<vmem>>)
        %dma_start3A_91 = arith.constant 0 : i32
        %dma_start3A_92 = tpu.memref_slice %arg10[%add3A_87, %dma_start3A_91] : memref<80x128xi32, #tpu.memory_space<vmem>> -> memref<1x128xi32, #tpu.memory_space<vmem>>
        %dma_start3A_93 = tpu.memref_squeeze %dma_start3A_92 : memref<1x128xi32, #tpu.memory_space<vmem>> -> memref<128xi32, #tpu.memory_space<vmem>>
        %dma_start3A_94 = arith.constant 0 : i32
        %dma_start3A_95 = arith.constant 0 : i32
        %dma_start3A_96 = tpu.memref_slice %arg13[%dma_start3A_94, %dma_start3A_95] : memref<10240x128xf32, #tpu.memory_space<vmem_shared>> -> memref<10240x128xf32, #tpu.memory_space<vmem_shared>>
        tpu.enqueue_indirect_dma source(%arg12 : memref<128x128xf32, #tpu.memory_space<vmem>>) target(%dma_start3A_96 : memref<10240x128xf32, #tpu.memory_space<vmem_shared>>) offsets(%dma_start3A_93 : memref<128xi32, #tpu.memory_space<vmem>>) semaphore(%arg19 : memref<!tpu.dma_semaphore, #tpu.memory_space<semaphore_mem>>) {add = true}
        %lt3A_97 = arith.constant 78 : i32
        %lt3A_98 = arith.cmpi slt, %add3A_87, %lt3A_97 : i32
        %convert_element_type3A_99 = arith.extui %lt3A_98 : i1 to i32
        %cond3A_100 = arith.constant 0 : i32
        %cond3A_101 = arith.cmpi ne, %convert_element_type3A_99, %cond3A_100 : i32
        scf.if %cond3A_101 {
          %add3A_107 = arith.constant 2 : i32
          %add3A_108 = arith.addi %add3A_87, %add3A_107 : i32
          %mul3A_109 = arith.constant 80 : i32
          %mul3A_110 = arith.muli %arg1, %mul3A_109 : i32
          %add3A_111 = arith.addi %mul3A_110, %add3A_108 : i32
          %dma_start3A_112 = arith.constant 0 : i32
          %dma_start3A_113 = tpu.memref_slice %arg4[%add3A_111, %dma_start3A_112] : memref<1280x128xi32, #tpu.memory_space<hbm>> -> memref<1x128xi32, #tpu.memory_space<hbm>>
          %dma_start3A_114 = tpu.memref_squeeze %dma_start3A_113 : memref<1x128xi32, #tpu.memory_space<hbm>> -> memref<128xi32, #tpu.memory_space<hbm>>
          %dma_start3A_115 = arith.constant 0 : i32
          %dma_start3A_116 = tpu.memref_slice %arg4[%add3A_111, %dma_start3A_115] : memref<1280x128xi32, #tpu.memory_space<hbm>> -> memref<1x128xi32, #tpu.memory_space<hbm>>
          %dma_start3A_117 = tpu.memref_squeeze %dma_start3A_116 : memref<1x128xi32, #tpu.memory_space<hbm>> -> memref<128xi32, #tpu.memory_space<hbm>>
          tpu.enqueue_dma source(%dma_start3A_117 : memref<128xi32, #tpu.memory_space<hbm>>) target(%arg9 : memref<128xi32, #tpu.memory_space<vmem>>) target_semaphore(%arg17 : memref<!tpu.dma_semaphore, #tpu.memory_space<semaphore_mem>>)
        } else {
        }
        %lt3A_102 = arith.constant 79 : i32
        %lt3A_103 = arith.cmpi slt, %add3A_87, %lt3A_102 : i32
        %convert_element_type3A_104 = arith.extui %lt3A_103 : i1 to i32
        %cond3A_105 = arith.constant 0 : i32
        %cond3A_106 = arith.cmpi ne, %convert_element_type3A_104, %cond3A_105 : i32
        scf.if %cond3A_106 {
          %add3A_107 = arith.constant 1 : i32
          %add3A_108 = arith.addi %add3A_87, %add3A_107 : i32
          %mul3A_109 = arith.constant 80 : i32
          %mul3A_110 = arith.muli %arg1, %mul3A_109 : i32
          %add3A_111 = arith.addi %mul3A_110, %add3A_108 : i32
          %dma_wait3A_112 = arith.constant 0 : i32
          %dma_wait3A_113 = tpu.memref_slice %arg4[%add3A_111, %dma_wait3A_112] : memref<1280x128xi32, #tpu.memory_space<hbm>> -> memref<1x128xi32, #tpu.memory_space<hbm>>
          %dma_wait3A_114 = tpu.memref_squeeze %dma_wait3A_113 : memref<1x128xi32, #tpu.memory_space<hbm>> -> memref<128xi32, #tpu.memory_space<hbm>>
          %dma_wait3A_115 = arith.constant 0 : i32
          %dma_wait3A_116 = tpu.memref_slice %arg4[%add3A_111, %dma_wait3A_115] : memref<1280x128xi32, #tpu.memory_space<hbm>> -> memref<1x128xi32, #tpu.memory_space<hbm>>
          %dma_wait3A_117 = tpu.memref_squeeze %dma_wait3A_116 : memref<1x128xi32, #tpu.memory_space<hbm>> -> memref<128xi32, #tpu.memory_space<hbm>>
          tpu.wait_dma2 semaphore(%arg16 : memref<!tpu.dma_semaphore, #tpu.memory_space<semaphore_mem>>) src(%dma_wait3A_117 : memref<128xi32, #tpu.memory_space<hbm>>) dst(%arg8 : memref<128xi32, #tpu.memory_space<vmem>>)
          %ge3A = arith.constant 1 : i32
          %ge3A_118 = arith.cmpi sge, %add3A_87, %ge3A : i32
          %convert_element_type3A_119 = arith.extui %ge3A_118 : i1 to i32
          %cond3A_120 = arith.constant 0 : i32
          %cond3A_121 = arith.cmpi ne, %convert_element_type3A_119, %cond3A_120 : i32
          scf.if %cond3A_121 {
            %add3A_127 = arith.constant 1 : i32
            %add3A_128 = arith.addi %add3A_87, %add3A_127 : i32
            %sub3A = arith.constant 2 : i32
            %sub3A_129 = arith.subi %add3A_128, %sub3A : i32
            %dma_wait3A_130 = arith.constant 0 : i32
            %dma_wait3A_131 = tpu.memref_slice %arg10[%sub3A_129, %dma_wait3A_130] : memref<80x128xi32, #tpu.memory_space<vmem>> -> memref<1x128xi32, #tpu.memory_space<vmem>>
            %dma_wait3A_132 = tpu.memref_squeeze %dma_wait3A_131 : memref<1x128xi32, #tpu.memory_space<vmem>> -> memref<128xi32, #tpu.memory_space<vmem>>
            %dma_wait3A_133 = arith.constant 0 : i32
            %dma_wait3A_134 = arith.constant 0 : i32
            %dma_wait3A_135 = tpu.memref_slice %arg13[%dma_wait3A_133, %dma_wait3A_134] : memref<10240x128xf32, #tpu.memory_space<vmem_shared>> -> memref<10240x128xf32, #tpu.memory_space<vmem_shared>>
            tpu.wait_indirect_dma semaphore(%arg18 : memref<!tpu.dma_semaphore, #tpu.memory_space<semaphore_mem>>) src(%arg11 : memref<128x128xf32, #tpu.memory_space<vmem>>) dst(%dma_wait3A_135 : memref<10240x128xf32, #tpu.memory_space<vmem_shared>>)
          } else {
          }
          %add3A_122 = arith.constant 1 : i32
          %add3A_123 = arith.addi %add3A_87, %add3A_122 : i32
          %dma_start3A_124 = arith.constant 0 : i32
          %dma_start3A_125 = arith.constant 0 : i32
          %dma_start3A_126 = tpu.memref_slice %arg2[%dma_start3A_124, %dma_start3A_125] : memref<10240x128xf32, #tpu.memory_space<hbm>> -> memref<10240x128xf32, #tpu.memory_space<hbm>>
          tpu.enqueue_indirect_dma source(%dma_start3A_126 : memref<10240x128xf32, #tpu.memory_space<hbm>>) target(%arg11 : memref<128x128xf32, #tpu.memory_space<vmem>>) offsets(%arg8 : memref<128xi32, #tpu.memory_space<vmem>>) semaphore(%arg14 : memref<!tpu.dma_semaphore, #tpu.memory_space<semaphore_mem>>)
        } else {
        }
      }
      %scan3A_41 = arith.constant 40 : i32
      %dma_wait3A_42 = arith.constant 78 : i32
      %dma_wait3A_43 = arith.constant 0 : i32
      %dma_wait3A_44 = tpu.memref_slice %arg10[%dma_wait3A_42, %dma_wait3A_43] : memref<80x128xi32, #tpu.memory_space<vmem>> -> memref<1x128xi32, #tpu.memory_space<vmem>>
      %dma_wait3A_45 = tpu.memref_squeeze %dma_wait3A_44 : memref<1x128xi32, #tpu.memory_space<vmem>> -> memref<128xi32, #tpu.memory_space<vmem>>
      %dma_wait3A_46 = arith.constant 0 : i32
      %dma_wait3A_47 = arith.constant 0 : i32
      %dma_wait3A_48 = tpu.memref_slice %arg13[%dma_wait3A_46, %dma_wait3A_47] : memref<10240x128xf32, #tpu.memory_space<vmem_shared>> -> memref<10240x128xf32, #tpu.memory_space<vmem_shared>>
      tpu.wait_indirect_dma semaphore(%arg18 : memref<!tpu.dma_semaphore, #tpu.memory_space<semaphore_mem>>) src(%arg11 : memref<128x128xf32, #tpu.memory_space<vmem>>) dst(%dma_wait3A_48 : memref<10240x128xf32, #tpu.memory_space<vmem_shared>>)
      %dma_wait3A_49 = arith.constant 79 : i32
      %dma_wait3A_50 = arith.constant 0 : i32
      %dma_wait3A_51 = tpu.memref_slice %arg10[%dma_wait3A_49, %dma_wait3A_50] : memref<80x128xi32, #tpu.memory_space<vmem>> -> memref<1x128xi32, #tpu.memory_space<vmem>>
      %dma_wait3A_52 = tpu.memref_squeeze %dma_wait3A_51 : memref<1x128xi32, #tpu.memory_space<vmem>> -> memref<128xi32, #tpu.memory_space<vmem>>
      %dma_wait3A_53 = arith.constant 0 : i32
      %dma_wait3A_54 = arith.constant 0 : i32
      %dma_wait3A_55 = tpu.memref_slice %arg13[%dma_wait3A_53, %dma_wait3A_54] : memref<10240x128xf32, #tpu.memory_space<vmem_shared>> -> memref<10240x128xf32, #tpu.memory_space<vmem_shared>>
      tpu.wait_indirect_dma semaphore(%arg19 : memref<!tpu.dma_semaphore, #tpu.memory_space<semaphore_mem>>) src(%arg12 : memref<128x128xf32, #tpu.memory_space<vmem>>) dst(%dma_wait3A_55 : memref<10240x128xf32, #tpu.memory_space<vmem_shared>>)
      %barrier3A_56 = arith.constant 0 : index
      tpu.barrier barrier_id(%barrier3A_56)
      %run_scoped3A = arith.constant 0 : i32
      "tpu.region"() ({
        %run_scoped3A_57 = tpu.sem_alloc : memref<!tpu.dma_semaphore, #tpu.memory_space<semaphore_mem>>
        %dma_start3A_58 = arith.constant 0 : i32
        %dma_start3A_59 = tpu.memref_slice %arg7[%run_scoped3A, %mul3A_0, %dma_start3A_58] : memref<2x10240x128xf32, #tpu.memory_space<hbm>> -> memref<1x640x128xf32, #tpu.memory_space<hbm>>
        %dma_start3A_60 = tpu.memref_squeeze %dma_start3A_59 : memref<1x640x128xf32, #tpu.memory_space<hbm>> -> memref<640x128xf32, #tpu.memory_space<hbm>>
        %dma_start3A_61 = arith.constant 0 : i32
        %dma_start3A_62 = tpu.memref_slice %arg13[%mul3A_0, %dma_start3A_61] : memref<10240x128xf32, #tpu.memory_space<vmem_shared>> -> memref<640x128xf32, #tpu.memory_space<vmem_shared>>
        tpu.enqueue_dma source(%dma_start3A_62 : memref<640x128xf32, #tpu.memory_space<vmem_shared>>) target(%dma_start3A_60 : memref<640x128xf32, #tpu.memory_space<hbm>>) target_semaphore(%run_scoped3A_57 : memref<!tpu.dma_semaphore, #tpu.memory_space<semaphore_mem>>)
        %dma_wait3A_63 = arith.constant 0 : i32
        %dma_wait3A_64 = tpu.memref_slice %arg7[%run_scoped3A, %mul3A_0, %dma_wait3A_63] : memref<2x10240x128xf32, #tpu.memory_space<hbm>> -> memref<1x640x128xf32, #tpu.memory_space<hbm>>
        %dma_wait3A_65 = tpu.memref_squeeze %dma_wait3A_64 : memref<1x640x128xf32, #tpu.memory_space<hbm>> -> memref<640x128xf32, #tpu.memory_space<hbm>>
        %dma_wait3A_66 = arith.constant 0 : i32
        %dma_wait3A_67 = tpu.memref_slice %arg13[%mul3A_0, %dma_wait3A_66] : memref<10240x128xf32, #tpu.memory_space<vmem_shared>> -> memref<640x128xf32, #tpu.memory_space<vmem_shared>>
        tpu.wait_dma2 semaphore(%run_scoped3A_57 : memref<!tpu.dma_semaphore, #tpu.memory_space<semaphore_mem>>) src(%dma_wait3A_67 : memref<640x128xf32, #tpu.memory_space<vmem_shared>>) dst(%dma_wait3A_65 : memref<640x128xf32, #tpu.memory_space<hbm>>)
        tpu.yield
      }) : () -> ()
    } else {
    }
    %eq3A_3 = arith.constant 1 : i32
    %eq3A_4 = arith.cmpi eq, %arg0, %eq3A_3 : i32
    %convert_element_type3A_5 = arith.extui %eq3A_4 : i1 to i32
    %cond3A_6 = arith.constant 0 : i32
    %cond3A_7 = arith.cmpi ne, %convert_element_type3A_5, %cond3A_6 : i32
    scf.if %cond3A_7 {
      "tpu.region"() ({
        %run_scoped3A_57 = tpu.sem_alloc : memref<!tpu.dma_semaphore, #tpu.memory_space<semaphore_mem>>
        %dma_start3A_58 = arith.constant 0 : i32
        %dma_start3A_59 = tpu.memref_slice %arg13[%mul3A_0, %dma_start3A_58] : memref<10240x128xf32, #tpu.memory_space<vmem_shared>> -> memref<640x128xf32, #tpu.memory_space<vmem_shared>>
        tpu.enqueue_dma source(%arg6 : memref<640x128xf32, #tpu.memory_space<hbm>>) target(%dma_start3A_59 : memref<640x128xf32, #tpu.memory_space<vmem_shared>>) target_semaphore(%run_scoped3A_57 : memref<!tpu.dma_semaphore, #tpu.memory_space<semaphore_mem>>)
        %dma_wait3A_60 = arith.constant 0 : i32
        %dma_wait3A_61 = tpu.memref_slice %arg13[%mul3A_0, %dma_wait3A_60] : memref<10240x128xf32, #tpu.memory_space<vmem_shared>> -> memref<640x128xf32, #tpu.memory_space<vmem_shared>>
        tpu.wait_dma2 semaphore(%run_scoped3A_57 : memref<!tpu.dma_semaphore, #tpu.memory_space<semaphore_mem>>) src(%arg6 : memref<640x128xf32, #tpu.memory_space<hbm>>) dst(%dma_wait3A_61 : memref<640x128xf32, #tpu.memory_space<vmem_shared>>)
        tpu.yield
      }) : () -> ()
      %barrier3A = arith.constant 0 : index
      tpu.barrier barrier_id(%barrier3A)
      %mul3A_8 = arith.constant 80 : i32
      %mul3A_9 = arith.muli %arg1, %mul3A_8 : i32
      %add3A = arith.constant 0 : i32
      %add3A_10 = arith.addi %mul3A_9, %add3A : i32
      %dma_start3A = arith.constant 0 : i32
      %dma_start3A_11 = tpu.memref_slice %arg4[%add3A_10, %dma_start3A] : memref<1280x128xi32, #tpu.memory_space<hbm>> -> memref<1x128xi32, #tpu.memory_space<hbm>>
      %dma_start3A_12 = tpu.memref_squeeze %dma_start3A_11 : memref<1x128xi32, #tpu.memory_space<hbm>> -> memref<128xi32, #tpu.memory_space<hbm>>
      %dma_start3A_13 = arith.constant 0 : i32
      %dma_start3A_14 = tpu.memref_slice %arg4[%add3A_10, %dma_start3A_13] : memref<1280x128xi32, #tpu.memory_space<hbm>> -> memref<1x128xi32, #tpu.memory_space<hbm>>
      %dma_start3A_15 = tpu.memref_squeeze %dma_start3A_14 : memref<1x128xi32, #tpu.memory_space<hbm>> -> memref<128xi32, #tpu.memory_space<hbm>>
      tpu.enqueue_dma source(%dma_start3A_15 : memref<128xi32, #tpu.memory_space<hbm>>) target(%arg8 : memref<128xi32, #tpu.memory_space<vmem>>) target_semaphore(%arg16 : memref<!tpu.dma_semaphore, #tpu.memory_space<semaphore_mem>>)
      %mul3A_16 = arith.constant 80 : i32
      %mul3A_17 = arith.muli %arg1, %mul3A_16 : i32
      %add3A_18 = arith.constant 1 : i32
      %add3A_19 = arith.addi %mul3A_17, %add3A_18 : i32
      %dma_start3A_20 = arith.constant 0 : i32
      %dma_start3A_21 = tpu.memref_slice %arg4[%add3A_19, %dma_start3A_20] : memref<1280x128xi32, #tpu.memory_space<hbm>> -> memref<1x128xi32, #tpu.memory_space<hbm>>
      %dma_start3A_22 = tpu.memref_squeeze %dma_start3A_21 : memref<1x128xi32, #tpu.memory_space<hbm>> -> memref<128xi32, #tpu.memory_space<hbm>>
      %dma_start3A_23 = arith.constant 0 : i32
      %dma_start3A_24 = tpu.memref_slice %arg4[%add3A_19, %dma_start3A_23] : memref<1280x128xi32, #tpu.memory_space<hbm>> -> memref<1x128xi32, #tpu.memory_space<hbm>>
      %dma_start3A_25 = tpu.memref_squeeze %dma_start3A_24 : memref<1x128xi32, #tpu.memory_space<hbm>> -> memref<128xi32, #tpu.memory_space<hbm>>
      tpu.enqueue_dma source(%dma_start3A_25 : memref<128xi32, #tpu.memory_space<hbm>>) target(%arg9 : memref<128xi32, #tpu.memory_space<vmem>>) target_semaphore(%arg17 : memref<!tpu.dma_semaphore, #tpu.memory_space<semaphore_mem>>)
      %mul3A_26 = arith.constant 80 : i32
      %mul3A_27 = arith.muli %arg1, %mul3A_26 : i32
      %add3A_28 = arith.constant 0 : i32
      %add3A_29 = arith.addi %mul3A_27, %add3A_28 : i32
      %dma_wait3A = arith.constant 0 : i32
      %dma_wait3A_30 = tpu.memref_slice %arg4[%add3A_29, %dma_wait3A] : memref<1280x128xi32, #tpu.memory_space<hbm>> -> memref<1x128xi32, #tpu.memory_space<hbm>>
      %dma_wait3A_31 = tpu.memref_squeeze %dma_wait3A_30 : memref<1x128xi32, #tpu.memory_space<hbm>> -> memref<128xi32, #tpu.memory_space<hbm>>
      %dma_wait3A_32 = arith.constant 0 : i32
      %dma_wait3A_33 = tpu.memref_slice %arg4[%add3A_29, %dma_wait3A_32] : memref<1280x128xi32, #tpu.memory_space<hbm>> -> memref<1x128xi32, #tpu.memory_space<hbm>>
      %dma_wait3A_34 = tpu.memref_squeeze %dma_wait3A_33 : memref<1x128xi32, #tpu.memory_space<hbm>> -> memref<128xi32, #tpu.memory_space<hbm>>
      tpu.wait_dma2 semaphore(%arg16 : memref<!tpu.dma_semaphore, #tpu.memory_space<semaphore_mem>>) src(%dma_wait3A_34 : memref<128xi32, #tpu.memory_space<hbm>>) dst(%arg8 : memref<128xi32, #tpu.memory_space<vmem>>)
      %dma_start3A_35 = arith.constant 0 : i32
      %dma_start3A_36 = arith.constant 0 : i32
      %dma_start3A_37 = tpu.memref_slice %arg3[%dma_start3A_35, %dma_start3A_36] : memref<10240x128xf32, #tpu.memory_space<hbm>> -> memref<10240x128xf32, #tpu.memory_space<hbm>>
      tpu.enqueue_indirect_dma source(%dma_start3A_37 : memref<10240x128xf32, #tpu.memory_space<hbm>>) target(%arg11 : memref<128x128xf32, #tpu.memory_space<vmem>>) offsets(%arg8 : memref<128xi32, #tpu.memory_space<vmem>>) semaphore(%arg14 : memref<!tpu.dma_semaphore, #tpu.memory_space<semaphore_mem>>)
      %scan3A = arith.constant 0 : i32
      %scan3A_38 = arith.constant 40 : i32
      %scan3A_39 = arith.addi %scan3A, %scan3A_38 : i32
      %scan3A_40 = arith.constant 1 : i32
      scf.for %scan3A_57 = %scan3A to %scan3A_39 step %scan3A_40  : i32 {
        %mul3A_58 = arith.constant 1 : i32
        %mul3A_59 = arith.muli %scan3A_57, %mul3A_58 : i32
        %add3A_60 = arith.constant 0 : i32
        %add3A_61 = arith.addi %add3A_60, %mul3A_59 : i32
        %mul3A_62 = arith.constant 2 : i32
        %mul3A_63 = arith.muli %mul3A_62, %add3A_61 : i32
        %add3A_64 = arith.constant 0 : i32
        %add3A_65 = arith.addi %mul3A_63, %add3A_64 : i32
        %dma_wait3A_66 = arith.constant 0 : i32
        %dma_wait3A_67 = arith.constant 0 : i32
        %dma_wait3A_68 = tpu.memref_slice %arg3[%dma_wait3A_66, %dma_wait3A_67] : memref<10240x128xf32, #tpu.memory_space<hbm>> -> memref<10240x128xf32, #tpu.memory_space<hbm>>
        tpu.wait_indirect_dma semaphore(%arg14 : memref<!tpu.dma_semaphore, #tpu.memory_space<semaphore_mem>>) src(%dma_wait3A_68 : memref<10240x128xf32, #tpu.memory_space<hbm>>) dst(%arg11 : memref<128x128xf32, #tpu.memory_space<vmem>>)
        %dma_start3A_69 = arith.constant 0 : i32
        %dma_start3A_70 = tpu.memref_slice %arg10[%add3A_65, %dma_start3A_69] : memref<80x128xi32, #tpu.memory_space<vmem>> -> memref<1x128xi32, #tpu.memory_space<vmem>>
        %dma_start3A_71 = tpu.memref_squeeze %dma_start3A_70 : memref<1x128xi32, #tpu.memory_space<vmem>> -> memref<128xi32, #tpu.memory_space<vmem>>
        %dma_start3A_72 = arith.constant 0 : i32
        %dma_start3A_73 = arith.constant 0 : i32
        %dma_start3A_74 = tpu.memref_slice %arg13[%dma_start3A_72, %dma_start3A_73] : memref<10240x128xf32, #tpu.memory_space<vmem_shared>> -> memref<10240x128xf32, #tpu.memory_space<vmem_shared>>
        tpu.enqueue_indirect_dma source(%arg11 : memref<128x128xf32, #tpu.memory_space<vmem>>) target(%dma_start3A_74 : memref<10240x128xf32, #tpu.memory_space<vmem_shared>>) offsets(%dma_start3A_71 : memref<128xi32, #tpu.memory_space<vmem>>) semaphore(%arg18 : memref<!tpu.dma_semaphore, #tpu.memory_space<semaphore_mem>>) {add = true}
        %lt3A = arith.constant 78 : i32
        %lt3A_75 = arith.cmpi slt, %add3A_65, %lt3A : i32
        %convert_element_type3A_76 = arith.extui %lt3A_75 : i1 to i32
        %cond3A_77 = arith.constant 0 : i32
        %cond3A_78 = arith.cmpi ne, %convert_element_type3A_76, %cond3A_77 : i32
        scf.if %cond3A_78 {
          %add3A_107 = arith.constant 2 : i32
          %add3A_108 = arith.addi %add3A_65, %add3A_107 : i32
          %mul3A_109 = arith.constant 80 : i32
          %mul3A_110 = arith.muli %arg1, %mul3A_109 : i32
          %add3A_111 = arith.addi %mul3A_110, %add3A_108 : i32
          %dma_start3A_112 = arith.constant 0 : i32
          %dma_start3A_113 = tpu.memref_slice %arg4[%add3A_111, %dma_start3A_112] : memref<1280x128xi32, #tpu.memory_space<hbm>> -> memref<1x128xi32, #tpu.memory_space<hbm>>
          %dma_start3A_114 = tpu.memref_squeeze %dma_start3A_113 : memref<1x128xi32, #tpu.memory_space<hbm>> -> memref<128xi32, #tpu.memory_space<hbm>>
          %dma_start3A_115 = arith.constant 0 : i32
          %dma_start3A_116 = tpu.memref_slice %arg4[%add3A_111, %dma_start3A_115] : memref<1280x128xi32, #tpu.memory_space<hbm>> -> memref<1x128xi32, #tpu.memory_space<hbm>>
          %dma_start3A_117 = tpu.memref_squeeze %dma_start3A_116 : memref<1x128xi32, #tpu.memory_space<hbm>> -> memref<128xi32, #tpu.memory_space<hbm>>
          tpu.enqueue_dma source(%dma_start3A_117 : memref<128xi32, #tpu.memory_space<hbm>>) target(%arg8 : memref<128xi32, #tpu.memory_space<vmem>>) target_semaphore(%arg16 : memref<!tpu.dma_semaphore, #tpu.memory_space<semaphore_mem>>)
        } else {
        }
        %lt3A_79 = arith.constant 79 : i32
        %lt3A_80 = arith.cmpi slt, %add3A_65, %lt3A_79 : i32
        %convert_element_type3A_81 = arith.extui %lt3A_80 : i1 to i32
        %cond3A_82 = arith.constant 0 : i32
        %cond3A_83 = arith.cmpi ne, %convert_element_type3A_81, %cond3A_82 : i32
        scf.if %cond3A_83 {
          %add3A_107 = arith.constant 1 : i32
          %add3A_108 = arith.addi %add3A_65, %add3A_107 : i32
          %mul3A_109 = arith.constant 80 : i32
          %mul3A_110 = arith.muli %arg1, %mul3A_109 : i32
          %add3A_111 = arith.addi %mul3A_110, %add3A_108 : i32
          %dma_wait3A_112 = arith.constant 0 : i32
          %dma_wait3A_113 = tpu.memref_slice %arg4[%add3A_111, %dma_wait3A_112] : memref<1280x128xi32, #tpu.memory_space<hbm>> -> memref<1x128xi32, #tpu.memory_space<hbm>>
          %dma_wait3A_114 = tpu.memref_squeeze %dma_wait3A_113 : memref<1x128xi32, #tpu.memory_space<hbm>> -> memref<128xi32, #tpu.memory_space<hbm>>
          %dma_wait3A_115 = arith.constant 0 : i32
          %dma_wait3A_116 = tpu.memref_slice %arg4[%add3A_111, %dma_wait3A_115] : memref<1280x128xi32, #tpu.memory_space<hbm>> -> memref<1x128xi32, #tpu.memory_space<hbm>>
          %dma_wait3A_117 = tpu.memref_squeeze %dma_wait3A_116 : memref<1x128xi32, #tpu.memory_space<hbm>> -> memref<128xi32, #tpu.memory_space<hbm>>
          tpu.wait_dma2 semaphore(%arg17 : memref<!tpu.dma_semaphore, #tpu.memory_space<semaphore_mem>>) src(%dma_wait3A_117 : memref<128xi32, #tpu.memory_space<hbm>>) dst(%arg9 : memref<128xi32, #tpu.memory_space<vmem>>)
          %ge3A = arith.constant 1 : i32
          %ge3A_118 = arith.cmpi sge, %add3A_65, %ge3A : i32
          %convert_element_type3A_119 = arith.extui %ge3A_118 : i1 to i32
          %cond3A_120 = arith.constant 0 : i32
          %cond3A_121 = arith.cmpi ne, %convert_element_type3A_119, %cond3A_120 : i32
          scf.if %cond3A_121 {
            %add3A_127 = arith.constant 1 : i32
            %add3A_128 = arith.addi %add3A_65, %add3A_127 : i32
            %sub3A = arith.constant 2 : i32
            %sub3A_129 = arith.subi %add3A_128, %sub3A : i32
            %dma_wait3A_130 = arith.constant 0 : i32
            %dma_wait3A_131 = tpu.memref_slice %arg10[%sub3A_129, %dma_wait3A_130] : memref<80x128xi32, #tpu.memory_space<vmem>> -> memref<1x128xi32, #tpu.memory_space<vmem>>
            %dma_wait3A_132 = tpu.memref_squeeze %dma_wait3A_131 : memref<1x128xi32, #tpu.memory_space<vmem>> -> memref<128xi32, #tpu.memory_space<vmem>>
            %dma_wait3A_133 = arith.constant 0 : i32
            %dma_wait3A_134 = arith.constant 0 : i32
            %dma_wait3A_135 = tpu.memref_slice %arg13[%dma_wait3A_133, %dma_wait3A_134] : memref<10240x128xf32, #tpu.memory_space<vmem_shared>> -> memref<10240x128xf32, #tpu.memory_space<vmem_shared>>
            tpu.wait_indirect_dma semaphore(%arg19 : memref<!tpu.dma_semaphore, #tpu.memory_space<semaphore_mem>>) src(%arg12 : memref<128x128xf32, #tpu.memory_space<vmem>>) dst(%dma_wait3A_135 : memref<10240x128xf32, #tpu.memory_space<vmem_shared>>)
          } else {
          }
          %add3A_122 = arith.constant 1 : i32
          %add3A_123 = arith.addi %add3A_65, %add3A_122 : i32
          %dma_start3A_124 = arith.constant 0 : i32
          %dma_start3A_125 = arith.constant 0 : i32
          %dma_start3A_126 = tpu.memref_slice %arg3[%dma_start3A_124, %dma_start3A_125] : memref<10240x128xf32, #tpu.memory_space<hbm>> -> memref<10240x128xf32, #tpu.memory_space<hbm>>
          tpu.enqueue_indirect_dma source(%dma_start3A_126 : memref<10240x128xf32, #tpu.memory_space<hbm>>) target(%arg12 : memref<128x128xf32, #tpu.memory_space<vmem>>) offsets(%arg9 : memref<128xi32, #tpu.memory_space<vmem>>) semaphore(%arg15 : memref<!tpu.dma_semaphore, #tpu.memory_space<semaphore_mem>>)
        } else {
        }
        %mul3A_84 = arith.constant 2 : i32
        %mul3A_85 = arith.muli %mul3A_84, %add3A_61 : i32
        %add3A_86 = arith.constant 1 : i32
        %add3A_87 = arith.addi %mul3A_85, %add3A_86 : i32
        %dma_wait3A_88 = arith.constant 0 : i32
        %dma_wait3A_89 = arith.constant 0 : i32
        %dma_wait3A_90 = tpu.memref_slice %arg3[%dma_wait3A_88, %dma_wait3A_89] : memref<10240x128xf32, #tpu.memory_space<hbm>> -> memref<10240x128xf32, #tpu.memory_space<hbm>>
        tpu.wait_indirect_dma semaphore(%arg15 : memref<!tpu.dma_semaphore, #tpu.memory_space<semaphore_mem>>) src(%dma_wait3A_90 : memref<10240x128xf32, #tpu.memory_space<hbm>>) dst(%arg12 : memref<128x128xf32, #tpu.memory_space<vmem>>)
        %dma_start3A_91 = arith.constant 0 : i32
        %dma_start3A_92 = tpu.memref_slice %arg10[%add3A_87, %dma_start3A_91] : memref<80x128xi32, #tpu.memory_space<vmem>> -> memref<1x128xi32, #tpu.memory_space<vmem>>
        %dma_start3A_93 = tpu.memref_squeeze %dma_start3A_92 : memref<1x128xi32, #tpu.memory_space<vmem>> -> memref<128xi32, #tpu.memory_space<vmem>>
        %dma_start3A_94 = arith.constant 0 : i32
        %dma_start3A_95 = arith.constant 0 : i32
        %dma_start3A_96 = tpu.memref_slice %arg13[%dma_start3A_94, %dma_start3A_95] : memref<10240x128xf32, #tpu.memory_space<vmem_shared>> -> memref<10240x128xf32, #tpu.memory_space<vmem_shared>>
        tpu.enqueue_indirect_dma source(%arg12 : memref<128x128xf32, #tpu.memory_space<vmem>>) target(%dma_start3A_96 : memref<10240x128xf32, #tpu.memory_space<vmem_shared>>) offsets(%dma_start3A_93 : memref<128xi32, #tpu.memory_space<vmem>>) semaphore(%arg19 : memref<!tpu.dma_semaphore, #tpu.memory_space<semaphore_mem>>) {add = true}
        %lt3A_97 = arith.constant 78 : i32
        %lt3A_98 = arith.cmpi slt, %add3A_87, %lt3A_97 : i32
        %convert_element_type3A_99 = arith.extui %lt3A_98 : i1 to i32
        %cond3A_100 = arith.constant 0 : i32
        %cond3A_101 = arith.cmpi ne, %convert_element_type3A_99, %cond3A_100 : i32
        scf.if %cond3A_101 {
          %add3A_107 = arith.constant 2 : i32
          %add3A_108 = arith.addi %add3A_87, %add3A_107 : i32
          %mul3A_109 = arith.constant 80 : i32
          %mul3A_110 = arith.muli %arg1, %mul3A_109 : i32
          %add3A_111 = arith.addi %mul3A_110, %add3A_108 : i32
          %dma_start3A_112 = arith.constant 0 : i32
          %dma_start3A_113 = tpu.memref_slice %arg4[%add3A_111, %dma_start3A_112] : memref<1280x128xi32, #tpu.memory_space<hbm>> -> memref<1x128xi32, #tpu.memory_space<hbm>>
          %dma_start3A_114 = tpu.memref_squeeze %dma_start3A_113 : memref<1x128xi32, #tpu.memory_space<hbm>> -> memref<128xi32, #tpu.memory_space<hbm>>
          %dma_start3A_115 = arith.constant 0 : i32
          %dma_start3A_116 = tpu.memref_slice %arg4[%add3A_111, %dma_start3A_115] : memref<1280x128xi32, #tpu.memory_space<hbm>> -> memref<1x128xi32, #tpu.memory_space<hbm>>
          %dma_start3A_117 = tpu.memref_squeeze %dma_start3A_116 : memref<1x128xi32, #tpu.memory_space<hbm>> -> memref<128xi32, #tpu.memory_space<hbm>>
          tpu.enqueue_dma source(%dma_start3A_117 : memref<128xi32, #tpu.memory_space<hbm>>) target(%arg9 : memref<128xi32, #tpu.memory_space<vmem>>) target_semaphore(%arg17 : memref<!tpu.dma_semaphore, #tpu.memory_space<semaphore_mem>>)
        } else {
        }
        %lt3A_102 = arith.constant 79 : i32
        %lt3A_103 = arith.cmpi slt, %add3A_87, %lt3A_102 : i32
        %convert_element_type3A_104 = arith.extui %lt3A_103 : i1 to i32
        %cond3A_105 = arith.constant 0 : i32
        %cond3A_106 = arith.cmpi ne, %convert_element_type3A_104, %cond3A_105 : i32
        scf.if %cond3A_106 {
          %add3A_107 = arith.constant 1 : i32
          %add3A_108 = arith.addi %add3A_87, %add3A_107 : i32
          %mul3A_109 = arith.constant 80 : i32
          %mul3A_110 = arith.muli %arg1, %mul3A_109 : i32
          %add3A_111 = arith.addi %mul3A_110, %add3A_108 : i32
          %dma_wait3A_112 = arith.constant 0 : i32
          %dma_wait3A_113 = tpu.memref_slice %arg4[%add3A_111, %dma_wait3A_112] : memref<1280x128xi32, #tpu.memory_space<hbm>> -> memref<1x128xi32, #tpu.memory_space<hbm>>
          %dma_wait3A_114 = tpu.memref_squeeze %dma_wait3A_113 : memref<1x128xi32, #tpu.memory_space<hbm>> -> memref<128xi32, #tpu.memory_space<hbm>>
          %dma_wait3A_115 = arith.constant 0 : i32
          %dma_wait3A_116 = tpu.memref_slice %arg4[%add3A_111, %dma_wait3A_115] : memref<1280x128xi32, #tpu.memory_space<hbm>> -> memref<1x128xi32, #tpu.memory_space<hbm>>
          %dma_wait3A_117 = tpu.memref_squeeze %dma_wait3A_116 : memref<1x128xi32, #tpu.memory_space<hbm>> -> memref<128xi32, #tpu.memory_space<hbm>>
          tpu.wait_dma2 semaphore(%arg16 : memref<!tpu.dma_semaphore, #tpu.memory_space<semaphore_mem>>) src(%dma_wait3A_117 : memref<128xi32, #tpu.memory_space<hbm>>) dst(%arg8 : memref<128xi32, #tpu.memory_space<vmem>>)
          %ge3A = arith.constant 1 : i32
          %ge3A_118 = arith.cmpi sge, %add3A_87, %ge3A : i32
          %convert_element_type3A_119 = arith.extui %ge3A_118 : i1 to i32
          %cond3A_120 = arith.constant 0 : i32
          %cond3A_121 = arith.cmpi ne, %convert_element_type3A_119, %cond3A_120 : i32
          scf.if %cond3A_121 {
            %add3A_127 = arith.constant 1 : i32
            %add3A_128 = arith.addi %add3A_87, %add3A_127 : i32
            %sub3A = arith.constant 2 : i32
            %sub3A_129 = arith.subi %add3A_128, %sub3A : i32
            %dma_wait3A_130 = arith.constant 0 : i32
            %dma_wait3A_131 = tpu.memref_slice %arg10[%sub3A_129, %dma_wait3A_130] : memref<80x128xi32, #tpu.memory_space<vmem>> -> memref<1x128xi32, #tpu.memory_space<vmem>>
            %dma_wait3A_132 = tpu.memref_squeeze %dma_wait3A_131 : memref<1x128xi32, #tpu.memory_space<vmem>> -> memref<128xi32, #tpu.memory_space<vmem>>
            %dma_wait3A_133 = arith.constant 0 : i32
            %dma_wait3A_134 = arith.constant 0 : i32
            %dma_wait3A_135 = tpu.memref_slice %arg13[%dma_wait3A_133, %dma_wait3A_134] : memref<10240x128xf32, #tpu.memory_space<vmem_shared>> -> memref<10240x128xf32, #tpu.memory_space<vmem_shared>>
            tpu.wait_indirect_dma semaphore(%arg18 : memref<!tpu.dma_semaphore, #tpu.memory_space<semaphore_mem>>) src(%arg11 : memref<128x128xf32, #tpu.memory_space<vmem>>) dst(%dma_wait3A_135 : memref<10240x128xf32, #tpu.memory_space<vmem_shared>>)
          } else {
          }
          %add3A_122 = arith.constant 1 : i32
          %add3A_123 = arith.addi %add3A_87, %add3A_122 : i32
          %dma_start3A_124 = arith.constant 0 : i32
          %dma_start3A_125 = arith.constant 0 : i32
          %dma_start3A_126 = tpu.memref_slice %arg3[%dma_start3A_124, %dma_start3A_125] : memref<10240x128xf32, #tpu.memory_space<hbm>> -> memref<10240x128xf32, #tpu.memory_space<hbm>>
          tpu.enqueue_indirect_dma source(%dma_start3A_126 : memref<10240x128xf32, #tpu.memory_space<hbm>>) target(%arg11 : memref<128x128xf32, #tpu.memory_space<vmem>>) offsets(%arg8 : memref<128xi32, #tpu.memory_space<vmem>>) semaphore(%arg14 : memref<!tpu.dma_semaphore, #tpu.memory_space<semaphore_mem>>)
        } else {
        }
      }
      %scan3A_41 = arith.constant 40 : i32
      %dma_wait3A_42 = arith.constant 78 : i32
      %dma_wait3A_43 = arith.constant 0 : i32
      %dma_wait3A_44 = tpu.memref_slice %arg10[%dma_wait3A_42, %dma_wait3A_43] : memref<80x128xi32, #tpu.memory_space<vmem>> -> memref<1x128xi32, #tpu.memory_space<vmem>>
      %dma_wait3A_45 = tpu.memref_squeeze %dma_wait3A_44 : memref<1x128xi32, #tpu.memory_space<vmem>> -> memref<128xi32, #tpu.memory_space<vmem>>
      %dma_wait3A_46 = arith.constant 0 : i32
      %dma_wait3A_47 = arith.constant 0 : i32
      %dma_wait3A_48 = tpu.memref_slice %arg13[%dma_wait3A_46, %dma_wait3A_47] : memref<10240x128xf32, #tpu.memory_space<vmem_shared>> -> memref<10240x128xf32, #tpu.memory_space<vmem_shared>>
      tpu.wait_indirect_dma semaphore(%arg18 : memref<!tpu.dma_semaphore, #tpu.memory_space<semaphore_mem>>) src(%arg11 : memref<128x128xf32, #tpu.memory_space<vmem>>) dst(%dma_wait3A_48 : memref<10240x128xf32, #tpu.memory_space<vmem_shared>>)
      %dma_wait3A_49 = arith.constant 79 : i32
      %dma_wait3A_50 = arith.constant 0 : i32
      %dma_wait3A_51 = tpu.memref_slice %arg10[%dma_wait3A_49, %dma_wait3A_50] : memref<80x128xi32, #tpu.memory_space<vmem>> -> memref<1x128xi32, #tpu.memory_space<vmem>>
      %dma_wait3A_52 = tpu.memref_squeeze %dma_wait3A_51 : memref<1x128xi32, #tpu.memory_space<vmem>> -> memref<128xi32, #tpu.memory_space<vmem>>
      %dma_wait3A_53 = arith.constant 0 : i32
      %dma_wait3A_54 = arith.constant 0 : i32
      %dma_wait3A_55 = tpu.memref_slice %arg13[%dma_wait3A_53, %dma_wait3A_54] : memref<10240x128xf32, #tpu.memory_space<vmem_shared>> -> memref<10240x128xf32, #tpu.memory_space<vmem_shared>>
      tpu.wait_indirect_dma semaphore(%arg19 : memref<!tpu.dma_semaphore, #tpu.memory_space<semaphore_mem>>) src(%arg12 : memref<128x128xf32, #tpu.memory_space<vmem>>) dst(%dma_wait3A_55 : memref<10240x128xf32, #tpu.memory_space<vmem_shared>>)
      %barrier3A_56 = arith.constant 0 : index
      tpu.barrier barrier_id(%barrier3A_56)
      %run_scoped3A = arith.constant 1 : i32
      "tpu.region"() ({
        %run_scoped3A_57 = tpu.sem_alloc : memref<!tpu.dma_semaphore, #tpu.memory_space<semaphore_mem>>
        %dma_start3A_58 = arith.constant 0 : i32
        %dma_start3A_59 = tpu.memref_slice %arg7[%run_scoped3A, %mul3A_0, %dma_start3A_58] : memref<2x10240x128xf32, #tpu.memory_space<hbm>> -> memref<1x640x128xf32, #tpu.memory_space<hbm>>
        %dma_start3A_60 = tpu.memref_squeeze %dma_start3A_59 : memref<1x640x128xf32, #tpu.memory_space<hbm>> -> memref<640x128xf32, #tpu.memory_space<hbm>>
        %dma_start3A_61 = arith.constant 0 : i32
        %dma_start3A_62 = tpu.memref_slice %arg13[%mul3A_0, %dma_start3A_61] : memref<10240x128xf32, #tpu.memory_space<vmem_shared>> -> memref<640x128xf32, #tpu.memory_space<vmem_shared>>
        tpu.enqueue_dma source(%dma_start3A_62 : memref<640x128xf32, #tpu.memory_space<vmem_shared>>) target(%dma_start3A_60 : memref<640x128xf32, #tpu.memory_space<hbm>>) target_semaphore(%run_scoped3A_57 : memref<!tpu.dma_semaphore, #tpu.memory_space<semaphore_mem>>)
        %dma_wait3A_63 = arith.constant 0 : i32
        %dma_wait3A_64 = tpu.memref_slice %arg7[%run_scoped3A, %mul3A_0, %dma_wait3A_63] : memref<2x10240x128xf32, #tpu.memory_space<hbm>> -> memref<1x640x128xf32, #tpu.memory_space<hbm>>
        %dma_wait3A_65 = tpu.memref_squeeze %dma_wait3A_64 : memref<1x640x128xf32, #tpu.memory_space<hbm>> -> memref<640x128xf32, #tpu.memory_space<hbm>>
        %dma_wait3A_66 = arith.constant 0 : i32
        %dma_wait3A_67 = tpu.memref_slice %arg13[%mul3A_0, %dma_wait3A_66] : memref<10240x128xf32, #tpu.memory_space<vmem_shared>> -> memref<640x128xf32, #tpu.memory_space<vmem_shared>>
        tpu.wait_dma2 semaphore(%run_scoped3A_57 : memref<!tpu.dma_semaphore, #tpu.memory_space<semaphore_mem>>) src(%dma_wait3A_67 : memref<640x128xf32, #tpu.memory_space<vmem_shared>>) dst(%dma_wait3A_65 : memref<640x128xf32, #tpu.memory_space<hbm>>)
        tpu.yield
      }) : () -> ()
    } else {
    }
    return
  }
}

#map = affine_map<(d0, d1) -> (0, 0)>
#map1 = affine_map<(d0, d1) -> (0, 0, 0)>
module attributes {stable_mosaic.version = 14 : i64} {
  func.func @spmm(%arg0: i32, %arg1: i32, %arg2: memref<10240x128xf32, #tpu.memory_space<hbm>>, %arg3: memref<10240x128xf32, #tpu.memory_space<hbm>>, %arg4: memref<10240x128xf32, #tpu.memory_space<hbm>>, %arg5: memref<10240x128xf32, #tpu.memory_space<hbm>>, %arg6: memref<1280x128xi32, #tpu.memory_space<hbm>>, %arg7: memref<16x80x128xi32, #tpu.memory_space<hbm>>, %arg8: memref<640x128xf32, #tpu.memory_space<hbm>>, %arg9: memref<4x10240x128xf32, #tpu.memory_space<hbm>>, %arg10: memref<128xi32, #tpu.memory_space<vmem>>, %arg11: memref<128xi32, #tpu.memory_space<vmem>>, %arg12: memref<80x128xi32, #tpu.memory_space<vmem>>, %arg13: memref<128x128xf32, #tpu.memory_space<vmem>>, %arg14: memref<128x128xf32, #tpu.memory_space<vmem>>, %arg15: memref<10240x128xf32, #tpu.memory_space<vmem_shared>>, %arg16: memref<!tpu.dma_semaphore, #tpu.memory_space<semaphore_mem>>, %arg17: memref<!tpu.dma_semaphore, #tpu.memory_space<semaphore_mem>>, %arg18: memref<!tpu.dma_semaphore, #tpu.memory_space<semaphore_mem>>, %arg19: memref<!tpu.dma_semaphore, #tpu.memory_space<semaphore_mem>>, %arg20: memref<!tpu.dma_semaphore, #tpu.memory_space<semaphore_mem>>, %arg21: memref<!tpu.dma_semaphore, #tpu.memory_space<semaphore_mem>>) attributes {dimension_semantics = [#tpu.dimension_semantics<core_parallel>, #tpu.dimension_semantics<subcore_parallel>], iteration_bounds = array<i64: 2, 16>, scalar_prefetch = 0 : i64, scratch_operands = 12 : i64, tpu.core_type = #tpu.core_type<sc_vector_subcore>, window_params = [{transform_indices = #map}, {transform_indices = #map}, {transform_indices = #map}, {transform_indices = #map}, {transform_indices = #map}, {transform_indices = #map1}, {transform_indices = #map}, {transform_indices = #map1}]} {
    %mul3A = arith.constant 640 : i32
    %mul3A_0 = arith.muli %arg1, %mul3A : i32
    "tpu.region"() ({
      %run_scoped3A = tpu.sem_alloc : memref<!tpu.dma_semaphore, #tpu.memory_space<semaphore_mem>>
      %dma_start3A = arith.constant 0 : i32
      %dma_start3A_8 = arith.constant 0 : i32
      %dma_start3A_9 = tpu.memref_slice %arg7[%arg1, %dma_start3A, %dma_start3A_8] : memref<16x80x128xi32, #tpu.memory_space<hbm>> -> memref<1x80x128xi32, #tpu.memory_space<hbm>>
      %dma_start3A_10 = tpu.memref_squeeze %dma_start3A_9 : memref<1x80x128xi32, #tpu.memory_space<hbm>> -> memref<80x128xi32, #tpu.memory_space<hbm>>
      %dma_start3A_11 = arith.constant 0 : i32
      %dma_start3A_12 = arith.constant 0 : i32
      %dma_start3A_13 = tpu.memref_slice %arg7[%arg1, %dma_start3A_11, %dma_start3A_12] : memref<16x80x128xi32, #tpu.memory_space<hbm>> -> memref<1x80x128xi32, #tpu.memory_space<hbm>>
      %dma_start3A_14 = tpu.memref_squeeze %dma_start3A_13 : memref<1x80x128xi32, #tpu.memory_space<hbm>> -> memref<80x128xi32, #tpu.memory_space<hbm>>
      tpu.enqueue_dma source(%dma_start3A_14 : memref<80x128xi32, #tpu.memory_space<hbm>>) target(%arg12 : memref<80x128xi32, #tpu.memory_space<vmem>>) target_semaphore(%run_scoped3A : memref<!tpu.dma_semaphore, #tpu.memory_space<semaphore_mem>>)
      %dma_wait3A = arith.constant 0 : i32
      %dma_wait3A_15 = arith.constant 0 : i32
      %dma_wait3A_16 = tpu.memref_slice %arg7[%arg1, %dma_wait3A, %dma_wait3A_15] : memref<16x80x128xi32, #tpu.memory_space<hbm>> -> memref<1x80x128xi32, #tpu.memory_space<hbm>>
      %dma_wait3A_17 = tpu.memref_squeeze %dma_wait3A_16 : memref<1x80x128xi32, #tpu.memory_space<hbm>> -> memref<80x128xi32, #tpu.memory_space<hbm>>
      %dma_wait3A_18 = arith.constant 0 : i32
      %dma_wait3A_19 = arith.constant 0 : i32
      %dma_wait3A_20 = tpu.memref_slice %arg7[%arg1, %dma_wait3A_18, %dma_wait3A_19] : memref<16x80x128xi32, #tpu.memory_space<hbm>> -> memref<1x80x128xi32, #tpu.memory_space<hbm>>
      %dma_wait3A_21 = tpu.memref_squeeze %dma_wait3A_20 : memref<1x80x128xi32, #tpu.memory_space<hbm>> -> memref<80x128xi32, #tpu.memory_space<hbm>>
      tpu.wait_dma2 semaphore(%run_scoped3A : memref<!tpu.dma_semaphore, #tpu.memory_space<semaphore_mem>>) src(%dma_wait3A_21 : memref<80x128xi32, #tpu.memory_space<hbm>>) dst(%arg12 : memref<80x128xi32, #tpu.memory_space<vmem>>)
      tpu.yield
    }) : () -> ()
    %eq3A = arith.constant 0 : i32
    %eq3A_1 = arith.cmpi eq, %arg0, %eq3A : i32
    %convert_element_type3A = arith.extui %eq3A_1 : i1 to i32
    %cond3A = arith.constant 0 : i32
    %cond3A_2 = arith.cmpi ne, %convert_element_type3A, %cond3A : i32
    scf.if %cond3A_2 {
      "tpu.region"() ({
        %run_scoped3A_112 = tpu.sem_alloc : memref<!tpu.dma_semaphore, #tpu.memory_space<semaphore_mem>>
        %dma_start3A_113 = arith.constant 0 : i32
        %dma_start3A_114 = tpu.memref_slice %arg15[%mul3A_0, %dma_start3A_113] : memref<10240x128xf32, #tpu.memory_space<vmem_shared>> -> memref<640x128xf32, #tpu.memory_space<vmem_shared>>
        tpu.enqueue_dma source(%arg8 : memref<640x128xf32, #tpu.memory_space<hbm>>) target(%dma_start3A_114 : memref<640x128xf32, #tpu.memory_space<vmem_shared>>) target_semaphore(%run_scoped3A_112 : memref<!tpu.dma_semaphore, #tpu.memory_space<semaphore_mem>>)
        %dma_wait3A_115 = arith.constant 0 : i32
        %dma_wait3A_116 = tpu.memref_slice %arg15[%mul3A_0, %dma_wait3A_115] : memref<10240x128xf32, #tpu.memory_space<vmem_shared>> -> memref<640x128xf32, #tpu.memory_space<vmem_shared>>
        tpu.wait_dma2 semaphore(%run_scoped3A_112 : memref<!tpu.dma_semaphore, #tpu.memory_space<semaphore_mem>>) src(%arg8 : memref<640x128xf32, #tpu.memory_space<hbm>>) dst(%dma_wait3A_116 : memref<640x128xf32, #tpu.memory_space<vmem_shared>>)
        tpu.yield
      }) : () -> ()
      %barrier3A = arith.constant 0 : index
      tpu.barrier barrier_id(%barrier3A)
      %mul3A_8 = arith.constant 80 : i32
      %mul3A_9 = arith.muli %arg1, %mul3A_8 : i32
      %add3A = arith.constant 0 : i32
      %add3A_10 = arith.addi %mul3A_9, %add3A : i32
      %dma_start3A = arith.constant 0 : i32
      %dma_start3A_11 = tpu.memref_slice %arg6[%add3A_10, %dma_start3A] : memref<1280x128xi32, #tpu.memory_space<hbm>> -> memref<1x128xi32, #tpu.memory_space<hbm>>
      %dma_start3A_12 = tpu.memref_squeeze %dma_start3A_11 : memref<1x128xi32, #tpu.memory_space<hbm>> -> memref<128xi32, #tpu.memory_space<hbm>>
      %dma_start3A_13 = arith.constant 0 : i32
      %dma_start3A_14 = tpu.memref_slice %arg6[%add3A_10, %dma_start3A_13] : memref<1280x128xi32, #tpu.memory_space<hbm>> -> memref<1x128xi32, #tpu.memory_space<hbm>>
      %dma_start3A_15 = tpu.memref_squeeze %dma_start3A_14 : memref<1x128xi32, #tpu.memory_space<hbm>> -> memref<128xi32, #tpu.memory_space<hbm>>
      tpu.enqueue_dma source(%dma_start3A_15 : memref<128xi32, #tpu.memory_space<hbm>>) target(%arg10 : memref<128xi32, #tpu.memory_space<vmem>>) target_semaphore(%arg18 : memref<!tpu.dma_semaphore, #tpu.memory_space<semaphore_mem>>)
      %mul3A_16 = arith.constant 80 : i32
      %mul3A_17 = arith.muli %arg1, %mul3A_16 : i32
      %add3A_18 = arith.constant 1 : i32
      %add3A_19 = arith.addi %mul3A_17, %add3A_18 : i32
      %dma_start3A_20 = arith.constant 0 : i32
      %dma_start3A_21 = tpu.memref_slice %arg6[%add3A_19, %dma_start3A_20] : memref<1280x128xi32, #tpu.memory_space<hbm>> -> memref<1x128xi32, #tpu.memory_space<hbm>>
      %dma_start3A_22 = tpu.memref_squeeze %dma_start3A_21 : memref<1x128xi32, #tpu.memory_space<hbm>> -> memref<128xi32, #tpu.memory_space<hbm>>
      %dma_start3A_23 = arith.constant 0 : i32
      %dma_start3A_24 = tpu.memref_slice %arg6[%add3A_19, %dma_start3A_23] : memref<1280x128xi32, #tpu.memory_space<hbm>> -> memref<1x128xi32, #tpu.memory_space<hbm>>
      %dma_start3A_25 = tpu.memref_squeeze %dma_start3A_24 : memref<1x128xi32, #tpu.memory_space<hbm>> -> memref<128xi32, #tpu.memory_space<hbm>>
      tpu.enqueue_dma source(%dma_start3A_25 : memref<128xi32, #tpu.memory_space<hbm>>) target(%arg11 : memref<128xi32, #tpu.memory_space<vmem>>) target_semaphore(%arg19 : memref<!tpu.dma_semaphore, #tpu.memory_space<semaphore_mem>>)
      %mul3A_26 = arith.constant 80 : i32
      %mul3A_27 = arith.muli %arg1, %mul3A_26 : i32
      %add3A_28 = arith.constant 0 : i32
      %add3A_29 = arith.addi %mul3A_27, %add3A_28 : i32
      %dma_wait3A = arith.constant 0 : i32
      %dma_wait3A_30 = tpu.memref_slice %arg6[%add3A_29, %dma_wait3A] : memref<1280x128xi32, #tpu.memory_space<hbm>> -> memref<1x128xi32, #tpu.memory_space<hbm>>
      %dma_wait3A_31 = tpu.memref_squeeze %dma_wait3A_30 : memref<1x128xi32, #tpu.memory_space<hbm>> -> memref<128xi32, #tpu.memory_space<hbm>>
      %dma_wait3A_32 = arith.constant 0 : i32
      %dma_wait3A_33 = tpu.memref_slice %arg6[%add3A_29, %dma_wait3A_32] : memref<1280x128xi32, #tpu.memory_space<hbm>> -> memref<1x128xi32, #tpu.memory_space<hbm>>
      %dma_wait3A_34 = tpu.memref_squeeze %dma_wait3A_33 : memref<1x128xi32, #tpu.memory_space<hbm>> -> memref<128xi32, #tpu.memory_space<hbm>>
      tpu.wait_dma2 semaphore(%arg18 : memref<!tpu.dma_semaphore, #tpu.memory_space<semaphore_mem>>) src(%dma_wait3A_34 : memref<128xi32, #tpu.memory_space<hbm>>) dst(%arg10 : memref<128xi32, #tpu.memory_space<vmem>>)
      %dma_start3A_35 = arith.constant 0 : i32
      %dma_start3A_36 = arith.constant 0 : i32
      %dma_start3A_37 = tpu.memref_slice %arg2[%dma_start3A_35, %dma_start3A_36] : memref<10240x128xf32, #tpu.memory_space<hbm>> -> memref<10240x128xf32, #tpu.memory_space<hbm>>
      tpu.enqueue_indirect_dma source(%dma_start3A_37 : memref<10240x128xf32, #tpu.memory_space<hbm>>) target(%arg13 : memref<128x128xf32, #tpu.memory_space<vmem>>) offsets(%arg10 : memref<128xi32, #tpu.memory_space<vmem>>) semaphore(%arg16 : memref<!tpu.dma_semaphore, #tpu.memory_space<semaphore_mem>>)
      %scan3A = arith.constant 0 : i32
      %scan3A_38 = arith.constant 40 : i32
      %scan3A_39 = arith.addi %scan3A, %scan3A_38 : i32
      %scan3A_40 = arith.constant 1 : i32
      scf.for %scan3A_112 = %scan3A to %scan3A_39 step %scan3A_40  : i32 {
        %mul3A_113 = arith.constant 1 : i32
        %mul3A_114 = arith.muli %scan3A_112, %mul3A_113 : i32
        %add3A_115 = arith.constant 0 : i32
        %add3A_116 = arith.addi %add3A_115, %mul3A_114 : i32
        %mul3A_117 = arith.constant 2 : i32
        %mul3A_118 = arith.muli %mul3A_117, %add3A_116 : i32
        %add3A_119 = arith.constant 0 : i32
        %add3A_120 = arith.addi %mul3A_118, %add3A_119 : i32
        %dma_wait3A_121 = arith.constant 0 : i32
        %dma_wait3A_122 = arith.constant 0 : i32
        %dma_wait3A_123 = tpu.memref_slice %arg2[%dma_wait3A_121, %dma_wait3A_122] : memref<10240x128xf32, #tpu.memory_space<hbm>> -> memref<10240x128xf32, #tpu.memory_space<hbm>>
        tpu.wait_indirect_dma semaphore(%arg16 : memref<!tpu.dma_semaphore, #tpu.memory_space<semaphore_mem>>) src(%dma_wait3A_123 : memref<10240x128xf32, #tpu.memory_space<hbm>>) dst(%arg13 : memref<128x128xf32, #tpu.memory_space<vmem>>)
        %dma_start3A_124 = arith.constant 0 : i32
        %dma_start3A_125 = tpu.memref_slice %arg12[%add3A_120, %dma_start3A_124] : memref<80x128xi32, #tpu.memory_space<vmem>> -> memref<1x128xi32, #tpu.memory_space<vmem>>
        %dma_start3A_126 = tpu.memref_squeeze %dma_start3A_125 : memref<1x128xi32, #tpu.memory_space<vmem>> -> memref<128xi32, #tpu.memory_space<vmem>>
        %dma_start3A_127 = arith.constant 0 : i32
        %dma_start3A_128 = arith.constant 0 : i32
        %dma_start3A_129 = tpu.memref_slice %arg15[%dma_start3A_127, %dma_start3A_128] : memref<10240x128xf32, #tpu.memory_space<vmem_shared>> -> memref<10240x128xf32, #tpu.memory_space<vmem_shared>>
        tpu.enqueue_indirect_dma source(%arg13 : memref<128x128xf32, #tpu.memory_space<vmem>>) target(%dma_start3A_129 : memref<10240x128xf32, #tpu.memory_space<vmem_shared>>) offsets(%dma_start3A_126 : memref<128xi32, #tpu.memory_space<vmem>>) semaphore(%arg20 : memref<!tpu.dma_semaphore, #tpu.memory_space<semaphore_mem>>) {add = true}
        %lt3A = arith.constant 78 : i32
        %lt3A_130 = arith.cmpi slt, %add3A_120, %lt3A : i32
        %convert_element_type3A_131 = arith.extui %lt3A_130 : i1 to i32
        %cond3A_132 = arith.constant 0 : i32
        %cond3A_133 = arith.cmpi ne, %convert_element_type3A_131, %cond3A_132 : i32
        scf.if %cond3A_133 {
          %add3A_162 = arith.constant 2 : i32
          %add3A_163 = arith.addi %add3A_120, %add3A_162 : i32
          %mul3A_164 = arith.constant 80 : i32
          %mul3A_165 = arith.muli %arg1, %mul3A_164 : i32
          %add3A_166 = arith.addi %mul3A_165, %add3A_163 : i32
          %dma_start3A_167 = arith.constant 0 : i32
          %dma_start3A_168 = tpu.memref_slice %arg6[%add3A_166, %dma_start3A_167] : memref<1280x128xi32, #tpu.memory_space<hbm>> -> memref<1x128xi32, #tpu.memory_space<hbm>>
          %dma_start3A_169 = tpu.memref_squeeze %dma_start3A_168 : memref<1x128xi32, #tpu.memory_space<hbm>> -> memref<128xi32, #tpu.memory_space<hbm>>
          %dma_start3A_170 = arith.constant 0 : i32
          %dma_start3A_171 = tpu.memref_slice %arg6[%add3A_166, %dma_start3A_170] : memref<1280x128xi32, #tpu.memory_space<hbm>> -> memref<1x128xi32, #tpu.memory_space<hbm>>
          %dma_start3A_172 = tpu.memref_squeeze %dma_start3A_171 : memref<1x128xi32, #tpu.memory_space<hbm>> -> memref<128xi32, #tpu.memory_space<hbm>>
          tpu.enqueue_dma source(%dma_start3A_172 : memref<128xi32, #tpu.memory_space<hbm>>) target(%arg10 : memref<128xi32, #tpu.memory_space<vmem>>) target_semaphore(%arg18 : memref<!tpu.dma_semaphore, #tpu.memory_space<semaphore_mem>>)
        } else {
        }
        %lt3A_134 = arith.constant 79 : i32
        %lt3A_135 = arith.cmpi slt, %add3A_120, %lt3A_134 : i32
        %convert_element_type3A_136 = arith.extui %lt3A_135 : i1 to i32
        %cond3A_137 = arith.constant 0 : i32
        %cond3A_138 = arith.cmpi ne, %convert_element_type3A_136, %cond3A_137 : i32
        scf.if %cond3A_138 {
          %add3A_162 = arith.constant 1 : i32
          %add3A_163 = arith.addi %add3A_120, %add3A_162 : i32
          %mul3A_164 = arith.constant 80 : i32
          %mul3A_165 = arith.muli %arg1, %mul3A_164 : i32
          %add3A_166 = arith.addi %mul3A_165, %add3A_163 : i32
          %dma_wait3A_167 = arith.constant 0 : i32
          %dma_wait3A_168 = tpu.memref_slice %arg6[%add3A_166, %dma_wait3A_167] : memref<1280x128xi32, #tpu.memory_space<hbm>> -> memref<1x128xi32, #tpu.memory_space<hbm>>
          %dma_wait3A_169 = tpu.memref_squeeze %dma_wait3A_168 : memref<1x128xi32, #tpu.memory_space<hbm>> -> memref<128xi32, #tpu.memory_space<hbm>>
          %dma_wait3A_170 = arith.constant 0 : i32
          %dma_wait3A_171 = tpu.memref_slice %arg6[%add3A_166, %dma_wait3A_170] : memref<1280x128xi32, #tpu.memory_space<hbm>> -> memref<1x128xi32, #tpu.memory_space<hbm>>
          %dma_wait3A_172 = tpu.memref_squeeze %dma_wait3A_171 : memref<1x128xi32, #tpu.memory_space<hbm>> -> memref<128xi32, #tpu.memory_space<hbm>>
          tpu.wait_dma2 semaphore(%arg19 : memref<!tpu.dma_semaphore, #tpu.memory_space<semaphore_mem>>) src(%dma_wait3A_172 : memref<128xi32, #tpu.memory_space<hbm>>) dst(%arg11 : memref<128xi32, #tpu.memory_space<vmem>>)
          %ge3A = arith.constant 1 : i32
          %ge3A_173 = arith.cmpi sge, %add3A_120, %ge3A : i32
          %convert_element_type3A_174 = arith.extui %ge3A_173 : i1 to i32
          %cond3A_175 = arith.constant 0 : i32
          %cond3A_176 = arith.cmpi ne, %convert_element_type3A_174, %cond3A_175 : i32
          scf.if %cond3A_176 {
            %add3A_182 = arith.constant 1 : i32
            %add3A_183 = arith.addi %add3A_120, %add3A_182 : i32
            %sub3A = arith.constant 2 : i32
            %sub3A_184 = arith.subi %add3A_183, %sub3A : i32
            %dma_wait3A_185 = arith.constant 0 : i32
            %dma_wait3A_186 = tpu.memref_slice %arg12[%sub3A_184, %dma_wait3A_185] : memref<80x128xi32, #tpu.memory_space<vmem>> -> memref<1x128xi32, #tpu.memory_space<vmem>>
            %dma_wait3A_187 = tpu.memref_squeeze %dma_wait3A_186 : memref<1x128xi32, #tpu.memory_space<vmem>> -> memref<128xi32, #tpu.memory_space<vmem>>
            %dma_wait3A_188 = arith.constant 0 : i32
            %dma_wait3A_189 = arith.constant 0 : i32
            %dma_wait3A_190 = tpu.memref_slice %arg15[%dma_wait3A_188, %dma_wait3A_189] : memref<10240x128xf32, #tpu.memory_space<vmem_shared>> -> memref<10240x128xf32, #tpu.memory_space<vmem_shared>>
            tpu.wait_indirect_dma semaphore(%arg21 : memref<!tpu.dma_semaphore, #tpu.memory_space<semaphore_mem>>) src(%arg14 : memref<128x128xf32, #tpu.memory_space<vmem>>) dst(%dma_wait3A_190 : memref<10240x128xf32, #tpu.memory_space<vmem_shared>>)
          } else {
          }
          %add3A_177 = arith.constant 1 : i32
          %add3A_178 = arith.addi %add3A_120, %add3A_177 : i32
          %dma_start3A_179 = arith.constant 0 : i32
          %dma_start3A_180 = arith.constant 0 : i32
          %dma_start3A_181 = tpu.memref_slice %arg2[%dma_start3A_179, %dma_start3A_180] : memref<10240x128xf32, #tpu.memory_space<hbm>> -> memref<10240x128xf32, #tpu.memory_space<hbm>>
          tpu.enqueue_indirect_dma source(%dma_start3A_181 : memref<10240x128xf32, #tpu.memory_space<hbm>>) target(%arg14 : memref<128x128xf32, #tpu.memory_space<vmem>>) offsets(%arg11 : memref<128xi32, #tpu.memory_space<vmem>>) semaphore(%arg17 : memref<!tpu.dma_semaphore, #tpu.memory_space<semaphore_mem>>)
        } else {
        }
        %mul3A_139 = arith.constant 2 : i32
        %mul3A_140 = arith.muli %mul3A_139, %add3A_116 : i32
        %add3A_141 = arith.constant 1 : i32
        %add3A_142 = arith.addi %mul3A_140, %add3A_141 : i32
        %dma_wait3A_143 = arith.constant 0 : i32
        %dma_wait3A_144 = arith.constant 0 : i32
        %dma_wait3A_145 = tpu.memref_slice %arg2[%dma_wait3A_143, %dma_wait3A_144] : memref<10240x128xf32, #tpu.memory_space<hbm>> -> memref<10240x128xf32, #tpu.memory_space<hbm>>
        tpu.wait_indirect_dma semaphore(%arg17 : memref<!tpu.dma_semaphore, #tpu.memory_space<semaphore_mem>>) src(%dma_wait3A_145 : memref<10240x128xf32, #tpu.memory_space<hbm>>) dst(%arg14 : memref<128x128xf32, #tpu.memory_space<vmem>>)
        %dma_start3A_146 = arith.constant 0 : i32
        %dma_start3A_147 = tpu.memref_slice %arg12[%add3A_142, %dma_start3A_146] : memref<80x128xi32, #tpu.memory_space<vmem>> -> memref<1x128xi32, #tpu.memory_space<vmem>>
        %dma_start3A_148 = tpu.memref_squeeze %dma_start3A_147 : memref<1x128xi32, #tpu.memory_space<vmem>> -> memref<128xi32, #tpu.memory_space<vmem>>
        %dma_start3A_149 = arith.constant 0 : i32
        %dma_start3A_150 = arith.constant 0 : i32
        %dma_start3A_151 = tpu.memref_slice %arg15[%dma_start3A_149, %dma_start3A_150] : memref<10240x128xf32, #tpu.memory_space<vmem_shared>> -> memref<10240x128xf32, #tpu.memory_space<vmem_shared>>
        tpu.enqueue_indirect_dma source(%arg14 : memref<128x128xf32, #tpu.memory_space<vmem>>) target(%dma_start3A_151 : memref<10240x128xf32, #tpu.memory_space<vmem_shared>>) offsets(%dma_start3A_148 : memref<128xi32, #tpu.memory_space<vmem>>) semaphore(%arg21 : memref<!tpu.dma_semaphore, #tpu.memory_space<semaphore_mem>>) {add = true}
        %lt3A_152 = arith.constant 78 : i32
        %lt3A_153 = arith.cmpi slt, %add3A_142, %lt3A_152 : i32
        %convert_element_type3A_154 = arith.extui %lt3A_153 : i1 to i32
        %cond3A_155 = arith.constant 0 : i32
        %cond3A_156 = arith.cmpi ne, %convert_element_type3A_154, %cond3A_155 : i32
        scf.if %cond3A_156 {
          %add3A_162 = arith.constant 2 : i32
          %add3A_163 = arith.addi %add3A_142, %add3A_162 : i32
          %mul3A_164 = arith.constant 80 : i32
          %mul3A_165 = arith.muli %arg1, %mul3A_164 : i32
          %add3A_166 = arith.addi %mul3A_165, %add3A_163 : i32
          %dma_start3A_167 = arith.constant 0 : i32
          %dma_start3A_168 = tpu.memref_slice %arg6[%add3A_166, %dma_start3A_167] : memref<1280x128xi32, #tpu.memory_space<hbm>> -> memref<1x128xi32, #tpu.memory_space<hbm>>
          %dma_start3A_169 = tpu.memref_squeeze %dma_start3A_168 : memref<1x128xi32, #tpu.memory_space<hbm>> -> memref<128xi32, #tpu.memory_space<hbm>>
          %dma_start3A_170 = arith.constant 0 : i32
          %dma_start3A_171 = tpu.memref_slice %arg6[%add3A_166, %dma_start3A_170] : memref<1280x128xi32, #tpu.memory_space<hbm>> -> memref<1x128xi32, #tpu.memory_space<hbm>>
          %dma_start3A_172 = tpu.memref_squeeze %dma_start3A_171 : memref<1x128xi32, #tpu.memory_space<hbm>> -> memref<128xi32, #tpu.memory_space<hbm>>
          tpu.enqueue_dma source(%dma_start3A_172 : memref<128xi32, #tpu.memory_space<hbm>>) target(%arg11 : memref<128xi32, #tpu.memory_space<vmem>>) target_semaphore(%arg19 : memref<!tpu.dma_semaphore, #tpu.memory_space<semaphore_mem>>)
        } else {
        }
        %lt3A_157 = arith.constant 79 : i32
        %lt3A_158 = arith.cmpi slt, %add3A_142, %lt3A_157 : i32
        %convert_element_type3A_159 = arith.extui %lt3A_158 : i1 to i32
        %cond3A_160 = arith.constant 0 : i32
        %cond3A_161 = arith.cmpi ne, %convert_element_type3A_159, %cond3A_160 : i32
        scf.if %cond3A_161 {
          %add3A_162 = arith.constant 1 : i32
          %add3A_163 = arith.addi %add3A_142, %add3A_162 : i32
          %mul3A_164 = arith.constant 80 : i32
          %mul3A_165 = arith.muli %arg1, %mul3A_164 : i32
          %add3A_166 = arith.addi %mul3A_165, %add3A_163 : i32
          %dma_wait3A_167 = arith.constant 0 : i32
          %dma_wait3A_168 = tpu.memref_slice %arg6[%add3A_166, %dma_wait3A_167] : memref<1280x128xi32, #tpu.memory_space<hbm>> -> memref<1x128xi32, #tpu.memory_space<hbm>>
          %dma_wait3A_169 = tpu.memref_squeeze %dma_wait3A_168 : memref<1x128xi32, #tpu.memory_space<hbm>> -> memref<128xi32, #tpu.memory_space<hbm>>
          %dma_wait3A_170 = arith.constant 0 : i32
          %dma_wait3A_171 = tpu.memref_slice %arg6[%add3A_166, %dma_wait3A_170] : memref<1280x128xi32, #tpu.memory_space<hbm>> -> memref<1x128xi32, #tpu.memory_space<hbm>>
          %dma_wait3A_172 = tpu.memref_squeeze %dma_wait3A_171 : memref<1x128xi32, #tpu.memory_space<hbm>> -> memref<128xi32, #tpu.memory_space<hbm>>
          tpu.wait_dma2 semaphore(%arg18 : memref<!tpu.dma_semaphore, #tpu.memory_space<semaphore_mem>>) src(%dma_wait3A_172 : memref<128xi32, #tpu.memory_space<hbm>>) dst(%arg10 : memref<128xi32, #tpu.memory_space<vmem>>)
          %ge3A = arith.constant 1 : i32
          %ge3A_173 = arith.cmpi sge, %add3A_142, %ge3A : i32
          %convert_element_type3A_174 = arith.extui %ge3A_173 : i1 to i32
          %cond3A_175 = arith.constant 0 : i32
          %cond3A_176 = arith.cmpi ne, %convert_element_type3A_174, %cond3A_175 : i32
          scf.if %cond3A_176 {
            %add3A_182 = arith.constant 1 : i32
            %add3A_183 = arith.addi %add3A_142, %add3A_182 : i32
            %sub3A = arith.constant 2 : i32
            %sub3A_184 = arith.subi %add3A_183, %sub3A : i32
            %dma_wait3A_185 = arith.constant 0 : i32
            %dma_wait3A_186 = tpu.memref_slice %arg12[%sub3A_184, %dma_wait3A_185] : memref<80x128xi32, #tpu.memory_space<vmem>> -> memref<1x128xi32, #tpu.memory_space<vmem>>
            %dma_wait3A_187 = tpu.memref_squeeze %dma_wait3A_186 : memref<1x128xi32, #tpu.memory_space<vmem>> -> memref<128xi32, #tpu.memory_space<vmem>>
            %dma_wait3A_188 = arith.constant 0 : i32
            %dma_wait3A_189 = arith.constant 0 : i32
            %dma_wait3A_190 = tpu.memref_slice %arg15[%dma_wait3A_188, %dma_wait3A_189] : memref<10240x128xf32, #tpu.memory_space<vmem_shared>> -> memref<10240x128xf32, #tpu.memory_space<vmem_shared>>
            tpu.wait_indirect_dma semaphore(%arg20 : memref<!tpu.dma_semaphore, #tpu.memory_space<semaphore_mem>>) src(%arg13 : memref<128x128xf32, #tpu.memory_space<vmem>>) dst(%dma_wait3A_190 : memref<10240x128xf32, #tpu.memory_space<vmem_shared>>)
          } else {
          }
          %add3A_177 = arith.constant 1 : i32
          %add3A_178 = arith.addi %add3A_142, %add3A_177 : i32
          %dma_start3A_179 = arith.constant 0 : i32
          %dma_start3A_180 = arith.constant 0 : i32
          %dma_start3A_181 = tpu.memref_slice %arg2[%dma_start3A_179, %dma_start3A_180] : memref<10240x128xf32, #tpu.memory_space<hbm>> -> memref<10240x128xf32, #tpu.memory_space<hbm>>
          tpu.enqueue_indirect_dma source(%dma_start3A_181 : memref<10240x128xf32, #tpu.memory_space<hbm>>) target(%arg13 : memref<128x128xf32, #tpu.memory_space<vmem>>) offsets(%arg10 : memref<128xi32, #tpu.memory_space<vmem>>) semaphore(%arg16 : memref<!tpu.dma_semaphore, #tpu.memory_space<semaphore_mem>>)
        } else {
        }
      }
      %scan3A_41 = arith.constant 40 : i32
      %dma_wait3A_42 = arith.constant 78 : i32
      %dma_wait3A_43 = arith.constant 0 : i32
      %dma_wait3A_44 = tpu.memref_slice %arg12[%dma_wait3A_42, %dma_wait3A_43] : memref<80x128xi32, #tpu.memory_space<vmem>> -> memref<1x128xi32, #tpu.memory_space<vmem>>
      %dma_wait3A_45 = tpu.memref_squeeze %dma_wait3A_44 : memref<1x128xi32, #tpu.memory_space<vmem>> -> memref<128xi32, #tpu.memory_space<vmem>>
      %dma_wait3A_46 = arith.constant 0 : i32
      %dma_wait3A_47 = arith.constant 0 : i32
      %dma_wait3A_48 = tpu.memref_slice %arg15[%dma_wait3A_46, %dma_wait3A_47] : memref<10240x128xf32, #tpu.memory_space<vmem_shared>> -> memref<10240x128xf32, #tpu.memory_space<vmem_shared>>
      tpu.wait_indirect_dma semaphore(%arg20 : memref<!tpu.dma_semaphore, #tpu.memory_space<semaphore_mem>>) src(%arg13 : memref<128x128xf32, #tpu.memory_space<vmem>>) dst(%dma_wait3A_48 : memref<10240x128xf32, #tpu.memory_space<vmem_shared>>)
      %dma_wait3A_49 = arith.constant 79 : i32
      %dma_wait3A_50 = arith.constant 0 : i32
      %dma_wait3A_51 = tpu.memref_slice %arg12[%dma_wait3A_49, %dma_wait3A_50] : memref<80x128xi32, #tpu.memory_space<vmem>> -> memref<1x128xi32, #tpu.memory_space<vmem>>
      %dma_wait3A_52 = tpu.memref_squeeze %dma_wait3A_51 : memref<1x128xi32, #tpu.memory_space<vmem>> -> memref<128xi32, #tpu.memory_space<vmem>>
      %dma_wait3A_53 = arith.constant 0 : i32
      %dma_wait3A_54 = arith.constant 0 : i32
      %dma_wait3A_55 = tpu.memref_slice %arg15[%dma_wait3A_53, %dma_wait3A_54] : memref<10240x128xf32, #tpu.memory_space<vmem_shared>> -> memref<10240x128xf32, #tpu.memory_space<vmem_shared>>
      tpu.wait_indirect_dma semaphore(%arg21 : memref<!tpu.dma_semaphore, #tpu.memory_space<semaphore_mem>>) src(%arg14 : memref<128x128xf32, #tpu.memory_space<vmem>>) dst(%dma_wait3A_55 : memref<10240x128xf32, #tpu.memory_space<vmem_shared>>)
      %barrier3A_56 = arith.constant 0 : index
      tpu.barrier barrier_id(%barrier3A_56)
      %run_scoped3A = arith.constant 0 : i32
      "tpu.region"() ({
        %run_scoped3A_112 = tpu.sem_alloc : memref<!tpu.dma_semaphore, #tpu.memory_space<semaphore_mem>>
        %dma_start3A_113 = arith.constant 0 : i32
        %dma_start3A_114 = tpu.memref_slice %arg9[%run_scoped3A, %mul3A_0, %dma_start3A_113] : memref<4x10240x128xf32, #tpu.memory_space<hbm>> -> memref<1x640x128xf32, #tpu.memory_space<hbm>>
        %dma_start3A_115 = tpu.memref_squeeze %dma_start3A_114 : memref<1x640x128xf32, #tpu.memory_space<hbm>> -> memref<640x128xf32, #tpu.memory_space<hbm>>
        %dma_start3A_116 = arith.constant 0 : i32
        %dma_start3A_117 = tpu.memref_slice %arg15[%mul3A_0, %dma_start3A_116] : memref<10240x128xf32, #tpu.memory_space<vmem_shared>> -> memref<640x128xf32, #tpu.memory_space<vmem_shared>>
        tpu.enqueue_dma source(%dma_start3A_117 : memref<640x128xf32, #tpu.memory_space<vmem_shared>>) target(%dma_start3A_115 : memref<640x128xf32, #tpu.memory_space<hbm>>) target_semaphore(%run_scoped3A_112 : memref<!tpu.dma_semaphore, #tpu.memory_space<semaphore_mem>>)
        %dma_wait3A_118 = arith.constant 0 : i32
        %dma_wait3A_119 = tpu.memref_slice %arg9[%run_scoped3A, %mul3A_0, %dma_wait3A_118] : memref<4x10240x128xf32, #tpu.memory_space<hbm>> -> memref<1x640x128xf32, #tpu.memory_space<hbm>>
        %dma_wait3A_120 = tpu.memref_squeeze %dma_wait3A_119 : memref<1x640x128xf32, #tpu.memory_space<hbm>> -> memref<640x128xf32, #tpu.memory_space<hbm>>
        %dma_wait3A_121 = arith.constant 0 : i32
        %dma_wait3A_122 = tpu.memref_slice %arg15[%mul3A_0, %dma_wait3A_121] : memref<10240x128xf32, #tpu.memory_space<vmem_shared>> -> memref<640x128xf32, #tpu.memory_space<vmem_shared>>
        tpu.wait_dma2 semaphore(%run_scoped3A_112 : memref<!tpu.dma_semaphore, #tpu.memory_space<semaphore_mem>>) src(%dma_wait3A_122 : memref<640x128xf32, #tpu.memory_space<vmem_shared>>) dst(%dma_wait3A_120 : memref<640x128xf32, #tpu.memory_space<hbm>>)
        tpu.yield
      }) : () -> ()
      "tpu.region"() ({
        %run_scoped3A_112 = tpu.sem_alloc : memref<!tpu.dma_semaphore, #tpu.memory_space<semaphore_mem>>
        %dma_start3A_113 = arith.constant 0 : i32
        %dma_start3A_114 = tpu.memref_slice %arg15[%mul3A_0, %dma_start3A_113] : memref<10240x128xf32, #tpu.memory_space<vmem_shared>> -> memref<640x128xf32, #tpu.memory_space<vmem_shared>>
        tpu.enqueue_dma source(%arg8 : memref<640x128xf32, #tpu.memory_space<hbm>>) target(%dma_start3A_114 : memref<640x128xf32, #tpu.memory_space<vmem_shared>>) target_semaphore(%run_scoped3A_112 : memref<!tpu.dma_semaphore, #tpu.memory_space<semaphore_mem>>)
        %dma_wait3A_115 = arith.constant 0 : i32
        %dma_wait3A_116 = tpu.memref_slice %arg15[%mul3A_0, %dma_wait3A_115] : memref<10240x128xf32, #tpu.memory_space<vmem_shared>> -> memref<640x128xf32, #tpu.memory_space<vmem_shared>>
        tpu.wait_dma2 semaphore(%run_scoped3A_112 : memref<!tpu.dma_semaphore, #tpu.memory_space<semaphore_mem>>) src(%arg8 : memref<640x128xf32, #tpu.memory_space<hbm>>) dst(%dma_wait3A_116 : memref<640x128xf32, #tpu.memory_space<vmem_shared>>)
        tpu.yield
      }) : () -> ()
      %barrier3A_57 = arith.constant 0 : index
      tpu.barrier barrier_id(%barrier3A_57)
      %mul3A_58 = arith.constant 80 : i32
      %mul3A_59 = arith.muli %arg1, %mul3A_58 : i32
      %add3A_60 = arith.constant 0 : i32
      %add3A_61 = arith.addi %mul3A_59, %add3A_60 : i32
      %dma_start3A_62 = arith.constant 0 : i32
      %dma_start3A_63 = tpu.memref_slice %arg6[%add3A_61, %dma_start3A_62] : memref<1280x128xi32, #tpu.memory_space<hbm>> -> memref<1x128xi32, #tpu.memory_space<hbm>>
      %dma_start3A_64 = tpu.memref_squeeze %dma_start3A_63 : memref<1x128xi32, #tpu.memory_space<hbm>> -> memref<128xi32, #tpu.memory_space<hbm>>
      %dma_start3A_65 = arith.constant 0 : i32
      %dma_start3A_66 = tpu.memref_slice %arg6[%add3A_61, %dma_start3A_65] : memref<1280x128xi32, #tpu.memory_space<hbm>> -> memref<1x128xi32, #tpu.memory_space<hbm>>
      %dma_start3A_67 = tpu.memref_squeeze %dma_start3A_66 : memref<1x128xi32, #tpu.memory_space<hbm>> -> memref<128xi32, #tpu.memory_space<hbm>>
      tpu.enqueue_dma source(%dma_start3A_67 : memref<128xi32, #tpu.memory_space<hbm>>) target(%arg10 : memref<128xi32, #tpu.memory_space<vmem>>) target_semaphore(%arg18 : memref<!tpu.dma_semaphore, #tpu.memory_space<semaphore_mem>>)
      %mul3A_68 = arith.constant 80 : i32
      %mul3A_69 = arith.muli %arg1, %mul3A_68 : i32
      %add3A_70 = arith.constant 1 : i32
      %add3A_71 = arith.addi %mul3A_69, %add3A_70 : i32
      %dma_start3A_72 = arith.constant 0 : i32
      %dma_start3A_73 = tpu.memref_slice %arg6[%add3A_71, %dma_start3A_72] : memref<1280x128xi32, #tpu.memory_space<hbm>> -> memref<1x128xi32, #tpu.memory_space<hbm>>
      %dma_start3A_74 = tpu.memref_squeeze %dma_start3A_73 : memref<1x128xi32, #tpu.memory_space<hbm>> -> memref<128xi32, #tpu.memory_space<hbm>>
      %dma_start3A_75 = arith.constant 0 : i32
      %dma_start3A_76 = tpu.memref_slice %arg6[%add3A_71, %dma_start3A_75] : memref<1280x128xi32, #tpu.memory_space<hbm>> -> memref<1x128xi32, #tpu.memory_space<hbm>>
      %dma_start3A_77 = tpu.memref_squeeze %dma_start3A_76 : memref<1x128xi32, #tpu.memory_space<hbm>> -> memref<128xi32, #tpu.memory_space<hbm>>
      tpu.enqueue_dma source(%dma_start3A_77 : memref<128xi32, #tpu.memory_space<hbm>>) target(%arg11 : memref<128xi32, #tpu.memory_space<vmem>>) target_semaphore(%arg19 : memref<!tpu.dma_semaphore, #tpu.memory_space<semaphore_mem>>)
      %mul3A_78 = arith.constant 80 : i32
      %mul3A_79 = arith.muli %arg1, %mul3A_78 : i32
      %add3A_80 = arith.constant 0 : i32
      %add3A_81 = arith.addi %mul3A_79, %add3A_80 : i32
      %dma_wait3A_82 = arith.constant 0 : i32
      %dma_wait3A_83 = tpu.memref_slice %arg6[%add3A_81, %dma_wait3A_82] : memref<1280x128xi32, #tpu.memory_space<hbm>> -> memref<1x128xi32, #tpu.memory_space<hbm>>
      %dma_wait3A_84 = tpu.memref_squeeze %dma_wait3A_83 : memref<1x128xi32, #tpu.memory_space<hbm>> -> memref<128xi32, #tpu.memory_space<hbm>>
      %dma_wait3A_85 = arith.constant 0 : i32
      %dma_wait3A_86 = tpu.memref_slice %arg6[%add3A_81, %dma_wait3A_85] : memref<1280x128xi32, #tpu.memory_space<hbm>> -> memref<1x128xi32, #tpu.memory_space<hbm>>
      %dma_wait3A_87 = tpu.memref_squeeze %dma_wait3A_86 : memref<1x128xi32, #tpu.memory_space<hbm>> -> memref<128xi32, #tpu.memory_space<hbm>>
      tpu.wait_dma2 semaphore(%arg18 : memref<!tpu.dma_semaphore, #tpu.memory_space<semaphore_mem>>) src(%dma_wait3A_87 : memref<128xi32, #tpu.memory_space<hbm>>) dst(%arg10 : memref<128xi32, #tpu.memory_space<vmem>>)
      %dma_start3A_88 = arith.constant 0 : i32
      %dma_start3A_89 = arith.constant 0 : i32
      %dma_start3A_90 = tpu.memref_slice %arg3[%dma_start3A_88, %dma_start3A_89] : memref<10240x128xf32, #tpu.memory_space<hbm>> -> memref<10240x128xf32, #tpu.memory_space<hbm>>
      tpu.enqueue_indirect_dma source(%dma_start3A_90 : memref<10240x128xf32, #tpu.memory_space<hbm>>) target(%arg13 : memref<128x128xf32, #tpu.memory_space<vmem>>) offsets(%arg10 : memref<128xi32, #tpu.memory_space<vmem>>) semaphore(%arg16 : memref<!tpu.dma_semaphore, #tpu.memory_space<semaphore_mem>>)
      %scan3A_91 = arith.constant 0 : i32
      %scan3A_92 = arith.constant 40 : i32
      %scan3A_93 = arith.addi %scan3A_91, %scan3A_92 : i32
      %scan3A_94 = arith.constant 1 : i32
      scf.for %scan3A_112 = %scan3A_91 to %scan3A_93 step %scan3A_94  : i32 {
        %mul3A_113 = arith.constant 1 : i32
        %mul3A_114 = arith.muli %scan3A_112, %mul3A_113 : i32
        %add3A_115 = arith.constant 0 : i32
        %add3A_116 = arith.addi %add3A_115, %mul3A_114 : i32
        %mul3A_117 = arith.constant 2 : i32
        %mul3A_118 = arith.muli %mul3A_117, %add3A_116 : i32
        %add3A_119 = arith.constant 0 : i32
        %add3A_120 = arith.addi %mul3A_118, %add3A_119 : i32
        %dma_wait3A_121 = arith.constant 0 : i32
        %dma_wait3A_122 = arith.constant 0 : i32
        %dma_wait3A_123 = tpu.memref_slice %arg3[%dma_wait3A_121, %dma_wait3A_122] : memref<10240x128xf32, #tpu.memory_space<hbm>> -> memref<10240x128xf32, #tpu.memory_space<hbm>>
        tpu.wait_indirect_dma semaphore(%arg16 : memref<!tpu.dma_semaphore, #tpu.memory_space<semaphore_mem>>) src(%dma_wait3A_123 : memref<10240x128xf32, #tpu.memory_space<hbm>>) dst(%arg13 : memref<128x128xf32, #tpu.memory_space<vmem>>)
        %dma_start3A_124 = arith.constant 0 : i32
        %dma_start3A_125 = tpu.memref_slice %arg12[%add3A_120, %dma_start3A_124] : memref<80x128xi32, #tpu.memory_space<vmem>> -> memref<1x128xi32, #tpu.memory_space<vmem>>
        %dma_start3A_126 = tpu.memref_squeeze %dma_start3A_125 : memref<1x128xi32, #tpu.memory_space<vmem>> -> memref<128xi32, #tpu.memory_space<vmem>>
        %dma_start3A_127 = arith.constant 0 : i32
        %dma_start3A_128 = arith.constant 0 : i32
        %dma_start3A_129 = tpu.memref_slice %arg15[%dma_start3A_127, %dma_start3A_128] : memref<10240x128xf32, #tpu.memory_space<vmem_shared>> -> memref<10240x128xf32, #tpu.memory_space<vmem_shared>>
        tpu.enqueue_indirect_dma source(%arg13 : memref<128x128xf32, #tpu.memory_space<vmem>>) target(%dma_start3A_129 : memref<10240x128xf32, #tpu.memory_space<vmem_shared>>) offsets(%dma_start3A_126 : memref<128xi32, #tpu.memory_space<vmem>>) semaphore(%arg20 : memref<!tpu.dma_semaphore, #tpu.memory_space<semaphore_mem>>) {add = true}
        %lt3A = arith.constant 78 : i32
        %lt3A_130 = arith.cmpi slt, %add3A_120, %lt3A : i32
        %convert_element_type3A_131 = arith.extui %lt3A_130 : i1 to i32
        %cond3A_132 = arith.constant 0 : i32
        %cond3A_133 = arith.cmpi ne, %convert_element_type3A_131, %cond3A_132 : i32
        scf.if %cond3A_133 {
          %add3A_162 = arith.constant 2 : i32
          %add3A_163 = arith.addi %add3A_120, %add3A_162 : i32
          %mul3A_164 = arith.constant 80 : i32
          %mul3A_165 = arith.muli %arg1, %mul3A_164 : i32
          %add3A_166 = arith.addi %mul3A_165, %add3A_163 : i32
          %dma_start3A_167 = arith.constant 0 : i32
          %dma_start3A_168 = tpu.memref_slice %arg6[%add3A_166, %dma_start3A_167] : memref<1280x128xi32, #tpu.memory_space<hbm>> -> memref<1x128xi32, #tpu.memory_space<hbm>>
          %dma_start3A_169 = tpu.memref_squeeze %dma_start3A_168 : memref<1x128xi32, #tpu.memory_space<hbm>> -> memref<128xi32, #tpu.memory_space<hbm>>
          %dma_start3A_170 = arith.constant 0 : i32
          %dma_start3A_171 = tpu.memref_slice %arg6[%add3A_166, %dma_start3A_170] : memref<1280x128xi32, #tpu.memory_space<hbm>> -> memref<1x128xi32, #tpu.memory_space<hbm>>
          %dma_start3A_172 = tpu.memref_squeeze %dma_start3A_171 : memref<1x128xi32, #tpu.memory_space<hbm>> -> memref<128xi32, #tpu.memory_space<hbm>>
          tpu.enqueue_dma source(%dma_start3A_172 : memref<128xi32, #tpu.memory_space<hbm>>) target(%arg10 : memref<128xi32, #tpu.memory_space<vmem>>) target_semaphore(%arg18 : memref<!tpu.dma_semaphore, #tpu.memory_space<semaphore_mem>>)
        } else {
        }
        %lt3A_134 = arith.constant 79 : i32
        %lt3A_135 = arith.cmpi slt, %add3A_120, %lt3A_134 : i32
        %convert_element_type3A_136 = arith.extui %lt3A_135 : i1 to i32
        %cond3A_137 = arith.constant 0 : i32
        %cond3A_138 = arith.cmpi ne, %convert_element_type3A_136, %cond3A_137 : i32
        scf.if %cond3A_138 {
          %add3A_162 = arith.constant 1 : i32
          %add3A_163 = arith.addi %add3A_120, %add3A_162 : i32
          %mul3A_164 = arith.constant 80 : i32
          %mul3A_165 = arith.muli %arg1, %mul3A_164 : i32
          %add3A_166 = arith.addi %mul3A_165, %add3A_163 : i32
          %dma_wait3A_167 = arith.constant 0 : i32
          %dma_wait3A_168 = tpu.memref_slice %arg6[%add3A_166, %dma_wait3A_167] : memref<1280x128xi32, #tpu.memory_space<hbm>> -> memref<1x128xi32, #tpu.memory_space<hbm>>
          %dma_wait3A_169 = tpu.memref_squeeze %dma_wait3A_168 : memref<1x128xi32, #tpu.memory_space<hbm>> -> memref<128xi32, #tpu.memory_space<hbm>>
          %dma_wait3A_170 = arith.constant 0 : i32
          %dma_wait3A_171 = tpu.memref_slice %arg6[%add3A_166, %dma_wait3A_170] : memref<1280x128xi32, #tpu.memory_space<hbm>> -> memref<1x128xi32, #tpu.memory_space<hbm>>
          %dma_wait3A_172 = tpu.memref_squeeze %dma_wait3A_171 : memref<1x128xi32, #tpu.memory_space<hbm>> -> memref<128xi32, #tpu.memory_space<hbm>>
          tpu.wait_dma2 semaphore(%arg19 : memref<!tpu.dma_semaphore, #tpu.memory_space<semaphore_mem>>) src(%dma_wait3A_172 : memref<128xi32, #tpu.memory_space<hbm>>) dst(%arg11 : memref<128xi32, #tpu.memory_space<vmem>>)
          %ge3A = arith.constant 1 : i32
          %ge3A_173 = arith.cmpi sge, %add3A_120, %ge3A : i32
          %convert_element_type3A_174 = arith.extui %ge3A_173 : i1 to i32
          %cond3A_175 = arith.constant 0 : i32
          %cond3A_176 = arith.cmpi ne, %convert_element_type3A_174, %cond3A_175 : i32
          scf.if %cond3A_176 {
            %add3A_182 = arith.constant 1 : i32
            %add3A_183 = arith.addi %add3A_120, %add3A_182 : i32
            %sub3A = arith.constant 2 : i32
            %sub3A_184 = arith.subi %add3A_183, %sub3A : i32
            %dma_wait3A_185 = arith.constant 0 : i32
            %dma_wait3A_186 = tpu.memref_slice %arg12[%sub3A_184, %dma_wait3A_185] : memref<80x128xi32, #tpu.memory_space<vmem>> -> memref<1x128xi32, #tpu.memory_space<vmem>>
            %dma_wait3A_187 = tpu.memref_squeeze %dma_wait3A_186 : memref<1x128xi32, #tpu.memory_space<vmem>> -> memref<128xi32, #tpu.memory_space<vmem>>
            %dma_wait3A_188 = arith.constant 0 : i32
            %dma_wait3A_189 = arith.constant 0 : i32
            %dma_wait3A_190 = tpu.memref_slice %arg15[%dma_wait3A_188, %dma_wait3A_189] : memref<10240x128xf32, #tpu.memory_space<vmem_shared>> -> memref<10240x128xf32, #tpu.memory_space<vmem_shared>>
            tpu.wait_indirect_dma semaphore(%arg21 : memref<!tpu.dma_semaphore, #tpu.memory_space<semaphore_mem>>) src(%arg14 : memref<128x128xf32, #tpu.memory_space<vmem>>) dst(%dma_wait3A_190 : memref<10240x128xf32, #tpu.memory_space<vmem_shared>>)
          } else {
          }
          %add3A_177 = arith.constant 1 : i32
          %add3A_178 = arith.addi %add3A_120, %add3A_177 : i32
          %dma_start3A_179 = arith.constant 0 : i32
          %dma_start3A_180 = arith.constant 0 : i32
          %dma_start3A_181 = tpu.memref_slice %arg3[%dma_start3A_179, %dma_start3A_180] : memref<10240x128xf32, #tpu.memory_space<hbm>> -> memref<10240x128xf32, #tpu.memory_space<hbm>>
          tpu.enqueue_indirect_dma source(%dma_start3A_181 : memref<10240x128xf32, #tpu.memory_space<hbm>>) target(%arg14 : memref<128x128xf32, #tpu.memory_space<vmem>>) offsets(%arg11 : memref<128xi32, #tpu.memory_space<vmem>>) semaphore(%arg17 : memref<!tpu.dma_semaphore, #tpu.memory_space<semaphore_mem>>)
        } else {
        }
        %mul3A_139 = arith.constant 2 : i32
        %mul3A_140 = arith.muli %mul3A_139, %add3A_116 : i32
        %add3A_141 = arith.constant 1 : i32
        %add3A_142 = arith.addi %mul3A_140, %add3A_141 : i32
        %dma_wait3A_143 = arith.constant 0 : i32
        %dma_wait3A_144 = arith.constant 0 : i32
        %dma_wait3A_145 = tpu.memref_slice %arg3[%dma_wait3A_143, %dma_wait3A_144] : memref<10240x128xf32, #tpu.memory_space<hbm>> -> memref<10240x128xf32, #tpu.memory_space<hbm>>
        tpu.wait_indirect_dma semaphore(%arg17 : memref<!tpu.dma_semaphore, #tpu.memory_space<semaphore_mem>>) src(%dma_wait3A_145 : memref<10240x128xf32, #tpu.memory_space<hbm>>) dst(%arg14 : memref<128x128xf32, #tpu.memory_space<vmem>>)
        %dma_start3A_146 = arith.constant 0 : i32
        %dma_start3A_147 = tpu.memref_slice %arg12[%add3A_142, %dma_start3A_146] : memref<80x128xi32, #tpu.memory_space<vmem>> -> memref<1x128xi32, #tpu.memory_space<vmem>>
        %dma_start3A_148 = tpu.memref_squeeze %dma_start3A_147 : memref<1x128xi32, #tpu.memory_space<vmem>> -> memref<128xi32, #tpu.memory_space<vmem>>
        %dma_start3A_149 = arith.constant 0 : i32
        %dma_start3A_150 = arith.constant 0 : i32
        %dma_start3A_151 = tpu.memref_slice %arg15[%dma_start3A_149, %dma_start3A_150] : memref<10240x128xf32, #tpu.memory_space<vmem_shared>> -> memref<10240x128xf32, #tpu.memory_space<vmem_shared>>
        tpu.enqueue_indirect_dma source(%arg14 : memref<128x128xf32, #tpu.memory_space<vmem>>) target(%dma_start3A_151 : memref<10240x128xf32, #tpu.memory_space<vmem_shared>>) offsets(%dma_start3A_148 : memref<128xi32, #tpu.memory_space<vmem>>) semaphore(%arg21 : memref<!tpu.dma_semaphore, #tpu.memory_space<semaphore_mem>>) {add = true}
        %lt3A_152 = arith.constant 78 : i32
        %lt3A_153 = arith.cmpi slt, %add3A_142, %lt3A_152 : i32
        %convert_element_type3A_154 = arith.extui %lt3A_153 : i1 to i32
        %cond3A_155 = arith.constant 0 : i32
        %cond3A_156 = arith.cmpi ne, %convert_element_type3A_154, %cond3A_155 : i32
        scf.if %cond3A_156 {
          %add3A_162 = arith.constant 2 : i32
          %add3A_163 = arith.addi %add3A_142, %add3A_162 : i32
          %mul3A_164 = arith.constant 80 : i32
          %mul3A_165 = arith.muli %arg1, %mul3A_164 : i32
          %add3A_166 = arith.addi %mul3A_165, %add3A_163 : i32
          %dma_start3A_167 = arith.constant 0 : i32
          %dma_start3A_168 = tpu.memref_slice %arg6[%add3A_166, %dma_start3A_167] : memref<1280x128xi32, #tpu.memory_space<hbm>> -> memref<1x128xi32, #tpu.memory_space<hbm>>
          %dma_start3A_169 = tpu.memref_squeeze %dma_start3A_168 : memref<1x128xi32, #tpu.memory_space<hbm>> -> memref<128xi32, #tpu.memory_space<hbm>>
          %dma_start3A_170 = arith.constant 0 : i32
          %dma_start3A_171 = tpu.memref_slice %arg6[%add3A_166, %dma_start3A_170] : memref<1280x128xi32, #tpu.memory_space<hbm>> -> memref<1x128xi32, #tpu.memory_space<hbm>>
          %dma_start3A_172 = tpu.memref_squeeze %dma_start3A_171 : memref<1x128xi32, #tpu.memory_space<hbm>> -> memref<128xi32, #tpu.memory_space<hbm>>
          tpu.enqueue_dma source(%dma_start3A_172 : memref<128xi32, #tpu.memory_space<hbm>>) target(%arg11 : memref<128xi32, #tpu.memory_space<vmem>>) target_semaphore(%arg19 : memref<!tpu.dma_semaphore, #tpu.memory_space<semaphore_mem>>)
        } else {
        }
        %lt3A_157 = arith.constant 79 : i32
        %lt3A_158 = arith.cmpi slt, %add3A_142, %lt3A_157 : i32
        %convert_element_type3A_159 = arith.extui %lt3A_158 : i1 to i32
        %cond3A_160 = arith.constant 0 : i32
        %cond3A_161 = arith.cmpi ne, %convert_element_type3A_159, %cond3A_160 : i32
        scf.if %cond3A_161 {
          %add3A_162 = arith.constant 1 : i32
          %add3A_163 = arith.addi %add3A_142, %add3A_162 : i32
          %mul3A_164 = arith.constant 80 : i32
          %mul3A_165 = arith.muli %arg1, %mul3A_164 : i32
          %add3A_166 = arith.addi %mul3A_165, %add3A_163 : i32
          %dma_wait3A_167 = arith.constant 0 : i32
          %dma_wait3A_168 = tpu.memref_slice %arg6[%add3A_166, %dma_wait3A_167] : memref<1280x128xi32, #tpu.memory_space<hbm>> -> memref<1x128xi32, #tpu.memory_space<hbm>>
          %dma_wait3A_169 = tpu.memref_squeeze %dma_wait3A_168 : memref<1x128xi32, #tpu.memory_space<hbm>> -> memref<128xi32, #tpu.memory_space<hbm>>
          %dma_wait3A_170 = arith.constant 0 : i32
          %dma_wait3A_171 = tpu.memref_slice %arg6[%add3A_166, %dma_wait3A_170] : memref<1280x128xi32, #tpu.memory_space<hbm>> -> memref<1x128xi32, #tpu.memory_space<hbm>>
          %dma_wait3A_172 = tpu.memref_squeeze %dma_wait3A_171 : memref<1x128xi32, #tpu.memory_space<hbm>> -> memref<128xi32, #tpu.memory_space<hbm>>
          tpu.wait_dma2 semaphore(%arg18 : memref<!tpu.dma_semaphore, #tpu.memory_space<semaphore_mem>>) src(%dma_wait3A_172 : memref<128xi32, #tpu.memory_space<hbm>>) dst(%arg10 : memref<128xi32, #tpu.memory_space<vmem>>)
          %ge3A = arith.constant 1 : i32
          %ge3A_173 = arith.cmpi sge, %add3A_142, %ge3A : i32
          %convert_element_type3A_174 = arith.extui %ge3A_173 : i1 to i32
          %cond3A_175 = arith.constant 0 : i32
          %cond3A_176 = arith.cmpi ne, %convert_element_type3A_174, %cond3A_175 : i32
          scf.if %cond3A_176 {
            %add3A_182 = arith.constant 1 : i32
            %add3A_183 = arith.addi %add3A_142, %add3A_182 : i32
            %sub3A = arith.constant 2 : i32
            %sub3A_184 = arith.subi %add3A_183, %sub3A : i32
            %dma_wait3A_185 = arith.constant 0 : i32
            %dma_wait3A_186 = tpu.memref_slice %arg12[%sub3A_184, %dma_wait3A_185] : memref<80x128xi32, #tpu.memory_space<vmem>> -> memref<1x128xi32, #tpu.memory_space<vmem>>
            %dma_wait3A_187 = tpu.memref_squeeze %dma_wait3A_186 : memref<1x128xi32, #tpu.memory_space<vmem>> -> memref<128xi32, #tpu.memory_space<vmem>>
            %dma_wait3A_188 = arith.constant 0 : i32
            %dma_wait3A_189 = arith.constant 0 : i32
            %dma_wait3A_190 = tpu.memref_slice %arg15[%dma_wait3A_188, %dma_wait3A_189] : memref<10240x128xf32, #tpu.memory_space<vmem_shared>> -> memref<10240x128xf32, #tpu.memory_space<vmem_shared>>
            tpu.wait_indirect_dma semaphore(%arg20 : memref<!tpu.dma_semaphore, #tpu.memory_space<semaphore_mem>>) src(%arg13 : memref<128x128xf32, #tpu.memory_space<vmem>>) dst(%dma_wait3A_190 : memref<10240x128xf32, #tpu.memory_space<vmem_shared>>)
          } else {
          }
          %add3A_177 = arith.constant 1 : i32
          %add3A_178 = arith.addi %add3A_142, %add3A_177 : i32
          %dma_start3A_179 = arith.constant 0 : i32
          %dma_start3A_180 = arith.constant 0 : i32
          %dma_start3A_181 = tpu.memref_slice %arg3[%dma_start3A_179, %dma_start3A_180] : memref<10240x128xf32, #tpu.memory_space<hbm>> -> memref<10240x128xf32, #tpu.memory_space<hbm>>
          tpu.enqueue_indirect_dma source(%dma_start3A_181 : memref<10240x128xf32, #tpu.memory_space<hbm>>) target(%arg13 : memref<128x128xf32, #tpu.memory_space<vmem>>) offsets(%arg10 : memref<128xi32, #tpu.memory_space<vmem>>) semaphore(%arg16 : memref<!tpu.dma_semaphore, #tpu.memory_space<semaphore_mem>>)
        } else {
        }
      }
      %scan3A_95 = arith.constant 40 : i32
      %dma_wait3A_96 = arith.constant 78 : i32
      %dma_wait3A_97 = arith.constant 0 : i32
      %dma_wait3A_98 = tpu.memref_slice %arg12[%dma_wait3A_96, %dma_wait3A_97] : memref<80x128xi32, #tpu.memory_space<vmem>> -> memref<1x128xi32, #tpu.memory_space<vmem>>
      %dma_wait3A_99 = tpu.memref_squeeze %dma_wait3A_98 : memref<1x128xi32, #tpu.memory_space<vmem>> -> memref<128xi32, #tpu.memory_space<vmem>>
      %dma_wait3A_100 = arith.constant 0 : i32
      %dma_wait3A_101 = arith.constant 0 : i32
      %dma_wait3A_102 = tpu.memref_slice %arg15[%dma_wait3A_100, %dma_wait3A_101] : memref<10240x128xf32, #tpu.memory_space<vmem_shared>> -> memref<10240x128xf32, #tpu.memory_space<vmem_shared>>
      tpu.wait_indirect_dma semaphore(%arg20 : memref<!tpu.dma_semaphore, #tpu.memory_space<semaphore_mem>>) src(%arg13 : memref<128x128xf32, #tpu.memory_space<vmem>>) dst(%dma_wait3A_102 : memref<10240x128xf32, #tpu.memory_space<vmem_shared>>)
      %dma_wait3A_103 = arith.constant 79 : i32
      %dma_wait3A_104 = arith.constant 0 : i32
      %dma_wait3A_105 = tpu.memref_slice %arg12[%dma_wait3A_103, %dma_wait3A_104] : memref<80x128xi32, #tpu.memory_space<vmem>> -> memref<1x128xi32, #tpu.memory_space<vmem>>
      %dma_wait3A_106 = tpu.memref_squeeze %dma_wait3A_105 : memref<1x128xi32, #tpu.memory_space<vmem>> -> memref<128xi32, #tpu.memory_space<vmem>>
      %dma_wait3A_107 = arith.constant 0 : i32
      %dma_wait3A_108 = arith.constant 0 : i32
      %dma_wait3A_109 = tpu.memref_slice %arg15[%dma_wait3A_107, %dma_wait3A_108] : memref<10240x128xf32, #tpu.memory_space<vmem_shared>> -> memref<10240x128xf32, #tpu.memory_space<vmem_shared>>
      tpu.wait_indirect_dma semaphore(%arg21 : memref<!tpu.dma_semaphore, #tpu.memory_space<semaphore_mem>>) src(%arg14 : memref<128x128xf32, #tpu.memory_space<vmem>>) dst(%dma_wait3A_109 : memref<10240x128xf32, #tpu.memory_space<vmem_shared>>)
      %barrier3A_110 = arith.constant 0 : index
      tpu.barrier barrier_id(%barrier3A_110)
      %run_scoped3A_111 = arith.constant 1 : i32
      "tpu.region"() ({
        %run_scoped3A_112 = tpu.sem_alloc : memref<!tpu.dma_semaphore, #tpu.memory_space<semaphore_mem>>
        %dma_start3A_113 = arith.constant 0 : i32
        %dma_start3A_114 = tpu.memref_slice %arg9[%run_scoped3A_111, %mul3A_0, %dma_start3A_113] : memref<4x10240x128xf32, #tpu.memory_space<hbm>> -> memref<1x640x128xf32, #tpu.memory_space<hbm>>
        %dma_start3A_115 = tpu.memref_squeeze %dma_start3A_114 : memref<1x640x128xf32, #tpu.memory_space<hbm>> -> memref<640x128xf32, #tpu.memory_space<hbm>>
        %dma_start3A_116 = arith.constant 0 : i32
        %dma_start3A_117 = tpu.memref_slice %arg15[%mul3A_0, %dma_start3A_116] : memref<10240x128xf32, #tpu.memory_space<vmem_shared>> -> memref<640x128xf32, #tpu.memory_space<vmem_shared>>
        tpu.enqueue_dma source(%dma_start3A_117 : memref<640x128xf32, #tpu.memory_space<vmem_shared>>) target(%dma_start3A_115 : memref<640x128xf32, #tpu.memory_space<hbm>>) target_semaphore(%run_scoped3A_112 : memref<!tpu.dma_semaphore, #tpu.memory_space<semaphore_mem>>)
        %dma_wait3A_118 = arith.constant 0 : i32
        %dma_wait3A_119 = tpu.memref_slice %arg9[%run_scoped3A_111, %mul3A_0, %dma_wait3A_118] : memref<4x10240x128xf32, #tpu.memory_space<hbm>> -> memref<1x640x128xf32, #tpu.memory_space<hbm>>
        %dma_wait3A_120 = tpu.memref_squeeze %dma_wait3A_119 : memref<1x640x128xf32, #tpu.memory_space<hbm>> -> memref<640x128xf32, #tpu.memory_space<hbm>>
        %dma_wait3A_121 = arith.constant 0 : i32
        %dma_wait3A_122 = tpu.memref_slice %arg15[%mul3A_0, %dma_wait3A_121] : memref<10240x128xf32, #tpu.memory_space<vmem_shared>> -> memref<640x128xf32, #tpu.memory_space<vmem_shared>>
        tpu.wait_dma2 semaphore(%run_scoped3A_112 : memref<!tpu.dma_semaphore, #tpu.memory_space<semaphore_mem>>) src(%dma_wait3A_122 : memref<640x128xf32, #tpu.memory_space<vmem_shared>>) dst(%dma_wait3A_120 : memref<640x128xf32, #tpu.memory_space<hbm>>)
        tpu.yield
      }) : () -> ()
    } else {
    }
    %eq3A_3 = arith.constant 1 : i32
    %eq3A_4 = arith.cmpi eq, %arg0, %eq3A_3 : i32
    %convert_element_type3A_5 = arith.extui %eq3A_4 : i1 to i32
    %cond3A_6 = arith.constant 0 : i32
    %cond3A_7 = arith.cmpi ne, %convert_element_type3A_5, %cond3A_6 : i32
    scf.if %cond3A_7 {
      "tpu.region"() ({
        %run_scoped3A_112 = tpu.sem_alloc : memref<!tpu.dma_semaphore, #tpu.memory_space<semaphore_mem>>
        %dma_start3A_113 = arith.constant 0 : i32
        %dma_start3A_114 = tpu.memref_slice %arg15[%mul3A_0, %dma_start3A_113] : memref<10240x128xf32, #tpu.memory_space<vmem_shared>> -> memref<640x128xf32, #tpu.memory_space<vmem_shared>>
        tpu.enqueue_dma source(%arg8 : memref<640x128xf32, #tpu.memory_space<hbm>>) target(%dma_start3A_114 : memref<640x128xf32, #tpu.memory_space<vmem_shared>>) target_semaphore(%run_scoped3A_112 : memref<!tpu.dma_semaphore, #tpu.memory_space<semaphore_mem>>)
        %dma_wait3A_115 = arith.constant 0 : i32
        %dma_wait3A_116 = tpu.memref_slice %arg15[%mul3A_0, %dma_wait3A_115] : memref<10240x128xf32, #tpu.memory_space<vmem_shared>> -> memref<640x128xf32, #tpu.memory_space<vmem_shared>>
        tpu.wait_dma2 semaphore(%run_scoped3A_112 : memref<!tpu.dma_semaphore, #tpu.memory_space<semaphore_mem>>) src(%arg8 : memref<640x128xf32, #tpu.memory_space<hbm>>) dst(%dma_wait3A_116 : memref<640x128xf32, #tpu.memory_space<vmem_shared>>)
        tpu.yield
      }) : () -> ()
      %barrier3A = arith.constant 0 : index
      tpu.barrier barrier_id(%barrier3A)
      %mul3A_8 = arith.constant 80 : i32
      %mul3A_9 = arith.muli %arg1, %mul3A_8 : i32
      %add3A = arith.constant 0 : i32
      %add3A_10 = arith.addi %mul3A_9, %add3A : i32
      %dma_start3A = arith.constant 0 : i32
      %dma_start3A_11 = tpu.memref_slice %arg6[%add3A_10, %dma_start3A] : memref<1280x128xi32, #tpu.memory_space<hbm>> -> memref<1x128xi32, #tpu.memory_space<hbm>>
      %dma_start3A_12 = tpu.memref_squeeze %dma_start3A_11 : memref<1x128xi32, #tpu.memory_space<hbm>> -> memref<128xi32, #tpu.memory_space<hbm>>
      %dma_start3A_13 = arith.constant 0 : i32
      %dma_start3A_14 = tpu.memref_slice %arg6[%add3A_10, %dma_start3A_13] : memref<1280x128xi32, #tpu.memory_space<hbm>> -> memref<1x128xi32, #tpu.memory_space<hbm>>
      %dma_start3A_15 = tpu.memref_squeeze %dma_start3A_14 : memref<1x128xi32, #tpu.memory_space<hbm>> -> memref<128xi32, #tpu.memory_space<hbm>>
      tpu.enqueue_dma source(%dma_start3A_15 : memref<128xi32, #tpu.memory_space<hbm>>) target(%arg10 : memref<128xi32, #tpu.memory_space<vmem>>) target_semaphore(%arg18 : memref<!tpu.dma_semaphore, #tpu.memory_space<semaphore_mem>>)
      %mul3A_16 = arith.constant 80 : i32
      %mul3A_17 = arith.muli %arg1, %mul3A_16 : i32
      %add3A_18 = arith.constant 1 : i32
      %add3A_19 = arith.addi %mul3A_17, %add3A_18 : i32
      %dma_start3A_20 = arith.constant 0 : i32
      %dma_start3A_21 = tpu.memref_slice %arg6[%add3A_19, %dma_start3A_20] : memref<1280x128xi32, #tpu.memory_space<hbm>> -> memref<1x128xi32, #tpu.memory_space<hbm>>
      %dma_start3A_22 = tpu.memref_squeeze %dma_start3A_21 : memref<1x128xi32, #tpu.memory_space<hbm>> -> memref<128xi32, #tpu.memory_space<hbm>>
      %dma_start3A_23 = arith.constant 0 : i32
      %dma_start3A_24 = tpu.memref_slice %arg6[%add3A_19, %dma_start3A_23] : memref<1280x128xi32, #tpu.memory_space<hbm>> -> memref<1x128xi32, #tpu.memory_space<hbm>>
      %dma_start3A_25 = tpu.memref_squeeze %dma_start3A_24 : memref<1x128xi32, #tpu.memory_space<hbm>> -> memref<128xi32, #tpu.memory_space<hbm>>
      tpu.enqueue_dma source(%dma_start3A_25 : memref<128xi32, #tpu.memory_space<hbm>>) target(%arg11 : memref<128xi32, #tpu.memory_space<vmem>>) target_semaphore(%arg19 : memref<!tpu.dma_semaphore, #tpu.memory_space<semaphore_mem>>)
      %mul3A_26 = arith.constant 80 : i32
      %mul3A_27 = arith.muli %arg1, %mul3A_26 : i32
      %add3A_28 = arith.constant 0 : i32
      %add3A_29 = arith.addi %mul3A_27, %add3A_28 : i32
      %dma_wait3A = arith.constant 0 : i32
      %dma_wait3A_30 = tpu.memref_slice %arg6[%add3A_29, %dma_wait3A] : memref<1280x128xi32, #tpu.memory_space<hbm>> -> memref<1x128xi32, #tpu.memory_space<hbm>>
      %dma_wait3A_31 = tpu.memref_squeeze %dma_wait3A_30 : memref<1x128xi32, #tpu.memory_space<hbm>> -> memref<128xi32, #tpu.memory_space<hbm>>
      %dma_wait3A_32 = arith.constant 0 : i32
      %dma_wait3A_33 = tpu.memref_slice %arg6[%add3A_29, %dma_wait3A_32] : memref<1280x128xi32, #tpu.memory_space<hbm>> -> memref<1x128xi32, #tpu.memory_space<hbm>>
      %dma_wait3A_34 = tpu.memref_squeeze %dma_wait3A_33 : memref<1x128xi32, #tpu.memory_space<hbm>> -> memref<128xi32, #tpu.memory_space<hbm>>
      tpu.wait_dma2 semaphore(%arg18 : memref<!tpu.dma_semaphore, #tpu.memory_space<semaphore_mem>>) src(%dma_wait3A_34 : memref<128xi32, #tpu.memory_space<hbm>>) dst(%arg10 : memref<128xi32, #tpu.memory_space<vmem>>)
      %dma_start3A_35 = arith.constant 0 : i32
      %dma_start3A_36 = arith.constant 0 : i32
      %dma_start3A_37 = tpu.memref_slice %arg4[%dma_start3A_35, %dma_start3A_36] : memref<10240x128xf32, #tpu.memory_space<hbm>> -> memref<10240x128xf32, #tpu.memory_space<hbm>>
      tpu.enqueue_indirect_dma source(%dma_start3A_37 : memref<10240x128xf32, #tpu.memory_space<hbm>>) target(%arg13 : memref<128x128xf32, #tpu.memory_space<vmem>>) offsets(%arg10 : memref<128xi32, #tpu.memory_space<vmem>>) semaphore(%arg16 : memref<!tpu.dma_semaphore, #tpu.memory_space<semaphore_mem>>)
      %scan3A = arith.constant 0 : i32
      %scan3A_38 = arith.constant 40 : i32
      %scan3A_39 = arith.addi %scan3A, %scan3A_38 : i32
      %scan3A_40 = arith.constant 1 : i32
      scf.for %scan3A_112 = %scan3A to %scan3A_39 step %scan3A_40  : i32 {
        %mul3A_113 = arith.constant 1 : i32
        %mul3A_114 = arith.muli %scan3A_112, %mul3A_113 : i32
        %add3A_115 = arith.constant 0 : i32
        %add3A_116 = arith.addi %add3A_115, %mul3A_114 : i32
        %mul3A_117 = arith.constant 2 : i32
        %mul3A_118 = arith.muli %mul3A_117, %add3A_116 : i32
        %add3A_119 = arith.constant 0 : i32
        %add3A_120 = arith.addi %mul3A_118, %add3A_119 : i32
        %dma_wait3A_121 = arith.constant 0 : i32
        %dma_wait3A_122 = arith.constant 0 : i32
        %dma_wait3A_123 = tpu.memref_slice %arg4[%dma_wait3A_121, %dma_wait3A_122] : memref<10240x128xf32, #tpu.memory_space<hbm>> -> memref<10240x128xf32, #tpu.memory_space<hbm>>
        tpu.wait_indirect_dma semaphore(%arg16 : memref<!tpu.dma_semaphore, #tpu.memory_space<semaphore_mem>>) src(%dma_wait3A_123 : memref<10240x128xf32, #tpu.memory_space<hbm>>) dst(%arg13 : memref<128x128xf32, #tpu.memory_space<vmem>>)
        %dma_start3A_124 = arith.constant 0 : i32
        %dma_start3A_125 = tpu.memref_slice %arg12[%add3A_120, %dma_start3A_124] : memref<80x128xi32, #tpu.memory_space<vmem>> -> memref<1x128xi32, #tpu.memory_space<vmem>>
        %dma_start3A_126 = tpu.memref_squeeze %dma_start3A_125 : memref<1x128xi32, #tpu.memory_space<vmem>> -> memref<128xi32, #tpu.memory_space<vmem>>
        %dma_start3A_127 = arith.constant 0 : i32
        %dma_start3A_128 = arith.constant 0 : i32
        %dma_start3A_129 = tpu.memref_slice %arg15[%dma_start3A_127, %dma_start3A_128] : memref<10240x128xf32, #tpu.memory_space<vmem_shared>> -> memref<10240x128xf32, #tpu.memory_space<vmem_shared>>
        tpu.enqueue_indirect_dma source(%arg13 : memref<128x128xf32, #tpu.memory_space<vmem>>) target(%dma_start3A_129 : memref<10240x128xf32, #tpu.memory_space<vmem_shared>>) offsets(%dma_start3A_126 : memref<128xi32, #tpu.memory_space<vmem>>) semaphore(%arg20 : memref<!tpu.dma_semaphore, #tpu.memory_space<semaphore_mem>>) {add = true}
        %lt3A = arith.constant 78 : i32
        %lt3A_130 = arith.cmpi slt, %add3A_120, %lt3A : i32
        %convert_element_type3A_131 = arith.extui %lt3A_130 : i1 to i32
        %cond3A_132 = arith.constant 0 : i32
        %cond3A_133 = arith.cmpi ne, %convert_element_type3A_131, %cond3A_132 : i32
        scf.if %cond3A_133 {
          %add3A_162 = arith.constant 2 : i32
          %add3A_163 = arith.addi %add3A_120, %add3A_162 : i32
          %mul3A_164 = arith.constant 80 : i32
          %mul3A_165 = arith.muli %arg1, %mul3A_164 : i32
          %add3A_166 = arith.addi %mul3A_165, %add3A_163 : i32
          %dma_start3A_167 = arith.constant 0 : i32
          %dma_start3A_168 = tpu.memref_slice %arg6[%add3A_166, %dma_start3A_167] : memref<1280x128xi32, #tpu.memory_space<hbm>> -> memref<1x128xi32, #tpu.memory_space<hbm>>
          %dma_start3A_169 = tpu.memref_squeeze %dma_start3A_168 : memref<1x128xi32, #tpu.memory_space<hbm>> -> memref<128xi32, #tpu.memory_space<hbm>>
          %dma_start3A_170 = arith.constant 0 : i32
          %dma_start3A_171 = tpu.memref_slice %arg6[%add3A_166, %dma_start3A_170] : memref<1280x128xi32, #tpu.memory_space<hbm>> -> memref<1x128xi32, #tpu.memory_space<hbm>>
          %dma_start3A_172 = tpu.memref_squeeze %dma_start3A_171 : memref<1x128xi32, #tpu.memory_space<hbm>> -> memref<128xi32, #tpu.memory_space<hbm>>
          tpu.enqueue_dma source(%dma_start3A_172 : memref<128xi32, #tpu.memory_space<hbm>>) target(%arg10 : memref<128xi32, #tpu.memory_space<vmem>>) target_semaphore(%arg18 : memref<!tpu.dma_semaphore, #tpu.memory_space<semaphore_mem>>)
        } else {
        }
        %lt3A_134 = arith.constant 79 : i32
        %lt3A_135 = arith.cmpi slt, %add3A_120, %lt3A_134 : i32
        %convert_element_type3A_136 = arith.extui %lt3A_135 : i1 to i32
        %cond3A_137 = arith.constant 0 : i32
        %cond3A_138 = arith.cmpi ne, %convert_element_type3A_136, %cond3A_137 : i32
        scf.if %cond3A_138 {
          %add3A_162 = arith.constant 1 : i32
          %add3A_163 = arith.addi %add3A_120, %add3A_162 : i32
          %mul3A_164 = arith.constant 80 : i32
          %mul3A_165 = arith.muli %arg1, %mul3A_164 : i32
          %add3A_166 = arith.addi %mul3A_165, %add3A_163 : i32
          %dma_wait3A_167 = arith.constant 0 : i32
          %dma_wait3A_168 = tpu.memref_slice %arg6[%add3A_166, %dma_wait3A_167] : memref<1280x128xi32, #tpu.memory_space<hbm>> -> memref<1x128xi32, #tpu.memory_space<hbm>>
          %dma_wait3A_169 = tpu.memref_squeeze %dma_wait3A_168 : memref<1x128xi32, #tpu.memory_space<hbm>> -> memref<128xi32, #tpu.memory_space<hbm>>
          %dma_wait3A_170 = arith.constant 0 : i32
          %dma_wait3A_171 = tpu.memref_slice %arg6[%add3A_166, %dma_wait3A_170] : memref<1280x128xi32, #tpu.memory_space<hbm>> -> memref<1x128xi32, #tpu.memory_space<hbm>>
          %dma_wait3A_172 = tpu.memref_squeeze %dma_wait3A_171 : memref<1x128xi32, #tpu.memory_space<hbm>> -> memref<128xi32, #tpu.memory_space<hbm>>
          tpu.wait_dma2 semaphore(%arg19 : memref<!tpu.dma_semaphore, #tpu.memory_space<semaphore_mem>>) src(%dma_wait3A_172 : memref<128xi32, #tpu.memory_space<hbm>>) dst(%arg11 : memref<128xi32, #tpu.memory_space<vmem>>)
          %ge3A = arith.constant 1 : i32
          %ge3A_173 = arith.cmpi sge, %add3A_120, %ge3A : i32
          %convert_element_type3A_174 = arith.extui %ge3A_173 : i1 to i32
          %cond3A_175 = arith.constant 0 : i32
          %cond3A_176 = arith.cmpi ne, %convert_element_type3A_174, %cond3A_175 : i32
          scf.if %cond3A_176 {
            %add3A_182 = arith.constant 1 : i32
            %add3A_183 = arith.addi %add3A_120, %add3A_182 : i32
            %sub3A = arith.constant 2 : i32
            %sub3A_184 = arith.subi %add3A_183, %sub3A : i32
            %dma_wait3A_185 = arith.constant 0 : i32
            %dma_wait3A_186 = tpu.memref_slice %arg12[%sub3A_184, %dma_wait3A_185] : memref<80x128xi32, #tpu.memory_space<vmem>> -> memref<1x128xi32, #tpu.memory_space<vmem>>
            %dma_wait3A_187 = tpu.memref_squeeze %dma_wait3A_186 : memref<1x128xi32, #tpu.memory_space<vmem>> -> memref<128xi32, #tpu.memory_space<vmem>>
            %dma_wait3A_188 = arith.constant 0 : i32
            %dma_wait3A_189 = arith.constant 0 : i32
            %dma_wait3A_190 = tpu.memref_slice %arg15[%dma_wait3A_188, %dma_wait3A_189] : memref<10240x128xf32, #tpu.memory_space<vmem_shared>> -> memref<10240x128xf32, #tpu.memory_space<vmem_shared>>
            tpu.wait_indirect_dma semaphore(%arg21 : memref<!tpu.dma_semaphore, #tpu.memory_space<semaphore_mem>>) src(%arg14 : memref<128x128xf32, #tpu.memory_space<vmem>>) dst(%dma_wait3A_190 : memref<10240x128xf32, #tpu.memory_space<vmem_shared>>)
          } else {
          }
          %add3A_177 = arith.constant 1 : i32
          %add3A_178 = arith.addi %add3A_120, %add3A_177 : i32
          %dma_start3A_179 = arith.constant 0 : i32
          %dma_start3A_180 = arith.constant 0 : i32
          %dma_start3A_181 = tpu.memref_slice %arg4[%dma_start3A_179, %dma_start3A_180] : memref<10240x128xf32, #tpu.memory_space<hbm>> -> memref<10240x128xf32, #tpu.memory_space<hbm>>
          tpu.enqueue_indirect_dma source(%dma_start3A_181 : memref<10240x128xf32, #tpu.memory_space<hbm>>) target(%arg14 : memref<128x128xf32, #tpu.memory_space<vmem>>) offsets(%arg11 : memref<128xi32, #tpu.memory_space<vmem>>) semaphore(%arg17 : memref<!tpu.dma_semaphore, #tpu.memory_space<semaphore_mem>>)
        } else {
        }
        %mul3A_139 = arith.constant 2 : i32
        %mul3A_140 = arith.muli %mul3A_139, %add3A_116 : i32
        %add3A_141 = arith.constant 1 : i32
        %add3A_142 = arith.addi %mul3A_140, %add3A_141 : i32
        %dma_wait3A_143 = arith.constant 0 : i32
        %dma_wait3A_144 = arith.constant 0 : i32
        %dma_wait3A_145 = tpu.memref_slice %arg4[%dma_wait3A_143, %dma_wait3A_144] : memref<10240x128xf32, #tpu.memory_space<hbm>> -> memref<10240x128xf32, #tpu.memory_space<hbm>>
        tpu.wait_indirect_dma semaphore(%arg17 : memref<!tpu.dma_semaphore, #tpu.memory_space<semaphore_mem>>) src(%dma_wait3A_145 : memref<10240x128xf32, #tpu.memory_space<hbm>>) dst(%arg14 : memref<128x128xf32, #tpu.memory_space<vmem>>)
        %dma_start3A_146 = arith.constant 0 : i32
        %dma_start3A_147 = tpu.memref_slice %arg12[%add3A_142, %dma_start3A_146] : memref<80x128xi32, #tpu.memory_space<vmem>> -> memref<1x128xi32, #tpu.memory_space<vmem>>
        %dma_start3A_148 = tpu.memref_squeeze %dma_start3A_147 : memref<1x128xi32, #tpu.memory_space<vmem>> -> memref<128xi32, #tpu.memory_space<vmem>>
        %dma_start3A_149 = arith.constant 0 : i32
        %dma_start3A_150 = arith.constant 0 : i32
        %dma_start3A_151 = tpu.memref_slice %arg15[%dma_start3A_149, %dma_start3A_150] : memref<10240x128xf32, #tpu.memory_space<vmem_shared>> -> memref<10240x128xf32, #tpu.memory_space<vmem_shared>>
        tpu.enqueue_indirect_dma source(%arg14 : memref<128x128xf32, #tpu.memory_space<vmem>>) target(%dma_start3A_151 : memref<10240x128xf32, #tpu.memory_space<vmem_shared>>) offsets(%dma_start3A_148 : memref<128xi32, #tpu.memory_space<vmem>>) semaphore(%arg21 : memref<!tpu.dma_semaphore, #tpu.memory_space<semaphore_mem>>) {add = true}
        %lt3A_152 = arith.constant 78 : i32
        %lt3A_153 = arith.cmpi slt, %add3A_142, %lt3A_152 : i32
        %convert_element_type3A_154 = arith.extui %lt3A_153 : i1 to i32
        %cond3A_155 = arith.constant 0 : i32
        %cond3A_156 = arith.cmpi ne, %convert_element_type3A_154, %cond3A_155 : i32
        scf.if %cond3A_156 {
          %add3A_162 = arith.constant 2 : i32
          %add3A_163 = arith.addi %add3A_142, %add3A_162 : i32
          %mul3A_164 = arith.constant 80 : i32
          %mul3A_165 = arith.muli %arg1, %mul3A_164 : i32
          %add3A_166 = arith.addi %mul3A_165, %add3A_163 : i32
          %dma_start3A_167 = arith.constant 0 : i32
          %dma_start3A_168 = tpu.memref_slice %arg6[%add3A_166, %dma_start3A_167] : memref<1280x128xi32, #tpu.memory_space<hbm>> -> memref<1x128xi32, #tpu.memory_space<hbm>>
          %dma_start3A_169 = tpu.memref_squeeze %dma_start3A_168 : memref<1x128xi32, #tpu.memory_space<hbm>> -> memref<128xi32, #tpu.memory_space<hbm>>
          %dma_start3A_170 = arith.constant 0 : i32
          %dma_start3A_171 = tpu.memref_slice %arg6[%add3A_166, %dma_start3A_170] : memref<1280x128xi32, #tpu.memory_space<hbm>> -> memref<1x128xi32, #tpu.memory_space<hbm>>
          %dma_start3A_172 = tpu.memref_squeeze %dma_start3A_171 : memref<1x128xi32, #tpu.memory_space<hbm>> -> memref<128xi32, #tpu.memory_space<hbm>>
          tpu.enqueue_dma source(%dma_start3A_172 : memref<128xi32, #tpu.memory_space<hbm>>) target(%arg11 : memref<128xi32, #tpu.memory_space<vmem>>) target_semaphore(%arg19 : memref<!tpu.dma_semaphore, #tpu.memory_space<semaphore_mem>>)
        } else {
        }
        %lt3A_157 = arith.constant 79 : i32
        %lt3A_158 = arith.cmpi slt, %add3A_142, %lt3A_157 : i32
        %convert_element_type3A_159 = arith.extui %lt3A_158 : i1 to i32
        %cond3A_160 = arith.constant 0 : i32
        %cond3A_161 = arith.cmpi ne, %convert_element_type3A_159, %cond3A_160 : i32
        scf.if %cond3A_161 {
          %add3A_162 = arith.constant 1 : i32
          %add3A_163 = arith.addi %add3A_142, %add3A_162 : i32
          %mul3A_164 = arith.constant 80 : i32
          %mul3A_165 = arith.muli %arg1, %mul3A_164 : i32
          %add3A_166 = arith.addi %mul3A_165, %add3A_163 : i32
          %dma_wait3A_167 = arith.constant 0 : i32
          %dma_wait3A_168 = tpu.memref_slice %arg6[%add3A_166, %dma_wait3A_167] : memref<1280x128xi32, #tpu.memory_space<hbm>> -> memref<1x128xi32, #tpu.memory_space<hbm>>
          %dma_wait3A_169 = tpu.memref_squeeze %dma_wait3A_168 : memref<1x128xi32, #tpu.memory_space<hbm>> -> memref<128xi32, #tpu.memory_space<hbm>>
          %dma_wait3A_170 = arith.constant 0 : i32
          %dma_wait3A_171 = tpu.memref_slice %arg6[%add3A_166, %dma_wait3A_170] : memref<1280x128xi32, #tpu.memory_space<hbm>> -> memref<1x128xi32, #tpu.memory_space<hbm>>
          %dma_wait3A_172 = tpu.memref_squeeze %dma_wait3A_171 : memref<1x128xi32, #tpu.memory_space<hbm>> -> memref<128xi32, #tpu.memory_space<hbm>>
          tpu.wait_dma2 semaphore(%arg18 : memref<!tpu.dma_semaphore, #tpu.memory_space<semaphore_mem>>) src(%dma_wait3A_172 : memref<128xi32, #tpu.memory_space<hbm>>) dst(%arg10 : memref<128xi32, #tpu.memory_space<vmem>>)
          %ge3A = arith.constant 1 : i32
          %ge3A_173 = arith.cmpi sge, %add3A_142, %ge3A : i32
          %convert_element_type3A_174 = arith.extui %ge3A_173 : i1 to i32
          %cond3A_175 = arith.constant 0 : i32
          %cond3A_176 = arith.cmpi ne, %convert_element_type3A_174, %cond3A_175 : i32
          scf.if %cond3A_176 {
            %add3A_182 = arith.constant 1 : i32
            %add3A_183 = arith.addi %add3A_142, %add3A_182 : i32
            %sub3A = arith.constant 2 : i32
            %sub3A_184 = arith.subi %add3A_183, %sub3A : i32
            %dma_wait3A_185 = arith.constant 0 : i32
            %dma_wait3A_186 = tpu.memref_slice %arg12[%sub3A_184, %dma_wait3A_185] : memref<80x128xi32, #tpu.memory_space<vmem>> -> memref<1x128xi32, #tpu.memory_space<vmem>>
            %dma_wait3A_187 = tpu.memref_squeeze %dma_wait3A_186 : memref<1x128xi32, #tpu.memory_space<vmem>> -> memref<128xi32, #tpu.memory_space<vmem>>
            %dma_wait3A_188 = arith.constant 0 : i32
            %dma_wait3A_189 = arith.constant 0 : i32
            %dma_wait3A_190 = tpu.memref_slice %arg15[%dma_wait3A_188, %dma_wait3A_189] : memref<10240x128xf32, #tpu.memory_space<vmem_shared>> -> memref<10240x128xf32, #tpu.memory_space<vmem_shared>>
            tpu.wait_indirect_dma semaphore(%arg20 : memref<!tpu.dma_semaphore, #tpu.memory_space<semaphore_mem>>) src(%arg13 : memref<128x128xf32, #tpu.memory_space<vmem>>) dst(%dma_wait3A_190 : memref<10240x128xf32, #tpu.memory_space<vmem_shared>>)
          } else {
          }
          %add3A_177 = arith.constant 1 : i32
          %add3A_178 = arith.addi %add3A_142, %add3A_177 : i32
          %dma_start3A_179 = arith.constant 0 : i32
          %dma_start3A_180 = arith.constant 0 : i32
          %dma_start3A_181 = tpu.memref_slice %arg4[%dma_start3A_179, %dma_start3A_180] : memref<10240x128xf32, #tpu.memory_space<hbm>> -> memref<10240x128xf32, #tpu.memory_space<hbm>>
          tpu.enqueue_indirect_dma source(%dma_start3A_181 : memref<10240x128xf32, #tpu.memory_space<hbm>>) target(%arg13 : memref<128x128xf32, #tpu.memory_space<vmem>>) offsets(%arg10 : memref<128xi32, #tpu.memory_space<vmem>>) semaphore(%arg16 : memref<!tpu.dma_semaphore, #tpu.memory_space<semaphore_mem>>)
        } else {
        }
      }
      %scan3A_41 = arith.constant 40 : i32
      %dma_wait3A_42 = arith.constant 78 : i32
      %dma_wait3A_43 = arith.constant 0 : i32
      %dma_wait3A_44 = tpu.memref_slice %arg12[%dma_wait3A_42, %dma_wait3A_43] : memref<80x128xi32, #tpu.memory_space<vmem>> -> memref<1x128xi32, #tpu.memory_space<vmem>>
      %dma_wait3A_45 = tpu.memref_squeeze %dma_wait3A_44 : memref<1x128xi32, #tpu.memory_space<vmem>> -> memref<128xi32, #tpu.memory_space<vmem>>
      %dma_wait3A_46 = arith.constant 0 : i32
      %dma_wait3A_47 = arith.constant 0 : i32
      %dma_wait3A_48 = tpu.memref_slice %arg15[%dma_wait3A_46, %dma_wait3A_47] : memref<10240x128xf32, #tpu.memory_space<vmem_shared>> -> memref<10240x128xf32, #tpu.memory_space<vmem_shared>>
      tpu.wait_indirect_dma semaphore(%arg20 : memref<!tpu.dma_semaphore, #tpu.memory_space<semaphore_mem>>) src(%arg13 : memref<128x128xf32, #tpu.memory_space<vmem>>) dst(%dma_wait3A_48 : memref<10240x128xf32, #tpu.memory_space<vmem_shared>>)
      %dma_wait3A_49 = arith.constant 79 : i32
      %dma_wait3A_50 = arith.constant 0 : i32
      %dma_wait3A_51 = tpu.memref_slice %arg12[%dma_wait3A_49, %dma_wait3A_50] : memref<80x128xi32, #tpu.memory_space<vmem>> -> memref<1x128xi32, #tpu.memory_space<vmem>>
      %dma_wait3A_52 = tpu.memref_squeeze %dma_wait3A_51 : memref<1x128xi32, #tpu.memory_space<vmem>> -> memref<128xi32, #tpu.memory_space<vmem>>
      %dma_wait3A_53 = arith.constant 0 : i32
      %dma_wait3A_54 = arith.constant 0 : i32
      %dma_wait3A_55 = tpu.memref_slice %arg15[%dma_wait3A_53, %dma_wait3A_54] : memref<10240x128xf32, #tpu.memory_space<vmem_shared>> -> memref<10240x128xf32, #tpu.memory_space<vmem_shared>>
      tpu.wait_indirect_dma semaphore(%arg21 : memref<!tpu.dma_semaphore, #tpu.memory_space<semaphore_mem>>) src(%arg14 : memref<128x128xf32, #tpu.memory_space<vmem>>) dst(%dma_wait3A_55 : memref<10240x128xf32, #tpu.memory_space<vmem_shared>>)
      %barrier3A_56 = arith.constant 0 : index
      tpu.barrier barrier_id(%barrier3A_56)
      %run_scoped3A = arith.constant 2 : i32
      "tpu.region"() ({
        %run_scoped3A_112 = tpu.sem_alloc : memref<!tpu.dma_semaphore, #tpu.memory_space<semaphore_mem>>
        %dma_start3A_113 = arith.constant 0 : i32
        %dma_start3A_114 = tpu.memref_slice %arg9[%run_scoped3A, %mul3A_0, %dma_start3A_113] : memref<4x10240x128xf32, #tpu.memory_space<hbm>> -> memref<1x640x128xf32, #tpu.memory_space<hbm>>
        %dma_start3A_115 = tpu.memref_squeeze %dma_start3A_114 : memref<1x640x128xf32, #tpu.memory_space<hbm>> -> memref<640x128xf32, #tpu.memory_space<hbm>>
        %dma_start3A_116 = arith.constant 0 : i32
        %dma_start3A_117 = tpu.memref_slice %arg15[%mul3A_0, %dma_start3A_116] : memref<10240x128xf32, #tpu.memory_space<vmem_shared>> -> memref<640x128xf32, #tpu.memory_space<vmem_shared>>
        tpu.enqueue_dma source(%dma_start3A_117 : memref<640x128xf32, #tpu.memory_space<vmem_shared>>) target(%dma_start3A_115 : memref<640x128xf32, #tpu.memory_space<hbm>>) target_semaphore(%run_scoped3A_112 : memref<!tpu.dma_semaphore, #tpu.memory_space<semaphore_mem>>)
        %dma_wait3A_118 = arith.constant 0 : i32
        %dma_wait3A_119 = tpu.memref_slice %arg9[%run_scoped3A, %mul3A_0, %dma_wait3A_118] : memref<4x10240x128xf32, #tpu.memory_space<hbm>> -> memref<1x640x128xf32, #tpu.memory_space<hbm>>
        %dma_wait3A_120 = tpu.memref_squeeze %dma_wait3A_119 : memref<1x640x128xf32, #tpu.memory_space<hbm>> -> memref<640x128xf32, #tpu.memory_space<hbm>>
        %dma_wait3A_121 = arith.constant 0 : i32
        %dma_wait3A_122 = tpu.memref_slice %arg15[%mul3A_0, %dma_wait3A_121] : memref<10240x128xf32, #tpu.memory_space<vmem_shared>> -> memref<640x128xf32, #tpu.memory_space<vmem_shared>>
        tpu.wait_dma2 semaphore(%run_scoped3A_112 : memref<!tpu.dma_semaphore, #tpu.memory_space<semaphore_mem>>) src(%dma_wait3A_122 : memref<640x128xf32, #tpu.memory_space<vmem_shared>>) dst(%dma_wait3A_120 : memref<640x128xf32, #tpu.memory_space<hbm>>)
        tpu.yield
      }) : () -> ()
      "tpu.region"() ({
        %run_scoped3A_112 = tpu.sem_alloc : memref<!tpu.dma_semaphore, #tpu.memory_space<semaphore_mem>>
        %dma_start3A_113 = arith.constant 0 : i32
        %dma_start3A_114 = tpu.memref_slice %arg15[%mul3A_0, %dma_start3A_113] : memref<10240x128xf32, #tpu.memory_space<vmem_shared>> -> memref<640x128xf32, #tpu.memory_space<vmem_shared>>
        tpu.enqueue_dma source(%arg8 : memref<640x128xf32, #tpu.memory_space<hbm>>) target(%dma_start3A_114 : memref<640x128xf32, #tpu.memory_space<vmem_shared>>) target_semaphore(%run_scoped3A_112 : memref<!tpu.dma_semaphore, #tpu.memory_space<semaphore_mem>>)
        %dma_wait3A_115 = arith.constant 0 : i32
        %dma_wait3A_116 = tpu.memref_slice %arg15[%mul3A_0, %dma_wait3A_115] : memref<10240x128xf32, #tpu.memory_space<vmem_shared>> -> memref<640x128xf32, #tpu.memory_space<vmem_shared>>
        tpu.wait_dma2 semaphore(%run_scoped3A_112 : memref<!tpu.dma_semaphore, #tpu.memory_space<semaphore_mem>>) src(%arg8 : memref<640x128xf32, #tpu.memory_space<hbm>>) dst(%dma_wait3A_116 : memref<640x128xf32, #tpu.memory_space<vmem_shared>>)
        tpu.yield
      }) : () -> ()
      %barrier3A_57 = arith.constant 0 : index
      tpu.barrier barrier_id(%barrier3A_57)
      %mul3A_58 = arith.constant 80 : i32
      %mul3A_59 = arith.muli %arg1, %mul3A_58 : i32
      %add3A_60 = arith.constant 0 : i32
      %add3A_61 = arith.addi %mul3A_59, %add3A_60 : i32
      %dma_start3A_62 = arith.constant 0 : i32
      %dma_start3A_63 = tpu.memref_slice %arg6[%add3A_61, %dma_start3A_62] : memref<1280x128xi32, #tpu.memory_space<hbm>> -> memref<1x128xi32, #tpu.memory_space<hbm>>
      %dma_start3A_64 = tpu.memref_squeeze %dma_start3A_63 : memref<1x128xi32, #tpu.memory_space<hbm>> -> memref<128xi32, #tpu.memory_space<hbm>>
      %dma_start3A_65 = arith.constant 0 : i32
      %dma_start3A_66 = tpu.memref_slice %arg6[%add3A_61, %dma_start3A_65] : memref<1280x128xi32, #tpu.memory_space<hbm>> -> memref<1x128xi32, #tpu.memory_space<hbm>>
      %dma_start3A_67 = tpu.memref_squeeze %dma_start3A_66 : memref<1x128xi32, #tpu.memory_space<hbm>> -> memref<128xi32, #tpu.memory_space<hbm>>
      tpu.enqueue_dma source(%dma_start3A_67 : memref<128xi32, #tpu.memory_space<hbm>>) target(%arg10 : memref<128xi32, #tpu.memory_space<vmem>>) target_semaphore(%arg18 : memref<!tpu.dma_semaphore, #tpu.memory_space<semaphore_mem>>)
      %mul3A_68 = arith.constant 80 : i32
      %mul3A_69 = arith.muli %arg1, %mul3A_68 : i32
      %add3A_70 = arith.constant 1 : i32
      %add3A_71 = arith.addi %mul3A_69, %add3A_70 : i32
      %dma_start3A_72 = arith.constant 0 : i32
      %dma_start3A_73 = tpu.memref_slice %arg6[%add3A_71, %dma_start3A_72] : memref<1280x128xi32, #tpu.memory_space<hbm>> -> memref<1x128xi32, #tpu.memory_space<hbm>>
      %dma_start3A_74 = tpu.memref_squeeze %dma_start3A_73 : memref<1x128xi32, #tpu.memory_space<hbm>> -> memref<128xi32, #tpu.memory_space<hbm>>
      %dma_start3A_75 = arith.constant 0 : i32
      %dma_start3A_76 = tpu.memref_slice %arg6[%add3A_71, %dma_start3A_75] : memref<1280x128xi32, #tpu.memory_space<hbm>> -> memref<1x128xi32, #tpu.memory_space<hbm>>
      %dma_start3A_77 = tpu.memref_squeeze %dma_start3A_76 : memref<1x128xi32, #tpu.memory_space<hbm>> -> memref<128xi32, #tpu.memory_space<hbm>>
      tpu.enqueue_dma source(%dma_start3A_77 : memref<128xi32, #tpu.memory_space<hbm>>) target(%arg11 : memref<128xi32, #tpu.memory_space<vmem>>) target_semaphore(%arg19 : memref<!tpu.dma_semaphore, #tpu.memory_space<semaphore_mem>>)
      %mul3A_78 = arith.constant 80 : i32
      %mul3A_79 = arith.muli %arg1, %mul3A_78 : i32
      %add3A_80 = arith.constant 0 : i32
      %add3A_81 = arith.addi %mul3A_79, %add3A_80 : i32
      %dma_wait3A_82 = arith.constant 0 : i32
      %dma_wait3A_83 = tpu.memref_slice %arg6[%add3A_81, %dma_wait3A_82] : memref<1280x128xi32, #tpu.memory_space<hbm>> -> memref<1x128xi32, #tpu.memory_space<hbm>>
      %dma_wait3A_84 = tpu.memref_squeeze %dma_wait3A_83 : memref<1x128xi32, #tpu.memory_space<hbm>> -> memref<128xi32, #tpu.memory_space<hbm>>
      %dma_wait3A_85 = arith.constant 0 : i32
      %dma_wait3A_86 = tpu.memref_slice %arg6[%add3A_81, %dma_wait3A_85] : memref<1280x128xi32, #tpu.memory_space<hbm>> -> memref<1x128xi32, #tpu.memory_space<hbm>>
      %dma_wait3A_87 = tpu.memref_squeeze %dma_wait3A_86 : memref<1x128xi32, #tpu.memory_space<hbm>> -> memref<128xi32, #tpu.memory_space<hbm>>
      tpu.wait_dma2 semaphore(%arg18 : memref<!tpu.dma_semaphore, #tpu.memory_space<semaphore_mem>>) src(%dma_wait3A_87 : memref<128xi32, #tpu.memory_space<hbm>>) dst(%arg10 : memref<128xi32, #tpu.memory_space<vmem>>)
      %dma_start3A_88 = arith.constant 0 : i32
      %dma_start3A_89 = arith.constant 0 : i32
      %dma_start3A_90 = tpu.memref_slice %arg5[%dma_start3A_88, %dma_start3A_89] : memref<10240x128xf32, #tpu.memory_space<hbm>> -> memref<10240x128xf32, #tpu.memory_space<hbm>>
      tpu.enqueue_indirect_dma source(%dma_start3A_90 : memref<10240x128xf32, #tpu.memory_space<hbm>>) target(%arg13 : memref<128x128xf32, #tpu.memory_space<vmem>>) offsets(%arg10 : memref<128xi32, #tpu.memory_space<vmem>>) semaphore(%arg16 : memref<!tpu.dma_semaphore, #tpu.memory_space<semaphore_mem>>)
      %scan3A_91 = arith.constant 0 : i32
      %scan3A_92 = arith.constant 40 : i32
      %scan3A_93 = arith.addi %scan3A_91, %scan3A_92 : i32
      %scan3A_94 = arith.constant 1 : i32
      scf.for %scan3A_112 = %scan3A_91 to %scan3A_93 step %scan3A_94  : i32 {
        %mul3A_113 = arith.constant 1 : i32
        %mul3A_114 = arith.muli %scan3A_112, %mul3A_113 : i32
        %add3A_115 = arith.constant 0 : i32
        %add3A_116 = arith.addi %add3A_115, %mul3A_114 : i32
        %mul3A_117 = arith.constant 2 : i32
        %mul3A_118 = arith.muli %mul3A_117, %add3A_116 : i32
        %add3A_119 = arith.constant 0 : i32
        %add3A_120 = arith.addi %mul3A_118, %add3A_119 : i32
        %dma_wait3A_121 = arith.constant 0 : i32
        %dma_wait3A_122 = arith.constant 0 : i32
        %dma_wait3A_123 = tpu.memref_slice %arg5[%dma_wait3A_121, %dma_wait3A_122] : memref<10240x128xf32, #tpu.memory_space<hbm>> -> memref<10240x128xf32, #tpu.memory_space<hbm>>
        tpu.wait_indirect_dma semaphore(%arg16 : memref<!tpu.dma_semaphore, #tpu.memory_space<semaphore_mem>>) src(%dma_wait3A_123 : memref<10240x128xf32, #tpu.memory_space<hbm>>) dst(%arg13 : memref<128x128xf32, #tpu.memory_space<vmem>>)
        %dma_start3A_124 = arith.constant 0 : i32
        %dma_start3A_125 = tpu.memref_slice %arg12[%add3A_120, %dma_start3A_124] : memref<80x128xi32, #tpu.memory_space<vmem>> -> memref<1x128xi32, #tpu.memory_space<vmem>>
        %dma_start3A_126 = tpu.memref_squeeze %dma_start3A_125 : memref<1x128xi32, #tpu.memory_space<vmem>> -> memref<128xi32, #tpu.memory_space<vmem>>
        %dma_start3A_127 = arith.constant 0 : i32
        %dma_start3A_128 = arith.constant 0 : i32
        %dma_start3A_129 = tpu.memref_slice %arg15[%dma_start3A_127, %dma_start3A_128] : memref<10240x128xf32, #tpu.memory_space<vmem_shared>> -> memref<10240x128xf32, #tpu.memory_space<vmem_shared>>
        tpu.enqueue_indirect_dma source(%arg13 : memref<128x128xf32, #tpu.memory_space<vmem>>) target(%dma_start3A_129 : memref<10240x128xf32, #tpu.memory_space<vmem_shared>>) offsets(%dma_start3A_126 : memref<128xi32, #tpu.memory_space<vmem>>) semaphore(%arg20 : memref<!tpu.dma_semaphore, #tpu.memory_space<semaphore_mem>>) {add = true}
        %lt3A = arith.constant 78 : i32
        %lt3A_130 = arith.cmpi slt, %add3A_120, %lt3A : i32
        %convert_element_type3A_131 = arith.extui %lt3A_130 : i1 to i32
        %cond3A_132 = arith.constant 0 : i32
        %cond3A_133 = arith.cmpi ne, %convert_element_type3A_131, %cond3A_132 : i32
        scf.if %cond3A_133 {
          %add3A_162 = arith.constant 2 : i32
          %add3A_163 = arith.addi %add3A_120, %add3A_162 : i32
          %mul3A_164 = arith.constant 80 : i32
          %mul3A_165 = arith.muli %arg1, %mul3A_164 : i32
          %add3A_166 = arith.addi %mul3A_165, %add3A_163 : i32
          %dma_start3A_167 = arith.constant 0 : i32
          %dma_start3A_168 = tpu.memref_slice %arg6[%add3A_166, %dma_start3A_167] : memref<1280x128xi32, #tpu.memory_space<hbm>> -> memref<1x128xi32, #tpu.memory_space<hbm>>
          %dma_start3A_169 = tpu.memref_squeeze %dma_start3A_168 : memref<1x128xi32, #tpu.memory_space<hbm>> -> memref<128xi32, #tpu.memory_space<hbm>>
          %dma_start3A_170 = arith.constant 0 : i32
          %dma_start3A_171 = tpu.memref_slice %arg6[%add3A_166, %dma_start3A_170] : memref<1280x128xi32, #tpu.memory_space<hbm>> -> memref<1x128xi32, #tpu.memory_space<hbm>>
          %dma_start3A_172 = tpu.memref_squeeze %dma_start3A_171 : memref<1x128xi32, #tpu.memory_space<hbm>> -> memref<128xi32, #tpu.memory_space<hbm>>
          tpu.enqueue_dma source(%dma_start3A_172 : memref<128xi32, #tpu.memory_space<hbm>>) target(%arg10 : memref<128xi32, #tpu.memory_space<vmem>>) target_semaphore(%arg18 : memref<!tpu.dma_semaphore, #tpu.memory_space<semaphore_mem>>)
        } else {
        }
        %lt3A_134 = arith.constant 79 : i32
        %lt3A_135 = arith.cmpi slt, %add3A_120, %lt3A_134 : i32
        %convert_element_type3A_136 = arith.extui %lt3A_135 : i1 to i32
        %cond3A_137 = arith.constant 0 : i32
        %cond3A_138 = arith.cmpi ne, %convert_element_type3A_136, %cond3A_137 : i32
        scf.if %cond3A_138 {
          %add3A_162 = arith.constant 1 : i32
          %add3A_163 = arith.addi %add3A_120, %add3A_162 : i32
          %mul3A_164 = arith.constant 80 : i32
          %mul3A_165 = arith.muli %arg1, %mul3A_164 : i32
          %add3A_166 = arith.addi %mul3A_165, %add3A_163 : i32
          %dma_wait3A_167 = arith.constant 0 : i32
          %dma_wait3A_168 = tpu.memref_slice %arg6[%add3A_166, %dma_wait3A_167] : memref<1280x128xi32, #tpu.memory_space<hbm>> -> memref<1x128xi32, #tpu.memory_space<hbm>>
          %dma_wait3A_169 = tpu.memref_squeeze %dma_wait3A_168 : memref<1x128xi32, #tpu.memory_space<hbm>> -> memref<128xi32, #tpu.memory_space<hbm>>
          %dma_wait3A_170 = arith.constant 0 : i32
          %dma_wait3A_171 = tpu.memref_slice %arg6[%add3A_166, %dma_wait3A_170] : memref<1280x128xi32, #tpu.memory_space<hbm>> -> memref<1x128xi32, #tpu.memory_space<hbm>>
          %dma_wait3A_172 = tpu.memref_squeeze %dma_wait3A_171 : memref<1x128xi32, #tpu.memory_space<hbm>> -> memref<128xi32, #tpu.memory_space<hbm>>
          tpu.wait_dma2 semaphore(%arg19 : memref<!tpu.dma_semaphore, #tpu.memory_space<semaphore_mem>>) src(%dma_wait3A_172 : memref<128xi32, #tpu.memory_space<hbm>>) dst(%arg11 : memref<128xi32, #tpu.memory_space<vmem>>)
          %ge3A = arith.constant 1 : i32
          %ge3A_173 = arith.cmpi sge, %add3A_120, %ge3A : i32
          %convert_element_type3A_174 = arith.extui %ge3A_173 : i1 to i32
          %cond3A_175 = arith.constant 0 : i32
          %cond3A_176 = arith.cmpi ne, %convert_element_type3A_174, %cond3A_175 : i32
          scf.if %cond3A_176 {
            %add3A_182 = arith.constant 1 : i32
            %add3A_183 = arith.addi %add3A_120, %add3A_182 : i32
            %sub3A = arith.constant 2 : i32
            %sub3A_184 = arith.subi %add3A_183, %sub3A : i32
            %dma_wait3A_185 = arith.constant 0 : i32
            %dma_wait3A_186 = tpu.memref_slice %arg12[%sub3A_184, %dma_wait3A_185] : memref<80x128xi32, #tpu.memory_space<vmem>> -> memref<1x128xi32, #tpu.memory_space<vmem>>
            %dma_wait3A_187 = tpu.memref_squeeze %dma_wait3A_186 : memref<1x128xi32, #tpu.memory_space<vmem>> -> memref<128xi32, #tpu.memory_space<vmem>>
            %dma_wait3A_188 = arith.constant 0 : i32
            %dma_wait3A_189 = arith.constant 0 : i32
            %dma_wait3A_190 = tpu.memref_slice %arg15[%dma_wait3A_188, %dma_wait3A_189] : memref<10240x128xf32, #tpu.memory_space<vmem_shared>> -> memref<10240x128xf32, #tpu.memory_space<vmem_shared>>
            tpu.wait_indirect_dma semaphore(%arg21 : memref<!tpu.dma_semaphore, #tpu.memory_space<semaphore_mem>>) src(%arg14 : memref<128x128xf32, #tpu.memory_space<vmem>>) dst(%dma_wait3A_190 : memref<10240x128xf32, #tpu.memory_space<vmem_shared>>)
          } else {
          }
          %add3A_177 = arith.constant 1 : i32
          %add3A_178 = arith.addi %add3A_120, %add3A_177 : i32
          %dma_start3A_179 = arith.constant 0 : i32
          %dma_start3A_180 = arith.constant 0 : i32
          %dma_start3A_181 = tpu.memref_slice %arg5[%dma_start3A_179, %dma_start3A_180] : memref<10240x128xf32, #tpu.memory_space<hbm>> -> memref<10240x128xf32, #tpu.memory_space<hbm>>
          tpu.enqueue_indirect_dma source(%dma_start3A_181 : memref<10240x128xf32, #tpu.memory_space<hbm>>) target(%arg14 : memref<128x128xf32, #tpu.memory_space<vmem>>) offsets(%arg11 : memref<128xi32, #tpu.memory_space<vmem>>) semaphore(%arg17 : memref<!tpu.dma_semaphore, #tpu.memory_space<semaphore_mem>>)
        } else {
        }
        %mul3A_139 = arith.constant 2 : i32
        %mul3A_140 = arith.muli %mul3A_139, %add3A_116 : i32
        %add3A_141 = arith.constant 1 : i32
        %add3A_142 = arith.addi %mul3A_140, %add3A_141 : i32
        %dma_wait3A_143 = arith.constant 0 : i32
        %dma_wait3A_144 = arith.constant 0 : i32
        %dma_wait3A_145 = tpu.memref_slice %arg5[%dma_wait3A_143, %dma_wait3A_144] : memref<10240x128xf32, #tpu.memory_space<hbm>> -> memref<10240x128xf32, #tpu.memory_space<hbm>>
        tpu.wait_indirect_dma semaphore(%arg17 : memref<!tpu.dma_semaphore, #tpu.memory_space<semaphore_mem>>) src(%dma_wait3A_145 : memref<10240x128xf32, #tpu.memory_space<hbm>>) dst(%arg14 : memref<128x128xf32, #tpu.memory_space<vmem>>)
        %dma_start3A_146 = arith.constant 0 : i32
        %dma_start3A_147 = tpu.memref_slice %arg12[%add3A_142, %dma_start3A_146] : memref<80x128xi32, #tpu.memory_space<vmem>> -> memref<1x128xi32, #tpu.memory_space<vmem>>
        %dma_start3A_148 = tpu.memref_squeeze %dma_start3A_147 : memref<1x128xi32, #tpu.memory_space<vmem>> -> memref<128xi32, #tpu.memory_space<vmem>>
        %dma_start3A_149 = arith.constant 0 : i32
        %dma_start3A_150 = arith.constant 0 : i32
        %dma_start3A_151 = tpu.memref_slice %arg15[%dma_start3A_149, %dma_start3A_150] : memref<10240x128xf32, #tpu.memory_space<vmem_shared>> -> memref<10240x128xf32, #tpu.memory_space<vmem_shared>>
        tpu.enqueue_indirect_dma source(%arg14 : memref<128x128xf32, #tpu.memory_space<vmem>>) target(%dma_start3A_151 : memref<10240x128xf32, #tpu.memory_space<vmem_shared>>) offsets(%dma_start3A_148 : memref<128xi32, #tpu.memory_space<vmem>>) semaphore(%arg21 : memref<!tpu.dma_semaphore, #tpu.memory_space<semaphore_mem>>) {add = true}
        %lt3A_152 = arith.constant 78 : i32
        %lt3A_153 = arith.cmpi slt, %add3A_142, %lt3A_152 : i32
        %convert_element_type3A_154 = arith.extui %lt3A_153 : i1 to i32
        %cond3A_155 = arith.constant 0 : i32
        %cond3A_156 = arith.cmpi ne, %convert_element_type3A_154, %cond3A_155 : i32
        scf.if %cond3A_156 {
          %add3A_162 = arith.constant 2 : i32
          %add3A_163 = arith.addi %add3A_142, %add3A_162 : i32
          %mul3A_164 = arith.constant 80 : i32
          %mul3A_165 = arith.muli %arg1, %mul3A_164 : i32
          %add3A_166 = arith.addi %mul3A_165, %add3A_163 : i32
          %dma_start3A_167 = arith.constant 0 : i32
          %dma_start3A_168 = tpu.memref_slice %arg6[%add3A_166, %dma_start3A_167] : memref<1280x128xi32, #tpu.memory_space<hbm>> -> memref<1x128xi32, #tpu.memory_space<hbm>>
          %dma_start3A_169 = tpu.memref_squeeze %dma_start3A_168 : memref<1x128xi32, #tpu.memory_space<hbm>> -> memref<128xi32, #tpu.memory_space<hbm>>
          %dma_start3A_170 = arith.constant 0 : i32
          %dma_start3A_171 = tpu.memref_slice %arg6[%add3A_166, %dma_start3A_170] : memref<1280x128xi32, #tpu.memory_space<hbm>> -> memref<1x128xi32, #tpu.memory_space<hbm>>
          %dma_start3A_172 = tpu.memref_squeeze %dma_start3A_171 : memref<1x128xi32, #tpu.memory_space<hbm>> -> memref<128xi32, #tpu.memory_space<hbm>>
          tpu.enqueue_dma source(%dma_start3A_172 : memref<128xi32, #tpu.memory_space<hbm>>) target(%arg11 : memref<128xi32, #tpu.memory_space<vmem>>) target_semaphore(%arg19 : memref<!tpu.dma_semaphore, #tpu.memory_space<semaphore_mem>>)
        } else {
        }
        %lt3A_157 = arith.constant 79 : i32
        %lt3A_158 = arith.cmpi slt, %add3A_142, %lt3A_157 : i32
        %convert_element_type3A_159 = arith.extui %lt3A_158 : i1 to i32
        %cond3A_160 = arith.constant 0 : i32
        %cond3A_161 = arith.cmpi ne, %convert_element_type3A_159, %cond3A_160 : i32
        scf.if %cond3A_161 {
          %add3A_162 = arith.constant 1 : i32
          %add3A_163 = arith.addi %add3A_142, %add3A_162 : i32
          %mul3A_164 = arith.constant 80 : i32
          %mul3A_165 = arith.muli %arg1, %mul3A_164 : i32
          %add3A_166 = arith.addi %mul3A_165, %add3A_163 : i32
          %dma_wait3A_167 = arith.constant 0 : i32
          %dma_wait3A_168 = tpu.memref_slice %arg6[%add3A_166, %dma_wait3A_167] : memref<1280x128xi32, #tpu.memory_space<hbm>> -> memref<1x128xi32, #tpu.memory_space<hbm>>
          %dma_wait3A_169 = tpu.memref_squeeze %dma_wait3A_168 : memref<1x128xi32, #tpu.memory_space<hbm>> -> memref<128xi32, #tpu.memory_space<hbm>>
          %dma_wait3A_170 = arith.constant 0 : i32
          %dma_wait3A_171 = tpu.memref_slice %arg6[%add3A_166, %dma_wait3A_170] : memref<1280x128xi32, #tpu.memory_space<hbm>> -> memref<1x128xi32, #tpu.memory_space<hbm>>
          %dma_wait3A_172 = tpu.memref_squeeze %dma_wait3A_171 : memref<1x128xi32, #tpu.memory_space<hbm>> -> memref<128xi32, #tpu.memory_space<hbm>>
          tpu.wait_dma2 semaphore(%arg18 : memref<!tpu.dma_semaphore, #tpu.memory_space<semaphore_mem>>) src(%dma_wait3A_172 : memref<128xi32, #tpu.memory_space<hbm>>) dst(%arg10 : memref<128xi32, #tpu.memory_space<vmem>>)
          %ge3A = arith.constant 1 : i32
          %ge3A_173 = arith.cmpi sge, %add3A_142, %ge3A : i32
          %convert_element_type3A_174 = arith.extui %ge3A_173 : i1 to i32
          %cond3A_175 = arith.constant 0 : i32
          %cond3A_176 = arith.cmpi ne, %convert_element_type3A_174, %cond3A_175 : i32
          scf.if %cond3A_176 {
            %add3A_182 = arith.constant 1 : i32
            %add3A_183 = arith.addi %add3A_142, %add3A_182 : i32
            %sub3A = arith.constant 2 : i32
            %sub3A_184 = arith.subi %add3A_183, %sub3A : i32
            %dma_wait3A_185 = arith.constant 0 : i32
            %dma_wait3A_186 = tpu.memref_slice %arg12[%sub3A_184, %dma_wait3A_185] : memref<80x128xi32, #tpu.memory_space<vmem>> -> memref<1x128xi32, #tpu.memory_space<vmem>>
            %dma_wait3A_187 = tpu.memref_squeeze %dma_wait3A_186 : memref<1x128xi32, #tpu.memory_space<vmem>> -> memref<128xi32, #tpu.memory_space<vmem>>
            %dma_wait3A_188 = arith.constant 0 : i32
            %dma_wait3A_189 = arith.constant 0 : i32
            %dma_wait3A_190 = tpu.memref_slice %arg15[%dma_wait3A_188, %dma_wait3A_189] : memref<10240x128xf32, #tpu.memory_space<vmem_shared>> -> memref<10240x128xf32, #tpu.memory_space<vmem_shared>>
            tpu.wait_indirect_dma semaphore(%arg20 : memref<!tpu.dma_semaphore, #tpu.memory_space<semaphore_mem>>) src(%arg13 : memref<128x128xf32, #tpu.memory_space<vmem>>) dst(%dma_wait3A_190 : memref<10240x128xf32, #tpu.memory_space<vmem_shared>>)
          } else {
          }
          %add3A_177 = arith.constant 1 : i32
          %add3A_178 = arith.addi %add3A_142, %add3A_177 : i32
          %dma_start3A_179 = arith.constant 0 : i32
          %dma_start3A_180 = arith.constant 0 : i32
          %dma_start3A_181 = tpu.memref_slice %arg5[%dma_start3A_179, %dma_start3A_180] : memref<10240x128xf32, #tpu.memory_space<hbm>> -> memref<10240x128xf32, #tpu.memory_space<hbm>>
          tpu.enqueue_indirect_dma source(%dma_start3A_181 : memref<10240x128xf32, #tpu.memory_space<hbm>>) target(%arg13 : memref<128x128xf32, #tpu.memory_space<vmem>>) offsets(%arg10 : memref<128xi32, #tpu.memory_space<vmem>>) semaphore(%arg16 : memref<!tpu.dma_semaphore, #tpu.memory_space<semaphore_mem>>)
        } else {
        }
      }
      %scan3A_95 = arith.constant 40 : i32
      %dma_wait3A_96 = arith.constant 78 : i32
      %dma_wait3A_97 = arith.constant 0 : i32
      %dma_wait3A_98 = tpu.memref_slice %arg12[%dma_wait3A_96, %dma_wait3A_97] : memref<80x128xi32, #tpu.memory_space<vmem>> -> memref<1x128xi32, #tpu.memory_space<vmem>>
      %dma_wait3A_99 = tpu.memref_squeeze %dma_wait3A_98 : memref<1x128xi32, #tpu.memory_space<vmem>> -> memref<128xi32, #tpu.memory_space<vmem>>
      %dma_wait3A_100 = arith.constant 0 : i32
      %dma_wait3A_101 = arith.constant 0 : i32
      %dma_wait3A_102 = tpu.memref_slice %arg15[%dma_wait3A_100, %dma_wait3A_101] : memref<10240x128xf32, #tpu.memory_space<vmem_shared>> -> memref<10240x128xf32, #tpu.memory_space<vmem_shared>>
      tpu.wait_indirect_dma semaphore(%arg20 : memref<!tpu.dma_semaphore, #tpu.memory_space<semaphore_mem>>) src(%arg13 : memref<128x128xf32, #tpu.memory_space<vmem>>) dst(%dma_wait3A_102 : memref<10240x128xf32, #tpu.memory_space<vmem_shared>>)
      %dma_wait3A_103 = arith.constant 79 : i32
      %dma_wait3A_104 = arith.constant 0 : i32
      %dma_wait3A_105 = tpu.memref_slice %arg12[%dma_wait3A_103, %dma_wait3A_104] : memref<80x128xi32, #tpu.memory_space<vmem>> -> memref<1x128xi32, #tpu.memory_space<vmem>>
      %dma_wait3A_106 = tpu.memref_squeeze %dma_wait3A_105 : memref<1x128xi32, #tpu.memory_space<vmem>> -> memref<128xi32, #tpu.memory_space<vmem>>
      %dma_wait3A_107 = arith.constant 0 : i32
      %dma_wait3A_108 = arith.constant 0 : i32
      %dma_wait3A_109 = tpu.memref_slice %arg15[%dma_wait3A_107, %dma_wait3A_108] : memref<10240x128xf32, #tpu.memory_space<vmem_shared>> -> memref<10240x128xf32, #tpu.memory_space<vmem_shared>>
      tpu.wait_indirect_dma semaphore(%arg21 : memref<!tpu.dma_semaphore, #tpu.memory_space<semaphore_mem>>) src(%arg14 : memref<128x128xf32, #tpu.memory_space<vmem>>) dst(%dma_wait3A_109 : memref<10240x128xf32, #tpu.memory_space<vmem_shared>>)
      %barrier3A_110 = arith.constant 0 : index
      tpu.barrier barrier_id(%barrier3A_110)
      %run_scoped3A_111 = arith.constant 3 : i32
      "tpu.region"() ({
        %run_scoped3A_112 = tpu.sem_alloc : memref<!tpu.dma_semaphore, #tpu.memory_space<semaphore_mem>>
        %dma_start3A_113 = arith.constant 0 : i32
        %dma_start3A_114 = tpu.memref_slice %arg9[%run_scoped3A_111, %mul3A_0, %dma_start3A_113] : memref<4x10240x128xf32, #tpu.memory_space<hbm>> -> memref<1x640x128xf32, #tpu.memory_space<hbm>>
        %dma_start3A_115 = tpu.memref_squeeze %dma_start3A_114 : memref<1x640x128xf32, #tpu.memory_space<hbm>> -> memref<640x128xf32, #tpu.memory_space<hbm>>
        %dma_start3A_116 = arith.constant 0 : i32
        %dma_start3A_117 = tpu.memref_slice %arg15[%mul3A_0, %dma_start3A_116] : memref<10240x128xf32, #tpu.memory_space<vmem_shared>> -> memref<640x128xf32, #tpu.memory_space<vmem_shared>>
        tpu.enqueue_dma source(%dma_start3A_117 : memref<640x128xf32, #tpu.memory_space<vmem_shared>>) target(%dma_start3A_115 : memref<640x128xf32, #tpu.memory_space<hbm>>) target_semaphore(%run_scoped3A_112 : memref<!tpu.dma_semaphore, #tpu.memory_space<semaphore_mem>>)
        %dma_wait3A_118 = arith.constant 0 : i32
        %dma_wait3A_119 = tpu.memref_slice %arg9[%run_scoped3A_111, %mul3A_0, %dma_wait3A_118] : memref<4x10240x128xf32, #tpu.memory_space<hbm>> -> memref<1x640x128xf32, #tpu.memory_space<hbm>>
        %dma_wait3A_120 = tpu.memref_squeeze %dma_wait3A_119 : memref<1x640x128xf32, #tpu.memory_space<hbm>> -> memref<640x128xf32, #tpu.memory_space<hbm>>
        %dma_wait3A_121 = arith.constant 0 : i32
        %dma_wait3A_122 = tpu.memref_slice %arg15[%mul3A_0, %dma_wait3A_121] : memref<10240x128xf32, #tpu.memory_space<vmem_shared>> -> memref<640x128xf32, #tpu.memory_space<vmem_shared>>
        tpu.wait_dma2 semaphore(%run_scoped3A_112 : memref<!tpu.dma_semaphore, #tpu.memory_space<semaphore_mem>>) src(%dma_wait3A_122 : memref<640x128xf32, #tpu.memory_space<vmem_shared>>) dst(%dma_wait3A_120 : memref<640x128xf32, #tpu.memory_space<hbm>>)
        tpu.yield
      }) : () -> ()
    } else {
    }
    return
  }
}

#map = affine_map<(d0, d1) -> (0, 0, 0)>
#map1 = affine_map<(d0, d1) -> (0, 0)>
module attributes {stable_mosaic.version = 14 : i64} {
  func.func @_edge_const(%arg0: i32, %arg1: i32, %arg2: memref<1280x128x128xf32, #tpu.memory_space<hbm>>, %arg3: memref<32x40x128xi32, #tpu.memory_space<hbm>>, %arg4: memref<640x128xf32, #tpu.memory_space<hbm>>, %arg5: memref<20480x128xf32, #tpu.memory_space<hbm>>, %arg6: memref<40x128xi32, #tpu.memory_space<vmem>>, %arg7: memref<128x128xf32, #tpu.memory_space<vmem>>, %arg8: memref<10240x128xf32, #tpu.memory_space<vmem_shared>>) attributes {dimension_semantics = [#tpu.dimension_semantics<core_parallel>, #tpu.dimension_semantics<subcore_parallel>], iteration_bounds = array<i64: 2, 16>, scalar_prefetch = 0 : i64, scratch_operands = 3 : i64, tpu.core_type = #tpu.core_type<sc_vector_subcore>, window_params = [{transform_indices = #map}, {transform_indices = #map}, {transform_indices = #map1}, {transform_indices = #map1}]} {
    %mul3A = arith.constant 16 : i32
    %mul3A_0 = arith.muli %arg0, %mul3A : i32
    %add3A = arith.addi %mul3A_0, %arg1 : i32
    %mul3A_1 = arith.constant 640 : i32
    %mul3A_2 = arith.muli %arg1, %mul3A_1 : i32
    "tpu.region"() ({
      %run_scoped3A = tpu.sem_alloc : memref<!tpu.dma_semaphore, #tpu.memory_space<semaphore_mem>>
      %dma_start3A = arith.constant 0 : i32
      %dma_start3A_11 = tpu.memref_slice %arg8[%mul3A_2, %dma_start3A] : memref<10240x128xf32, #tpu.memory_space<vmem_shared>> -> memref<640x128xf32, #tpu.memory_space<vmem_shared>>
      tpu.enqueue_dma source(%arg4 : memref<640x128xf32, #tpu.memory_space<hbm>>) target(%dma_start3A_11 : memref<640x128xf32, #tpu.memory_space<vmem_shared>>) target_semaphore(%run_scoped3A : memref<!tpu.dma_semaphore, #tpu.memory_space<semaphore_mem>>)
      %dma_wait3A = arith.constant 0 : i32
      %dma_wait3A_12 = tpu.memref_slice %arg8[%mul3A_2, %dma_wait3A] : memref<10240x128xf32, #tpu.memory_space<vmem_shared>> -> memref<640x128xf32, #tpu.memory_space<vmem_shared>>
      tpu.wait_dma2 semaphore(%run_scoped3A : memref<!tpu.dma_semaphore, #tpu.memory_space<semaphore_mem>>) src(%arg4 : memref<640x128xf32, #tpu.memory_space<hbm>>) dst(%dma_wait3A_12 : memref<640x128xf32, #tpu.memory_space<vmem_shared>>)
      tpu.yield
    }) : () -> ()
    "tpu.region"() ({
      %run_scoped3A = tpu.sem_alloc : memref<!tpu.dma_semaphore, #tpu.memory_space<semaphore_mem>>
      %dma_start3A = arith.constant 0 : i32
      %dma_start3A_11 = arith.constant 0 : i32
      %dma_start3A_12 = tpu.memref_slice %arg3[%add3A, %dma_start3A, %dma_start3A_11] : memref<32x40x128xi32, #tpu.memory_space<hbm>> -> memref<1x40x128xi32, #tpu.memory_space<hbm>>
      %dma_start3A_13 = tpu.memref_squeeze %dma_start3A_12 : memref<1x40x128xi32, #tpu.memory_space<hbm>> -> memref<40x128xi32, #tpu.memory_space<hbm>>
      %dma_start3A_14 = arith.constant 0 : i32
      %dma_start3A_15 = arith.constant 0 : i32
      %dma_start3A_16 = tpu.memref_slice %arg3[%add3A, %dma_start3A_14, %dma_start3A_15] : memref<32x40x128xi32, #tpu.memory_space<hbm>> -> memref<1x40x128xi32, #tpu.memory_space<hbm>>
      %dma_start3A_17 = tpu.memref_squeeze %dma_start3A_16 : memref<1x40x128xi32, #tpu.memory_space<hbm>> -> memref<40x128xi32, #tpu.memory_space<hbm>>
      tpu.enqueue_dma source(%dma_start3A_17 : memref<40x128xi32, #tpu.memory_space<hbm>>) target(%arg6 : memref<40x128xi32, #tpu.memory_space<vmem>>) target_semaphore(%run_scoped3A : memref<!tpu.dma_semaphore, #tpu.memory_space<semaphore_mem>>)
      %dma_wait3A = arith.constant 0 : i32
      %dma_wait3A_18 = arith.constant 0 : i32
      %dma_wait3A_19 = tpu.memref_slice %arg3[%add3A, %dma_wait3A, %dma_wait3A_18] : memref<32x40x128xi32, #tpu.memory_space<hbm>> -> memref<1x40x128xi32, #tpu.memory_space<hbm>>
      %dma_wait3A_20 = tpu.memref_squeeze %dma_wait3A_19 : memref<1x40x128xi32, #tpu.memory_space<hbm>> -> memref<40x128xi32, #tpu.memory_space<hbm>>
      %dma_wait3A_21 = arith.constant 0 : i32
      %dma_wait3A_22 = arith.constant 0 : i32
      %dma_wait3A_23 = tpu.memref_slice %arg3[%add3A, %dma_wait3A_21, %dma_wait3A_22] : memref<32x40x128xi32, #tpu.memory_space<hbm>> -> memref<1x40x128xi32, #tpu.memory_space<hbm>>
      %dma_wait3A_24 = tpu.memref_squeeze %dma_wait3A_23 : memref<1x40x128xi32, #tpu.memory_space<hbm>> -> memref<40x128xi32, #tpu.memory_space<hbm>>
      tpu.wait_dma2 semaphore(%run_scoped3A : memref<!tpu.dma_semaphore, #tpu.memory_space<semaphore_mem>>) src(%dma_wait3A_24 : memref<40x128xi32, #tpu.memory_space<hbm>>) dst(%arg6 : memref<40x128xi32, #tpu.memory_space<vmem>>)
      tpu.yield
    }) : () -> ()
    %barrier3A = arith.constant 0 : index
    tpu.barrier barrier_id(%barrier3A)
    %scan3A = arith.constant 0 : i32
    %scan3A_3 = arith.constant 40 : i32
    %scan3A_4 = arith.addi %scan3A, %scan3A_3 : i32
    %scan3A_5 = arith.constant 1 : i32
    scf.for %scan3A_11 = %scan3A to %scan3A_4 step %scan3A_5  : i32 {
      %mul3A_12 = arith.constant 1 : i32
      %mul3A_13 = arith.muli %scan3A_11, %mul3A_12 : i32
      %add3A_14 = arith.constant 0 : i32
      %add3A_15 = arith.addi %add3A_14, %mul3A_13 : i32
      %mul3A_16 = arith.constant 40 : i32
      %mul3A_17 = arith.muli %add3A, %mul3A_16 : i32
      %add3A_18 = arith.addi %mul3A_17, %add3A_15 : i32
      "tpu.region"() ({
        %run_scoped3A = tpu.sem_alloc : memref<!tpu.dma_semaphore, #tpu.memory_space<semaphore_mem>>
        %dma_start3A = arith.constant 0 : i32
        %dma_start3A_19 = arith.constant 0 : i32
        %dma_start3A_20 = tpu.memref_slice %arg2[%add3A_18, %dma_start3A, %dma_start3A_19] : memref<1280x128x128xf32, #tpu.memory_space<hbm>> -> memref<1x128x128xf32, #tpu.memory_space<hbm>>
        %dma_start3A_21 = tpu.memref_squeeze %dma_start3A_20 : memref<1x128x128xf32, #tpu.memory_space<hbm>> -> memref<128x128xf32, #tpu.memory_space<hbm>>
        %dma_start3A_22 = arith.constant 0 : i32
        %dma_start3A_23 = arith.constant 0 : i32
        %dma_start3A_24 = tpu.memref_slice %arg2[%add3A_18, %dma_start3A_22, %dma_start3A_23] : memref<1280x128x128xf32, #tpu.memory_space<hbm>> -> memref<1x128x128xf32, #tpu.memory_space<hbm>>
        %dma_start3A_25 = tpu.memref_squeeze %dma_start3A_24 : memref<1x128x128xf32, #tpu.memory_space<hbm>> -> memref<128x128xf32, #tpu.memory_space<hbm>>
        tpu.enqueue_dma source(%dma_start3A_25 : memref<128x128xf32, #tpu.memory_space<hbm>>) target(%arg7 : memref<128x128xf32, #tpu.memory_space<vmem>>) target_semaphore(%run_scoped3A : memref<!tpu.dma_semaphore, #tpu.memory_space<semaphore_mem>>)
        %dma_wait3A = arith.constant 0 : i32
        %dma_wait3A_26 = arith.constant 0 : i32
        %dma_wait3A_27 = tpu.memref_slice %arg2[%add3A_18, %dma_wait3A, %dma_wait3A_26] : memref<1280x128x128xf32, #tpu.memory_space<hbm>> -> memref<1x128x128xf32, #tpu.memory_space<hbm>>
        %dma_wait3A_28 = tpu.memref_squeeze %dma_wait3A_27 : memref<1x128x128xf32, #tpu.memory_space<hbm>> -> memref<128x128xf32, #tpu.memory_space<hbm>>
        %dma_wait3A_29 = arith.constant 0 : i32
        %dma_wait3A_30 = arith.constant 0 : i32
        %dma_wait3A_31 = tpu.memref_slice %arg2[%add3A_18, %dma_wait3A_29, %dma_wait3A_30] : memref<1280x128x128xf32, #tpu.memory_space<hbm>> -> memref<1x128x128xf32, #tpu.memory_space<hbm>>
        %dma_wait3A_32 = tpu.memref_squeeze %dma_wait3A_31 : memref<1x128x128xf32, #tpu.memory_space<hbm>> -> memref<128x128xf32, #tpu.memory_space<hbm>>
        tpu.wait_dma2 semaphore(%run_scoped3A : memref<!tpu.dma_semaphore, #tpu.memory_space<semaphore_mem>>) src(%dma_wait3A_32 : memref<128x128xf32, #tpu.memory_space<hbm>>) dst(%arg7 : memref<128x128xf32, #tpu.memory_space<vmem>>)
        tpu.yield
      }) : () -> ()
      "tpu.region"() ({
        %run_scoped3A = tpu.sem_alloc : memref<!tpu.dma_semaphore, #tpu.memory_space<semaphore_mem>>
        %dma_start3A = arith.constant 0 : i32
        %dma_start3A_19 = tpu.memref_slice %arg6[%add3A_15, %dma_start3A] : memref<40x128xi32, #tpu.memory_space<vmem>> -> memref<1x128xi32, #tpu.memory_space<vmem>>
        %dma_start3A_20 = tpu.memref_squeeze %dma_start3A_19 : memref<1x128xi32, #tpu.memory_space<vmem>> -> memref<128xi32, #tpu.memory_space<vmem>>
        %dma_start3A_21 = arith.constant 0 : i32
        %dma_start3A_22 = arith.constant 0 : i32
        %dma_start3A_23 = tpu.memref_slice %arg8[%dma_start3A_21, %dma_start3A_22] : memref<10240x128xf32, #tpu.memory_space<vmem_shared>> -> memref<10240x128xf32, #tpu.memory_space<vmem_shared>>
        tpu.enqueue_indirect_dma source(%arg7 : memref<128x128xf32, #tpu.memory_space<vmem>>) target(%dma_start3A_23 : memref<10240x128xf32, #tpu.memory_space<vmem_shared>>) offsets(%dma_start3A_20 : memref<128xi32, #tpu.memory_space<vmem>>) semaphore(%run_scoped3A : memref<!tpu.dma_semaphore, #tpu.memory_space<semaphore_mem>>) {add = true}
        %dma_wait3A = arith.constant 0 : i32
        %dma_wait3A_24 = tpu.memref_slice %arg6[%add3A_15, %dma_wait3A] : memref<40x128xi32, #tpu.memory_space<vmem>> -> memref<1x128xi32, #tpu.memory_space<vmem>>
        %dma_wait3A_25 = tpu.memref_squeeze %dma_wait3A_24 : memref<1x128xi32, #tpu.memory_space<vmem>> -> memref<128xi32, #tpu.memory_space<vmem>>
        %dma_wait3A_26 = arith.constant 0 : i32
        %dma_wait3A_27 = arith.constant 0 : i32
        %dma_wait3A_28 = tpu.memref_slice %arg8[%dma_wait3A_26, %dma_wait3A_27] : memref<10240x128xf32, #tpu.memory_space<vmem_shared>> -> memref<10240x128xf32, #tpu.memory_space<vmem_shared>>
        tpu.wait_indirect_dma semaphore(%run_scoped3A : memref<!tpu.dma_semaphore, #tpu.memory_space<semaphore_mem>>) src(%arg7 : memref<128x128xf32, #tpu.memory_space<vmem>>) dst(%dma_wait3A_28 : memref<10240x128xf32, #tpu.memory_space<vmem_shared>>)
        tpu.yield
      }) : () -> ()
    }
    %scan3A_6 = arith.constant 40 : i32
    %barrier3A_7 = arith.constant 0 : index
    tpu.barrier barrier_id(%barrier3A_7)
    %mul3A_8 = arith.constant 10240 : i32
    %mul3A_9 = arith.muli %arg0, %mul3A_8 : i32
    %add3A_10 = arith.addi %mul3A_9, %mul3A_2 : i32
    "tpu.region"() ({
      %run_scoped3A = tpu.sem_alloc : memref<!tpu.dma_semaphore, #tpu.memory_space<semaphore_mem>>
      %dma_start3A = arith.constant 0 : i32
      %dma_start3A_11 = tpu.memref_slice %arg5[%add3A_10, %dma_start3A] : memref<20480x128xf32, #tpu.memory_space<hbm>> -> memref<640x128xf32, #tpu.memory_space<hbm>>
      %dma_start3A_12 = arith.constant 0 : i32
      %dma_start3A_13 = tpu.memref_slice %arg8[%mul3A_2, %dma_start3A_12] : memref<10240x128xf32, #tpu.memory_space<vmem_shared>> -> memref<640x128xf32, #tpu.memory_space<vmem_shared>>
      tpu.enqueue_dma source(%dma_start3A_13 : memref<640x128xf32, #tpu.memory_space<vmem_shared>>) target(%dma_start3A_11 : memref<640x128xf32, #tpu.memory_space<hbm>>) target_semaphore(%run_scoped3A : memref<!tpu.dma_semaphore, #tpu.memory_space<semaphore_mem>>)
      %dma_wait3A = arith.constant 0 : i32
      %dma_wait3A_14 = tpu.memref_slice %arg5[%add3A_10, %dma_wait3A] : memref<20480x128xf32, #tpu.memory_space<hbm>> -> memref<640x128xf32, #tpu.memory_space<hbm>>
      %dma_wait3A_15 = arith.constant 0 : i32
      %dma_wait3A_16 = tpu.memref_slice %arg8[%mul3A_2, %dma_wait3A_15] : memref<10240x128xf32, #tpu.memory_space<vmem_shared>> -> memref<640x128xf32, #tpu.memory_space<vmem_shared>>
      tpu.wait_dma2 semaphore(%run_scoped3A : memref<!tpu.dma_semaphore, #tpu.memory_space<semaphore_mem>>) src(%dma_wait3A_16 : memref<640x128xf32, #tpu.memory_space<vmem_shared>>) dst(%dma_wait3A_14 : memref<640x128xf32, #tpu.memory_space<hbm>>)
      tpu.yield
    }) : () -> ()
    return
  }
}

#map = affine_map<(d0, d1) -> (0, 0)>
#map1 = affine_map<(d0, d1) -> (0, 0, 0)>
module attributes {stable_mosaic.version = 14 : i64} {
  func.func @spmm(%arg0: i32, %arg1: i32, %arg2: memref<10240x128xf32, #tpu.memory_space<hbm>>, %arg3: memref<10240x128xf32, #tpu.memory_space<hbm>>, %arg4: memref<10240x128xf32, #tpu.memory_space<hbm>>, %arg5: memref<10240x128xf32, #tpu.memory_space<hbm>>, %arg6: memref<1280x128xi32, #tpu.memory_space<hbm>>, %arg7: memref<16x80x128xi32, #tpu.memory_space<hbm>>, %arg8: memref<640x128xf32, #tpu.memory_space<hbm>>, %arg9: memref<4x10240x128xf32, #tpu.memory_space<hbm>>, %arg10: memref<128xi32, #tpu.memory_space<vmem>>, %arg11: memref<128xi32, #tpu.memory_space<vmem>>, %arg12: memref<80x128xi32, #tpu.memory_space<vmem>>, %arg13: memref<128x128xf32, #tpu.memory_space<vmem>>, %arg14: memref<128x128xf32, #tpu.memory_space<vmem>>, %arg15: memref<10240x128xf32, #tpu.memory_space<vmem_shared>>, %arg16: memref<!tpu.dma_semaphore, #tpu.memory_space<semaphore_mem>>, %arg17: memref<!tpu.dma_semaphore, #tpu.memory_space<semaphore_mem>>, %arg18: memref<!tpu.dma_semaphore, #tpu.memory_space<semaphore_mem>>, %arg19: memref<!tpu.dma_semaphore, #tpu.memory_space<semaphore_mem>>, %arg20: memref<!tpu.dma_semaphore, #tpu.memory_space<semaphore_mem>>, %arg21: memref<!tpu.dma_semaphore, #tpu.memory_space<semaphore_mem>>) attributes {dimension_semantics = [#tpu.dimension_semantics<core_parallel>, #tpu.dimension_semantics<subcore_parallel>], iteration_bounds = array<i64: 2, 16>, scalar_prefetch = 0 : i64, scratch_operands = 12 : i64, tpu.core_type = #tpu.core_type<sc_vector_subcore>, window_params = [{transform_indices = #map}, {transform_indices = #map}, {transform_indices = #map}, {transform_indices = #map}, {transform_indices = #map}, {transform_indices = #map1}, {transform_indices = #map}, {transform_indices = #map1}]} {
    %mul3A = arith.constant 640 : i32
    %mul3A_0 = arith.muli %arg1, %mul3A : i32
    "tpu.region"() ({
      %run_scoped3A = tpu.sem_alloc : memref<!tpu.dma_semaphore, #tpu.memory_space<semaphore_mem>>
      %dma_start3A = arith.constant 0 : i32
      %dma_start3A_8 = arith.constant 0 : i32
      %dma_start3A_9 = tpu.memref_slice %arg7[%arg1, %dma_start3A, %dma_start3A_8] : memref<16x80x128xi32, #tpu.memory_space<hbm>> -> memref<1x80x128xi32, #tpu.memory_space<hbm>>
      %dma_start3A_10 = tpu.memref_squeeze %dma_start3A_9 : memref<1x80x128xi32, #tpu.memory_space<hbm>> -> memref<80x128xi32, #tpu.memory_space<hbm>>
      %dma_start3A_11 = arith.constant 0 : i32
      %dma_start3A_12 = arith.constant 0 : i32
      %dma_start3A_13 = tpu.memref_slice %arg7[%arg1, %dma_start3A_11, %dma_start3A_12] : memref<16x80x128xi32, #tpu.memory_space<hbm>> -> memref<1x80x128xi32, #tpu.memory_space<hbm>>
      %dma_start3A_14 = tpu.memref_squeeze %dma_start3A_13 : memref<1x80x128xi32, #tpu.memory_space<hbm>> -> memref<80x128xi32, #tpu.memory_space<hbm>>
      tpu.enqueue_dma source(%dma_start3A_14 : memref<80x128xi32, #tpu.memory_space<hbm>>) target(%arg12 : memref<80x128xi32, #tpu.memory_space<vmem>>) target_semaphore(%run_scoped3A : memref<!tpu.dma_semaphore, #tpu.memory_space<semaphore_mem>>)
      %dma_wait3A = arith.constant 0 : i32
      %dma_wait3A_15 = arith.constant 0 : i32
      %dma_wait3A_16 = tpu.memref_slice %arg7[%arg1, %dma_wait3A, %dma_wait3A_15] : memref<16x80x128xi32, #tpu.memory_space<hbm>> -> memref<1x80x128xi32, #tpu.memory_space<hbm>>
      %dma_wait3A_17 = tpu.memref_squeeze %dma_wait3A_16 : memref<1x80x128xi32, #tpu.memory_space<hbm>> -> memref<80x128xi32, #tpu.memory_space<hbm>>
      %dma_wait3A_18 = arith.constant 0 : i32
      %dma_wait3A_19 = arith.constant 0 : i32
      %dma_wait3A_20 = tpu.memref_slice %arg7[%arg1, %dma_wait3A_18, %dma_wait3A_19] : memref<16x80x128xi32, #tpu.memory_space<hbm>> -> memref<1x80x128xi32, #tpu.memory_space<hbm>>
      %dma_wait3A_21 = tpu.memref_squeeze %dma_wait3A_20 : memref<1x80x128xi32, #tpu.memory_space<hbm>> -> memref<80x128xi32, #tpu.memory_space<hbm>>
      tpu.wait_dma2 semaphore(%run_scoped3A : memref<!tpu.dma_semaphore, #tpu.memory_space<semaphore_mem>>) src(%dma_wait3A_21 : memref<80x128xi32, #tpu.memory_space<hbm>>) dst(%arg12 : memref<80x128xi32, #tpu.memory_space<vmem>>)
      tpu.yield
    }) : () -> ()
    %eq3A = arith.constant 0 : i32
    %eq3A_1 = arith.cmpi eq, %arg0, %eq3A : i32
    %convert_element_type3A = arith.extui %eq3A_1 : i1 to i32
    %cond3A = arith.constant 0 : i32
    %cond3A_2 = arith.cmpi ne, %convert_element_type3A, %cond3A : i32
    scf.if %cond3A_2 {
      "tpu.region"() ({
        %run_scoped3A_112 = tpu.sem_alloc : memref<!tpu.dma_semaphore, #tpu.memory_space<semaphore_mem>>
        %dma_start3A_113 = arith.constant 0 : i32
        %dma_start3A_114 = tpu.memref_slice %arg15[%mul3A_0, %dma_start3A_113] : memref<10240x128xf32, #tpu.memory_space<vmem_shared>> -> memref<640x128xf32, #tpu.memory_space<vmem_shared>>
        tpu.enqueue_dma source(%arg8 : memref<640x128xf32, #tpu.memory_space<hbm>>) target(%dma_start3A_114 : memref<640x128xf32, #tpu.memory_space<vmem_shared>>) target_semaphore(%run_scoped3A_112 : memref<!tpu.dma_semaphore, #tpu.memory_space<semaphore_mem>>)
        %dma_wait3A_115 = arith.constant 0 : i32
        %dma_wait3A_116 = tpu.memref_slice %arg15[%mul3A_0, %dma_wait3A_115] : memref<10240x128xf32, #tpu.memory_space<vmem_shared>> -> memref<640x128xf32, #tpu.memory_space<vmem_shared>>
        tpu.wait_dma2 semaphore(%run_scoped3A_112 : memref<!tpu.dma_semaphore, #tpu.memory_space<semaphore_mem>>) src(%arg8 : memref<640x128xf32, #tpu.memory_space<hbm>>) dst(%dma_wait3A_116 : memref<640x128xf32, #tpu.memory_space<vmem_shared>>)
        tpu.yield
      }) : () -> ()
      %barrier3A = arith.constant 0 : index
      tpu.barrier barrier_id(%barrier3A)
      %mul3A_8 = arith.constant 80 : i32
      %mul3A_9 = arith.muli %arg1, %mul3A_8 : i32
      %add3A = arith.constant 0 : i32
      %add3A_10 = arith.addi %mul3A_9, %add3A : i32
      %dma_start3A = arith.constant 0 : i32
      %dma_start3A_11 = tpu.memref_slice %arg6[%add3A_10, %dma_start3A] : memref<1280x128xi32, #tpu.memory_space<hbm>> -> memref<1x128xi32, #tpu.memory_space<hbm>>
      %dma_start3A_12 = tpu.memref_squeeze %dma_start3A_11 : memref<1x128xi32, #tpu.memory_space<hbm>> -> memref<128xi32, #tpu.memory_space<hbm>>
      %dma_start3A_13 = arith.constant 0 : i32
      %dma_start3A_14 = tpu.memref_slice %arg6[%add3A_10, %dma_start3A_13] : memref<1280x128xi32, #tpu.memory_space<hbm>> -> memref<1x128xi32, #tpu.memory_space<hbm>>
      %dma_start3A_15 = tpu.memref_squeeze %dma_start3A_14 : memref<1x128xi32, #tpu.memory_space<hbm>> -> memref<128xi32, #tpu.memory_space<hbm>>
      tpu.enqueue_dma source(%dma_start3A_15 : memref<128xi32, #tpu.memory_space<hbm>>) target(%arg10 : memref<128xi32, #tpu.memory_space<vmem>>) target_semaphore(%arg18 : memref<!tpu.dma_semaphore, #tpu.memory_space<semaphore_mem>>)
      %mul3A_16 = arith.constant 80 : i32
      %mul3A_17 = arith.muli %arg1, %mul3A_16 : i32
      %add3A_18 = arith.constant 1 : i32
      %add3A_19 = arith.addi %mul3A_17, %add3A_18 : i32
      %dma_start3A_20 = arith.constant 0 : i32
      %dma_start3A_21 = tpu.memref_slice %arg6[%add3A_19, %dma_start3A_20] : memref<1280x128xi32, #tpu.memory_space<hbm>> -> memref<1x128xi32, #tpu.memory_space<hbm>>
      %dma_start3A_22 = tpu.memref_squeeze %dma_start3A_21 : memref<1x128xi32, #tpu.memory_space<hbm>> -> memref<128xi32, #tpu.memory_space<hbm>>
      %dma_start3A_23 = arith.constant 0 : i32
      %dma_start3A_24 = tpu.memref_slice %arg6[%add3A_19, %dma_start3A_23] : memref<1280x128xi32, #tpu.memory_space<hbm>> -> memref<1x128xi32, #tpu.memory_space<hbm>>
      %dma_start3A_25 = tpu.memref_squeeze %dma_start3A_24 : memref<1x128xi32, #tpu.memory_space<hbm>> -> memref<128xi32, #tpu.memory_space<hbm>>
      tpu.enqueue_dma source(%dma_start3A_25 : memref<128xi32, #tpu.memory_space<hbm>>) target(%arg11 : memref<128xi32, #tpu.memory_space<vmem>>) target_semaphore(%arg19 : memref<!tpu.dma_semaphore, #tpu.memory_space<semaphore_mem>>)
      %mul3A_26 = arith.constant 80 : i32
      %mul3A_27 = arith.muli %arg1, %mul3A_26 : i32
      %add3A_28 = arith.constant 0 : i32
      %add3A_29 = arith.addi %mul3A_27, %add3A_28 : i32
      %dma_wait3A = arith.constant 0 : i32
      %dma_wait3A_30 = tpu.memref_slice %arg6[%add3A_29, %dma_wait3A] : memref<1280x128xi32, #tpu.memory_space<hbm>> -> memref<1x128xi32, #tpu.memory_space<hbm>>
      %dma_wait3A_31 = tpu.memref_squeeze %dma_wait3A_30 : memref<1x128xi32, #tpu.memory_space<hbm>> -> memref<128xi32, #tpu.memory_space<hbm>>
      %dma_wait3A_32 = arith.constant 0 : i32
      %dma_wait3A_33 = tpu.memref_slice %arg6[%add3A_29, %dma_wait3A_32] : memref<1280x128xi32, #tpu.memory_space<hbm>> -> memref<1x128xi32, #tpu.memory_space<hbm>>
      %dma_wait3A_34 = tpu.memref_squeeze %dma_wait3A_33 : memref<1x128xi32, #tpu.memory_space<hbm>> -> memref<128xi32, #tpu.memory_space<hbm>>
      tpu.wait_dma2 semaphore(%arg18 : memref<!tpu.dma_semaphore, #tpu.memory_space<semaphore_mem>>) src(%dma_wait3A_34 : memref<128xi32, #tpu.memory_space<hbm>>) dst(%arg10 : memref<128xi32, #tpu.memory_space<vmem>>)
      %dma_start3A_35 = arith.constant 0 : i32
      %dma_start3A_36 = arith.constant 0 : i32
      %dma_start3A_37 = tpu.memref_slice %arg2[%dma_start3A_35, %dma_start3A_36] : memref<10240x128xf32, #tpu.memory_space<hbm>> -> memref<10240x128xf32, #tpu.memory_space<hbm>>
      tpu.enqueue_indirect_dma source(%dma_start3A_37 : memref<10240x128xf32, #tpu.memory_space<hbm>>) target(%arg13 : memref<128x128xf32, #tpu.memory_space<vmem>>) offsets(%arg10 : memref<128xi32, #tpu.memory_space<vmem>>) semaphore(%arg16 : memref<!tpu.dma_semaphore, #tpu.memory_space<semaphore_mem>>)
      %scan3A = arith.constant 0 : i32
      %scan3A_38 = arith.constant 40 : i32
      %scan3A_39 = arith.addi %scan3A, %scan3A_38 : i32
      %scan3A_40 = arith.constant 1 : i32
      scf.for %scan3A_112 = %scan3A to %scan3A_39 step %scan3A_40  : i32 {
        %mul3A_113 = arith.constant 1 : i32
        %mul3A_114 = arith.muli %scan3A_112, %mul3A_113 : i32
        %add3A_115 = arith.constant 0 : i32
        %add3A_116 = arith.addi %add3A_115, %mul3A_114 : i32
        %mul3A_117 = arith.constant 2 : i32
        %mul3A_118 = arith.muli %mul3A_117, %add3A_116 : i32
        %add3A_119 = arith.constant 0 : i32
        %add3A_120 = arith.addi %mul3A_118, %add3A_119 : i32
        %dma_wait3A_121 = arith.constant 0 : i32
        %dma_wait3A_122 = arith.constant 0 : i32
        %dma_wait3A_123 = tpu.memref_slice %arg2[%dma_wait3A_121, %dma_wait3A_122] : memref<10240x128xf32, #tpu.memory_space<hbm>> -> memref<10240x128xf32, #tpu.memory_space<hbm>>
        tpu.wait_indirect_dma semaphore(%arg16 : memref<!tpu.dma_semaphore, #tpu.memory_space<semaphore_mem>>) src(%dma_wait3A_123 : memref<10240x128xf32, #tpu.memory_space<hbm>>) dst(%arg13 : memref<128x128xf32, #tpu.memory_space<vmem>>)
        %dma_start3A_124 = arith.constant 0 : i32
        %dma_start3A_125 = tpu.memref_slice %arg12[%add3A_120, %dma_start3A_124] : memref<80x128xi32, #tpu.memory_space<vmem>> -> memref<1x128xi32, #tpu.memory_space<vmem>>
        %dma_start3A_126 = tpu.memref_squeeze %dma_start3A_125 : memref<1x128xi32, #tpu.memory_space<vmem>> -> memref<128xi32, #tpu.memory_space<vmem>>
        %dma_start3A_127 = arith.constant 0 : i32
        %dma_start3A_128 = arith.constant 0 : i32
        %dma_start3A_129 = tpu.memref_slice %arg15[%dma_start3A_127, %dma_start3A_128] : memref<10240x128xf32, #tpu.memory_space<vmem_shared>> -> memref<10240x128xf32, #tpu.memory_space<vmem_shared>>
        tpu.enqueue_indirect_dma source(%arg13 : memref<128x128xf32, #tpu.memory_space<vmem>>) target(%dma_start3A_129 : memref<10240x128xf32, #tpu.memory_space<vmem_shared>>) offsets(%dma_start3A_126 : memref<128xi32, #tpu.memory_space<vmem>>) semaphore(%arg20 : memref<!tpu.dma_semaphore, #tpu.memory_space<semaphore_mem>>) {add = true}
        %lt3A = arith.constant 78 : i32
        %lt3A_130 = arith.cmpi slt, %add3A_120, %lt3A : i32
        %convert_element_type3A_131 = arith.extui %lt3A_130 : i1 to i32
        %cond3A_132 = arith.constant 0 : i32
        %cond3A_133 = arith.cmpi ne, %convert_element_type3A_131, %cond3A_132 : i32
        scf.if %cond3A_133 {
          %add3A_162 = arith.constant 2 : i32
          %add3A_163 = arith.addi %add3A_120, %add3A_162 : i32
          %mul3A_164 = arith.constant 80 : i32
          %mul3A_165 = arith.muli %arg1, %mul3A_164 : i32
          %add3A_166 = arith.addi %mul3A_165, %add3A_163 : i32
          %dma_start3A_167 = arith.constant 0 : i32
          %dma_start3A_168 = tpu.memref_slice %arg6[%add3A_166, %dma_start3A_167] : memref<1280x128xi32, #tpu.memory_space<hbm>> -> memref<1x128xi32, #tpu.memory_space<hbm>>
          %dma_start3A_169 = tpu.memref_squeeze %dma_start3A_168 : memref<1x128xi32, #tpu.memory_space<hbm>> -> memref<128xi32, #tpu.memory_space<hbm>>
          %dma_start3A_170 = arith.constant 0 : i32
          %dma_start3A_171 = tpu.memref_slice %arg6[%add3A_166, %dma_start3A_170] : memref<1280x128xi32, #tpu.memory_space<hbm>> -> memref<1x128xi32, #tpu.memory_space<hbm>>
          %dma_start3A_172 = tpu.memref_squeeze %dma_start3A_171 : memref<1x128xi32, #tpu.memory_space<hbm>> -> memref<128xi32, #tpu.memory_space<hbm>>
          tpu.enqueue_dma source(%dma_start3A_172 : memref<128xi32, #tpu.memory_space<hbm>>) target(%arg10 : memref<128xi32, #tpu.memory_space<vmem>>) target_semaphore(%arg18 : memref<!tpu.dma_semaphore, #tpu.memory_space<semaphore_mem>>)
        } else {
        }
        %lt3A_134 = arith.constant 79 : i32
        %lt3A_135 = arith.cmpi slt, %add3A_120, %lt3A_134 : i32
        %convert_element_type3A_136 = arith.extui %lt3A_135 : i1 to i32
        %cond3A_137 = arith.constant 0 : i32
        %cond3A_138 = arith.cmpi ne, %convert_element_type3A_136, %cond3A_137 : i32
        scf.if %cond3A_138 {
          %add3A_162 = arith.constant 1 : i32
          %add3A_163 = arith.addi %add3A_120, %add3A_162 : i32
          %mul3A_164 = arith.constant 80 : i32
          %mul3A_165 = arith.muli %arg1, %mul3A_164 : i32
          %add3A_166 = arith.addi %mul3A_165, %add3A_163 : i32
          %dma_wait3A_167 = arith.constant 0 : i32
          %dma_wait3A_168 = tpu.memref_slice %arg6[%add3A_166, %dma_wait3A_167] : memref<1280x128xi32, #tpu.memory_space<hbm>> -> memref<1x128xi32, #tpu.memory_space<hbm>>
          %dma_wait3A_169 = tpu.memref_squeeze %dma_wait3A_168 : memref<1x128xi32, #tpu.memory_space<hbm>> -> memref<128xi32, #tpu.memory_space<hbm>>
          %dma_wait3A_170 = arith.constant 0 : i32
          %dma_wait3A_171 = tpu.memref_slice %arg6[%add3A_166, %dma_wait3A_170] : memref<1280x128xi32, #tpu.memory_space<hbm>> -> memref<1x128xi32, #tpu.memory_space<hbm>>
          %dma_wait3A_172 = tpu.memref_squeeze %dma_wait3A_171 : memref<1x128xi32, #tpu.memory_space<hbm>> -> memref<128xi32, #tpu.memory_space<hbm>>
          tpu.wait_dma2 semaphore(%arg19 : memref<!tpu.dma_semaphore, #tpu.memory_space<semaphore_mem>>) src(%dma_wait3A_172 : memref<128xi32, #tpu.memory_space<hbm>>) dst(%arg11 : memref<128xi32, #tpu.memory_space<vmem>>)
          %ge3A = arith.constant 1 : i32
          %ge3A_173 = arith.cmpi sge, %add3A_120, %ge3A : i32
          %convert_element_type3A_174 = arith.extui %ge3A_173 : i1 to i32
          %cond3A_175 = arith.constant 0 : i32
          %cond3A_176 = arith.cmpi ne, %convert_element_type3A_174, %cond3A_175 : i32
          scf.if %cond3A_176 {
            %add3A_182 = arith.constant 1 : i32
            %add3A_183 = arith.addi %add3A_120, %add3A_182 : i32
            %sub3A = arith.constant 2 : i32
            %sub3A_184 = arith.subi %add3A_183, %sub3A : i32
            %dma_wait3A_185 = arith.constant 0 : i32
            %dma_wait3A_186 = tpu.memref_slice %arg12[%sub3A_184, %dma_wait3A_185] : memref<80x128xi32, #tpu.memory_space<vmem>> -> memref<1x128xi32, #tpu.memory_space<vmem>>
            %dma_wait3A_187 = tpu.memref_squeeze %dma_wait3A_186 : memref<1x128xi32, #tpu.memory_space<vmem>> -> memref<128xi32, #tpu.memory_space<vmem>>
            %dma_wait3A_188 = arith.constant 0 : i32
            %dma_wait3A_189 = arith.constant 0 : i32
            %dma_wait3A_190 = tpu.memref_slice %arg15[%dma_wait3A_188, %dma_wait3A_189] : memref<10240x128xf32, #tpu.memory_space<vmem_shared>> -> memref<10240x128xf32, #tpu.memory_space<vmem_shared>>
            tpu.wait_indirect_dma semaphore(%arg21 : memref<!tpu.dma_semaphore, #tpu.memory_space<semaphore_mem>>) src(%arg14 : memref<128x128xf32, #tpu.memory_space<vmem>>) dst(%dma_wait3A_190 : memref<10240x128xf32, #tpu.memory_space<vmem_shared>>)
          } else {
          }
          %add3A_177 = arith.constant 1 : i32
          %add3A_178 = arith.addi %add3A_120, %add3A_177 : i32
          %dma_start3A_179 = arith.constant 0 : i32
          %dma_start3A_180 = arith.constant 0 : i32
          %dma_start3A_181 = tpu.memref_slice %arg2[%dma_start3A_179, %dma_start3A_180] : memref<10240x128xf32, #tpu.memory_space<hbm>> -> memref<10240x128xf32, #tpu.memory_space<hbm>>
          tpu.enqueue_indirect_dma source(%dma_start3A_181 : memref<10240x128xf32, #tpu.memory_space<hbm>>) target(%arg14 : memref<128x128xf32, #tpu.memory_space<vmem>>) offsets(%arg11 : memref<128xi32, #tpu.memory_space<vmem>>) semaphore(%arg17 : memref<!tpu.dma_semaphore, #tpu.memory_space<semaphore_mem>>)
        } else {
        }
        %mul3A_139 = arith.constant 2 : i32
        %mul3A_140 = arith.muli %mul3A_139, %add3A_116 : i32
        %add3A_141 = arith.constant 1 : i32
        %add3A_142 = arith.addi %mul3A_140, %add3A_141 : i32
        %dma_wait3A_143 = arith.constant 0 : i32
        %dma_wait3A_144 = arith.constant 0 : i32
        %dma_wait3A_145 = tpu.memref_slice %arg2[%dma_wait3A_143, %dma_wait3A_144] : memref<10240x128xf32, #tpu.memory_space<hbm>> -> memref<10240x128xf32, #tpu.memory_space<hbm>>
        tpu.wait_indirect_dma semaphore(%arg17 : memref<!tpu.dma_semaphore, #tpu.memory_space<semaphore_mem>>) src(%dma_wait3A_145 : memref<10240x128xf32, #tpu.memory_space<hbm>>) dst(%arg14 : memref<128x128xf32, #tpu.memory_space<vmem>>)
        %dma_start3A_146 = arith.constant 0 : i32
        %dma_start3A_147 = tpu.memref_slice %arg12[%add3A_142, %dma_start3A_146] : memref<80x128xi32, #tpu.memory_space<vmem>> -> memref<1x128xi32, #tpu.memory_space<vmem>>
        %dma_start3A_148 = tpu.memref_squeeze %dma_start3A_147 : memref<1x128xi32, #tpu.memory_space<vmem>> -> memref<128xi32, #tpu.memory_space<vmem>>
        %dma_start3A_149 = arith.constant 0 : i32
        %dma_start3A_150 = arith.constant 0 : i32
        %dma_start3A_151 = tpu.memref_slice %arg15[%dma_start3A_149, %dma_start3A_150] : memref<10240x128xf32, #tpu.memory_space<vmem_shared>> -> memref<10240x128xf32, #tpu.memory_space<vmem_shared>>
        tpu.enqueue_indirect_dma source(%arg14 : memref<128x128xf32, #tpu.memory_space<vmem>>) target(%dma_start3A_151 : memref<10240x128xf32, #tpu.memory_space<vmem_shared>>) offsets(%dma_start3A_148 : memref<128xi32, #tpu.memory_space<vmem>>) semaphore(%arg21 : memref<!tpu.dma_semaphore, #tpu.memory_space<semaphore_mem>>) {add = true}
        %lt3A_152 = arith.constant 78 : i32
        %lt3A_153 = arith.cmpi slt, %add3A_142, %lt3A_152 : i32
        %convert_element_type3A_154 = arith.extui %lt3A_153 : i1 to i32
        %cond3A_155 = arith.constant 0 : i32
        %cond3A_156 = arith.cmpi ne, %convert_element_type3A_154, %cond3A_155 : i32
        scf.if %cond3A_156 {
          %add3A_162 = arith.constant 2 : i32
          %add3A_163 = arith.addi %add3A_142, %add3A_162 : i32
          %mul3A_164 = arith.constant 80 : i32
          %mul3A_165 = arith.muli %arg1, %mul3A_164 : i32
          %add3A_166 = arith.addi %mul3A_165, %add3A_163 : i32
          %dma_start3A_167 = arith.constant 0 : i32
          %dma_start3A_168 = tpu.memref_slice %arg6[%add3A_166, %dma_start3A_167] : memref<1280x128xi32, #tpu.memory_space<hbm>> -> memref<1x128xi32, #tpu.memory_space<hbm>>
          %dma_start3A_169 = tpu.memref_squeeze %dma_start3A_168 : memref<1x128xi32, #tpu.memory_space<hbm>> -> memref<128xi32, #tpu.memory_space<hbm>>
          %dma_start3A_170 = arith.constant 0 : i32
          %dma_start3A_171 = tpu.memref_slice %arg6[%add3A_166, %dma_start3A_170] : memref<1280x128xi32, #tpu.memory_space<hbm>> -> memref<1x128xi32, #tpu.memory_space<hbm>>
          %dma_start3A_172 = tpu.memref_squeeze %dma_start3A_171 : memref<1x128xi32, #tpu.memory_space<hbm>> -> memref<128xi32, #tpu.memory_space<hbm>>
          tpu.enqueue_dma source(%dma_start3A_172 : memref<128xi32, #tpu.memory_space<hbm>>) target(%arg11 : memref<128xi32, #tpu.memory_space<vmem>>) target_semaphore(%arg19 : memref<!tpu.dma_semaphore, #tpu.memory_space<semaphore_mem>>)
        } else {
        }
        %lt3A_157 = arith.constant 79 : i32
        %lt3A_158 = arith.cmpi slt, %add3A_142, %lt3A_157 : i32
        %convert_element_type3A_159 = arith.extui %lt3A_158 : i1 to i32
        %cond3A_160 = arith.constant 0 : i32
        %cond3A_161 = arith.cmpi ne, %convert_element_type3A_159, %cond3A_160 : i32
        scf.if %cond3A_161 {
          %add3A_162 = arith.constant 1 : i32
          %add3A_163 = arith.addi %add3A_142, %add3A_162 : i32
          %mul3A_164 = arith.constant 80 : i32
          %mul3A_165 = arith.muli %arg1, %mul3A_164 : i32
          %add3A_166 = arith.addi %mul3A_165, %add3A_163 : i32
          %dma_wait3A_167 = arith.constant 0 : i32
          %dma_wait3A_168 = tpu.memref_slice %arg6[%add3A_166, %dma_wait3A_167] : memref<1280x128xi32, #tpu.memory_space<hbm>> -> memref<1x128xi32, #tpu.memory_space<hbm>>
          %dma_wait3A_169 = tpu.memref_squeeze %dma_wait3A_168 : memref<1x128xi32, #tpu.memory_space<hbm>> -> memref<128xi32, #tpu.memory_space<hbm>>
          %dma_wait3A_170 = arith.constant 0 : i32
          %dma_wait3A_171 = tpu.memref_slice %arg6[%add3A_166, %dma_wait3A_170] : memref<1280x128xi32, #tpu.memory_space<hbm>> -> memref<1x128xi32, #tpu.memory_space<hbm>>
          %dma_wait3A_172 = tpu.memref_squeeze %dma_wait3A_171 : memref<1x128xi32, #tpu.memory_space<hbm>> -> memref<128xi32, #tpu.memory_space<hbm>>
          tpu.wait_dma2 semaphore(%arg18 : memref<!tpu.dma_semaphore, #tpu.memory_space<semaphore_mem>>) src(%dma_wait3A_172 : memref<128xi32, #tpu.memory_space<hbm>>) dst(%arg10 : memref<128xi32, #tpu.memory_space<vmem>>)
          %ge3A = arith.constant 1 : i32
          %ge3A_173 = arith.cmpi sge, %add3A_142, %ge3A : i32
          %convert_element_type3A_174 = arith.extui %ge3A_173 : i1 to i32
          %cond3A_175 = arith.constant 0 : i32
          %cond3A_176 = arith.cmpi ne, %convert_element_type3A_174, %cond3A_175 : i32
          scf.if %cond3A_176 {
            %add3A_182 = arith.constant 1 : i32
            %add3A_183 = arith.addi %add3A_142, %add3A_182 : i32
            %sub3A = arith.constant 2 : i32
            %sub3A_184 = arith.subi %add3A_183, %sub3A : i32
            %dma_wait3A_185 = arith.constant 0 : i32
            %dma_wait3A_186 = tpu.memref_slice %arg12[%sub3A_184, %dma_wait3A_185] : memref<80x128xi32, #tpu.memory_space<vmem>> -> memref<1x128xi32, #tpu.memory_space<vmem>>
            %dma_wait3A_187 = tpu.memref_squeeze %dma_wait3A_186 : memref<1x128xi32, #tpu.memory_space<vmem>> -> memref<128xi32, #tpu.memory_space<vmem>>
            %dma_wait3A_188 = arith.constant 0 : i32
            %dma_wait3A_189 = arith.constant 0 : i32
            %dma_wait3A_190 = tpu.memref_slice %arg15[%dma_wait3A_188, %dma_wait3A_189] : memref<10240x128xf32, #tpu.memory_space<vmem_shared>> -> memref<10240x128xf32, #tpu.memory_space<vmem_shared>>
            tpu.wait_indirect_dma semaphore(%arg20 : memref<!tpu.dma_semaphore, #tpu.memory_space<semaphore_mem>>) src(%arg13 : memref<128x128xf32, #tpu.memory_space<vmem>>) dst(%dma_wait3A_190 : memref<10240x128xf32, #tpu.memory_space<vmem_shared>>)
          } else {
          }
          %add3A_177 = arith.constant 1 : i32
          %add3A_178 = arith.addi %add3A_142, %add3A_177 : i32
          %dma_start3A_179 = arith.constant 0 : i32
          %dma_start3A_180 = arith.constant 0 : i32
          %dma_start3A_181 = tpu.memref_slice %arg2[%dma_start3A_179, %dma_start3A_180] : memref<10240x128xf32, #tpu.memory_space<hbm>> -> memref<10240x128xf32, #tpu.memory_space<hbm>>
          tpu.enqueue_indirect_dma source(%dma_start3A_181 : memref<10240x128xf32, #tpu.memory_space<hbm>>) target(%arg13 : memref<128x128xf32, #tpu.memory_space<vmem>>) offsets(%arg10 : memref<128xi32, #tpu.memory_space<vmem>>) semaphore(%arg16 : memref<!tpu.dma_semaphore, #tpu.memory_space<semaphore_mem>>)
        } else {
        }
      }
      %scan3A_41 = arith.constant 40 : i32
      %dma_wait3A_42 = arith.constant 78 : i32
      %dma_wait3A_43 = arith.constant 0 : i32
      %dma_wait3A_44 = tpu.memref_slice %arg12[%dma_wait3A_42, %dma_wait3A_43] : memref<80x128xi32, #tpu.memory_space<vmem>> -> memref<1x128xi32, #tpu.memory_space<vmem>>
      %dma_wait3A_45 = tpu.memref_squeeze %dma_wait3A_44 : memref<1x128xi32, #tpu.memory_space<vmem>> -> memref<128xi32, #tpu.memory_space<vmem>>
      %dma_wait3A_46 = arith.constant 0 : i32
      %dma_wait3A_47 = arith.constant 0 : i32
      %dma_wait3A_48 = tpu.memref_slice %arg15[%dma_wait3A_46, %dma_wait3A_47] : memref<10240x128xf32, #tpu.memory_space<vmem_shared>> -> memref<10240x128xf32, #tpu.memory_space<vmem_shared>>
      tpu.wait_indirect_dma semaphore(%arg20 : memref<!tpu.dma_semaphore, #tpu.memory_space<semaphore_mem>>) src(%arg13 : memref<128x128xf32, #tpu.memory_space<vmem>>) dst(%dma_wait3A_48 : memref<10240x128xf32, #tpu.memory_space<vmem_shared>>)
      %dma_wait3A_49 = arith.constant 79 : i32
      %dma_wait3A_50 = arith.constant 0 : i32
      %dma_wait3A_51 = tpu.memref_slice %arg12[%dma_wait3A_49, %dma_wait3A_50] : memref<80x128xi32, #tpu.memory_space<vmem>> -> memref<1x128xi32, #tpu.memory_space<vmem>>
      %dma_wait3A_52 = tpu.memref_squeeze %dma_wait3A_51 : memref<1x128xi32, #tpu.memory_space<vmem>> -> memref<128xi32, #tpu.memory_space<vmem>>
      %dma_wait3A_53 = arith.constant 0 : i32
      %dma_wait3A_54 = arith.constant 0 : i32
      %dma_wait3A_55 = tpu.memref_slice %arg15[%dma_wait3A_53, %dma_wait3A_54] : memref<10240x128xf32, #tpu.memory_space<vmem_shared>> -> memref<10240x128xf32, #tpu.memory_space<vmem_shared>>
      tpu.wait_indirect_dma semaphore(%arg21 : memref<!tpu.dma_semaphore, #tpu.memory_space<semaphore_mem>>) src(%arg14 : memref<128x128xf32, #tpu.memory_space<vmem>>) dst(%dma_wait3A_55 : memref<10240x128xf32, #tpu.memory_space<vmem_shared>>)
      %barrier3A_56 = arith.constant 0 : index
      tpu.barrier barrier_id(%barrier3A_56)
      %run_scoped3A = arith.constant 0 : i32
      "tpu.region"() ({
        %run_scoped3A_112 = tpu.sem_alloc : memref<!tpu.dma_semaphore, #tpu.memory_space<semaphore_mem>>
        %dma_start3A_113 = arith.constant 0 : i32
        %dma_start3A_114 = tpu.memref_slice %arg9[%run_scoped3A, %mul3A_0, %dma_start3A_113] : memref<4x10240x128xf32, #tpu.memory_space<hbm>> -> memref<1x640x128xf32, #tpu.memory_space<hbm>>
        %dma_start3A_115 = tpu.memref_squeeze %dma_start3A_114 : memref<1x640x128xf32, #tpu.memory_space<hbm>> -> memref<640x128xf32, #tpu.memory_space<hbm>>
        %dma_start3A_116 = arith.constant 0 : i32
        %dma_start3A_117 = tpu.memref_slice %arg15[%mul3A_0, %dma_start3A_116] : memref<10240x128xf32, #tpu.memory_space<vmem_shared>> -> memref<640x128xf32, #tpu.memory_space<vmem_shared>>
        tpu.enqueue_dma source(%dma_start3A_117 : memref<640x128xf32, #tpu.memory_space<vmem_shared>>) target(%dma_start3A_115 : memref<640x128xf32, #tpu.memory_space<hbm>>) target_semaphore(%run_scoped3A_112 : memref<!tpu.dma_semaphore, #tpu.memory_space<semaphore_mem>>)
        %dma_wait3A_118 = arith.constant 0 : i32
        %dma_wait3A_119 = tpu.memref_slice %arg9[%run_scoped3A, %mul3A_0, %dma_wait3A_118] : memref<4x10240x128xf32, #tpu.memory_space<hbm>> -> memref<1x640x128xf32, #tpu.memory_space<hbm>>
        %dma_wait3A_120 = tpu.memref_squeeze %dma_wait3A_119 : memref<1x640x128xf32, #tpu.memory_space<hbm>> -> memref<640x128xf32, #tpu.memory_space<hbm>>
        %dma_wait3A_121 = arith.constant 0 : i32
        %dma_wait3A_122 = tpu.memref_slice %arg15[%mul3A_0, %dma_wait3A_121] : memref<10240x128xf32, #tpu.memory_space<vmem_shared>> -> memref<640x128xf32, #tpu.memory_space<vmem_shared>>
        tpu.wait_dma2 semaphore(%run_scoped3A_112 : memref<!tpu.dma_semaphore, #tpu.memory_space<semaphore_mem>>) src(%dma_wait3A_122 : memref<640x128xf32, #tpu.memory_space<vmem_shared>>) dst(%dma_wait3A_120 : memref<640x128xf32, #tpu.memory_space<hbm>>)
        tpu.yield
      }) : () -> ()
      "tpu.region"() ({
        %run_scoped3A_112 = tpu.sem_alloc : memref<!tpu.dma_semaphore, #tpu.memory_space<semaphore_mem>>
        %dma_start3A_113 = arith.constant 0 : i32
        %dma_start3A_114 = tpu.memref_slice %arg15[%mul3A_0, %dma_start3A_113] : memref<10240x128xf32, #tpu.memory_space<vmem_shared>> -> memref<640x128xf32, #tpu.memory_space<vmem_shared>>
        tpu.enqueue_dma source(%arg8 : memref<640x128xf32, #tpu.memory_space<hbm>>) target(%dma_start3A_114 : memref<640x128xf32, #tpu.memory_space<vmem_shared>>) target_semaphore(%run_scoped3A_112 : memref<!tpu.dma_semaphore, #tpu.memory_space<semaphore_mem>>)
        %dma_wait3A_115 = arith.constant 0 : i32
        %dma_wait3A_116 = tpu.memref_slice %arg15[%mul3A_0, %dma_wait3A_115] : memref<10240x128xf32, #tpu.memory_space<vmem_shared>> -> memref<640x128xf32, #tpu.memory_space<vmem_shared>>
        tpu.wait_dma2 semaphore(%run_scoped3A_112 : memref<!tpu.dma_semaphore, #tpu.memory_space<semaphore_mem>>) src(%arg8 : memref<640x128xf32, #tpu.memory_space<hbm>>) dst(%dma_wait3A_116 : memref<640x128xf32, #tpu.memory_space<vmem_shared>>)
        tpu.yield
      }) : () -> ()
      %barrier3A_57 = arith.constant 0 : index
      tpu.barrier barrier_id(%barrier3A_57)
      %mul3A_58 = arith.constant 80 : i32
      %mul3A_59 = arith.muli %arg1, %mul3A_58 : i32
      %add3A_60 = arith.constant 0 : i32
      %add3A_61 = arith.addi %mul3A_59, %add3A_60 : i32
      %dma_start3A_62 = arith.constant 0 : i32
      %dma_start3A_63 = tpu.memref_slice %arg6[%add3A_61, %dma_start3A_62] : memref<1280x128xi32, #tpu.memory_space<hbm>> -> memref<1x128xi32, #tpu.memory_space<hbm>>
      %dma_start3A_64 = tpu.memref_squeeze %dma_start3A_63 : memref<1x128xi32, #tpu.memory_space<hbm>> -> memref<128xi32, #tpu.memory_space<hbm>>
      %dma_start3A_65 = arith.constant 0 : i32
      %dma_start3A_66 = tpu.memref_slice %arg6[%add3A_61, %dma_start3A_65] : memref<1280x128xi32, #tpu.memory_space<hbm>> -> memref<1x128xi32, #tpu.memory_space<hbm>>
      %dma_start3A_67 = tpu.memref_squeeze %dma_start3A_66 : memref<1x128xi32, #tpu.memory_space<hbm>> -> memref<128xi32, #tpu.memory_space<hbm>>
      tpu.enqueue_dma source(%dma_start3A_67 : memref<128xi32, #tpu.memory_space<hbm>>) target(%arg10 : memref<128xi32, #tpu.memory_space<vmem>>) target_semaphore(%arg18 : memref<!tpu.dma_semaphore, #tpu.memory_space<semaphore_mem>>)
      %mul3A_68 = arith.constant 80 : i32
      %mul3A_69 = arith.muli %arg1, %mul3A_68 : i32
      %add3A_70 = arith.constant 1 : i32
      %add3A_71 = arith.addi %mul3A_69, %add3A_70 : i32
      %dma_start3A_72 = arith.constant 0 : i32
      %dma_start3A_73 = tpu.memref_slice %arg6[%add3A_71, %dma_start3A_72] : memref<1280x128xi32, #tpu.memory_space<hbm>> -> memref<1x128xi32, #tpu.memory_space<hbm>>
      %dma_start3A_74 = tpu.memref_squeeze %dma_start3A_73 : memref<1x128xi32, #tpu.memory_space<hbm>> -> memref<128xi32, #tpu.memory_space<hbm>>
      %dma_start3A_75 = arith.constant 0 : i32
      %dma_start3A_76 = tpu.memref_slice %arg6[%add3A_71, %dma_start3A_75] : memref<1280x128xi32, #tpu.memory_space<hbm>> -> memref<1x128xi32, #tpu.memory_space<hbm>>
      %dma_start3A_77 = tpu.memref_squeeze %dma_start3A_76 : memref<1x128xi32, #tpu.memory_space<hbm>> -> memref<128xi32, #tpu.memory_space<hbm>>
      tpu.enqueue_dma source(%dma_start3A_77 : memref<128xi32, #tpu.memory_space<hbm>>) target(%arg11 : memref<128xi32, #tpu.memory_space<vmem>>) target_semaphore(%arg19 : memref<!tpu.dma_semaphore, #tpu.memory_space<semaphore_mem>>)
      %mul3A_78 = arith.constant 80 : i32
      %mul3A_79 = arith.muli %arg1, %mul3A_78 : i32
      %add3A_80 = arith.constant 0 : i32
      %add3A_81 = arith.addi %mul3A_79, %add3A_80 : i32
      %dma_wait3A_82 = arith.constant 0 : i32
      %dma_wait3A_83 = tpu.memref_slice %arg6[%add3A_81, %dma_wait3A_82] : memref<1280x128xi32, #tpu.memory_space<hbm>> -> memref<1x128xi32, #tpu.memory_space<hbm>>
      %dma_wait3A_84 = tpu.memref_squeeze %dma_wait3A_83 : memref<1x128xi32, #tpu.memory_space<hbm>> -> memref<128xi32, #tpu.memory_space<hbm>>
      %dma_wait3A_85 = arith.constant 0 : i32
      %dma_wait3A_86 = tpu.memref_slice %arg6[%add3A_81, %dma_wait3A_85] : memref<1280x128xi32, #tpu.memory_space<hbm>> -> memref<1x128xi32, #tpu.memory_space<hbm>>
      %dma_wait3A_87 = tpu.memref_squeeze %dma_wait3A_86 : memref<1x128xi32, #tpu.memory_space<hbm>> -> memref<128xi32, #tpu.memory_space<hbm>>
      tpu.wait_dma2 semaphore(%arg18 : memref<!tpu.dma_semaphore, #tpu.memory_space<semaphore_mem>>) src(%dma_wait3A_87 : memref<128xi32, #tpu.memory_space<hbm>>) dst(%arg10 : memref<128xi32, #tpu.memory_space<vmem>>)
      %dma_start3A_88 = arith.constant 0 : i32
      %dma_start3A_89 = arith.constant 0 : i32
      %dma_start3A_90 = tpu.memref_slice %arg3[%dma_start3A_88, %dma_start3A_89] : memref<10240x128xf32, #tpu.memory_space<hbm>> -> memref<10240x128xf32, #tpu.memory_space<hbm>>
      tpu.enqueue_indirect_dma source(%dma_start3A_90 : memref<10240x128xf32, #tpu.memory_space<hbm>>) target(%arg13 : memref<128x128xf32, #tpu.memory_space<vmem>>) offsets(%arg10 : memref<128xi32, #tpu.memory_space<vmem>>) semaphore(%arg16 : memref<!tpu.dma_semaphore, #tpu.memory_space<semaphore_mem>>)
      %scan3A_91 = arith.constant 0 : i32
      %scan3A_92 = arith.constant 40 : i32
      %scan3A_93 = arith.addi %scan3A_91, %scan3A_92 : i32
      %scan3A_94 = arith.constant 1 : i32
      scf.for %scan3A_112 = %scan3A_91 to %scan3A_93 step %scan3A_94  : i32 {
        %mul3A_113 = arith.constant 1 : i32
        %mul3A_114 = arith.muli %scan3A_112, %mul3A_113 : i32
        %add3A_115 = arith.constant 0 : i32
        %add3A_116 = arith.addi %add3A_115, %mul3A_114 : i32
        %mul3A_117 = arith.constant 2 : i32
        %mul3A_118 = arith.muli %mul3A_117, %add3A_116 : i32
        %add3A_119 = arith.constant 0 : i32
        %add3A_120 = arith.addi %mul3A_118, %add3A_119 : i32
        %dma_wait3A_121 = arith.constant 0 : i32
        %dma_wait3A_122 = arith.constant 0 : i32
        %dma_wait3A_123 = tpu.memref_slice %arg3[%dma_wait3A_121, %dma_wait3A_122] : memref<10240x128xf32, #tpu.memory_space<hbm>> -> memref<10240x128xf32, #tpu.memory_space<hbm>>
        tpu.wait_indirect_dma semaphore(%arg16 : memref<!tpu.dma_semaphore, #tpu.memory_space<semaphore_mem>>) src(%dma_wait3A_123 : memref<10240x128xf32, #tpu.memory_space<hbm>>) dst(%arg13 : memref<128x128xf32, #tpu.memory_space<vmem>>)
        %dma_start3A_124 = arith.constant 0 : i32
        %dma_start3A_125 = tpu.memref_slice %arg12[%add3A_120, %dma_start3A_124] : memref<80x128xi32, #tpu.memory_space<vmem>> -> memref<1x128xi32, #tpu.memory_space<vmem>>
        %dma_start3A_126 = tpu.memref_squeeze %dma_start3A_125 : memref<1x128xi32, #tpu.memory_space<vmem>> -> memref<128xi32, #tpu.memory_space<vmem>>
        %dma_start3A_127 = arith.constant 0 : i32
        %dma_start3A_128 = arith.constant 0 : i32
        %dma_start3A_129 = tpu.memref_slice %arg15[%dma_start3A_127, %dma_start3A_128] : memref<10240x128xf32, #tpu.memory_space<vmem_shared>> -> memref<10240x128xf32, #tpu.memory_space<vmem_shared>>
        tpu.enqueue_indirect_dma source(%arg13 : memref<128x128xf32, #tpu.memory_space<vmem>>) target(%dma_start3A_129 : memref<10240x128xf32, #tpu.memory_space<vmem_shared>>) offsets(%dma_start3A_126 : memref<128xi32, #tpu.memory_space<vmem>>) semaphore(%arg20 : memref<!tpu.dma_semaphore, #tpu.memory_space<semaphore_mem>>) {add = true}
        %lt3A = arith.constant 78 : i32
        %lt3A_130 = arith.cmpi slt, %add3A_120, %lt3A : i32
        %convert_element_type3A_131 = arith.extui %lt3A_130 : i1 to i32
        %cond3A_132 = arith.constant 0 : i32
        %cond3A_133 = arith.cmpi ne, %convert_element_type3A_131, %cond3A_132 : i32
        scf.if %cond3A_133 {
          %add3A_162 = arith.constant 2 : i32
          %add3A_163 = arith.addi %add3A_120, %add3A_162 : i32
          %mul3A_164 = arith.constant 80 : i32
          %mul3A_165 = arith.muli %arg1, %mul3A_164 : i32
          %add3A_166 = arith.addi %mul3A_165, %add3A_163 : i32
          %dma_start3A_167 = arith.constant 0 : i32
          %dma_start3A_168 = tpu.memref_slice %arg6[%add3A_166, %dma_start3A_167] : memref<1280x128xi32, #tpu.memory_space<hbm>> -> memref<1x128xi32, #tpu.memory_space<hbm>>
          %dma_start3A_169 = tpu.memref_squeeze %dma_start3A_168 : memref<1x128xi32, #tpu.memory_space<hbm>> -> memref<128xi32, #tpu.memory_space<hbm>>
          %dma_start3A_170 = arith.constant 0 : i32
          %dma_start3A_171 = tpu.memref_slice %arg6[%add3A_166, %dma_start3A_170] : memref<1280x128xi32, #tpu.memory_space<hbm>> -> memref<1x128xi32, #tpu.memory_space<hbm>>
          %dma_start3A_172 = tpu.memref_squeeze %dma_start3A_171 : memref<1x128xi32, #tpu.memory_space<hbm>> -> memref<128xi32, #tpu.memory_space<hbm>>
          tpu.enqueue_dma source(%dma_start3A_172 : memref<128xi32, #tpu.memory_space<hbm>>) target(%arg10 : memref<128xi32, #tpu.memory_space<vmem>>) target_semaphore(%arg18 : memref<!tpu.dma_semaphore, #tpu.memory_space<semaphore_mem>>)
        } else {
        }
        %lt3A_134 = arith.constant 79 : i32
        %lt3A_135 = arith.cmpi slt, %add3A_120, %lt3A_134 : i32
        %convert_element_type3A_136 = arith.extui %lt3A_135 : i1 to i32
        %cond3A_137 = arith.constant 0 : i32
        %cond3A_138 = arith.cmpi ne, %convert_element_type3A_136, %cond3A_137 : i32
        scf.if %cond3A_138 {
          %add3A_162 = arith.constant 1 : i32
          %add3A_163 = arith.addi %add3A_120, %add3A_162 : i32
          %mul3A_164 = arith.constant 80 : i32
          %mul3A_165 = arith.muli %arg1, %mul3A_164 : i32
          %add3A_166 = arith.addi %mul3A_165, %add3A_163 : i32
          %dma_wait3A_167 = arith.constant 0 : i32
          %dma_wait3A_168 = tpu.memref_slice %arg6[%add3A_166, %dma_wait3A_167] : memref<1280x128xi32, #tpu.memory_space<hbm>> -> memref<1x128xi32, #tpu.memory_space<hbm>>
          %dma_wait3A_169 = tpu.memref_squeeze %dma_wait3A_168 : memref<1x128xi32, #tpu.memory_space<hbm>> -> memref<128xi32, #tpu.memory_space<hbm>>
          %dma_wait3A_170 = arith.constant 0 : i32
          %dma_wait3A_171 = tpu.memref_slice %arg6[%add3A_166, %dma_wait3A_170] : memref<1280x128xi32, #tpu.memory_space<hbm>> -> memref<1x128xi32, #tpu.memory_space<hbm>>
          %dma_wait3A_172 = tpu.memref_squeeze %dma_wait3A_171 : memref<1x128xi32, #tpu.memory_space<hbm>> -> memref<128xi32, #tpu.memory_space<hbm>>
          tpu.wait_dma2 semaphore(%arg19 : memref<!tpu.dma_semaphore, #tpu.memory_space<semaphore_mem>>) src(%dma_wait3A_172 : memref<128xi32, #tpu.memory_space<hbm>>) dst(%arg11 : memref<128xi32, #tpu.memory_space<vmem>>)
          %ge3A = arith.constant 1 : i32
          %ge3A_173 = arith.cmpi sge, %add3A_120, %ge3A : i32
          %convert_element_type3A_174 = arith.extui %ge3A_173 : i1 to i32
          %cond3A_175 = arith.constant 0 : i32
          %cond3A_176 = arith.cmpi ne, %convert_element_type3A_174, %cond3A_175 : i32
          scf.if %cond3A_176 {
            %add3A_182 = arith.constant 1 : i32
            %add3A_183 = arith.addi %add3A_120, %add3A_182 : i32
            %sub3A = arith.constant 2 : i32
            %sub3A_184 = arith.subi %add3A_183, %sub3A : i32
            %dma_wait3A_185 = arith.constant 0 : i32
            %dma_wait3A_186 = tpu.memref_slice %arg12[%sub3A_184, %dma_wait3A_185] : memref<80x128xi32, #tpu.memory_space<vmem>> -> memref<1x128xi32, #tpu.memory_space<vmem>>
            %dma_wait3A_187 = tpu.memref_squeeze %dma_wait3A_186 : memref<1x128xi32, #tpu.memory_space<vmem>> -> memref<128xi32, #tpu.memory_space<vmem>>
            %dma_wait3A_188 = arith.constant 0 : i32
            %dma_wait3A_189 = arith.constant 0 : i32
            %dma_wait3A_190 = tpu.memref_slice %arg15[%dma_wait3A_188, %dma_wait3A_189] : memref<10240x128xf32, #tpu.memory_space<vmem_shared>> -> memref<10240x128xf32, #tpu.memory_space<vmem_shared>>
            tpu.wait_indirect_dma semaphore(%arg21 : memref<!tpu.dma_semaphore, #tpu.memory_space<semaphore_mem>>) src(%arg14 : memref<128x128xf32, #tpu.memory_space<vmem>>) dst(%dma_wait3A_190 : memref<10240x128xf32, #tpu.memory_space<vmem_shared>>)
          } else {
          }
          %add3A_177 = arith.constant 1 : i32
          %add3A_178 = arith.addi %add3A_120, %add3A_177 : i32
          %dma_start3A_179 = arith.constant 0 : i32
          %dma_start3A_180 = arith.constant 0 : i32
          %dma_start3A_181 = tpu.memref_slice %arg3[%dma_start3A_179, %dma_start3A_180] : memref<10240x128xf32, #tpu.memory_space<hbm>> -> memref<10240x128xf32, #tpu.memory_space<hbm>>
          tpu.enqueue_indirect_dma source(%dma_start3A_181 : memref<10240x128xf32, #tpu.memory_space<hbm>>) target(%arg14 : memref<128x128xf32, #tpu.memory_space<vmem>>) offsets(%arg11 : memref<128xi32, #tpu.memory_space<vmem>>) semaphore(%arg17 : memref<!tpu.dma_semaphore, #tpu.memory_space<semaphore_mem>>)
        } else {
        }
        %mul3A_139 = arith.constant 2 : i32
        %mul3A_140 = arith.muli %mul3A_139, %add3A_116 : i32
        %add3A_141 = arith.constant 1 : i32
        %add3A_142 = arith.addi %mul3A_140, %add3A_141 : i32
        %dma_wait3A_143 = arith.constant 0 : i32
        %dma_wait3A_144 = arith.constant 0 : i32
        %dma_wait3A_145 = tpu.memref_slice %arg3[%dma_wait3A_143, %dma_wait3A_144] : memref<10240x128xf32, #tpu.memory_space<hbm>> -> memref<10240x128xf32, #tpu.memory_space<hbm>>
        tpu.wait_indirect_dma semaphore(%arg17 : memref<!tpu.dma_semaphore, #tpu.memory_space<semaphore_mem>>) src(%dma_wait3A_145 : memref<10240x128xf32, #tpu.memory_space<hbm>>) dst(%arg14 : memref<128x128xf32, #tpu.memory_space<vmem>>)
        %dma_start3A_146 = arith.constant 0 : i32
        %dma_start3A_147 = tpu.memref_slice %arg12[%add3A_142, %dma_start3A_146] : memref<80x128xi32, #tpu.memory_space<vmem>> -> memref<1x128xi32, #tpu.memory_space<vmem>>
        %dma_start3A_148 = tpu.memref_squeeze %dma_start3A_147 : memref<1x128xi32, #tpu.memory_space<vmem>> -> memref<128xi32, #tpu.memory_space<vmem>>
        %dma_start3A_149 = arith.constant 0 : i32
        %dma_start3A_150 = arith.constant 0 : i32
        %dma_start3A_151 = tpu.memref_slice %arg15[%dma_start3A_149, %dma_start3A_150] : memref<10240x128xf32, #tpu.memory_space<vmem_shared>> -> memref<10240x128xf32, #tpu.memory_space<vmem_shared>>
        tpu.enqueue_indirect_dma source(%arg14 : memref<128x128xf32, #tpu.memory_space<vmem>>) target(%dma_start3A_151 : memref<10240x128xf32, #tpu.memory_space<vmem_shared>>) offsets(%dma_start3A_148 : memref<128xi32, #tpu.memory_space<vmem>>) semaphore(%arg21 : memref<!tpu.dma_semaphore, #tpu.memory_space<semaphore_mem>>) {add = true}
        %lt3A_152 = arith.constant 78 : i32
        %lt3A_153 = arith.cmpi slt, %add3A_142, %lt3A_152 : i32
        %convert_element_type3A_154 = arith.extui %lt3A_153 : i1 to i32
        %cond3A_155 = arith.constant 0 : i32
        %cond3A_156 = arith.cmpi ne, %convert_element_type3A_154, %cond3A_155 : i32
        scf.if %cond3A_156 {
          %add3A_162 = arith.constant 2 : i32
          %add3A_163 = arith.addi %add3A_142, %add3A_162 : i32
          %mul3A_164 = arith.constant 80 : i32
          %mul3A_165 = arith.muli %arg1, %mul3A_164 : i32
          %add3A_166 = arith.addi %mul3A_165, %add3A_163 : i32
          %dma_start3A_167 = arith.constant 0 : i32
          %dma_start3A_168 = tpu.memref_slice %arg6[%add3A_166, %dma_start3A_167] : memref<1280x128xi32, #tpu.memory_space<hbm>> -> memref<1x128xi32, #tpu.memory_space<hbm>>
          %dma_start3A_169 = tpu.memref_squeeze %dma_start3A_168 : memref<1x128xi32, #tpu.memory_space<hbm>> -> memref<128xi32, #tpu.memory_space<hbm>>
          %dma_start3A_170 = arith.constant 0 : i32
          %dma_start3A_171 = tpu.memref_slice %arg6[%add3A_166, %dma_start3A_170] : memref<1280x128xi32, #tpu.memory_space<hbm>> -> memref<1x128xi32, #tpu.memory_space<hbm>>
          %dma_start3A_172 = tpu.memref_squeeze %dma_start3A_171 : memref<1x128xi32, #tpu.memory_space<hbm>> -> memref<128xi32, #tpu.memory_space<hbm>>
          tpu.enqueue_dma source(%dma_start3A_172 : memref<128xi32, #tpu.memory_space<hbm>>) target(%arg11 : memref<128xi32, #tpu.memory_space<vmem>>) target_semaphore(%arg19 : memref<!tpu.dma_semaphore, #tpu.memory_space<semaphore_mem>>)
        } else {
        }
        %lt3A_157 = arith.constant 79 : i32
        %lt3A_158 = arith.cmpi slt, %add3A_142, %lt3A_157 : i32
        %convert_element_type3A_159 = arith.extui %lt3A_158 : i1 to i32
        %cond3A_160 = arith.constant 0 : i32
        %cond3A_161 = arith.cmpi ne, %convert_element_type3A_159, %cond3A_160 : i32
        scf.if %cond3A_161 {
          %add3A_162 = arith.constant 1 : i32
          %add3A_163 = arith.addi %add3A_142, %add3A_162 : i32
          %mul3A_164 = arith.constant 80 : i32
          %mul3A_165 = arith.muli %arg1, %mul3A_164 : i32
          %add3A_166 = arith.addi %mul3A_165, %add3A_163 : i32
          %dma_wait3A_167 = arith.constant 0 : i32
          %dma_wait3A_168 = tpu.memref_slice %arg6[%add3A_166, %dma_wait3A_167] : memref<1280x128xi32, #tpu.memory_space<hbm>> -> memref<1x128xi32, #tpu.memory_space<hbm>>
          %dma_wait3A_169 = tpu.memref_squeeze %dma_wait3A_168 : memref<1x128xi32, #tpu.memory_space<hbm>> -> memref<128xi32, #tpu.memory_space<hbm>>
          %dma_wait3A_170 = arith.constant 0 : i32
          %dma_wait3A_171 = tpu.memref_slice %arg6[%add3A_166, %dma_wait3A_170] : memref<1280x128xi32, #tpu.memory_space<hbm>> -> memref<1x128xi32, #tpu.memory_space<hbm>>
          %dma_wait3A_172 = tpu.memref_squeeze %dma_wait3A_171 : memref<1x128xi32, #tpu.memory_space<hbm>> -> memref<128xi32, #tpu.memory_space<hbm>>
          tpu.wait_dma2 semaphore(%arg18 : memref<!tpu.dma_semaphore, #tpu.memory_space<semaphore_mem>>) src(%dma_wait3A_172 : memref<128xi32, #tpu.memory_space<hbm>>) dst(%arg10 : memref<128xi32, #tpu.memory_space<vmem>>)
          %ge3A = arith.constant 1 : i32
          %ge3A_173 = arith.cmpi sge, %add3A_142, %ge3A : i32
          %convert_element_type3A_174 = arith.extui %ge3A_173 : i1 to i32
          %cond3A_175 = arith.constant 0 : i32
          %cond3A_176 = arith.cmpi ne, %convert_element_type3A_174, %cond3A_175 : i32
          scf.if %cond3A_176 {
            %add3A_182 = arith.constant 1 : i32
            %add3A_183 = arith.addi %add3A_142, %add3A_182 : i32
            %sub3A = arith.constant 2 : i32
            %sub3A_184 = arith.subi %add3A_183, %sub3A : i32
            %dma_wait3A_185 = arith.constant 0 : i32
            %dma_wait3A_186 = tpu.memref_slice %arg12[%sub3A_184, %dma_wait3A_185] : memref<80x128xi32, #tpu.memory_space<vmem>> -> memref<1x128xi32, #tpu.memory_space<vmem>>
            %dma_wait3A_187 = tpu.memref_squeeze %dma_wait3A_186 : memref<1x128xi32, #tpu.memory_space<vmem>> -> memref<128xi32, #tpu.memory_space<vmem>>
            %dma_wait3A_188 = arith.constant 0 : i32
            %dma_wait3A_189 = arith.constant 0 : i32
            %dma_wait3A_190 = tpu.memref_slice %arg15[%dma_wait3A_188, %dma_wait3A_189] : memref<10240x128xf32, #tpu.memory_space<vmem_shared>> -> memref<10240x128xf32, #tpu.memory_space<vmem_shared>>
            tpu.wait_indirect_dma semaphore(%arg20 : memref<!tpu.dma_semaphore, #tpu.memory_space<semaphore_mem>>) src(%arg13 : memref<128x128xf32, #tpu.memory_space<vmem>>) dst(%dma_wait3A_190 : memref<10240x128xf32, #tpu.memory_space<vmem_shared>>)
          } else {
          }
          %add3A_177 = arith.constant 1 : i32
          %add3A_178 = arith.addi %add3A_142, %add3A_177 : i32
          %dma_start3A_179 = arith.constant 0 : i32
          %dma_start3A_180 = arith.constant 0 : i32
          %dma_start3A_181 = tpu.memref_slice %arg3[%dma_start3A_179, %dma_start3A_180] : memref<10240x128xf32, #tpu.memory_space<hbm>> -> memref<10240x128xf32, #tpu.memory_space<hbm>>
          tpu.enqueue_indirect_dma source(%dma_start3A_181 : memref<10240x128xf32, #tpu.memory_space<hbm>>) target(%arg13 : memref<128x128xf32, #tpu.memory_space<vmem>>) offsets(%arg10 : memref<128xi32, #tpu.memory_space<vmem>>) semaphore(%arg16 : memref<!tpu.dma_semaphore, #tpu.memory_space<semaphore_mem>>)
        } else {
        }
      }
      %scan3A_95 = arith.constant 40 : i32
      %dma_wait3A_96 = arith.constant 78 : i32
      %dma_wait3A_97 = arith.constant 0 : i32
      %dma_wait3A_98 = tpu.memref_slice %arg12[%dma_wait3A_96, %dma_wait3A_97] : memref<80x128xi32, #tpu.memory_space<vmem>> -> memref<1x128xi32, #tpu.memory_space<vmem>>
      %dma_wait3A_99 = tpu.memref_squeeze %dma_wait3A_98 : memref<1x128xi32, #tpu.memory_space<vmem>> -> memref<128xi32, #tpu.memory_space<vmem>>
      %dma_wait3A_100 = arith.constant 0 : i32
      %dma_wait3A_101 = arith.constant 0 : i32
      %dma_wait3A_102 = tpu.memref_slice %arg15[%dma_wait3A_100, %dma_wait3A_101] : memref<10240x128xf32, #tpu.memory_space<vmem_shared>> -> memref<10240x128xf32, #tpu.memory_space<vmem_shared>>
      tpu.wait_indirect_dma semaphore(%arg20 : memref<!tpu.dma_semaphore, #tpu.memory_space<semaphore_mem>>) src(%arg13 : memref<128x128xf32, #tpu.memory_space<vmem>>) dst(%dma_wait3A_102 : memref<10240x128xf32, #tpu.memory_space<vmem_shared>>)
      %dma_wait3A_103 = arith.constant 79 : i32
      %dma_wait3A_104 = arith.constant 0 : i32
      %dma_wait3A_105 = tpu.memref_slice %arg12[%dma_wait3A_103, %dma_wait3A_104] : memref<80x128xi32, #tpu.memory_space<vmem>> -> memref<1x128xi32, #tpu.memory_space<vmem>>
      %dma_wait3A_106 = tpu.memref_squeeze %dma_wait3A_105 : memref<1x128xi32, #tpu.memory_space<vmem>> -> memref<128xi32, #tpu.memory_space<vmem>>
      %dma_wait3A_107 = arith.constant 0 : i32
      %dma_wait3A_108 = arith.constant 0 : i32
      %dma_wait3A_109 = tpu.memref_slice %arg15[%dma_wait3A_107, %dma_wait3A_108] : memref<10240x128xf32, #tpu.memory_space<vmem_shared>> -> memref<10240x128xf32, #tpu.memory_space<vmem_shared>>
      tpu.wait_indirect_dma semaphore(%arg21 : memref<!tpu.dma_semaphore, #tpu.memory_space<semaphore_mem>>) src(%arg14 : memref<128x128xf32, #tpu.memory_space<vmem>>) dst(%dma_wait3A_109 : memref<10240x128xf32, #tpu.memory_space<vmem_shared>>)
      %barrier3A_110 = arith.constant 0 : index
      tpu.barrier barrier_id(%barrier3A_110)
      %run_scoped3A_111 = arith.constant 1 : i32
      "tpu.region"() ({
        %run_scoped3A_112 = tpu.sem_alloc : memref<!tpu.dma_semaphore, #tpu.memory_space<semaphore_mem>>
        %dma_start3A_113 = arith.constant 0 : i32
        %dma_start3A_114 = tpu.memref_slice %arg9[%run_scoped3A_111, %mul3A_0, %dma_start3A_113] : memref<4x10240x128xf32, #tpu.memory_space<hbm>> -> memref<1x640x128xf32, #tpu.memory_space<hbm>>
        %dma_start3A_115 = tpu.memref_squeeze %dma_start3A_114 : memref<1x640x128xf32, #tpu.memory_space<hbm>> -> memref<640x128xf32, #tpu.memory_space<hbm>>
        %dma_start3A_116 = arith.constant 0 : i32
        %dma_start3A_117 = tpu.memref_slice %arg15[%mul3A_0, %dma_start3A_116] : memref<10240x128xf32, #tpu.memory_space<vmem_shared>> -> memref<640x128xf32, #tpu.memory_space<vmem_shared>>
        tpu.enqueue_dma source(%dma_start3A_117 : memref<640x128xf32, #tpu.memory_space<vmem_shared>>) target(%dma_start3A_115 : memref<640x128xf32, #tpu.memory_space<hbm>>) target_semaphore(%run_scoped3A_112 : memref<!tpu.dma_semaphore, #tpu.memory_space<semaphore_mem>>)
        %dma_wait3A_118 = arith.constant 0 : i32
        %dma_wait3A_119 = tpu.memref_slice %arg9[%run_scoped3A_111, %mul3A_0, %dma_wait3A_118] : memref<4x10240x128xf32, #tpu.memory_space<hbm>> -> memref<1x640x128xf32, #tpu.memory_space<hbm>>
        %dma_wait3A_120 = tpu.memref_squeeze %dma_wait3A_119 : memref<1x640x128xf32, #tpu.memory_space<hbm>> -> memref<640x128xf32, #tpu.memory_space<hbm>>
        %dma_wait3A_121 = arith.constant 0 : i32
        %dma_wait3A_122 = tpu.memref_slice %arg15[%mul3A_0, %dma_wait3A_121] : memref<10240x128xf32, #tpu.memory_space<vmem_shared>> -> memref<640x128xf32, #tpu.memory_space<vmem_shared>>
        tpu.wait_dma2 semaphore(%run_scoped3A_112 : memref<!tpu.dma_semaphore, #tpu.memory_space<semaphore_mem>>) src(%dma_wait3A_122 : memref<640x128xf32, #tpu.memory_space<vmem_shared>>) dst(%dma_wait3A_120 : memref<640x128xf32, #tpu.memory_space<hbm>>)
        tpu.yield
      }) : () -> ()
    } else {
    }
    %eq3A_3 = arith.constant 1 : i32
    %eq3A_4 = arith.cmpi eq, %arg0, %eq3A_3 : i32
    %convert_element_type3A_5 = arith.extui %eq3A_4 : i1 to i32
    %cond3A_6 = arith.constant 0 : i32
    %cond3A_7 = arith.cmpi ne, %convert_element_type3A_5, %cond3A_6 : i32
    scf.if %cond3A_7 {
      "tpu.region"() ({
        %run_scoped3A_112 = tpu.sem_alloc : memref<!tpu.dma_semaphore, #tpu.memory_space<semaphore_mem>>
        %dma_start3A_113 = arith.constant 0 : i32
        %dma_start3A_114 = tpu.memref_slice %arg15[%mul3A_0, %dma_start3A_113] : memref<10240x128xf32, #tpu.memory_space<vmem_shared>> -> memref<640x128xf32, #tpu.memory_space<vmem_shared>>
        tpu.enqueue_dma source(%arg8 : memref<640x128xf32, #tpu.memory_space<hbm>>) target(%dma_start3A_114 : memref<640x128xf32, #tpu.memory_space<vmem_shared>>) target_semaphore(%run_scoped3A_112 : memref<!tpu.dma_semaphore, #tpu.memory_space<semaphore_mem>>)
        %dma_wait3A_115 = arith.constant 0 : i32
        %dma_wait3A_116 = tpu.memref_slice %arg15[%mul3A_0, %dma_wait3A_115] : memref<10240x128xf32, #tpu.memory_space<vmem_shared>> -> memref<640x128xf32, #tpu.memory_space<vmem_shared>>
        tpu.wait_dma2 semaphore(%run_scoped3A_112 : memref<!tpu.dma_semaphore, #tpu.memory_space<semaphore_mem>>) src(%arg8 : memref<640x128xf32, #tpu.memory_space<hbm>>) dst(%dma_wait3A_116 : memref<640x128xf32, #tpu.memory_space<vmem_shared>>)
        tpu.yield
      }) : () -> ()
      %barrier3A = arith.constant 0 : index
      tpu.barrier barrier_id(%barrier3A)
      %mul3A_8 = arith.constant 80 : i32
      %mul3A_9 = arith.muli %arg1, %mul3A_8 : i32
      %add3A = arith.constant 0 : i32
      %add3A_10 = arith.addi %mul3A_9, %add3A : i32
      %dma_start3A = arith.constant 0 : i32
      %dma_start3A_11 = tpu.memref_slice %arg6[%add3A_10, %dma_start3A] : memref<1280x128xi32, #tpu.memory_space<hbm>> -> memref<1x128xi32, #tpu.memory_space<hbm>>
      %dma_start3A_12 = tpu.memref_squeeze %dma_start3A_11 : memref<1x128xi32, #tpu.memory_space<hbm>> -> memref<128xi32, #tpu.memory_space<hbm>>
      %dma_start3A_13 = arith.constant 0 : i32
      %dma_start3A_14 = tpu.memref_slice %arg6[%add3A_10, %dma_start3A_13] : memref<1280x128xi32, #tpu.memory_space<hbm>> -> memref<1x128xi32, #tpu.memory_space<hbm>>
      %dma_start3A_15 = tpu.memref_squeeze %dma_start3A_14 : memref<1x128xi32, #tpu.memory_space<hbm>> -> memref<128xi32, #tpu.memory_space<hbm>>
      tpu.enqueue_dma source(%dma_start3A_15 : memref<128xi32, #tpu.memory_space<hbm>>) target(%arg10 : memref<128xi32, #tpu.memory_space<vmem>>) target_semaphore(%arg18 : memref<!tpu.dma_semaphore, #tpu.memory_space<semaphore_mem>>)
      %mul3A_16 = arith.constant 80 : i32
      %mul3A_17 = arith.muli %arg1, %mul3A_16 : i32
      %add3A_18 = arith.constant 1 : i32
      %add3A_19 = arith.addi %mul3A_17, %add3A_18 : i32
      %dma_start3A_20 = arith.constant 0 : i32
      %dma_start3A_21 = tpu.memref_slice %arg6[%add3A_19, %dma_start3A_20] : memref<1280x128xi32, #tpu.memory_space<hbm>> -> memref<1x128xi32, #tpu.memory_space<hbm>>
      %dma_start3A_22 = tpu.memref_squeeze %dma_start3A_21 : memref<1x128xi32, #tpu.memory_space<hbm>> -> memref<128xi32, #tpu.memory_space<hbm>>
      %dma_start3A_23 = arith.constant 0 : i32
      %dma_start3A_24 = tpu.memref_slice %arg6[%add3A_19, %dma_start3A_23] : memref<1280x128xi32, #tpu.memory_space<hbm>> -> memref<1x128xi32, #tpu.memory_space<hbm>>
      %dma_start3A_25 = tpu.memref_squeeze %dma_start3A_24 : memref<1x128xi32, #tpu.memory_space<hbm>> -> memref<128xi32, #tpu.memory_space<hbm>>
      tpu.enqueue_dma source(%dma_start3A_25 : memref<128xi32, #tpu.memory_space<hbm>>) target(%arg11 : memref<128xi32, #tpu.memory_space<vmem>>) target_semaphore(%arg19 : memref<!tpu.dma_semaphore, #tpu.memory_space<semaphore_mem>>)
      %mul3A_26 = arith.constant 80 : i32
      %mul3A_27 = arith.muli %arg1, %mul3A_26 : i32
      %add3A_28 = arith.constant 0 : i32
      %add3A_29 = arith.addi %mul3A_27, %add3A_28 : i32
      %dma_wait3A = arith.constant 0 : i32
      %dma_wait3A_30 = tpu.memref_slice %arg6[%add3A_29, %dma_wait3A] : memref<1280x128xi32, #tpu.memory_space<hbm>> -> memref<1x128xi32, #tpu.memory_space<hbm>>
      %dma_wait3A_31 = tpu.memref_squeeze %dma_wait3A_30 : memref<1x128xi32, #tpu.memory_space<hbm>> -> memref<128xi32, #tpu.memory_space<hbm>>
      %dma_wait3A_32 = arith.constant 0 : i32
      %dma_wait3A_33 = tpu.memref_slice %arg6[%add3A_29, %dma_wait3A_32] : memref<1280x128xi32, #tpu.memory_space<hbm>> -> memref<1x128xi32, #tpu.memory_space<hbm>>
      %dma_wait3A_34 = tpu.memref_squeeze %dma_wait3A_33 : memref<1x128xi32, #tpu.memory_space<hbm>> -> memref<128xi32, #tpu.memory_space<hbm>>
      tpu.wait_dma2 semaphore(%arg18 : memref<!tpu.dma_semaphore, #tpu.memory_space<semaphore_mem>>) src(%dma_wait3A_34 : memref<128xi32, #tpu.memory_space<hbm>>) dst(%arg10 : memref<128xi32, #tpu.memory_space<vmem>>)
      %dma_start3A_35 = arith.constant 0 : i32
      %dma_start3A_36 = arith.constant 0 : i32
      %dma_start3A_37 = tpu.memref_slice %arg4[%dma_start3A_35, %dma_start3A_36] : memref<10240x128xf32, #tpu.memory_space<hbm>> -> memref<10240x128xf32, #tpu.memory_space<hbm>>
      tpu.enqueue_indirect_dma source(%dma_start3A_37 : memref<10240x128xf32, #tpu.memory_space<hbm>>) target(%arg13 : memref<128x128xf32, #tpu.memory_space<vmem>>) offsets(%arg10 : memref<128xi32, #tpu.memory_space<vmem>>) semaphore(%arg16 : memref<!tpu.dma_semaphore, #tpu.memory_space<semaphore_mem>>)
      %scan3A = arith.constant 0 : i32
      %scan3A_38 = arith.constant 40 : i32
      %scan3A_39 = arith.addi %scan3A, %scan3A_38 : i32
      %scan3A_40 = arith.constant 1 : i32
      scf.for %scan3A_112 = %scan3A to %scan3A_39 step %scan3A_40  : i32 {
        %mul3A_113 = arith.constant 1 : i32
        %mul3A_114 = arith.muli %scan3A_112, %mul3A_113 : i32
        %add3A_115 = arith.constant 0 : i32
        %add3A_116 = arith.addi %add3A_115, %mul3A_114 : i32
        %mul3A_117 = arith.constant 2 : i32
        %mul3A_118 = arith.muli %mul3A_117, %add3A_116 : i32
        %add3A_119 = arith.constant 0 : i32
        %add3A_120 = arith.addi %mul3A_118, %add3A_119 : i32
        %dma_wait3A_121 = arith.constant 0 : i32
        %dma_wait3A_122 = arith.constant 0 : i32
        %dma_wait3A_123 = tpu.memref_slice %arg4[%dma_wait3A_121, %dma_wait3A_122] : memref<10240x128xf32, #tpu.memory_space<hbm>> -> memref<10240x128xf32, #tpu.memory_space<hbm>>
        tpu.wait_indirect_dma semaphore(%arg16 : memref<!tpu.dma_semaphore, #tpu.memory_space<semaphore_mem>>) src(%dma_wait3A_123 : memref<10240x128xf32, #tpu.memory_space<hbm>>) dst(%arg13 : memref<128x128xf32, #tpu.memory_space<vmem>>)
        %dma_start3A_124 = arith.constant 0 : i32
        %dma_start3A_125 = tpu.memref_slice %arg12[%add3A_120, %dma_start3A_124] : memref<80x128xi32, #tpu.memory_space<vmem>> -> memref<1x128xi32, #tpu.memory_space<vmem>>
        %dma_start3A_126 = tpu.memref_squeeze %dma_start3A_125 : memref<1x128xi32, #tpu.memory_space<vmem>> -> memref<128xi32, #tpu.memory_space<vmem>>
        %dma_start3A_127 = arith.constant 0 : i32
        %dma_start3A_128 = arith.constant 0 : i32
        %dma_start3A_129 = tpu.memref_slice %arg15[%dma_start3A_127, %dma_start3A_128] : memref<10240x128xf32, #tpu.memory_space<vmem_shared>> -> memref<10240x128xf32, #tpu.memory_space<vmem_shared>>
        tpu.enqueue_indirect_dma source(%arg13 : memref<128x128xf32, #tpu.memory_space<vmem>>) target(%dma_start3A_129 : memref<10240x128xf32, #tpu.memory_space<vmem_shared>>) offsets(%dma_start3A_126 : memref<128xi32, #tpu.memory_space<vmem>>) semaphore(%arg20 : memref<!tpu.dma_semaphore, #tpu.memory_space<semaphore_mem>>) {add = true}
        %lt3A = arith.constant 78 : i32
        %lt3A_130 = arith.cmpi slt, %add3A_120, %lt3A : i32
        %convert_element_type3A_131 = arith.extui %lt3A_130 : i1 to i32
        %cond3A_132 = arith.constant 0 : i32
        %cond3A_133 = arith.cmpi ne, %convert_element_type3A_131, %cond3A_132 : i32
        scf.if %cond3A_133 {
          %add3A_162 = arith.constant 2 : i32
          %add3A_163 = arith.addi %add3A_120, %add3A_162 : i32
          %mul3A_164 = arith.constant 80 : i32
          %mul3A_165 = arith.muli %arg1, %mul3A_164 : i32
          %add3A_166 = arith.addi %mul3A_165, %add3A_163 : i32
          %dma_start3A_167 = arith.constant 0 : i32
          %dma_start3A_168 = tpu.memref_slice %arg6[%add3A_166, %dma_start3A_167] : memref<1280x128xi32, #tpu.memory_space<hbm>> -> memref<1x128xi32, #tpu.memory_space<hbm>>
          %dma_start3A_169 = tpu.memref_squeeze %dma_start3A_168 : memref<1x128xi32, #tpu.memory_space<hbm>> -> memref<128xi32, #tpu.memory_space<hbm>>
          %dma_start3A_170 = arith.constant 0 : i32
          %dma_start3A_171 = tpu.memref_slice %arg6[%add3A_166, %dma_start3A_170] : memref<1280x128xi32, #tpu.memory_space<hbm>> -> memref<1x128xi32, #tpu.memory_space<hbm>>
          %dma_start3A_172 = tpu.memref_squeeze %dma_start3A_171 : memref<1x128xi32, #tpu.memory_space<hbm>> -> memref<128xi32, #tpu.memory_space<hbm>>
          tpu.enqueue_dma source(%dma_start3A_172 : memref<128xi32, #tpu.memory_space<hbm>>) target(%arg10 : memref<128xi32, #tpu.memory_space<vmem>>) target_semaphore(%arg18 : memref<!tpu.dma_semaphore, #tpu.memory_space<semaphore_mem>>)
        } else {
        }
        %lt3A_134 = arith.constant 79 : i32
        %lt3A_135 = arith.cmpi slt, %add3A_120, %lt3A_134 : i32
        %convert_element_type3A_136 = arith.extui %lt3A_135 : i1 to i32
        %cond3A_137 = arith.constant 0 : i32
        %cond3A_138 = arith.cmpi ne, %convert_element_type3A_136, %cond3A_137 : i32
        scf.if %cond3A_138 {
          %add3A_162 = arith.constant 1 : i32
          %add3A_163 = arith.addi %add3A_120, %add3A_162 : i32
          %mul3A_164 = arith.constant 80 : i32
          %mul3A_165 = arith.muli %arg1, %mul3A_164 : i32
          %add3A_166 = arith.addi %mul3A_165, %add3A_163 : i32
          %dma_wait3A_167 = arith.constant 0 : i32
          %dma_wait3A_168 = tpu.memref_slice %arg6[%add3A_166, %dma_wait3A_167] : memref<1280x128xi32, #tpu.memory_space<hbm>> -> memref<1x128xi32, #tpu.memory_space<hbm>>
          %dma_wait3A_169 = tpu.memref_squeeze %dma_wait3A_168 : memref<1x128xi32, #tpu.memory_space<hbm>> -> memref<128xi32, #tpu.memory_space<hbm>>
          %dma_wait3A_170 = arith.constant 0 : i32
          %dma_wait3A_171 = tpu.memref_slice %arg6[%add3A_166, %dma_wait3A_170] : memref<1280x128xi32, #tpu.memory_space<hbm>> -> memref<1x128xi32, #tpu.memory_space<hbm>>
          %dma_wait3A_172 = tpu.memref_squeeze %dma_wait3A_171 : memref<1x128xi32, #tpu.memory_space<hbm>> -> memref<128xi32, #tpu.memory_space<hbm>>
          tpu.wait_dma2 semaphore(%arg19 : memref<!tpu.dma_semaphore, #tpu.memory_space<semaphore_mem>>) src(%dma_wait3A_172 : memref<128xi32, #tpu.memory_space<hbm>>) dst(%arg11 : memref<128xi32, #tpu.memory_space<vmem>>)
          %ge3A = arith.constant 1 : i32
          %ge3A_173 = arith.cmpi sge, %add3A_120, %ge3A : i32
          %convert_element_type3A_174 = arith.extui %ge3A_173 : i1 to i32
          %cond3A_175 = arith.constant 0 : i32
          %cond3A_176 = arith.cmpi ne, %convert_element_type3A_174, %cond3A_175 : i32
          scf.if %cond3A_176 {
            %add3A_182 = arith.constant 1 : i32
            %add3A_183 = arith.addi %add3A_120, %add3A_182 : i32
            %sub3A = arith.constant 2 : i32
            %sub3A_184 = arith.subi %add3A_183, %sub3A : i32
            %dma_wait3A_185 = arith.constant 0 : i32
            %dma_wait3A_186 = tpu.memref_slice %arg12[%sub3A_184, %dma_wait3A_185] : memref<80x128xi32, #tpu.memory_space<vmem>> -> memref<1x128xi32, #tpu.memory_space<vmem>>
            %dma_wait3A_187 = tpu.memref_squeeze %dma_wait3A_186 : memref<1x128xi32, #tpu.memory_space<vmem>> -> memref<128xi32, #tpu.memory_space<vmem>>
            %dma_wait3A_188 = arith.constant 0 : i32
            %dma_wait3A_189 = arith.constant 0 : i32
            %dma_wait3A_190 = tpu.memref_slice %arg15[%dma_wait3A_188, %dma_wait3A_189] : memref<10240x128xf32, #tpu.memory_space<vmem_shared>> -> memref<10240x128xf32, #tpu.memory_space<vmem_shared>>
            tpu.wait_indirect_dma semaphore(%arg21 : memref<!tpu.dma_semaphore, #tpu.memory_space<semaphore_mem>>) src(%arg14 : memref<128x128xf32, #tpu.memory_space<vmem>>) dst(%dma_wait3A_190 : memref<10240x128xf32, #tpu.memory_space<vmem_shared>>)
          } else {
          }
          %add3A_177 = arith.constant 1 : i32
          %add3A_178 = arith.addi %add3A_120, %add3A_177 : i32
          %dma_start3A_179 = arith.constant 0 : i32
          %dma_start3A_180 = arith.constant 0 : i32
          %dma_start3A_181 = tpu.memref_slice %arg4[%dma_start3A_179, %dma_start3A_180] : memref<10240x128xf32, #tpu.memory_space<hbm>> -> memref<10240x128xf32, #tpu.memory_space<hbm>>
          tpu.enqueue_indirect_dma source(%dma_start3A_181 : memref<10240x128xf32, #tpu.memory_space<hbm>>) target(%arg14 : memref<128x128xf32, #tpu.memory_space<vmem>>) offsets(%arg11 : memref<128xi32, #tpu.memory_space<vmem>>) semaphore(%arg17 : memref<!tpu.dma_semaphore, #tpu.memory_space<semaphore_mem>>)
        } else {
        }
        %mul3A_139 = arith.constant 2 : i32
        %mul3A_140 = arith.muli %mul3A_139, %add3A_116 : i32
        %add3A_141 = arith.constant 1 : i32
        %add3A_142 = arith.addi %mul3A_140, %add3A_141 : i32
        %dma_wait3A_143 = arith.constant 0 : i32
        %dma_wait3A_144 = arith.constant 0 : i32
        %dma_wait3A_145 = tpu.memref_slice %arg4[%dma_wait3A_143, %dma_wait3A_144] : memref<10240x128xf32, #tpu.memory_space<hbm>> -> memref<10240x128xf32, #tpu.memory_space<hbm>>
        tpu.wait_indirect_dma semaphore(%arg17 : memref<!tpu.dma_semaphore, #tpu.memory_space<semaphore_mem>>) src(%dma_wait3A_145 : memref<10240x128xf32, #tpu.memory_space<hbm>>) dst(%arg14 : memref<128x128xf32, #tpu.memory_space<vmem>>)
        %dma_start3A_146 = arith.constant 0 : i32
        %dma_start3A_147 = tpu.memref_slice %arg12[%add3A_142, %dma_start3A_146] : memref<80x128xi32, #tpu.memory_space<vmem>> -> memref<1x128xi32, #tpu.memory_space<vmem>>
        %dma_start3A_148 = tpu.memref_squeeze %dma_start3A_147 : memref<1x128xi32, #tpu.memory_space<vmem>> -> memref<128xi32, #tpu.memory_space<vmem>>
        %dma_start3A_149 = arith.constant 0 : i32
        %dma_start3A_150 = arith.constant 0 : i32
        %dma_start3A_151 = tpu.memref_slice %arg15[%dma_start3A_149, %dma_start3A_150] : memref<10240x128xf32, #tpu.memory_space<vmem_shared>> -> memref<10240x128xf32, #tpu.memory_space<vmem_shared>>
        tpu.enqueue_indirect_dma source(%arg14 : memref<128x128xf32, #tpu.memory_space<vmem>>) target(%dma_start3A_151 : memref<10240x128xf32, #tpu.memory_space<vmem_shared>>) offsets(%dma_start3A_148 : memref<128xi32, #tpu.memory_space<vmem>>) semaphore(%arg21 : memref<!tpu.dma_semaphore, #tpu.memory_space<semaphore_mem>>) {add = true}
        %lt3A_152 = arith.constant 78 : i32
        %lt3A_153 = arith.cmpi slt, %add3A_142, %lt3A_152 : i32
        %convert_element_type3A_154 = arith.extui %lt3A_153 : i1 to i32
        %cond3A_155 = arith.constant 0 : i32
        %cond3A_156 = arith.cmpi ne, %convert_element_type3A_154, %cond3A_155 : i32
        scf.if %cond3A_156 {
          %add3A_162 = arith.constant 2 : i32
          %add3A_163 = arith.addi %add3A_142, %add3A_162 : i32
          %mul3A_164 = arith.constant 80 : i32
          %mul3A_165 = arith.muli %arg1, %mul3A_164 : i32
          %add3A_166 = arith.addi %mul3A_165, %add3A_163 : i32
          %dma_start3A_167 = arith.constant 0 : i32
          %dma_start3A_168 = tpu.memref_slice %arg6[%add3A_166, %dma_start3A_167] : memref<1280x128xi32, #tpu.memory_space<hbm>> -> memref<1x128xi32, #tpu.memory_space<hbm>>
          %dma_start3A_169 = tpu.memref_squeeze %dma_start3A_168 : memref<1x128xi32, #tpu.memory_space<hbm>> -> memref<128xi32, #tpu.memory_space<hbm>>
          %dma_start3A_170 = arith.constant 0 : i32
          %dma_start3A_171 = tpu.memref_slice %arg6[%add3A_166, %dma_start3A_170] : memref<1280x128xi32, #tpu.memory_space<hbm>> -> memref<1x128xi32, #tpu.memory_space<hbm>>
          %dma_start3A_172 = tpu.memref_squeeze %dma_start3A_171 : memref<1x128xi32, #tpu.memory_space<hbm>> -> memref<128xi32, #tpu.memory_space<hbm>>
          tpu.enqueue_dma source(%dma_start3A_172 : memref<128xi32, #tpu.memory_space<hbm>>) target(%arg11 : memref<128xi32, #tpu.memory_space<vmem>>) target_semaphore(%arg19 : memref<!tpu.dma_semaphore, #tpu.memory_space<semaphore_mem>>)
        } else {
        }
        %lt3A_157 = arith.constant 79 : i32
        %lt3A_158 = arith.cmpi slt, %add3A_142, %lt3A_157 : i32
        %convert_element_type3A_159 = arith.extui %lt3A_158 : i1 to i32
        %cond3A_160 = arith.constant 0 : i32
        %cond3A_161 = arith.cmpi ne, %convert_element_type3A_159, %cond3A_160 : i32
        scf.if %cond3A_161 {
          %add3A_162 = arith.constant 1 : i32
          %add3A_163 = arith.addi %add3A_142, %add3A_162 : i32
          %mul3A_164 = arith.constant 80 : i32
          %mul3A_165 = arith.muli %arg1, %mul3A_164 : i32
          %add3A_166 = arith.addi %mul3A_165, %add3A_163 : i32
          %dma_wait3A_167 = arith.constant 0 : i32
          %dma_wait3A_168 = tpu.memref_slice %arg6[%add3A_166, %dma_wait3A_167] : memref<1280x128xi32, #tpu.memory_space<hbm>> -> memref<1x128xi32, #tpu.memory_space<hbm>>
          %dma_wait3A_169 = tpu.memref_squeeze %dma_wait3A_168 : memref<1x128xi32, #tpu.memory_space<hbm>> -> memref<128xi32, #tpu.memory_space<hbm>>
          %dma_wait3A_170 = arith.constant 0 : i32
          %dma_wait3A_171 = tpu.memref_slice %arg6[%add3A_166, %dma_wait3A_170] : memref<1280x128xi32, #tpu.memory_space<hbm>> -> memref<1x128xi32, #tpu.memory_space<hbm>>
          %dma_wait3A_172 = tpu.memref_squeeze %dma_wait3A_171 : memref<1x128xi32, #tpu.memory_space<hbm>> -> memref<128xi32, #tpu.memory_space<hbm>>
          tpu.wait_dma2 semaphore(%arg18 : memref<!tpu.dma_semaphore, #tpu.memory_space<semaphore_mem>>) src(%dma_wait3A_172 : memref<128xi32, #tpu.memory_space<hbm>>) dst(%arg10 : memref<128xi32, #tpu.memory_space<vmem>>)
          %ge3A = arith.constant 1 : i32
          %ge3A_173 = arith.cmpi sge, %add3A_142, %ge3A : i32
          %convert_element_type3A_174 = arith.extui %ge3A_173 : i1 to i32
          %cond3A_175 = arith.constant 0 : i32
          %cond3A_176 = arith.cmpi ne, %convert_element_type3A_174, %cond3A_175 : i32
          scf.if %cond3A_176 {
            %add3A_182 = arith.constant 1 : i32
            %add3A_183 = arith.addi %add3A_142, %add3A_182 : i32
            %sub3A = arith.constant 2 : i32
            %sub3A_184 = arith.subi %add3A_183, %sub3A : i32
            %dma_wait3A_185 = arith.constant 0 : i32
            %dma_wait3A_186 = tpu.memref_slice %arg12[%sub3A_184, %dma_wait3A_185] : memref<80x128xi32, #tpu.memory_space<vmem>> -> memref<1x128xi32, #tpu.memory_space<vmem>>
            %dma_wait3A_187 = tpu.memref_squeeze %dma_wait3A_186 : memref<1x128xi32, #tpu.memory_space<vmem>> -> memref<128xi32, #tpu.memory_space<vmem>>
            %dma_wait3A_188 = arith.constant 0 : i32
            %dma_wait3A_189 = arith.constant 0 : i32
            %dma_wait3A_190 = tpu.memref_slice %arg15[%dma_wait3A_188, %dma_wait3A_189] : memref<10240x128xf32, #tpu.memory_space<vmem_shared>> -> memref<10240x128xf32, #tpu.memory_space<vmem_shared>>
            tpu.wait_indirect_dma semaphore(%arg20 : memref<!tpu.dma_semaphore, #tpu.memory_space<semaphore_mem>>) src(%arg13 : memref<128x128xf32, #tpu.memory_space<vmem>>) dst(%dma_wait3A_190 : memref<10240x128xf32, #tpu.memory_space<vmem_shared>>)
          } else {
          }
          %add3A_177 = arith.constant 1 : i32
          %add3A_178 = arith.addi %add3A_142, %add3A_177 : i32
          %dma_start3A_179 = arith.constant 0 : i32
          %dma_start3A_180 = arith.constant 0 : i32
          %dma_start3A_181 = tpu.memref_slice %arg4[%dma_start3A_179, %dma_start3A_180] : memref<10240x128xf32, #tpu.memory_space<hbm>> -> memref<10240x128xf32, #tpu.memory_space<hbm>>
          tpu.enqueue_indirect_dma source(%dma_start3A_181 : memref<10240x128xf32, #tpu.memory_space<hbm>>) target(%arg13 : memref<128x128xf32, #tpu.memory_space<vmem>>) offsets(%arg10 : memref<128xi32, #tpu.memory_space<vmem>>) semaphore(%arg16 : memref<!tpu.dma_semaphore, #tpu.memory_space<semaphore_mem>>)
        } else {
        }
      }
      %scan3A_41 = arith.constant 40 : i32
      %dma_wait3A_42 = arith.constant 78 : i32
      %dma_wait3A_43 = arith.constant 0 : i32
      %dma_wait3A_44 = tpu.memref_slice %arg12[%dma_wait3A_42, %dma_wait3A_43] : memref<80x128xi32, #tpu.memory_space<vmem>> -> memref<1x128xi32, #tpu.memory_space<vmem>>
      %dma_wait3A_45 = tpu.memref_squeeze %dma_wait3A_44 : memref<1x128xi32, #tpu.memory_space<vmem>> -> memref<128xi32, #tpu.memory_space<vmem>>
      %dma_wait3A_46 = arith.constant 0 : i32
      %dma_wait3A_47 = arith.constant 0 : i32
      %dma_wait3A_48 = tpu.memref_slice %arg15[%dma_wait3A_46, %dma_wait3A_47] : memref<10240x128xf32, #tpu.memory_space<vmem_shared>> -> memref<10240x128xf32, #tpu.memory_space<vmem_shared>>
      tpu.wait_indirect_dma semaphore(%arg20 : memref<!tpu.dma_semaphore, #tpu.memory_space<semaphore_mem>>) src(%arg13 : memref<128x128xf32, #tpu.memory_space<vmem>>) dst(%dma_wait3A_48 : memref<10240x128xf32, #tpu.memory_space<vmem_shared>>)
      %dma_wait3A_49 = arith.constant 79 : i32
      %dma_wait3A_50 = arith.constant 0 : i32
      %dma_wait3A_51 = tpu.memref_slice %arg12[%dma_wait3A_49, %dma_wait3A_50] : memref<80x128xi32, #tpu.memory_space<vmem>> -> memref<1x128xi32, #tpu.memory_space<vmem>>
      %dma_wait3A_52 = tpu.memref_squeeze %dma_wait3A_51 : memref<1x128xi32, #tpu.memory_space<vmem>> -> memref<128xi32, #tpu.memory_space<vmem>>
      %dma_wait3A_53 = arith.constant 0 : i32
      %dma_wait3A_54 = arith.constant 0 : i32
      %dma_wait3A_55 = tpu.memref_slice %arg15[%dma_wait3A_53, %dma_wait3A_54] : memref<10240x128xf32, #tpu.memory_space<vmem_shared>> -> memref<10240x128xf32, #tpu.memory_space<vmem_shared>>
      tpu.wait_indirect_dma semaphore(%arg21 : memref<!tpu.dma_semaphore, #tpu.memory_space<semaphore_mem>>) src(%arg14 : memref<128x128xf32, #tpu.memory_space<vmem>>) dst(%dma_wait3A_55 : memref<10240x128xf32, #tpu.memory_space<vmem_shared>>)
      %barrier3A_56 = arith.constant 0 : index
      tpu.barrier barrier_id(%barrier3A_56)
      %run_scoped3A = arith.constant 2 : i32
      "tpu.region"() ({
        %run_scoped3A_112 = tpu.sem_alloc : memref<!tpu.dma_semaphore, #tpu.memory_space<semaphore_mem>>
        %dma_start3A_113 = arith.constant 0 : i32
        %dma_start3A_114 = tpu.memref_slice %arg9[%run_scoped3A, %mul3A_0, %dma_start3A_113] : memref<4x10240x128xf32, #tpu.memory_space<hbm>> -> memref<1x640x128xf32, #tpu.memory_space<hbm>>
        %dma_start3A_115 = tpu.memref_squeeze %dma_start3A_114 : memref<1x640x128xf32, #tpu.memory_space<hbm>> -> memref<640x128xf32, #tpu.memory_space<hbm>>
        %dma_start3A_116 = arith.constant 0 : i32
        %dma_start3A_117 = tpu.memref_slice %arg15[%mul3A_0, %dma_start3A_116] : memref<10240x128xf32, #tpu.memory_space<vmem_shared>> -> memref<640x128xf32, #tpu.memory_space<vmem_shared>>
        tpu.enqueue_dma source(%dma_start3A_117 : memref<640x128xf32, #tpu.memory_space<vmem_shared>>) target(%dma_start3A_115 : memref<640x128xf32, #tpu.memory_space<hbm>>) target_semaphore(%run_scoped3A_112 : memref<!tpu.dma_semaphore, #tpu.memory_space<semaphore_mem>>)
        %dma_wait3A_118 = arith.constant 0 : i32
        %dma_wait3A_119 = tpu.memref_slice %arg9[%run_scoped3A, %mul3A_0, %dma_wait3A_118] : memref<4x10240x128xf32, #tpu.memory_space<hbm>> -> memref<1x640x128xf32, #tpu.memory_space<hbm>>
        %dma_wait3A_120 = tpu.memref_squeeze %dma_wait3A_119 : memref<1x640x128xf32, #tpu.memory_space<hbm>> -> memref<640x128xf32, #tpu.memory_space<hbm>>
        %dma_wait3A_121 = arith.constant 0 : i32
        %dma_wait3A_122 = tpu.memref_slice %arg15[%mul3A_0, %dma_wait3A_121] : memref<10240x128xf32, #tpu.memory_space<vmem_shared>> -> memref<640x128xf32, #tpu.memory_space<vmem_shared>>
        tpu.wait_dma2 semaphore(%run_scoped3A_112 : memref<!tpu.dma_semaphore, #tpu.memory_space<semaphore_mem>>) src(%dma_wait3A_122 : memref<640x128xf32, #tpu.memory_space<vmem_shared>>) dst(%dma_wait3A_120 : memref<640x128xf32, #tpu.memory_space<hbm>>)
        tpu.yield
      }) : () -> ()
      "tpu.region"() ({
        %run_scoped3A_112 = tpu.sem_alloc : memref<!tpu.dma_semaphore, #tpu.memory_space<semaphore_mem>>
        %dma_start3A_113 = arith.constant 0 : i32
        %dma_start3A_114 = tpu.memref_slice %arg15[%mul3A_0, %dma_start3A_113] : memref<10240x128xf32, #tpu.memory_space<vmem_shared>> -> memref<640x128xf32, #tpu.memory_space<vmem_shared>>
        tpu.enqueue_dma source(%arg8 : memref<640x128xf32, #tpu.memory_space<hbm>>) target(%dma_start3A_114 : memref<640x128xf32, #tpu.memory_space<vmem_shared>>) target_semaphore(%run_scoped3A_112 : memref<!tpu.dma_semaphore, #tpu.memory_space<semaphore_mem>>)
        %dma_wait3A_115 = arith.constant 0 : i32
        %dma_wait3A_116 = tpu.memref_slice %arg15[%mul3A_0, %dma_wait3A_115] : memref<10240x128xf32, #tpu.memory_space<vmem_shared>> -> memref<640x128xf32, #tpu.memory_space<vmem_shared>>
        tpu.wait_dma2 semaphore(%run_scoped3A_112 : memref<!tpu.dma_semaphore, #tpu.memory_space<semaphore_mem>>) src(%arg8 : memref<640x128xf32, #tpu.memory_space<hbm>>) dst(%dma_wait3A_116 : memref<640x128xf32, #tpu.memory_space<vmem_shared>>)
        tpu.yield
      }) : () -> ()
      %barrier3A_57 = arith.constant 0 : index
      tpu.barrier barrier_id(%barrier3A_57)
      %mul3A_58 = arith.constant 80 : i32
      %mul3A_59 = arith.muli %arg1, %mul3A_58 : i32
      %add3A_60 = arith.constant 0 : i32
      %add3A_61 = arith.addi %mul3A_59, %add3A_60 : i32
      %dma_start3A_62 = arith.constant 0 : i32
      %dma_start3A_63 = tpu.memref_slice %arg6[%add3A_61, %dma_start3A_62] : memref<1280x128xi32, #tpu.memory_space<hbm>> -> memref<1x128xi32, #tpu.memory_space<hbm>>
      %dma_start3A_64 = tpu.memref_squeeze %dma_start3A_63 : memref<1x128xi32, #tpu.memory_space<hbm>> -> memref<128xi32, #tpu.memory_space<hbm>>
      %dma_start3A_65 = arith.constant 0 : i32
      %dma_start3A_66 = tpu.memref_slice %arg6[%add3A_61, %dma_start3A_65] : memref<1280x128xi32, #tpu.memory_space<hbm>> -> memref<1x128xi32, #tpu.memory_space<hbm>>
      %dma_start3A_67 = tpu.memref_squeeze %dma_start3A_66 : memref<1x128xi32, #tpu.memory_space<hbm>> -> memref<128xi32, #tpu.memory_space<hbm>>
      tpu.enqueue_dma source(%dma_start3A_67 : memref<128xi32, #tpu.memory_space<hbm>>) target(%arg10 : memref<128xi32, #tpu.memory_space<vmem>>) target_semaphore(%arg18 : memref<!tpu.dma_semaphore, #tpu.memory_space<semaphore_mem>>)
      %mul3A_68 = arith.constant 80 : i32
      %mul3A_69 = arith.muli %arg1, %mul3A_68 : i32
      %add3A_70 = arith.constant 1 : i32
      %add3A_71 = arith.addi %mul3A_69, %add3A_70 : i32
      %dma_start3A_72 = arith.constant 0 : i32
      %dma_start3A_73 = tpu.memref_slice %arg6[%add3A_71, %dma_start3A_72] : memref<1280x128xi32, #tpu.memory_space<hbm>> -> memref<1x128xi32, #tpu.memory_space<hbm>>
      %dma_start3A_74 = tpu.memref_squeeze %dma_start3A_73 : memref<1x128xi32, #tpu.memory_space<hbm>> -> memref<128xi32, #tpu.memory_space<hbm>>
      %dma_start3A_75 = arith.constant 0 : i32
      %dma_start3A_76 = tpu.memref_slice %arg6[%add3A_71, %dma_start3A_75] : memref<1280x128xi32, #tpu.memory_space<hbm>> -> memref<1x128xi32, #tpu.memory_space<hbm>>
      %dma_start3A_77 = tpu.memref_squeeze %dma_start3A_76 : memref<1x128xi32, #tpu.memory_space<hbm>> -> memref<128xi32, #tpu.memory_space<hbm>>
      tpu.enqueue_dma source(%dma_start3A_77 : memref<128xi32, #tpu.memory_space<hbm>>) target(%arg11 : memref<128xi32, #tpu.memory_space<vmem>>) target_semaphore(%arg19 : memref<!tpu.dma_semaphore, #tpu.memory_space<semaphore_mem>>)
      %mul3A_78 = arith.constant 80 : i32
      %mul3A_79 = arith.muli %arg1, %mul3A_78 : i32
      %add3A_80 = arith.constant 0 : i32
      %add3A_81 = arith.addi %mul3A_79, %add3A_80 : i32
      %dma_wait3A_82 = arith.constant 0 : i32
      %dma_wait3A_83 = tpu.memref_slice %arg6[%add3A_81, %dma_wait3A_82] : memref<1280x128xi32, #tpu.memory_space<hbm>> -> memref<1x128xi32, #tpu.memory_space<hbm>>
      %dma_wait3A_84 = tpu.memref_squeeze %dma_wait3A_83 : memref<1x128xi32, #tpu.memory_space<hbm>> -> memref<128xi32, #tpu.memory_space<hbm>>
      %dma_wait3A_85 = arith.constant 0 : i32
      %dma_wait3A_86 = tpu.memref_slice %arg6[%add3A_81, %dma_wait3A_85] : memref<1280x128xi32, #tpu.memory_space<hbm>> -> memref<1x128xi32, #tpu.memory_space<hbm>>
      %dma_wait3A_87 = tpu.memref_squeeze %dma_wait3A_86 : memref<1x128xi32, #tpu.memory_space<hbm>> -> memref<128xi32, #tpu.memory_space<hbm>>
      tpu.wait_dma2 semaphore(%arg18 : memref<!tpu.dma_semaphore, #tpu.memory_space<semaphore_mem>>) src(%dma_wait3A_87 : memref<128xi32, #tpu.memory_space<hbm>>) dst(%arg10 : memref<128xi32, #tpu.memory_space<vmem>>)
      %dma_start3A_88 = arith.constant 0 : i32
      %dma_start3A_89 = arith.constant 0 : i32
      %dma_start3A_90 = tpu.memref_slice %arg5[%dma_start3A_88, %dma_start3A_89] : memref<10240x128xf32, #tpu.memory_space<hbm>> -> memref<10240x128xf32, #tpu.memory_space<hbm>>
      tpu.enqueue_indirect_dma source(%dma_start3A_90 : memref<10240x128xf32, #tpu.memory_space<hbm>>) target(%arg13 : memref<128x128xf32, #tpu.memory_space<vmem>>) offsets(%arg10 : memref<128xi32, #tpu.memory_space<vmem>>) semaphore(%arg16 : memref<!tpu.dma_semaphore, #tpu.memory_space<semaphore_mem>>)
      %scan3A_91 = arith.constant 0 : i32
      %scan3A_92 = arith.constant 40 : i32
      %scan3A_93 = arith.addi %scan3A_91, %scan3A_92 : i32
      %scan3A_94 = arith.constant 1 : i32
      scf.for %scan3A_112 = %scan3A_91 to %scan3A_93 step %scan3A_94  : i32 {
        %mul3A_113 = arith.constant 1 : i32
        %mul3A_114 = arith.muli %scan3A_112, %mul3A_113 : i32
        %add3A_115 = arith.constant 0 : i32
        %add3A_116 = arith.addi %add3A_115, %mul3A_114 : i32
        %mul3A_117 = arith.constant 2 : i32
        %mul3A_118 = arith.muli %mul3A_117, %add3A_116 : i32
        %add3A_119 = arith.constant 0 : i32
        %add3A_120 = arith.addi %mul3A_118, %add3A_119 : i32
        %dma_wait3A_121 = arith.constant 0 : i32
        %dma_wait3A_122 = arith.constant 0 : i32
        %dma_wait3A_123 = tpu.memref_slice %arg5[%dma_wait3A_121, %dma_wait3A_122] : memref<10240x128xf32, #tpu.memory_space<hbm>> -> memref<10240x128xf32, #tpu.memory_space<hbm>>
        tpu.wait_indirect_dma semaphore(%arg16 : memref<!tpu.dma_semaphore, #tpu.memory_space<semaphore_mem>>) src(%dma_wait3A_123 : memref<10240x128xf32, #tpu.memory_space<hbm>>) dst(%arg13 : memref<128x128xf32, #tpu.memory_space<vmem>>)
        %dma_start3A_124 = arith.constant 0 : i32
        %dma_start3A_125 = tpu.memref_slice %arg12[%add3A_120, %dma_start3A_124] : memref<80x128xi32, #tpu.memory_space<vmem>> -> memref<1x128xi32, #tpu.memory_space<vmem>>
        %dma_start3A_126 = tpu.memref_squeeze %dma_start3A_125 : memref<1x128xi32, #tpu.memory_space<vmem>> -> memref<128xi32, #tpu.memory_space<vmem>>
        %dma_start3A_127 = arith.constant 0 : i32
        %dma_start3A_128 = arith.constant 0 : i32
        %dma_start3A_129 = tpu.memref_slice %arg15[%dma_start3A_127, %dma_start3A_128] : memref<10240x128xf32, #tpu.memory_space<vmem_shared>> -> memref<10240x128xf32, #tpu.memory_space<vmem_shared>>
        tpu.enqueue_indirect_dma source(%arg13 : memref<128x128xf32, #tpu.memory_space<vmem>>) target(%dma_start3A_129 : memref<10240x128xf32, #tpu.memory_space<vmem_shared>>) offsets(%dma_start3A_126 : memref<128xi32, #tpu.memory_space<vmem>>) semaphore(%arg20 : memref<!tpu.dma_semaphore, #tpu.memory_space<semaphore_mem>>) {add = true}
        %lt3A = arith.constant 78 : i32
        %lt3A_130 = arith.cmpi slt, %add3A_120, %lt3A : i32
        %convert_element_type3A_131 = arith.extui %lt3A_130 : i1 to i32
        %cond3A_132 = arith.constant 0 : i32
        %cond3A_133 = arith.cmpi ne, %convert_element_type3A_131, %cond3A_132 : i32
        scf.if %cond3A_133 {
          %add3A_162 = arith.constant 2 : i32
          %add3A_163 = arith.addi %add3A_120, %add3A_162 : i32
          %mul3A_164 = arith.constant 80 : i32
          %mul3A_165 = arith.muli %arg1, %mul3A_164 : i32
          %add3A_166 = arith.addi %mul3A_165, %add3A_163 : i32
          %dma_start3A_167 = arith.constant 0 : i32
          %dma_start3A_168 = tpu.memref_slice %arg6[%add3A_166, %dma_start3A_167] : memref<1280x128xi32, #tpu.memory_space<hbm>> -> memref<1x128xi32, #tpu.memory_space<hbm>>
          %dma_start3A_169 = tpu.memref_squeeze %dma_start3A_168 : memref<1x128xi32, #tpu.memory_space<hbm>> -> memref<128xi32, #tpu.memory_space<hbm>>
          %dma_start3A_170 = arith.constant 0 : i32
          %dma_start3A_171 = tpu.memref_slice %arg6[%add3A_166, %dma_start3A_170] : memref<1280x128xi32, #tpu.memory_space<hbm>> -> memref<1x128xi32, #tpu.memory_space<hbm>>
          %dma_start3A_172 = tpu.memref_squeeze %dma_start3A_171 : memref<1x128xi32, #tpu.memory_space<hbm>> -> memref<128xi32, #tpu.memory_space<hbm>>
          tpu.enqueue_dma source(%dma_start3A_172 : memref<128xi32, #tpu.memory_space<hbm>>) target(%arg10 : memref<128xi32, #tpu.memory_space<vmem>>) target_semaphore(%arg18 : memref<!tpu.dma_semaphore, #tpu.memory_space<semaphore_mem>>)
        } else {
        }
        %lt3A_134 = arith.constant 79 : i32
        %lt3A_135 = arith.cmpi slt, %add3A_120, %lt3A_134 : i32
        %convert_element_type3A_136 = arith.extui %lt3A_135 : i1 to i32
        %cond3A_137 = arith.constant 0 : i32
        %cond3A_138 = arith.cmpi ne, %convert_element_type3A_136, %cond3A_137 : i32
        scf.if %cond3A_138 {
          %add3A_162 = arith.constant 1 : i32
          %add3A_163 = arith.addi %add3A_120, %add3A_162 : i32
          %mul3A_164 = arith.constant 80 : i32
          %mul3A_165 = arith.muli %arg1, %mul3A_164 : i32
          %add3A_166 = arith.addi %mul3A_165, %add3A_163 : i32
          %dma_wait3A_167 = arith.constant 0 : i32
          %dma_wait3A_168 = tpu.memref_slice %arg6[%add3A_166, %dma_wait3A_167] : memref<1280x128xi32, #tpu.memory_space<hbm>> -> memref<1x128xi32, #tpu.memory_space<hbm>>
          %dma_wait3A_169 = tpu.memref_squeeze %dma_wait3A_168 : memref<1x128xi32, #tpu.memory_space<hbm>> -> memref<128xi32, #tpu.memory_space<hbm>>
          %dma_wait3A_170 = arith.constant 0 : i32
          %dma_wait3A_171 = tpu.memref_slice %arg6[%add3A_166, %dma_wait3A_170] : memref<1280x128xi32, #tpu.memory_space<hbm>> -> memref<1x128xi32, #tpu.memory_space<hbm>>
          %dma_wait3A_172 = tpu.memref_squeeze %dma_wait3A_171 : memref<1x128xi32, #tpu.memory_space<hbm>> -> memref<128xi32, #tpu.memory_space<hbm>>
          tpu.wait_dma2 semaphore(%arg19 : memref<!tpu.dma_semaphore, #tpu.memory_space<semaphore_mem>>) src(%dma_wait3A_172 : memref<128xi32, #tpu.memory_space<hbm>>) dst(%arg11 : memref<128xi32, #tpu.memory_space<vmem>>)
          %ge3A = arith.constant 1 : i32
          %ge3A_173 = arith.cmpi sge, %add3A_120, %ge3A : i32
          %convert_element_type3A_174 = arith.extui %ge3A_173 : i1 to i32
          %cond3A_175 = arith.constant 0 : i32
          %cond3A_176 = arith.cmpi ne, %convert_element_type3A_174, %cond3A_175 : i32
          scf.if %cond3A_176 {
            %add3A_182 = arith.constant 1 : i32
            %add3A_183 = arith.addi %add3A_120, %add3A_182 : i32
            %sub3A = arith.constant 2 : i32
            %sub3A_184 = arith.subi %add3A_183, %sub3A : i32
            %dma_wait3A_185 = arith.constant 0 : i32
            %dma_wait3A_186 = tpu.memref_slice %arg12[%sub3A_184, %dma_wait3A_185] : memref<80x128xi32, #tpu.memory_space<vmem>> -> memref<1x128xi32, #tpu.memory_space<vmem>>
            %dma_wait3A_187 = tpu.memref_squeeze %dma_wait3A_186 : memref<1x128xi32, #tpu.memory_space<vmem>> -> memref<128xi32, #tpu.memory_space<vmem>>
            %dma_wait3A_188 = arith.constant 0 : i32
            %dma_wait3A_189 = arith.constant 0 : i32
            %dma_wait3A_190 = tpu.memref_slice %arg15[%dma_wait3A_188, %dma_wait3A_189] : memref<10240x128xf32, #tpu.memory_space<vmem_shared>> -> memref<10240x128xf32, #tpu.memory_space<vmem_shared>>
            tpu.wait_indirect_dma semaphore(%arg21 : memref<!tpu.dma_semaphore, #tpu.memory_space<semaphore_mem>>) src(%arg14 : memref<128x128xf32, #tpu.memory_space<vmem>>) dst(%dma_wait3A_190 : memref<10240x128xf32, #tpu.memory_space<vmem_shared>>)
          } else {
          }
          %add3A_177 = arith.constant 1 : i32
          %add3A_178 = arith.addi %add3A_120, %add3A_177 : i32
          %dma_start3A_179 = arith.constant 0 : i32
          %dma_start3A_180 = arith.constant 0 : i32
          %dma_start3A_181 = tpu.memref_slice %arg5[%dma_start3A_179, %dma_start3A_180] : memref<10240x128xf32, #tpu.memory_space<hbm>> -> memref<10240x128xf32, #tpu.memory_space<hbm>>
          tpu.enqueue_indirect_dma source(%dma_start3A_181 : memref<10240x128xf32, #tpu.memory_space<hbm>>) target(%arg14 : memref<128x128xf32, #tpu.memory_space<vmem>>) offsets(%arg11 : memref<128xi32, #tpu.memory_space<vmem>>) semaphore(%arg17 : memref<!tpu.dma_semaphore, #tpu.memory_space<semaphore_mem>>)
        } else {
        }
        %mul3A_139 = arith.constant 2 : i32
        %mul3A_140 = arith.muli %mul3A_139, %add3A_116 : i32
        %add3A_141 = arith.constant 1 : i32
        %add3A_142 = arith.addi %mul3A_140, %add3A_141 : i32
        %dma_wait3A_143 = arith.constant 0 : i32
        %dma_wait3A_144 = arith.constant 0 : i32
        %dma_wait3A_145 = tpu.memref_slice %arg5[%dma_wait3A_143, %dma_wait3A_144] : memref<10240x128xf32, #tpu.memory_space<hbm>> -> memref<10240x128xf32, #tpu.memory_space<hbm>>
        tpu.wait_indirect_dma semaphore(%arg17 : memref<!tpu.dma_semaphore, #tpu.memory_space<semaphore_mem>>) src(%dma_wait3A_145 : memref<10240x128xf32, #tpu.memory_space<hbm>>) dst(%arg14 : memref<128x128xf32, #tpu.memory_space<vmem>>)
        %dma_start3A_146 = arith.constant 0 : i32
        %dma_start3A_147 = tpu.memref_slice %arg12[%add3A_142, %dma_start3A_146] : memref<80x128xi32, #tpu.memory_space<vmem>> -> memref<1x128xi32, #tpu.memory_space<vmem>>
        %dma_start3A_148 = tpu.memref_squeeze %dma_start3A_147 : memref<1x128xi32, #tpu.memory_space<vmem>> -> memref<128xi32, #tpu.memory_space<vmem>>
        %dma_start3A_149 = arith.constant 0 : i32
        %dma_start3A_150 = arith.constant 0 : i32
        %dma_start3A_151 = tpu.memref_slice %arg15[%dma_start3A_149, %dma_start3A_150] : memref<10240x128xf32, #tpu.memory_space<vmem_shared>> -> memref<10240x128xf32, #tpu.memory_space<vmem_shared>>
        tpu.enqueue_indirect_dma source(%arg14 : memref<128x128xf32, #tpu.memory_space<vmem>>) target(%dma_start3A_151 : memref<10240x128xf32, #tpu.memory_space<vmem_shared>>) offsets(%dma_start3A_148 : memref<128xi32, #tpu.memory_space<vmem>>) semaphore(%arg21 : memref<!tpu.dma_semaphore, #tpu.memory_space<semaphore_mem>>) {add = true}
        %lt3A_152 = arith.constant 78 : i32
        %lt3A_153 = arith.cmpi slt, %add3A_142, %lt3A_152 : i32
        %convert_element_type3A_154 = arith.extui %lt3A_153 : i1 to i32
        %cond3A_155 = arith.constant 0 : i32
        %cond3A_156 = arith.cmpi ne, %convert_element_type3A_154, %cond3A_155 : i32
        scf.if %cond3A_156 {
          %add3A_162 = arith.constant 2 : i32
          %add3A_163 = arith.addi %add3A_142, %add3A_162 : i32
          %mul3A_164 = arith.constant 80 : i32
          %mul3A_165 = arith.muli %arg1, %mul3A_164 : i32
          %add3A_166 = arith.addi %mul3A_165, %add3A_163 : i32
          %dma_start3A_167 = arith.constant 0 : i32
          %dma_start3A_168 = tpu.memref_slice %arg6[%add3A_166, %dma_start3A_167] : memref<1280x128xi32, #tpu.memory_space<hbm>> -> memref<1x128xi32, #tpu.memory_space<hbm>>
          %dma_start3A_169 = tpu.memref_squeeze %dma_start3A_168 : memref<1x128xi32, #tpu.memory_space<hbm>> -> memref<128xi32, #tpu.memory_space<hbm>>
          %dma_start3A_170 = arith.constant 0 : i32
          %dma_start3A_171 = tpu.memref_slice %arg6[%add3A_166, %dma_start3A_170] : memref<1280x128xi32, #tpu.memory_space<hbm>> -> memref<1x128xi32, #tpu.memory_space<hbm>>
          %dma_start3A_172 = tpu.memref_squeeze %dma_start3A_171 : memref<1x128xi32, #tpu.memory_space<hbm>> -> memref<128xi32, #tpu.memory_space<hbm>>
          tpu.enqueue_dma source(%dma_start3A_172 : memref<128xi32, #tpu.memory_space<hbm>>) target(%arg11 : memref<128xi32, #tpu.memory_space<vmem>>) target_semaphore(%arg19 : memref<!tpu.dma_semaphore, #tpu.memory_space<semaphore_mem>>)
        } else {
        }
        %lt3A_157 = arith.constant 79 : i32
        %lt3A_158 = arith.cmpi slt, %add3A_142, %lt3A_157 : i32
        %convert_element_type3A_159 = arith.extui %lt3A_158 : i1 to i32
        %cond3A_160 = arith.constant 0 : i32
        %cond3A_161 = arith.cmpi ne, %convert_element_type3A_159, %cond3A_160 : i32
        scf.if %cond3A_161 {
          %add3A_162 = arith.constant 1 : i32
          %add3A_163 = arith.addi %add3A_142, %add3A_162 : i32
          %mul3A_164 = arith.constant 80 : i32
          %mul3A_165 = arith.muli %arg1, %mul3A_164 : i32
          %add3A_166 = arith.addi %mul3A_165, %add3A_163 : i32
          %dma_wait3A_167 = arith.constant 0 : i32
          %dma_wait3A_168 = tpu.memref_slice %arg6[%add3A_166, %dma_wait3A_167] : memref<1280x128xi32, #tpu.memory_space<hbm>> -> memref<1x128xi32, #tpu.memory_space<hbm>>
          %dma_wait3A_169 = tpu.memref_squeeze %dma_wait3A_168 : memref<1x128xi32, #tpu.memory_space<hbm>> -> memref<128xi32, #tpu.memory_space<hbm>>
          %dma_wait3A_170 = arith.constant 0 : i32
          %dma_wait3A_171 = tpu.memref_slice %arg6[%add3A_166, %dma_wait3A_170] : memref<1280x128xi32, #tpu.memory_space<hbm>> -> memref<1x128xi32, #tpu.memory_space<hbm>>
          %dma_wait3A_172 = tpu.memref_squeeze %dma_wait3A_171 : memref<1x128xi32, #tpu.memory_space<hbm>> -> memref<128xi32, #tpu.memory_space<hbm>>
          tpu.wait_dma2 semaphore(%arg18 : memref<!tpu.dma_semaphore, #tpu.memory_space<semaphore_mem>>) src(%dma_wait3A_172 : memref<128xi32, #tpu.memory_space<hbm>>) dst(%arg10 : memref<128xi32, #tpu.memory_space<vmem>>)
          %ge3A = arith.constant 1 : i32
          %ge3A_173 = arith.cmpi sge, %add3A_142, %ge3A : i32
          %convert_element_type3A_174 = arith.extui %ge3A_173 : i1 to i32
          %cond3A_175 = arith.constant 0 : i32
          %cond3A_176 = arith.cmpi ne, %convert_element_type3A_174, %cond3A_175 : i32
          scf.if %cond3A_176 {
            %add3A_182 = arith.constant 1 : i32
            %add3A_183 = arith.addi %add3A_142, %add3A_182 : i32
            %sub3A = arith.constant 2 : i32
            %sub3A_184 = arith.subi %add3A_183, %sub3A : i32
            %dma_wait3A_185 = arith.constant 0 : i32
            %dma_wait3A_186 = tpu.memref_slice %arg12[%sub3A_184, %dma_wait3A_185] : memref<80x128xi32, #tpu.memory_space<vmem>> -> memref<1x128xi32, #tpu.memory_space<vmem>>
            %dma_wait3A_187 = tpu.memref_squeeze %dma_wait3A_186 : memref<1x128xi32, #tpu.memory_space<vmem>> -> memref<128xi32, #tpu.memory_space<vmem>>
            %dma_wait3A_188 = arith.constant 0 : i32
            %dma_wait3A_189 = arith.constant 0 : i32
            %dma_wait3A_190 = tpu.memref_slice %arg15[%dma_wait3A_188, %dma_wait3A_189] : memref<10240x128xf32, #tpu.memory_space<vmem_shared>> -> memref<10240x128xf32, #tpu.memory_space<vmem_shared>>
            tpu.wait_indirect_dma semaphore(%arg20 : memref<!tpu.dma_semaphore, #tpu.memory_space<semaphore_mem>>) src(%arg13 : memref<128x128xf32, #tpu.memory_space<vmem>>) dst(%dma_wait3A_190 : memref<10240x128xf32, #tpu.memory_space<vmem_shared>>)
          } else {
          }
          %add3A_177 = arith.constant 1 : i32
          %add3A_178 = arith.addi %add3A_142, %add3A_177 : i32
          %dma_start3A_179 = arith.constant 0 : i32
          %dma_start3A_180 = arith.constant 0 : i32
          %dma_start3A_181 = tpu.memref_slice %arg5[%dma_start3A_179, %dma_start3A_180] : memref<10240x128xf32, #tpu.memory_space<hbm>> -> memref<10240x128xf32, #tpu.memory_space<hbm>>
          tpu.enqueue_indirect_dma source(%dma_start3A_181 : memref<10240x128xf32, #tpu.memory_space<hbm>>) target(%arg13 : memref<128x128xf32, #tpu.memory_space<vmem>>) offsets(%arg10 : memref<128xi32, #tpu.memory_space<vmem>>) semaphore(%arg16 : memref<!tpu.dma_semaphore, #tpu.memory_space<semaphore_mem>>)
        } else {
        }
      }
      %scan3A_95 = arith.constant 40 : i32
      %dma_wait3A_96 = arith.constant 78 : i32
      %dma_wait3A_97 = arith.constant 0 : i32
      %dma_wait3A_98 = tpu.memref_slice %arg12[%dma_wait3A_96, %dma_wait3A_97] : memref<80x128xi32, #tpu.memory_space<vmem>> -> memref<1x128xi32, #tpu.memory_space<vmem>>
      %dma_wait3A_99 = tpu.memref_squeeze %dma_wait3A_98 : memref<1x128xi32, #tpu.memory_space<vmem>> -> memref<128xi32, #tpu.memory_space<vmem>>
      %dma_wait3A_100 = arith.constant 0 : i32
      %dma_wait3A_101 = arith.constant 0 : i32
      %dma_wait3A_102 = tpu.memref_slice %arg15[%dma_wait3A_100, %dma_wait3A_101] : memref<10240x128xf32, #tpu.memory_space<vmem_shared>> -> memref<10240x128xf32, #tpu.memory_space<vmem_shared>>
      tpu.wait_indirect_dma semaphore(%arg20 : memref<!tpu.dma_semaphore, #tpu.memory_space<semaphore_mem>>) src(%arg13 : memref<128x128xf32, #tpu.memory_space<vmem>>) dst(%dma_wait3A_102 : memref<10240x128xf32, #tpu.memory_space<vmem_shared>>)
      %dma_wait3A_103 = arith.constant 79 : i32
      %dma_wait3A_104 = arith.constant 0 : i32
      %dma_wait3A_105 = tpu.memref_slice %arg12[%dma_wait3A_103, %dma_wait3A_104] : memref<80x128xi32, #tpu.memory_space<vmem>> -> memref<1x128xi32, #tpu.memory_space<vmem>>
      %dma_wait3A_106 = tpu.memref_squeeze %dma_wait3A_105 : memref<1x128xi32, #tpu.memory_space<vmem>> -> memref<128xi32, #tpu.memory_space<vmem>>
      %dma_wait3A_107 = arith.constant 0 : i32
      %dma_wait3A_108 = arith.constant 0 : i32
      %dma_wait3A_109 = tpu.memref_slice %arg15[%dma_wait3A_107, %dma_wait3A_108] : memref<10240x128xf32, #tpu.memory_space<vmem_shared>> -> memref<10240x128xf32, #tpu.memory_space<vmem_shared>>
      tpu.wait_indirect_dma semaphore(%arg21 : memref<!tpu.dma_semaphore, #tpu.memory_space<semaphore_mem>>) src(%arg14 : memref<128x128xf32, #tpu.memory_space<vmem>>) dst(%dma_wait3A_109 : memref<10240x128xf32, #tpu.memory_space<vmem_shared>>)
      %barrier3A_110 = arith.constant 0 : index
      tpu.barrier barrier_id(%barrier3A_110)
      %run_scoped3A_111 = arith.constant 3 : i32
      "tpu.region"() ({
        %run_scoped3A_112 = tpu.sem_alloc : memref<!tpu.dma_semaphore, #tpu.memory_space<semaphore_mem>>
        %dma_start3A_113 = arith.constant 0 : i32
        %dma_start3A_114 = tpu.memref_slice %arg9[%run_scoped3A_111, %mul3A_0, %dma_start3A_113] : memref<4x10240x128xf32, #tpu.memory_space<hbm>> -> memref<1x640x128xf32, #tpu.memory_space<hbm>>
        %dma_start3A_115 = tpu.memref_squeeze %dma_start3A_114 : memref<1x640x128xf32, #tpu.memory_space<hbm>> -> memref<640x128xf32, #tpu.memory_space<hbm>>
        %dma_start3A_116 = arith.constant 0 : i32
        %dma_start3A_117 = tpu.memref_slice %arg15[%mul3A_0, %dma_start3A_116] : memref<10240x128xf32, #tpu.memory_space<vmem_shared>> -> memref<640x128xf32, #tpu.memory_space<vmem_shared>>
        tpu.enqueue_dma source(%dma_start3A_117 : memref<640x128xf32, #tpu.memory_space<vmem_shared>>) target(%dma_start3A_115 : memref<640x128xf32, #tpu.memory_space<hbm>>) target_semaphore(%run_scoped3A_112 : memref<!tpu.dma_semaphore, #tpu.memory_space<semaphore_mem>>)
        %dma_wait3A_118 = arith.constant 0 : i32
        %dma_wait3A_119 = tpu.memref_slice %arg9[%run_scoped3A_111, %mul3A_0, %dma_wait3A_118] : memref<4x10240x128xf32, #tpu.memory_space<hbm>> -> memref<1x640x128xf32, #tpu.memory_space<hbm>>
        %dma_wait3A_120 = tpu.memref_squeeze %dma_wait3A_119 : memref<1x640x128xf32, #tpu.memory_space<hbm>> -> memref<640x128xf32, #tpu.memory_space<hbm>>
        %dma_wait3A_121 = arith.constant 0 : i32
        %dma_wait3A_122 = tpu.memref_slice %arg15[%mul3A_0, %dma_wait3A_121] : memref<10240x128xf32, #tpu.memory_space<vmem_shared>> -> memref<640x128xf32, #tpu.memory_space<vmem_shared>>
        tpu.wait_dma2 semaphore(%run_scoped3A_112 : memref<!tpu.dma_semaphore, #tpu.memory_space<semaphore_mem>>) src(%dma_wait3A_122 : memref<640x128xf32, #tpu.memory_space<vmem_shared>>) dst(%dma_wait3A_120 : memref<640x128xf32, #tpu.memory_space<hbm>>)
        tpu.yield
      }) : () -> ()
    } else {
    }
    return
  }
}

module attributes {stable_mosaic.version = 14 : i64} {
  func.func @body(%arg0: i32, %arg1: memref<2x256x128xf32, #tpu.memory_space<vmem>>, %arg2: memref<2x256x128xf32, #tpu.memory_space<vmem>>, %arg3: memref<2x256x128xf32, #tpu.memory_space<vmem>>, %arg4: memref<2x128x512xf32, #tpu.memory_space<vmem>>, %arg5: memref<2x128x512xf32, #tpu.memory_space<vmem>>, %arg6: memref<128x512xf32, #tpu.memory_space<vmem>>, %arg7: memref<4x256x128xf32, #tpu.memory_space<vmem>>) attributes {dimension_semantics = [#tpu.dimension_semantics<arbitrary>], iteration_bounds = array<i64: 40>, scalar_prefetch = 0 : i64, scratch_operands = 0 : i64, tpu.core_type = #tpu.core_type<tc>, window_params = [{transform_indices = @transform_0, window_bounds = array<i64: 2, 256, 128>}, {transform_indices = @transform_1, window_bounds = array<i64: 2, 256, 128>}, {transform_indices = @transform_2, window_bounds = array<i64: 2, 256, 128>}, {pipeline_mode = #tpu.pipeline_mode<synchronous>, transform_indices = @transform_3, window_bounds = array<i64: 2, 128, 512>}, {pipeline_mode = #tpu.pipeline_mode<synchronous>, transform_indices = @transform_4, window_bounds = array<i64: 2, 128, 512>}, {pipeline_mode = #tpu.pipeline_mode<synchronous>, transform_indices = @transform_5, window_bounds = array<i64: 128, 512>}, {transform_indices = @transform_6, window_bounds = array<i64: 4, 256, 128>}]} {
    %get3A = arith.constant 0 : index
    %get3A_0 = arith.constant 0 : index
    %get3A_1 = arith.constant 0 : index
    %get3A_2 = vector.load %arg3[%get3A, %get3A_0, %get3A_1] : memref<2x256x128xf32, #tpu.memory_space<vmem>>, vector<1x256x128xf32>
    %get3A_3 = vector.shape_cast %get3A_2 : vector<1x256x128xf32> to vector<256x128xf32>
    %get3A_4 = arith.constant 1 : index
    %get3A_5 = arith.constant 0 : index
    %get3A_6 = arith.constant 0 : index
    %get3A_7 = vector.load %arg3[%get3A_4, %get3A_5, %get3A_6] : memref<2x256x128xf32, #tpu.memory_space<vmem>>, vector<1x256x128xf32>
    %get3A_8 = vector.shape_cast %get3A_7 : vector<1x256x128xf32> to vector<256x128xf32>
    %add3A = arith.addf %get3A_3, %get3A_8 : vector<256x128xf32>
    %slice3A = vector.extract_strided_slice %add3A {offsets = [0, 16], sizes = [256, 1], strides = [1, 1]} : vector<256x128xf32> to vector<256x1xf32>
    %get3A_9 = arith.constant 0 : index
    %get3A_10 = arith.constant 0 : index
    %get3A_11 = vector.load %arg6[%get3A_9, %get3A_10] : memref<128x512xf32, #tpu.memory_space<vmem>>, vector<128x512xf32>
    %dot_general3A = arith.constant dense<0.000000e+00> : vector<256x512xf32>
    %dot_general3A_12 = tpu.matmul %add3A, %get3A_11, %dot_general3A {dimension_numbers = #tpu.dot_dimension_numbers<[1], [0], [0], [1], [0, 0, 1, 1], [], []>, transpose_lhs_hint = false} : vector<256x128xf32>, vector<128x512xf32>, vector<256x512xf32> -> vector<256x512xf32>
    %get3A_13 = arith.constant 0 : index
    %get3A_14 = arith.constant 0 : index
    %get3A_15 = arith.constant 0 : index
    %get3A_16 = vector.load %arg1[%get3A_13, %get3A_14, %get3A_15] : memref<2x256x128xf32, #tpu.memory_space<vmem>>, vector<1x256x128xf32>
    %get3A_17 = vector.shape_cast %get3A_16 : vector<1x256x128xf32> to vector<256x128xf32>
    %mul3A = vector.broadcast %slice3A : vector<256x1xf32> to vector<256x128xf32>
    %mul3A_18 = arith.mulf %mul3A, %get3A_17 : vector<256x128xf32>
    %get3A_19 = arith.constant 0 : index
    %get3A_20 = arith.constant 0 : index
    %get3A_21 = arith.constant 0 : index
    %get3A_22 = vector.load %arg4[%get3A_19, %get3A_20, %get3A_21] : memref<2x128x512xf32, #tpu.memory_space<vmem>>, vector<1x128x512xf32>
    %get3A_23 = vector.shape_cast %get3A_22 : vector<1x128x512xf32> to vector<128x512xf32>
    %dot_general3A_24 = arith.constant dense<0.000000e+00> : vector<256x512xf32>
    %dot_general3A_25 = tpu.matmul %mul3A_18, %get3A_23, %dot_general3A_24 {dimension_numbers = #tpu.dot_dimension_numbers<[1], [0], [0], [1], [0, 0, 1, 1], [], []>, transpose_lhs_hint = false} : vector<256x128xf32>, vector<128x512xf32>, vector<256x512xf32> -> vector<256x512xf32>
    %add3A_26 = arith.addf %dot_general3A_12, %dot_general3A_25 : vector<256x512xf32>
    %get3A_27 = arith.constant 0 : index
    %get3A_28 = arith.constant 0 : index
    %get3A_29 = arith.constant 0 : index
    %get3A_30 = vector.load %arg2[%get3A_27, %get3A_28, %get3A_29] : memref<2x256x128xf32, #tpu.memory_space<vmem>>, vector<1x256x128xf32>
    %get3A_31 = vector.shape_cast %get3A_30 : vector<1x256x128xf32> to vector<256x128xf32>
    %get3A_32 = arith.constant 0 : index
    %get3A_33 = arith.constant 0 : index
    %get3A_34 = arith.constant 0 : index
    %get3A_35 = vector.load %arg5[%get3A_32, %get3A_33, %get3A_34] : memref<2x128x512xf32, #tpu.memory_space<vmem>>, vector<1x128x512xf32>
    %get3A_36 = vector.shape_cast %get3A_35 : vector<1x128x512xf32> to vector<128x512xf32>
    %dot_general3A_37 = arith.constant dense<0.000000e+00> : vector<256x512xf32>
    %dot_general3A_38 = tpu.matmul %get3A_31, %get3A_36, %dot_general3A_37 {dimension_numbers = #tpu.dot_dimension_numbers<[1], [0], [0], [1], [0, 0, 1, 1], [], []>, transpose_lhs_hint = false} : vector<256x128xf32>, vector<128x512xf32>, vector<256x512xf32> -> vector<256x512xf32>
    %add3A_39 = arith.addf %add3A_26, %dot_general3A_38 : vector<256x512xf32>
    %get3A_40 = arith.constant 1 : index
    %get3A_41 = arith.constant 0 : index
    %get3A_42 = arith.constant 0 : index
    %get3A_43 = vector.load %arg1[%get3A_40, %get3A_41, %get3A_42] : memref<2x256x128xf32, #tpu.memory_space<vmem>>, vector<1x256x128xf32>
    %get3A_44 = vector.shape_cast %get3A_43 : vector<1x256x128xf32> to vector<256x128xf32>
    %mul3A_45 = vector.broadcast %slice3A : vector<256x1xf32> to vector<256x128xf32>
    %mul3A_46 = arith.mulf %mul3A_45, %get3A_44 : vector<256x128xf32>
    %get3A_47 = arith.constant 1 : index
    %get3A_48 = arith.constant 0 : index
    %get3A_49 = arith.constant 0 : index
    %get3A_50 = vector.load %arg4[%get3A_47, %get3A_48, %get3A_49] : memref<2x128x512xf32, #tpu.memory_space<vmem>>, vector<1x128x512xf32>
    %get3A_51 = vector.shape_cast %get3A_50 : vector<1x128x512xf32> to vector<128x512xf32>
    %dot_general3A_52 = arith.constant dense<0.000000e+00> : vector<256x512xf32>
    %dot_general3A_53 = tpu.matmul %mul3A_46, %get3A_51, %dot_general3A_52 {dimension_numbers = #tpu.dot_dimension_numbers<[1], [0], [0], [1], [0, 0, 1, 1], [], []>, transpose_lhs_hint = false} : vector<256x128xf32>, vector<128x512xf32>, vector<256x512xf32> -> vector<256x512xf32>
    %add3A_54 = arith.addf %add3A_39, %dot_general3A_53 : vector<256x512xf32>
    %get3A_55 = arith.constant 1 : index
    %get3A_56 = arith.constant 0 : index
    %get3A_57 = arith.constant 0 : index
    %get3A_58 = vector.load %arg2[%get3A_55, %get3A_56, %get3A_57] : memref<2x256x128xf32, #tpu.memory_space<vmem>>, vector<1x256x128xf32>
    %get3A_59 = vector.shape_cast %get3A_58 : vector<1x256x128xf32> to vector<256x128xf32>
    %get3A_60 = arith.constant 1 : index
    %get3A_61 = arith.constant 0 : index
    %get3A_62 = arith.constant 0 : index
    %get3A_63 = vector.load %arg5[%get3A_60, %get3A_61, %get3A_62] : memref<2x128x512xf32, #tpu.memory_space<vmem>>, vector<1x128x512xf32>
    %get3A_64 = vector.shape_cast %get3A_63 : vector<1x128x512xf32> to vector<128x512xf32>
    %dot_general3A_65 = arith.constant dense<0.000000e+00> : vector<256x512xf32>
    %dot_general3A_66 = tpu.matmul %get3A_59, %get3A_64, %dot_general3A_65 {dimension_numbers = #tpu.dot_dimension_numbers<[1], [0], [0], [1], [0, 0, 1, 1], [], []>, transpose_lhs_hint = false} : vector<256x128xf32>, vector<128x512xf32>, vector<256x512xf32> -> vector<256x512xf32>
    %add3A_67 = arith.addf %add3A_54, %dot_general3A_66 : vector<256x512xf32>
    %max3A = arith.constant 0.000000e+00 : f32
    %max3A_68 = vector.broadcast %max3A : f32 to vector<256x512xf32>
    %max3A_69 = arith.maximumf %add3A_67, %max3A_68 : vector<256x512xf32>
    %slice3A_70 = vector.extract_strided_slice %max3A_69 {offsets = [0, 0], sizes = [256, 128], strides = [1, 1]} : vector<256x512xf32> to vector<256x128xf32>
    %swap3A = arith.constant 0 : index
    %swap3A_71 = arith.constant 0 : index
    %swap3A_72 = arith.constant 0 : index
    %swap3A_73 = vector.load %arg7[%swap3A, %swap3A_71, %swap3A_72] : memref<4x256x128xf32, #tpu.memory_space<vmem>>, vector<1x256x128xf32>
    %swap3A_74 = vector.shape_cast %swap3A_73 : vector<1x256x128xf32> to vector<256x128xf32>
    %swap3A_75 = vector.shape_cast %slice3A_70 : vector<256x128xf32> to vector<1x256x128xf32>
    tpu.vector_store %arg7[%swap3A, %swap3A_71, %swap3A_72], %swap3A_75 {strides = array<i32>} : memref<4x256x128xf32, #tpu.memory_space<vmem>>, vector<1x256x128xf32>,
    %slice3A_76 = vector.extract_strided_slice %max3A_69 {offsets = [0, 128], sizes = [256, 128], strides = [1, 1]} : vector<256x512xf32> to vector<256x128xf32>
    %swap3A_77 = arith.constant 1 : index
    %swap3A_78 = arith.constant 0 : index
    %swap3A_79 = arith.constant 0 : index
    %swap3A_80 = vector.load %arg7[%swap3A_77, %swap3A_78, %swap3A_79] : memref<4x256x128xf32, #tpu.memory_space<vmem>>, vector<1x256x128xf32>
    %swap3A_81 = vector.shape_cast %swap3A_80 : vector<1x256x128xf32> to vector<256x128xf32>
    %swap3A_82 = vector.shape_cast %slice3A_76 : vector<256x128xf32> to vector<1x256x128xf32>
    tpu.vector_store %arg7[%swap3A_77, %swap3A_78, %swap3A_79], %swap3A_82 {strides = array<i32>} : memref<4x256x128xf32, #tpu.memory_space<vmem>>, vector<1x256x128xf32>,
    %slice3A_83 = vector.extract_strided_slice %max3A_69 {offsets = [0, 256], sizes = [256, 128], strides = [1, 1]} : vector<256x512xf32> to vector<256x128xf32>
    %swap3A_84 = arith.constant 2 : index
    %swap3A_85 = arith.constant 0 : index
    %swap3A_86 = arith.constant 0 : index
    %swap3A_87 = vector.load %arg7[%swap3A_84, %swap3A_85, %swap3A_86] : memref<4x256x128xf32, #tpu.memory_space<vmem>>, vector<1x256x128xf32>
    %swap3A_88 = vector.shape_cast %swap3A_87 : vector<1x256x128xf32> to vector<256x128xf32>
    %swap3A_89 = vector.shape_cast %slice3A_83 : vector<256x128xf32> to vector<1x256x128xf32>
    tpu.vector_store %arg7[%swap3A_84, %swap3A_85, %swap3A_86], %swap3A_89 {strides = array<i32>} : memref<4x256x128xf32, #tpu.memory_space<vmem>>, vector<1x256x128xf32>,
    %slice3A_90 = vector.extract_strided_slice %max3A_69 {offsets = [0, 384], sizes = [256, 128], strides = [1, 1]} : vector<256x512xf32> to vector<256x128xf32>
    %swap3A_91 = arith.constant 3 : index
    %swap3A_92 = arith.constant 0 : index
    %swap3A_93 = arith.constant 0 : index
    %swap3A_94 = vector.load %arg7[%swap3A_91, %swap3A_92, %swap3A_93] : memref<4x256x128xf32, #tpu.memory_space<vmem>>, vector<1x256x128xf32>
    %swap3A_95 = vector.shape_cast %swap3A_94 : vector<1x256x128xf32> to vector<256x128xf32>
    %swap3A_96 = vector.shape_cast %slice3A_90 : vector<256x128xf32> to vector<1x256x128xf32>
    tpu.vector_store %arg7[%swap3A_91, %swap3A_92, %swap3A_93], %swap3A_96 {strides = array<i32>} : memref<4x256x128xf32, #tpu.memory_space<vmem>>, vector<1x256x128xf32>,
    return
  }
  func.func @transform_0(%arg0: i32) -> (i32, i32, i32) {
    %c0_i32 = arith.constant 0 : i32
    %c0_i32_0 = arith.constant 0 : i32
    %c0_i32_1 = arith.constant 0 : i32
    return %c0_i32, %arg0, %c0_i32_0 : i32, i32, i32
  }
  func.func @transform_1(%arg0: i32) -> (i32, i32, i32) {
    %c0_i32 = arith.constant 0 : i32
    %c0_i32_0 = arith.constant 0 : i32
    %c0_i32_1 = arith.constant 0 : i32
    return %c0_i32, %arg0, %c0_i32_0 : i32, i32, i32
  }
  func.func @transform_2(%arg0: i32) -> (i32, i32, i32) {
    %c0_i32 = arith.constant 0 : i32
    %c0_i32_0 = arith.constant 0 : i32
    %c0_i32_1 = arith.constant 0 : i32
    return %c0_i32, %arg0, %c0_i32_0 : i32, i32, i32
  }
  func.func @transform_3(%arg0: i32) -> (i32, i32, i32) {
    %c0_i32 = arith.constant 0 : i32
    %c0_i32_0 = arith.constant 0 : i32
    %c0_i32_1 = arith.constant 0 : i32
    %c0_i32_2 = arith.constant 0 : i32
    return %c0_i32, %c0_i32_0, %c0_i32_1 : i32, i32, i32
  }
  func.func @transform_4(%arg0: i32) -> (i32, i32, i32) {
    %c0_i32 = arith.constant 0 : i32
    %c0_i32_0 = arith.constant 0 : i32
    %c0_i32_1 = arith.constant 0 : i32
    %c0_i32_2 = arith.constant 0 : i32
    return %c0_i32, %c0_i32_0, %c0_i32_1 : i32, i32, i32
  }
  func.func @transform_5(%arg0: i32) -> (i32, i32) {
    %c0_i32 = arith.constant 0 : i32
    %c0_i32_0 = arith.constant 0 : i32
    %c0_i32_1 = arith.constant 0 : i32
    return %c0_i32, %c0_i32_0 : i32, i32
  }
  func.func @transform_6(%arg0: i32) -> (i32, i32, i32) {
    %c0_i32 = arith.constant 0 : i32
    %c0_i32_0 = arith.constant 0 : i32
    %c0_i32_1 = arith.constant 0 : i32
    return %c0_i32, %arg0, %c0_i32_0 : i32, i32, i32
  }
}

module attributes {stable_mosaic.version = 14 : i64} {
  func.func @body(%arg0: i32, %arg1: memref<4x256x128xf32, #tpu.memory_space<vmem>>, %arg2: memref<4x256x128xf32, #tpu.memory_space<vmem>>, %arg3: memref<2x256x128xf32, #tpu.memory_space<vmem>>, %arg4: memref<4x128x512xf32, #tpu.memory_space<vmem>>, %arg5: memref<4x128x512xf32, #tpu.memory_space<vmem>>, %arg6: memref<128x512xf32, #tpu.memory_space<vmem>>, %arg7: memref<4x256x128xf32, #tpu.memory_space<vmem>>) attributes {dimension_semantics = [#tpu.dimension_semantics<arbitrary>], iteration_bounds = array<i64: 40>, scalar_prefetch = 0 : i64, scratch_operands = 0 : i64, tpu.core_type = #tpu.core_type<tc>, window_params = [{transform_indices = @transform_0, window_bounds = array<i64: 4, 256, 128>}, {transform_indices = @transform_1, window_bounds = array<i64: 4, 256, 128>}, {transform_indices = @transform_2, window_bounds = array<i64: 2, 256, 128>}, {pipeline_mode = #tpu.pipeline_mode<synchronous>, transform_indices = @transform_3, window_bounds = array<i64: 4, 128, 512>}, {pipeline_mode = #tpu.pipeline_mode<synchronous>, transform_indices = @transform_4, window_bounds = array<i64: 4, 128, 512>}, {pipeline_mode = #tpu.pipeline_mode<synchronous>, transform_indices = @transform_5, window_bounds = array<i64: 128, 512>}, {transform_indices = @transform_6, window_bounds = array<i64: 4, 256, 128>}]} {
    %get3A = arith.constant 0 : index
    %get3A_0 = arith.constant 0 : index
    %get3A_1 = arith.constant 0 : index
    %get3A_2 = vector.load %arg3[%get3A, %get3A_0, %get3A_1] : memref<2x256x128xf32, #tpu.memory_space<vmem>>, vector<1x256x128xf32>
    %get3A_3 = vector.shape_cast %get3A_2 : vector<1x256x128xf32> to vector<256x128xf32>
    %get3A_4 = arith.constant 1 : index
    %get3A_5 = arith.constant 0 : index
    %get3A_6 = arith.constant 0 : index
    %get3A_7 = vector.load %arg3[%get3A_4, %get3A_5, %get3A_6] : memref<2x256x128xf32, #tpu.memory_space<vmem>>, vector<1x256x128xf32>
    %get3A_8 = vector.shape_cast %get3A_7 : vector<1x256x128xf32> to vector<256x128xf32>
    %add3A = arith.addf %get3A_3, %get3A_8 : vector<256x128xf32>
    %slice3A = vector.extract_strided_slice %add3A {offsets = [0, 16], sizes = [256, 1], strides = [1, 1]} : vector<256x128xf32> to vector<256x1xf32>
    %get3A_9 = arith.constant 0 : index
    %get3A_10 = arith.constant 0 : index
    %get3A_11 = vector.load %arg6[%get3A_9, %get3A_10] : memref<128x512xf32, #tpu.memory_space<vmem>>, vector<128x512xf32>
    %dot_general3A = arith.constant dense<0.000000e+00> : vector<256x512xf32>
    %dot_general3A_12 = tpu.matmul %add3A, %get3A_11, %dot_general3A {dimension_numbers = #tpu.dot_dimension_numbers<[1], [0], [0], [1], [0, 0, 1, 1], [], []>, transpose_lhs_hint = false} : vector<256x128xf32>, vector<128x512xf32>, vector<256x512xf32> -> vector<256x512xf32>
    %get3A_13 = arith.constant 0 : index
    %get3A_14 = arith.constant 0 : index
    %get3A_15 = arith.constant 0 : index
    %get3A_16 = vector.load %arg1[%get3A_13, %get3A_14, %get3A_15] : memref<4x256x128xf32, #tpu.memory_space<vmem>>, vector<1x256x128xf32>
    %get3A_17 = vector.shape_cast %get3A_16 : vector<1x256x128xf32> to vector<256x128xf32>
    %mul3A = vector.broadcast %slice3A : vector<256x1xf32> to vector<256x128xf32>
    %mul3A_18 = arith.mulf %mul3A, %get3A_17 : vector<256x128xf32>
    %get3A_19 = arith.constant 0 : index
    %get3A_20 = arith.constant 0 : index
    %get3A_21 = arith.constant 0 : index
    %get3A_22 = vector.load %arg4[%get3A_19, %get3A_20, %get3A_21] : memref<4x128x512xf32, #tpu.memory_space<vmem>>, vector<1x128x512xf32>
    %get3A_23 = vector.shape_cast %get3A_22 : vector<1x128x512xf32> to vector<128x512xf32>
    %dot_general3A_24 = arith.constant dense<0.000000e+00> : vector<256x512xf32>
    %dot_general3A_25 = tpu.matmul %mul3A_18, %get3A_23, %dot_general3A_24 {dimension_numbers = #tpu.dot_dimension_numbers<[1], [0], [0], [1], [0, 0, 1, 1], [], []>, transpose_lhs_hint = false} : vector<256x128xf32>, vector<128x512xf32>, vector<256x512xf32> -> vector<256x512xf32>
    %add3A_26 = arith.addf %dot_general3A_12, %dot_general3A_25 : vector<256x512xf32>
    %get3A_27 = arith.constant 0 : index
    %get3A_28 = arith.constant 0 : index
    %get3A_29 = arith.constant 0 : index
    %get3A_30 = vector.load %arg2[%get3A_27, %get3A_28, %get3A_29] : memref<4x256x128xf32, #tpu.memory_space<vmem>>, vector<1x256x128xf32>
    %get3A_31 = vector.shape_cast %get3A_30 : vector<1x256x128xf32> to vector<256x128xf32>
    %get3A_32 = arith.constant 0 : index
    %get3A_33 = arith.constant 0 : index
    %get3A_34 = arith.constant 0 : index
    %get3A_35 = vector.load %arg5[%get3A_32, %get3A_33, %get3A_34] : memref<4x128x512xf32, #tpu.memory_space<vmem>>, vector<1x128x512xf32>
    %get3A_36 = vector.shape_cast %get3A_35 : vector<1x128x512xf32> to vector<128x512xf32>
    %dot_general3A_37 = arith.constant dense<0.000000e+00> : vector<256x512xf32>
    %dot_general3A_38 = tpu.matmul %get3A_31, %get3A_36, %dot_general3A_37 {dimension_numbers = #tpu.dot_dimension_numbers<[1], [0], [0], [1], [0, 0, 1, 1], [], []>, transpose_lhs_hint = false} : vector<256x128xf32>, vector<128x512xf32>, vector<256x512xf32> -> vector<256x512xf32>
    %add3A_39 = arith.addf %add3A_26, %dot_general3A_38 : vector<256x512xf32>
    %get3A_40 = arith.constant 1 : index
    %get3A_41 = arith.constant 0 : index
    %get3A_42 = arith.constant 0 : index
    %get3A_43 = vector.load %arg1[%get3A_40, %get3A_41, %get3A_42] : memref<4x256x128xf32, #tpu.memory_space<vmem>>, vector<1x256x128xf32>
    %get3A_44 = vector.shape_cast %get3A_43 : vector<1x256x128xf32> to vector<256x128xf32>
    %mul3A_45 = vector.broadcast %slice3A : vector<256x1xf32> to vector<256x128xf32>
    %mul3A_46 = arith.mulf %mul3A_45, %get3A_44 : vector<256x128xf32>
    %get3A_47 = arith.constant 1 : index
    %get3A_48 = arith.constant 0 : index
    %get3A_49 = arith.constant 0 : index
    %get3A_50 = vector.load %arg4[%get3A_47, %get3A_48, %get3A_49] : memref<4x128x512xf32, #tpu.memory_space<vmem>>, vector<1x128x512xf32>
    %get3A_51 = vector.shape_cast %get3A_50 : vector<1x128x512xf32> to vector<128x512xf32>
    %dot_general3A_52 = arith.constant dense<0.000000e+00> : vector<256x512xf32>
    %dot_general3A_53 = tpu.matmul %mul3A_46, %get3A_51, %dot_general3A_52 {dimension_numbers = #tpu.dot_dimension_numbers<[1], [0], [0], [1], [0, 0, 1, 1], [], []>, transpose_lhs_hint = false} : vector<256x128xf32>, vector<128x512xf32>, vector<256x512xf32> -> vector<256x512xf32>
    %add3A_54 = arith.addf %add3A_39, %dot_general3A_53 : vector<256x512xf32>
    %get3A_55 = arith.constant 1 : index
    %get3A_56 = arith.constant 0 : index
    %get3A_57 = arith.constant 0 : index
    %get3A_58 = vector.load %arg2[%get3A_55, %get3A_56, %get3A_57] : memref<4x256x128xf32, #tpu.memory_space<vmem>>, vector<1x256x128xf32>
    %get3A_59 = vector.shape_cast %get3A_58 : vector<1x256x128xf32> to vector<256x128xf32>
    %get3A_60 = arith.constant 1 : index
    %get3A_61 = arith.constant 0 : index
    %get3A_62 = arith.constant 0 : index
    %get3A_63 = vector.load %arg5[%get3A_60, %get3A_61, %get3A_62] : memref<4x128x512xf32, #tpu.memory_space<vmem>>, vector<1x128x512xf32>
    %get3A_64 = vector.shape_cast %get3A_63 : vector<1x128x512xf32> to vector<128x512xf32>
    %dot_general3A_65 = arith.constant dense<0.000000e+00> : vector<256x512xf32>
    %dot_general3A_66 = tpu.matmul %get3A_59, %get3A_64, %dot_general3A_65 {dimension_numbers = #tpu.dot_dimension_numbers<[1], [0], [0], [1], [0, 0, 1, 1], [], []>, transpose_lhs_hint = false} : vector<256x128xf32>, vector<128x512xf32>, vector<256x512xf32> -> vector<256x512xf32>
    %add3A_67 = arith.addf %add3A_54, %dot_general3A_66 : vector<256x512xf32>
    %get3A_68 = arith.constant 2 : index
    %get3A_69 = arith.constant 0 : index
    %get3A_70 = arith.constant 0 : index
    %get3A_71 = vector.load %arg1[%get3A_68, %get3A_69, %get3A_70] : memref<4x256x128xf32, #tpu.memory_space<vmem>>, vector<1x256x128xf32>
    %get3A_72 = vector.shape_cast %get3A_71 : vector<1x256x128xf32> to vector<256x128xf32>
    %mul3A_73 = vector.broadcast %slice3A : vector<256x1xf32> to vector<256x128xf32>
    %mul3A_74 = arith.mulf %mul3A_73, %get3A_72 : vector<256x128xf32>
    %get3A_75 = arith.constant 2 : index
    %get3A_76 = arith.constant 0 : index
    %get3A_77 = arith.constant 0 : index
    %get3A_78 = vector.load %arg4[%get3A_75, %get3A_76, %get3A_77] : memref<4x128x512xf32, #tpu.memory_space<vmem>>, vector<1x128x512xf32>
    %get3A_79 = vector.shape_cast %get3A_78 : vector<1x128x512xf32> to vector<128x512xf32>
    %dot_general3A_80 = arith.constant dense<0.000000e+00> : vector<256x512xf32>
    %dot_general3A_81 = tpu.matmul %mul3A_74, %get3A_79, %dot_general3A_80 {dimension_numbers = #tpu.dot_dimension_numbers<[1], [0], [0], [1], [0, 0, 1, 1], [], []>, transpose_lhs_hint = false} : vector<256x128xf32>, vector<128x512xf32>, vector<256x512xf32> -> vector<256x512xf32>
    %add3A_82 = arith.addf %add3A_67, %dot_general3A_81 : vector<256x512xf32>
    %get3A_83 = arith.constant 2 : index
    %get3A_84 = arith.constant 0 : index
    %get3A_85 = arith.constant 0 : index
    %get3A_86 = vector.load %arg2[%get3A_83, %get3A_84, %get3A_85] : memref<4x256x128xf32, #tpu.memory_space<vmem>>, vector<1x256x128xf32>
    %get3A_87 = vector.shape_cast %get3A_86 : vector<1x256x128xf32> to vector<256x128xf32>
    %get3A_88 = arith.constant 2 : index
    %get3A_89 = arith.constant 0 : index
    %get3A_90 = arith.constant 0 : index
    %get3A_91 = vector.load %arg5[%get3A_88, %get3A_89, %get3A_90] : memref<4x128x512xf32, #tpu.memory_space<vmem>>, vector<1x128x512xf32>
    %get3A_92 = vector.shape_cast %get3A_91 : vector<1x128x512xf32> to vector<128x512xf32>
    %dot_general3A_93 = arith.constant dense<0.000000e+00> : vector<256x512xf32>
    %dot_general3A_94 = tpu.matmul %get3A_87, %get3A_92, %dot_general3A_93 {dimension_numbers = #tpu.dot_dimension_numbers<[1], [0], [0], [1], [0, 0, 1, 1], [], []>, transpose_lhs_hint = false} : vector<256x128xf32>, vector<128x512xf32>, vector<256x512xf32> -> vector<256x512xf32>
    %add3A_95 = arith.addf %add3A_82, %dot_general3A_94 : vector<256x512xf32>
    %get3A_96 = arith.constant 3 : index
    %get3A_97 = arith.constant 0 : index
    %get3A_98 = arith.constant 0 : index
    %get3A_99 = vector.load %arg1[%get3A_96, %get3A_97, %get3A_98] : memref<4x256x128xf32, #tpu.memory_space<vmem>>, vector<1x256x128xf32>
    %get3A_100 = vector.shape_cast %get3A_99 : vector<1x256x128xf32> to vector<256x128xf32>
    %mul3A_101 = vector.broadcast %slice3A : vector<256x1xf32> to vector<256x128xf32>
    %mul3A_102 = arith.mulf %mul3A_101, %get3A_100 : vector<256x128xf32>
    %get3A_103 = arith.constant 3 : index
    %get3A_104 = arith.constant 0 : index
    %get3A_105 = arith.constant 0 : index
    %get3A_106 = vector.load %arg4[%get3A_103, %get3A_104, %get3A_105] : memref<4x128x512xf32, #tpu.memory_space<vmem>>, vector<1x128x512xf32>
    %get3A_107 = vector.shape_cast %get3A_106 : vector<1x128x512xf32> to vector<128x512xf32>
    %dot_general3A_108 = arith.constant dense<0.000000e+00> : vector<256x512xf32>
    %dot_general3A_109 = tpu.matmul %mul3A_102, %get3A_107, %dot_general3A_108 {dimension_numbers = #tpu.dot_dimension_numbers<[1], [0], [0], [1], [0, 0, 1, 1], [], []>, transpose_lhs_hint = false} : vector<256x128xf32>, vector<128x512xf32>, vector<256x512xf32> -> vector<256x512xf32>
    %add3A_110 = arith.addf %add3A_95, %dot_general3A_109 : vector<256x512xf32>
    %get3A_111 = arith.constant 3 : index
    %get3A_112 = arith.constant 0 : index
    %get3A_113 = arith.constant 0 : index
    %get3A_114 = vector.load %arg2[%get3A_111, %get3A_112, %get3A_113] : memref<4x256x128xf32, #tpu.memory_space<vmem>>, vector<1x256x128xf32>
    %get3A_115 = vector.shape_cast %get3A_114 : vector<1x256x128xf32> to vector<256x128xf32>
    %get3A_116 = arith.constant 3 : index
    %get3A_117 = arith.constant 0 : index
    %get3A_118 = arith.constant 0 : index
    %get3A_119 = vector.load %arg5[%get3A_116, %get3A_117, %get3A_118] : memref<4x128x512xf32, #tpu.memory_space<vmem>>, vector<1x128x512xf32>
    %get3A_120 = vector.shape_cast %get3A_119 : vector<1x128x512xf32> to vector<128x512xf32>
    %dot_general3A_121 = arith.constant dense<0.000000e+00> : vector<256x512xf32>
    %dot_general3A_122 = tpu.matmul %get3A_115, %get3A_120, %dot_general3A_121 {dimension_numbers = #tpu.dot_dimension_numbers<[1], [0], [0], [1], [0, 0, 1, 1], [], []>, transpose_lhs_hint = false} : vector<256x128xf32>, vector<128x512xf32>, vector<256x512xf32> -> vector<256x512xf32>
    %add3A_123 = arith.addf %add3A_110, %dot_general3A_122 : vector<256x512xf32>
    %max3A = arith.constant 0.000000e+00 : f32
    %max3A_124 = vector.broadcast %max3A : f32 to vector<256x512xf32>
    %max3A_125 = arith.maximumf %add3A_123, %max3A_124 : vector<256x512xf32>
    %slice3A_126 = vector.extract_strided_slice %max3A_125 {offsets = [0, 0], sizes = [256, 128], strides = [1, 1]} : vector<256x512xf32> to vector<256x128xf32>
    %swap3A = arith.constant 0 : index
    %swap3A_127 = arith.constant 0 : index
    %swap3A_128 = arith.constant 0 : index
    %swap3A_129 = vector.load %arg7[%swap3A, %swap3A_127, %swap3A_128] : memref<4x256x128xf32, #tpu.memory_space<vmem>>, vector<1x256x128xf32>
    %swap3A_130 = vector.shape_cast %swap3A_129 : vector<1x256x128xf32> to vector<256x128xf32>
    %swap3A_131 = vector.shape_cast %slice3A_126 : vector<256x128xf32> to vector<1x256x128xf32>
    tpu.vector_store %arg7[%swap3A, %swap3A_127, %swap3A_128], %swap3A_131 {strides = array<i32>} : memref<4x256x128xf32, #tpu.memory_space<vmem>>, vector<1x256x128xf32>,
    %slice3A_132 = vector.extract_strided_slice %max3A_125 {offsets = [0, 128], sizes = [256, 128], strides = [1, 1]} : vector<256x512xf32> to vector<256x128xf32>
    %swap3A_133 = arith.constant 1 : index
    %swap3A_134 = arith.constant 0 : index
    %swap3A_135 = arith.constant 0 : index
    %swap3A_136 = vector.load %arg7[%swap3A_133, %swap3A_134, %swap3A_135] : memref<4x256x128xf32, #tpu.memory_space<vmem>>, vector<1x256x128xf32>
    %swap3A_137 = vector.shape_cast %swap3A_136 : vector<1x256x128xf32> to vector<256x128xf32>
    %swap3A_138 = vector.shape_cast %slice3A_132 : vector<256x128xf32> to vector<1x256x128xf32>
    tpu.vector_store %arg7[%swap3A_133, %swap3A_134, %swap3A_135], %swap3A_138 {strides = array<i32>} : memref<4x256x128xf32, #tpu.memory_space<vmem>>, vector<1x256x128xf32>,
    %slice3A_139 = vector.extract_strided_slice %max3A_125 {offsets = [0, 256], sizes = [256, 128], strides = [1, 1]} : vector<256x512xf32> to vector<256x128xf32>
    %swap3A_140 = arith.constant 2 : index
    %swap3A_141 = arith.constant 0 : index
    %swap3A_142 = arith.constant 0 : index
    %swap3A_143 = vector.load %arg7[%swap3A_140, %swap3A_141, %swap3A_142] : memref<4x256x128xf32, #tpu.memory_space<vmem>>, vector<1x256x128xf32>
    %swap3A_144 = vector.shape_cast %swap3A_143 : vector<1x256x128xf32> to vector<256x128xf32>
    %swap3A_145 = vector.shape_cast %slice3A_139 : vector<256x128xf32> to vector<1x256x128xf32>
    tpu.vector_store %arg7[%swap3A_140, %swap3A_141, %swap3A_142], %swap3A_145 {strides = array<i32>} : memref<4x256x128xf32, #tpu.memory_space<vmem>>, vector<1x256x128xf32>,
    %slice3A_146 = vector.extract_strided_slice %max3A_125 {offsets = [0, 384], sizes = [256, 128], strides = [1, 1]} : vector<256x512xf32> to vector<256x128xf32>
    %swap3A_147 = arith.constant 3 : index
    %swap3A_148 = arith.constant 0 : index
    %swap3A_149 = arith.constant 0 : index
    %swap3A_150 = vector.load %arg7[%swap3A_147, %swap3A_148, %swap3A_149] : memref<4x256x128xf32, #tpu.memory_space<vmem>>, vector<1x256x128xf32>
    %swap3A_151 = vector.shape_cast %swap3A_150 : vector<1x256x128xf32> to vector<256x128xf32>
    %swap3A_152 = vector.shape_cast %slice3A_146 : vector<256x128xf32> to vector<1x256x128xf32>
    tpu.vector_store %arg7[%swap3A_147, %swap3A_148, %swap3A_149], %swap3A_152 {strides = array<i32>} : memref<4x256x128xf32, #tpu.memory_space<vmem>>, vector<1x256x128xf32>,
    return
  }
  func.func @transform_0(%arg0: i32) -> (i32, i32, i32) {
    %c0_i32 = arith.constant 0 : i32
    %c0_i32_0 = arith.constant 0 : i32
    %c0_i32_1 = arith.constant 0 : i32
    return %c0_i32, %arg0, %c0_i32_0 : i32, i32, i32
  }
  func.func @transform_1(%arg0: i32) -> (i32, i32, i32) {
    %c0_i32 = arith.constant 0 : i32
    %c0_i32_0 = arith.constant 0 : i32
    %c0_i32_1 = arith.constant 0 : i32
    return %c0_i32, %arg0, %c0_i32_0 : i32, i32, i32
  }
  func.func @transform_2(%arg0: i32) -> (i32, i32, i32) {
    %c0_i32 = arith.constant 0 : i32
    %c0_i32_0 = arith.constant 0 : i32
    %c0_i32_1 = arith.constant 0 : i32
    return %c0_i32, %arg0, %c0_i32_0 : i32, i32, i32
  }
  func.func @transform_3(%arg0: i32) -> (i32, i32, i32) {
    %c0_i32 = arith.constant 0 : i32
    %c0_i32_0 = arith.constant 0 : i32
    %c0_i32_1 = arith.constant 0 : i32
    %c0_i32_2 = arith.constant 0 : i32
    return %c0_i32, %c0_i32_0, %c0_i32_1 : i32, i32, i32
  }
  func.func @transform_4(%arg0: i32) -> (i32, i32, i32) {
    %c0_i32 = arith.constant 0 : i32
    %c0_i32_0 = arith.constant 0 : i32
    %c0_i32_1 = arith.constant 0 : i32
    %c0_i32_2 = arith.constant 0 : i32
    return %c0_i32, %c0_i32_0, %c0_i32_1 : i32, i32, i32
  }
  func.func @transform_5(%arg0: i32) -> (i32, i32) {
    %c0_i32 = arith.constant 0 : i32
    %c0_i32_0 = arith.constant 0 : i32
    %c0_i32_1 = arith.constant 0 : i32
    return %c0_i32, %c0_i32_0 : i32, i32
  }
  func.func @transform_6(%arg0: i32) -> (i32, i32, i32) {
    %c0_i32 = arith.constant 0 : i32
    %c0_i32_0 = arith.constant 0 : i32
    %c0_i32_1 = arith.constant 0 : i32
    return %c0_i32, %arg0, %c0_i32_0 : i32, i32, i32
  }
}

module attributes {stable_mosaic.version = 14 : i64} {
  func.func @_pool_body(%arg0: i32, %arg1: memref<4x256x128xf32, #tpu.memory_space<vmem>>, %arg2: memref<1x1x256xi32, #tpu.memory_space<vmem>>, %arg3: memref<512x128xf32, #tpu.memory_space<vmem>>, %arg4: memref<1x128xf32, #tpu.memory_space<vmem>>, %arg5: memref<64x128xf32, #tpu.memory_space<vmem>>, %arg6: memref<64x512xf32, #tpu.memory_space<vmem>>, %arg7: memref<64x128xf32, #tpu.memory_space<vmem>>) attributes {dimension_semantics = [#tpu.dimension_semantics<arbitrary>], iteration_bounds = array<i64: 40>, scalar_prefetch = 0 : i64, scratch_operands = 2 : i64, tpu.core_type = #tpu.core_type<tc>, window_params = [{transform_indices = @transform_0, window_bounds = array<i64: 4, 256, 128>}, {transform_indices = @transform_1, window_bounds = array<i64: 1, 1, 256>}, {pipeline_mode = #tpu.pipeline_mode<synchronous>, transform_indices = @transform_2, window_bounds = array<i64: 512, 128>}, {pipeline_mode = #tpu.pipeline_mode<synchronous>, transform_indices = @transform_3, window_bounds = array<i64: 1, 128>}, {pipeline_mode = #tpu.pipeline_mode<synchronous>, transform_indices = @transform_4, window_bounds = array<i64: 64, 128>}]} {
    %eq3A = arith.constant 0 : i32
    %eq3A_0 = arith.cmpi eq, %arg0, %eq3A : i32
    %convert_element_type3A = arith.extui %eq3A_0 : i1 to i32
    %cond3A = arith.constant 0 : i32
    %cond3A_1 = arith.cmpi ne, %convert_element_type3A, %cond3A : i32
    scf.if %cond3A_1 {
      %broadcast_in_dim3A_52 = arith.constant 0.000000e+00 : f32
      %broadcast_in_dim3A_53 = vector.broadcast %broadcast_in_dim3A_52 : f32 to vector<64x512xf32>
      %swap3A_54 = arith.constant 0 : index
      %swap3A_55 = arith.constant 0 : index
      %swap3A_56 = vector.load %arg6[%swap3A_54, %swap3A_55] : memref<64x512xf32, #tpu.memory_space<vmem>>, vector<64x512xf32>
      tpu.vector_store %arg6[%swap3A_54, %swap3A_55], %broadcast_in_dim3A_53 {strides = array<i32>} : memref<64x512xf32, #tpu.memory_space<vmem>>, vector<64x512xf32>,
      %broadcast_in_dim3A_57 = arith.constant 0.000000e+00 : f32
      %broadcast_in_dim3A_58 = vector.broadcast %broadcast_in_dim3A_57 : f32 to vector<64x128xf32>
      %swap3A_59 = arith.constant 0 : index
      %swap3A_60 = arith.constant 0 : index
      %swap3A_61 = vector.load %arg7[%swap3A_59, %swap3A_60] : memref<64x128xf32, #tpu.memory_space<vmem>>, vector<64x128xf32>
      tpu.vector_store %arg7[%swap3A_59, %swap3A_60], %broadcast_in_dim3A_58 {strides = array<i32>} : memref<64x128xf32, #tpu.memory_space<vmem>>, vector<64x128xf32>,
    } else {
    }
    %get3A = arith.constant 0 : index
    %get3A_2 = arith.constant 0 : index
    %get3A_3 = arith.constant 0 : index
    %get3A_4 = vector.load %arg2[%get3A, %get3A_2, %get3A_3] : memref<1x1x256xi32, #tpu.memory_space<vmem>>, vector<1x1x256xi32>
    %get3A_5 = vector.shape_cast %get3A_4 : vector<1x1x256xi32> to vector<256xi32>
    %broadcast_in_dim3A = vector.shape_cast %get3A_5 : vector<256xi32> to vector<256x1xi32>
    %iota3A = tpu.iota {dimensions = array<i32: 1>} : vector<256x64xi32>
    %eq3A_6 = vector.broadcast %broadcast_in_dim3A : vector<256x1xi32> to vector<256x64xi32>
    %eq3A_7 = arith.cmpi eq, %eq3A_6, %iota3A : vector<256x64xi32>
    %convert_element_type3A_8 = arith.extui %eq3A_7 : vector<256x64xi1> to vector<256x64xi32>
    %convert_element_type3A_9 = arith.sitofp %convert_element_type3A_8 : vector<256x64xi32> to vector<256x64xf32>
    %get3A_10 = arith.constant 0 : index
    %get3A_11 = arith.constant 0 : index
    %get3A_12 = arith.constant 0 : index
    %get3A_13 = vector.load %arg1[%get3A_10, %get3A_11, %get3A_12] : memref<4x256x128xf32, #tpu.memory_space<vmem>>, vector<1x256x128xf32>
    %get3A_14 = vector.shape_cast %get3A_13 : vector<1x256x128xf32> to vector<256x128xf32>
    %get3A_15 = arith.constant 1 : index
    %get3A_16 = arith.constant 0 : index
    %get3A_17 = arith.constant 0 : index
    %get3A_18 = vector.load %arg1[%get3A_15, %get3A_16, %get3A_17] : memref<4x256x128xf32, #tpu.memory_space<vmem>>, vector<1x256x128xf32>
    %get3A_19 = vector.shape_cast %get3A_18 : vector<1x256x128xf32> to vector<256x128xf32>
    %get3A_20 = arith.constant 2 : index
    %get3A_21 = arith.constant 0 : index
    %get3A_22 = arith.constant 0 : index
    %get3A_23 = vector.load %arg1[%get3A_20, %get3A_21, %get3A_22] : memref<4x256x128xf32, #tpu.memory_space<vmem>>, vector<1x256x128xf32>
    %get3A_24 = vector.shape_cast %get3A_23 : vector<1x256x128xf32> to vector<256x128xf32>
    %get3A_25 = arith.constant 3 : index
    %get3A_26 = arith.constant 0 : index
    %get3A_27 = arith.constant 0 : index
    %get3A_28 = vector.load %arg1[%get3A_25, %get3A_26, %get3A_27] : memref<4x256x128xf32, #tpu.memory_space<vmem>>, vector<1x256x128xf32>
    %get3A_29 = vector.shape_cast %get3A_28 : vector<1x256x128xf32> to vector<256x128xf32>
    %concatenate3A = tpu.concatenate %get3A_14, %get3A_19, %get3A_24, %get3A_29 in 1 : vector<256x128xf32>, vector<256x128xf32>, vector<256x128xf32>, vector<256x128xf32> -> vector<256x512xf32>
    %get3A_30 = arith.constant 0 : index
    %get3A_31 = arith.constant 0 : index
    %get3A_32 = vector.load %arg6[%get3A_30, %get3A_31] : memref<64x512xf32, #tpu.memory_space<vmem>>, vector<64x512xf32>
    %dot_general3A = arith.constant dense<0.000000e+00> : vector<64x512xf32>
    %dot_general3A_33 = tpu.matmul %convert_element_type3A_9, %concatenate3A, %dot_general3A {dimension_numbers = #tpu.dot_dimension_numbers<[0], [0], [1], [1], [0, 1, 1, 1], [], []>, transpose_lhs_hint = false} : vector<256x64xf32>, vector<256x512xf32>, vector<64x512xf32> -> vector<64x512xf32>
    %add3A = arith.addf %get3A_32, %dot_general3A_33 : vector<64x512xf32>
    %swap3A = arith.constant 0 : index
    %swap3A_34 = arith.constant 0 : index
    %swap3A_35 = vector.load %arg6[%swap3A, %swap3A_34] : memref<64x512xf32, #tpu.memory_space<vmem>>, vector<64x512xf32>
    tpu.vector_store %arg6[%swap3A, %swap3A_34], %add3A {strides = array<i32>} : memref<64x512xf32, #tpu.memory_space<vmem>>, vector<64x512xf32>,
    %get3A_36 = arith.constant 0 : index
    %get3A_37 = arith.constant 0 : index
    %get3A_38 = vector.load %arg7[%get3A_36, %get3A_37] : memref<64x128xf32, #tpu.memory_space<vmem>>, vector<64x128xf32>
    %broadcast_in_dim3A_39 = arith.constant 1.000000e+00 : f32
    %broadcast_in_dim3A_40 = vector.broadcast %broadcast_in_dim3A_39 : f32 to vector<256x128xf32>
    %dot_general3A_41 = arith.constant dense<0.000000e+00> : vector<64x128xf32>
    %dot_general3A_42 = tpu.matmul %convert_element_type3A_9, %broadcast_in_dim3A_40, %dot_general3A_41 {dimension_numbers = #tpu.dot_dimension_numbers<[0], [0], [1], [1], [0, 1, 1, 1], [], []>, transpose_lhs_hint = false} : vector<256x64xf32>, vector<256x128xf32>, vector<64x128xf32> -> vector<64x128xf32>
    %add3A_43 = arith.addf %get3A_38, %dot_general3A_42 : vector<64x128xf32>
    %swap3A_44 = arith.constant 0 : index
    %swap3A_45 = arith.constant 0 : index
    %swap3A_46 = vector.load %arg7[%swap3A_44, %swap3A_45] : memref<64x128xf32, #tpu.memory_space<vmem>>, vector<64x128xf32>
    tpu.vector_store %arg7[%swap3A_44, %swap3A_45], %add3A_43 {strides = array<i32>} : memref<64x128xf32, #tpu.memory_space<vmem>>, vector<64x128xf32>,
    %eq3A_47 = arith.constant 39 : i32
    %eq3A_48 = arith.cmpi eq, %arg0, %eq3A_47 : i32
    %convert_element_type3A_49 = arith.extui %eq3A_48 : i1 to i32
    %cond3A_50 = arith.constant 0 : i32
    %cond3A_51 = arith.cmpi ne, %convert_element_type3A_49, %cond3A_50 : i32
    scf.if %cond3A_51 {
      %get3A_52 = arith.constant 0 : index
      %get3A_53 = arith.constant 0 : index
      %get3A_54 = vector.load %arg7[%get3A_52, %get3A_53] : memref<64x128xf32, #tpu.memory_space<vmem>>, vector<64x1xf32>
      %max3A = arith.constant 1.000000e+00 : f32
      %max3A_55 = vector.broadcast %max3A : f32 to vector<64x1xf32>
      %max3A_56 = arith.maximumf %get3A_54, %max3A_55 : vector<64x1xf32>
      %get3A_57 = arith.constant 0 : index
      %get3A_58 = arith.constant 0 : index
      %get3A_59 = vector.load %arg6[%get3A_57, %get3A_58] : memref<64x512xf32, #tpu.memory_space<vmem>>, vector<64x512xf32>
      %div3A = vector.broadcast %max3A_56 : vector<64x1xf32> to vector<64x512xf32>
      %div3A_60 = arith.divf %get3A_59, %div3A : vector<64x512xf32>
      %get3A_61 = arith.constant 0 : index
      %get3A_62 = arith.constant 0 : index
      %get3A_63 = vector.load %arg3[%get3A_61, %get3A_62] : memref<512x128xf32, #tpu.memory_space<vmem>>, vector<512x128xf32>
      %dot_general3A_64 = arith.constant dense<0.000000e+00> : vector<64x128xf32>
      %dot_general3A_65 = tpu.matmul %div3A_60, %get3A_63, %dot_general3A_64 {dimension_numbers = #tpu.dot_dimension_numbers<[1], [0], [0], [1], [0, 0, 1, 1], [], []>, transpose_lhs_hint = false} : vector<64x512xf32>, vector<512x128xf32>, vector<64x128xf32> -> vector<64x128xf32>
      %get3A_66 = arith.constant 0 : index
      %get3A_67 = arith.constant 0 : index
      %get3A_68 = vector.load %arg4[%get3A_66, %get3A_67] : memref<1x128xf32, #tpu.memory_space<vmem>>, vector<1x128xf32>
      %add3A_69 = vector.broadcast %get3A_68 : vector<1x128xf32> to vector<64x128xf32>
      %add3A_70 = arith.addf %dot_general3A_65, %add3A_69 : vector<64x128xf32>
      %iota3A_71 = tpu.iota {dimensions = array<i32: 1>} : vector<64x128xi32>
      %lt3A = arith.constant 4 : i32
      %lt3A_72 = vector.broadcast %lt3A : i32 to vector<64x128xi32>
      %lt3A_73 = arith.cmpi slt, %iota3A_71, %lt3A_72 : vector<64x128xi32>
      %jit3A = arith.constant -1.000000e+30 : f32
      %broadcast_in_dim3A_74 = vector.broadcast %jit3A : f32 to vector<64x128xf32>
      %select_n3A = arith.select %lt3A_73, %add3A_70, %broadcast_in_dim3A_74 : vector<64x128xi1>, vector<64x128xf32>
      %reduce_max3A = arith.constant dense<0xFF800000> : vector<64xf32>
      %reduce_max3A_75 = vector.multi_reduction <maximumf>, %select_n3A, %reduce_max3A [1] : vector<64x128xf32> to vector<64xf32>
      %broadcast_in_dim3A_76 = vector.shape_cast %reduce_max3A_75 : vector<64xf32> to vector<64x1xf32>
      %sub3A = vector.broadcast %broadcast_in_dim3A_76 : vector<64x1xf32> to vector<64x128xf32>
      %sub3A_77 = arith.subf %select_n3A, %sub3A : vector<64x128xf32>
      %exp3A = math.exp %sub3A_77 : vector<64x128xf32>
      %reduce_sum3A = arith.constant dense<0.000000e+00> : vector<64xf32>
      %reduce_sum3A_78 = vector.multi_reduction <add>, %exp3A, %reduce_sum3A [1] : vector<64x128xf32> to vector<64xf32>
      %broadcast_in_dim3A_79 = vector.shape_cast %reduce_sum3A_78 : vector<64xf32> to vector<64x1xf32>
      %sub3A_80 = vector.broadcast %broadcast_in_dim3A_76 : vector<64x1xf32> to vector<64x128xf32>
      %sub3A_81 = arith.subf %select_n3A, %sub3A_80 : vector<64x128xf32>
      %log3A = math.log %broadcast_in_dim3A_79 : vector<64x1xf32>
      %sub3A_82 = vector.broadcast %log3A : vector<64x1xf32> to vector<64x128xf32>
      %sub3A_83 = arith.subf %sub3A_81, %sub3A_82 : vector<64x128xf32>
      %swap3A_84 = arith.constant 0 : index
      %swap3A_85 = arith.constant 0 : index
      %swap3A_86 = vector.load %arg5[%swap3A_84, %swap3A_85] : memref<64x128xf32, #tpu.memory_space<vmem>>, vector<64x128xf32>
      tpu.vector_store %arg5[%swap3A_84, %swap3A_85], %sub3A_83 {strides = array<i32>} : memref<64x128xf32, #tpu.memory_space<vmem>>, vector<64x128xf32>,
    } else {
    }
    return
  }
  func.func @transform_0(%arg0: i32) -> (i32, i32, i32) {
    %c0_i32 = arith.constant 0 : i32
    %c0_i32_0 = arith.constant 0 : i32
    %c0_i32_1 = arith.constant 0 : i32
    return %c0_i32, %arg0, %c0_i32_0 : i32, i32, i32
  }
  func.func @transform_1(%arg0: i32) -> (i32, i32, i32) {
    %c0_i32 = arith.constant 0 : i32
    %c0_i32_0 = arith.constant 0 : i32
    %c0_i32_1 = arith.constant 0 : i32
    return %arg0, %c0_i32, %c0_i32_0 : i32, i32, i32
  }
  func.func @transform_2(%arg0: i32) -> (i32, i32) {
    %c0_i32 = arith.constant 0 : i32
    %c0_i32_0 = arith.constant 0 : i32
    %c0_i32_1 = arith.constant 0 : i32
    return %c0_i32, %c0_i32_0 : i32, i32
  }
  func.func @transform_3(%arg0: i32) -> (i32, i32) {
    %c0_i32 = arith.constant 0 : i32
    %c0_i32_0 = arith.constant 0 : i32
    %c0_i32_1 = arith.constant 0 : i32
    return %c0_i32, %c0_i32_0 : i32, i32
  }
  func.func @transform_4(%arg0: i32) -> (i32, i32) {
    %c0_i32 = arith.constant 0 : i32
    %c0_i32_0 = arith.constant 0 : i32
    %c0_i32_1 = arith.constant 0 : i32
    return %c0_i32, %c0_i32_0 : i32, i32
  }
}

</mosaic_0001>

<sc_bundles>
// kernel: kernel.10.cloned.1.call-start
scs
__scs_entry_jumppad:
0x0: {  	(pc) =	sbr.rel $0x88, $3  }
0x1: {  	(tag) =	ssettag $0x0;
	lr =	simm.s32 $0x1  }
0x2: {  	[smem:$0x3F95] =	sst lr;
	_ =	strace $0xD0000000  }
0x3: {  	_ = 	snop  }
0x4: {  	_ = 	snop  }
0x5: {  	_ = 	snop  }
0x6: {  	_ = 	snop  }
0x7: {  	_ = 	snop  }
__scs_overlays_trampoline_lowered:
0x8: {  	[smem:$0x3FA4] =	sst s0  }
0x9: {  	[smem:$0x3FA5] =	sst s1  }
0xa: {  	[smem:$0x3FA6] =	sst s2  }
0xb: {  	[smem:$0x3FA7] =	sst s3  }
0xc: {  	[smem:$0x3FA8] =	sst s4  }
0xd: {  	[smem:$0x3FA9] =	sst s5  }
0xe: {  	[smem:$0x3FAA] =	sst s6  }
0xf: {  	[smem:$0x3FAB] =	sst s7  }
0x10: {  	[smem:$0x3FAC] =	sst s8  }
0x11: {  	[smem:$0x3FAD] =	sst s9;
	s0 =	simm.s32 @!p0 $0x0  }
0x12: {  	s1 =	sld [smem:$0x3F93];
	s0 =	simm.s32 @p0 $0x1  }
0x13: {  	[smem:$0x3FAE] =	sst s0;
	s0 =	simm.s32 @!p1 $0x0  }
0x14: {  	s2 =	sld [smem:$0x3F92];
	s0 =	simm.s32 @p1 $0x1  }
0x15: {  	[smem:$0x3FAF] =	sst s0;
	s0 =	simm.s32 @!p2 $0x0  }
0x16: {  	s3 =	sld [smem:$0x3FDB];
	s0 =	simm.s32 @p2 $0x1  }
0x17: {  	s4 =	simm.s32 $0x1BF5;
	[smem:$0x3FB1] =	sst s0  }
0x18: {  	s0 =	sld [smem:$0x3F94];
	_ =	swait.ge [sflag:s4], $0x0  }
0x19: {  	s7 =	sld [smem:$0x3F95]  }
0x1a: {  	s8 =	sadd.s32 $0xFFFFE003, lr  }
0x1b: {  	s9 =	sadd.s32 $0xFFFFFEF7, lr;
	s5 =	simm.s32 $0xFFFFFFFF;
	p2 =	slt.u32 s8, $0xFFFFF086  }
0x1c: {  	p1 =	slt.u32 s9, $0xF7A;
	s5 =	simm.s32 @!p2 $0x0  }
0x1d: {  	s5 =	simm.s32 @p1 $0x1;
	p0 =	seq.s32 s7, s2  }
0x1e: {  	s7 =	smul.u32 @!p0 $0xF7A, s2;
	p2 =	seq.s32 @!p0 s5, $0x0  }
0x1f: {  	s9 =	smul.u32 $0xF7A, s1;
	s8 =	simm.s32 @!p0 $0x1BF5;
	p2 =	por !p2, p0  }
0x20: {  	[sflag:s8] =	ssyncset.s32 @!p0 $0xFFFFF086;
	s6 =	sadd.s32 @!p0 s3, s7;
	s7 =	simm.s32 @!p0 $0x108  }
0x21: {  	s3 =	sadd.s32 s3, s9;
	s6 =	sadd.s32 @!p0 $0x88, s6;
	s7 =	simm.s32 @p2 $0x1082  }
0x22: {  	[simem:s7], [sflag:s8] =	dma.local @!p0 [hbm:s6], $0xF7A  }
0x23: {  	s9 =	sor.u32 $0xD0000000, s2;
	s6 =	simm.s32 $0x108;
	_ =	swait.ge @!p0 [sflag:s8], $0x0  }
0x24: {  	s3 =	sadd.s32 $0x88, s3;
	s6 =	simm.s32 @!p1 $0x1082;
	[sflag:s4] =	ssyncset.s32 $0xFFFFF086  }
0x25: {  	[simem:s6], [sflag:s4] =	dma.local [hbm:s3], $0xF7A  }
0x26: {  	[smem:$0x3F95] =	sst s1;
	(tag) =	ssettag s2;
	_ =	strace s9  }
0x27: {  	s1 =	sld [smem:$0x3FA5]  }
0x28: {  	s2 =	sld [smem:$0x3FA6]  }
0x29: {  	s4 =	sld [smem:$0x3FA8]  }
0x2a: {  	p0 =	seq.s32 s5, $0x0;
	s5 =	sld [smem:$0x3FA9]  }
0x2b: {  	s6 =	sld [smem:$0x3FAA]  }
0x2c: {  	s7 =	sld [smem:$0x3FAB]  }
0x2d: {  	s3 =	simm.s32 $0x108;
	s8 =	sld [smem:$0x3FAC]  }
0x2e: {  	s3 =	simm.s32 @!p0 $0x1082;
	s9 =	sld [smem:$0x3FAD]  }
0x2f: {  	lr =	sadd.s32 s0, s3;
	s0 =	sld [smem:$0x3FA4]  }
0x30: {  	s3 =	sld [smem:$0x3FA7]  }
0x31: {  	[smem:$0x3FB0] =	sst s10  }
0x32: {  	s10 =	sld [smem:$0x3FAE];
	_ =	sdelay $0x3  }
0x33: {  	p0 =	seq.s32 s10, $0x1;
	s10 =	sld [smem:$0x3FB0];
	_ =	sdelay $0x3  }
0x34: {  	[smem:$0x3FB0] =	sst s10  }
0x35: {  	s10 =	sld [smem:$0x3FAF];
	_ =	sdelay $0x3  }
0x36: {  	p1 =	seq.s32 s10, $0x1;
	s10 =	sld [smem:$0x3FB0];
	_ =	sdelay $0x3  }
0x37: {  	[smem:$0x3FB0] =	sst s10  }
0x38: {  	s10 =	sld [smem:$0x3FB1]  }
0x39: {  	_ = 	snop;
	(pc) =	sbr.ind lr, $3  }
0x3a: {  	_ = 	snop  }
0x3b: {  	_ = 	snop  }
0x3c: {  	p2 =	seq.s32 s10, $0x1;
	s10 =	sld [smem:$0x3FB0]  }
0x3d: {  	_ =	shalt  }
0x3e: {  	_ =	shalt  }
0x3f: {  	_ =	shalt  }
0x40: {  	_ =	shalt  }
0x41: {  	_ =	shalt  }
0x42: {  	_ =	shalt  }
0x43: {  	_ =	shalt  }
0x44: {  	_ =	shalt  }
0x45: {  	_ =	shalt  }
0x46: {  	_ =	shalt  }
0x47: {  	_ =	shalt  }
0x48: {  	_ =	shalt  }
0x49: {  	_ =	shalt  }
0x4a: {  	_ =	shalt  }
0x4b: {  	_ =	shalt  }
0x4c: {  	_ =	shalt  }
0x4d: {  	_ =	shalt  }
0x4e: {  	_ =	shalt  }
0x4f: {  	_ =	shalt  }
0x50: {  	_ =	shalt  }
0x51: {  	_ =	shalt  }
0x52: {  	_ =	shalt  }
0x53: {  	_ =	shalt  }
0x54: {  	_ =	shalt  }
0x55: {  	_ =	shalt  }
0x56: {  	_ =	shalt  }
0x57: {  	_ =	shalt  }
0x58: {  	_ =	shalt  }
0x59: {  	_ =	shalt  }
0x5a: {  	_ =	shalt  }
0x5b: {  	_ =	shalt  }
0x5c: {  	_ =	shalt  }
0x5d: {  	_ =	shalt  }
0x5e: {  	_ =	shalt  }
0x5f: {  	_ =	shalt  }
0x60: {  	_ =	shalt  }
0x61: {  	_ =	shalt  }
0x62: {  	_ =	shalt  }
0x63: {  	_ =	shalt  }
0x64: {  	_ =	shalt  }
0x65: {  	_ =	shalt  }
0x66: {  	_ =	shalt  }
0x67: {  	_ =	shalt  }
0x68: {  	_ =	shalt  }
0x69: {  	_ =	shalt  }
0x6a: {  	_ =	shalt  }
0x6b: {  	_ =	shalt  }
0x6c: {  	_ =	shalt  }
0x6d: {  	_ =	shalt  }
0x6e: {  	_ =	shalt  }
0x6f: {  	_ =	shalt  }
0x70: {  	_ =	shalt  }
0x71: {  	_ =	shalt  }
0x72: {  	_ =	shalt  }
0x73: {  	_ =	shalt  }
0x74: {  	_ =	shalt  }
0x75: {  	_ =	shalt  }
0x76: {  	_ =	shalt  }
0x77: {  	_ =	shalt  }
0x78: {  	_ =	shalt  }
0x79: {  	_ =	shalt  }
0x7a: {  	_ =	shalt  }
0x7b: {  	_ =	shalt  }
0x7c: {  	_ =	shalt  }
0x7d: {  	_ =	shalt  }
0x7e: {  	_ =	shalt  }
0x7f: {  	_ =	shalt  }
0x80: {  	_ =	shalt  }
0x81: {  	_ =	shalt  }
0x82: {  	_ =	shalt  }
0x83: {  	_ =	shalt  }
0x84: {  	_ =	shalt  }
0x85: {  	_ =	shalt  }
0x86: {  	_ =	shalt  }
0x87: {  	_ =	shalt  }
.Lfunc_end0:
.L_simem_size_0:
called_computation.1_lowered:
.L_overlay_start_0:
0x88: {  	s2 =	sld [smem:$0x3FD9]  }
0x89: {  	s3 =	sld [smem:$0x3FFE];
	_ =	sdelay $0x1  }
0x8a: {  	s1 =	srdreg.scid  }
0x8b: {  	s0 =	sand.u32 $0x1, s1  }
0x8c: {  	s17 =	sshll.u32 s0, $0xA;
	s2 =	sadd.s32 s3, s2  }
0x8d: {  	s2 =	sadd.s32 s2, s17  }
0x8e: {  	[smem:$0x3FBC] =	sst s2  }
0x8f: {  	_ = 	snop  }
0x90: {  	(tm) =	ssettm $0x1  }
0x91: {  	s18 =	sld [smem:$0x3FFB];
	_ =	sdelay $0x3  }
0x92: {  	_ =	strace s18  }
0x93: {  	s2 =	sld [smem:$0x3FFC];
	_ =	sdelay $0x3  }
0x94: {  	_ =	strace s2  }
0x95: {  	s2 =	sld [smem:$0x3FFD];
	_ =	sdelay $0x3  }
0x96: {  	_ =	strace s2  }
0x97: {  	_ =	strace $0x8FFFFFFF  }
0x98: {  	s19 =	sld [smem:$0x3FDB];
	_ =	sdelay $0x1  }
0x99: {  	s20 =	simm.s32 $_scs_section_size  }
0x9a: {  	s4 =	simm.s32 $_size__tile_overlayer_lowered;
	s5 =	simm.s32 $_tile_overlayer_lowered  }
0x9b: {  	s6 =	simm.s32 $0x1BFF;
	s21 =	sshll.u32 s5, $0x1;
	s3 =	sadd.s32 s20, s19  }
0x9c: {  	s22 =	simm.s32 $0x0;
	s4 =	sshll.u32 s4, $0x1;
	s5 =	sadd.s32 s21, s3  }
0x9d: {  	[timem:s22], [sflag:s6] =	dma.local [hbm:s5], s4  }
0x9e: {  	_ =	swait.ge [sflag:s6], s4  }
0x9f: {  	s4 =	ssub.s32 $0x0, s4;
	[sflag:s6] =	ssyncset.done $0x0  }
0xa0: {  	[sflag:s6] =	ssyncadd.s32 s4;
	_ =	sdelay $0x1  }
0xa1: {  	s23 =	simm.s32 $0x1B8B  }
0xa2: {  	_ =	swait.ge [sflag:s23], $0x1  }
0xa3: {  	[sflag:s23] =	ssyncset.done $0x0  }
0xa4: {  	[sflag:s23] =	ssyncadd.s32 $0xFFFFFFFF  }
0xa5: {  	s4 =	sld [smem:$0x0]  }
0xa6: {  	s5 =	sand.u32 $0xFFFFFFFE, s1  }
0xa7: {  	p0 =	sne.s32 s1, s5  }
0xa8: {  	s5 =	sshll.u32 @p0 s5, $0xE  }
0xa9: {  	s5 =	sadd.s32 @p0 $0x11B8D, s5;
	s6 =	sshll.u32 @p0 s4, $0x11  }
0xaa: {  	s5 =	sor.u32 @p0 s6, s5  }
0xab: {  	[sflag:s5] =	ssyncadd.remote.s32 @p0 $0x1;
	_ =	sdelay $0x1  }
0xac: {  	s5 =	simm.s32 @p0 $0x1B8D  }
0xad: {  	_ =	swait.eq @p0 [sflag:s5], $0x1  }
0xae: {  	[sflag:s5] =	ssyncadd.s32 @p0 $0xFFFFFFFF  }
0xaf: {  	s6 =	sshll.u32 @!p0 s1, $0xE  }
0xb0: {  	s6 =	sor.u32 @!p0 $0x4000, s6;
	s5 =	simm.s32 @!p0 $0x1B8D  }
0xb1: {  	s4 =	sshll.u32 @!p0 s4, $0x11;
	s6 =	sadd.s32 @!p0 $0x11B8D, s6;
	_ =	swait.eq @!p0 [sflag:s5], $0x1  }
0xb2: {  	s4 =	sor.u32 @!p0 s4, s6;
	[sflag:s5] =	ssyncadd.s32 @!p0 $0xFFFFFFFF  }
0xb3: {  	s25 =	simm.s32 $0x1B8E;
	s24 =	sld [smem:$0x3FFE];
	[sflag:s4] =	ssyncadd.remote.s32 @!p0 $0x1  }
0xb4: {  	s26 =	simm.s32 $execute0_lowered;
	[smem:$0x3FD2] =	sst s25  }
0xb5: {  	s5 =	sshll.u32 s26, $0x1;
	_ =	strace $0x8000004C;
	[dreg:$0x1] =	wrdreg $0xFFFFFFFF  }
0xb6: {  	s28 =	simm.s32 $_size_execute0_lowered;
	s3 =	sadd.s32 s3, s5;
	[dreg:$0x0] =	wrdreg $0x0  }
0xb7: {  	s5 =	sshll.u32 s28, $0x1;
	[dreg:$0x2] =	wrdreg s3  }
0xb8: {  	[dreg:$0x3] =	wrdreg s5  }
0xb9: {  	[dreg:$0x4] =	wrdreg $0xC0  }
0xba: {  	_ =	task [dreg:s22], $0x5FFFF  }
0xbb: {  	[dreg:$0x1] =	wrdreg $0xFFFFFFFF  }
0xbc: {  	[dreg:$0x0] =	wrdreg $0x60  }
0xbd: {  	[dreg:$0x2] =	wrdreg s24  }
0xbe: {  	[dreg:$0x3] =	wrdreg $0x54000  }
0xbf: {  	[dreg:$0x4] =	wrdreg $0xA  }
0xc0: {  	_ =	task.clear_ibuf [dreg:s22], $0x5FFFF;
	_ =	strace $0x9000004C  }
0xc1: {  	s29 =	simm.s32 $0xA;
	_ =	strace $0x8000004E  }
0xc2: {  	_ =	swait.ge [sflag:s29], $0x1  }
0xc3: {  	[sflag:s29] =	ssyncadd.s32 $0xFFFFFFFF  }
0xc4: {  	_ =	strace $0x9000004E  }
0xc5: {  	_ =	sfence  }
0xc6: {  	s30 =	sld [smem:$0x0];
	_ =	sdelay $0x2  }
0xc7: {  	s31 =	sshll.u32 s1, $0xD;
	s1 =	sshrl.u32 s1, $0x2  }
0xc8: {  	s4 =	sand.u32 $0x4000, s31;
	s1 =	sadd.s32 s1, s30  }
0xc9: {  	s0 =	sor.u32 s4, s0;
	s1 =	sshll.u32 s1, $0x11  }
0xca: {  	s0 =	sor.u32 s1, s0  }
0xcb: {  	s0 =	sadd.s32 $0x8F2B, s0  }
0xcc: {  	[sflag:s0] =	ssyncadd.remote.s32 $0x1  }
0xcd: {  	_ =	sfence.sel $0xFFFF  }
0xce: {  	[dreg:$0x0] =	wrdreg $0xFFFFFFFF;
	(pc) =	sbr.abs _section_cstart, $3  }
0xcf: {  	[dreg:$0x1] =	wrdreg $0xFFFFFFFF  }
0xd0: {  	_ =	task.clear_ibuf [dreg:s22], $0x2FFFF;
	_ =	strace $0x9FFFFFFF  }
0xd1: {  	(tm) =	ssettm $0x7FFFFFFF  }
tec
execute0_lowered:
.L_overlay_start_1:
0x0: {  	(tag) =	ssettag $0x1  }
0x1: {  	s0 =	srdreg.scid;
	s5 =	rddreg [dreg:$0x0]  }
0x2: {  	s2 =	rddreg [dreg:$0x1];
	s4 =	sand.u32 $0x1, s0  }
0x3: {  	s0 =	stileid.u32;
	s6 =	smul.u32 $0x140000, s4  }
0x4: {  	s3 =	simm.s32 $0x0;
	s13 =	simm.s32 $0x80;
	s8 =	smul.u32 $0x2800, s0  }
0x5: {  	s14 =	simm.s32 $0x0;
	[smem:$0x7FF] =	sst s3;
	s9 =	smul.u32 $0x28000, s4  }
0x6: {  	s1 =	sshll.u32 s4, $0x4;
	s25 =	ssub.s32 $0x2, s4;
	s11 =	smul.u32 $0x50000, s0  }
0x7: {  	s4 =	sadd.s32 $0x55D600, s5;
	s29 =	sshll.u32 s0, $0x6;
	s30 =	smul.u32 $0x14000, s0  }
0x8: {  	s7 =	sor.u32 s0, s1;
	s1 =	rddreg [dreg:$0x2];
	_ =	strace $0x8000004D  }
0x9: {  	s26 =	sshrl.u32 s25, $0x1;
	s7 =	smul.u32 $0x280, s7;
	s10 =	sadd.s32 s6, s5  }
0xa: {  	s8 =	sadd.s32 s8, s9;
	s9 =	ssub.s32 s25, s26;
	s28 =	sshrl.u32 s11, $0x2  }
0xb: {  	s11 =	simm.s32 $0x1;
	s8 =	sadd.s32 s8, s5;
	s12 =	sadd.s32 s28, s2  }
0xc: {  	s31 =	sadd.s32 s30, s10;
	s24 =	sadd.s32 s7, s5;
	s5 =	sor.u32 $0x1C01, s29  }
0xd: {  	s7 =	sadd.s32 $0x3600, s8;
	s8 =	smax.u32 s9, $0x1;
	s9 =	sadd.s32 $0x283600, s31  }
0xe: {  	s10 =	sshrl.u32 s12, $0x3;
	s12 =	simm.s32 $0x1400;
	s6 =	sadd.s32 $0x503600, s24  }
.LBB2_1:
0xf: {  	[spmem:s10], [sflag:s5] =	dma.local [hbm:s4], $0x2800  }
0x10: {  	_ =	swait.ge [sflag:s11], $0x2800  }
0x11: {  	[sflag:s11] =	ssyncset.done $0x0  }
0x12: {  	[sflag:s11] =	ssyncadd.s32 $0xFFFFD800  }
0x13: {  	[tilespmem:s3], [sflag:$0x1] =	stream.linear.gather [hbm4b:s6+s3], $0x1400, $0x38;
	[tilespmem:$0x19400] =	vst v63  }
0x14: {  	_ =	swait.ge [sflag:s11], $0x1400  }
0x15: {  	[sflag:s11] =	ssyncset.done $0x0  }
0x16: {  	[sflag:s11] =	ssyncadd.s32 $0xFFFFEC00  }
0x17: {  	[bflag:$0x0] =	sbarrier.arrive $0xFFFF  }
0x18: {  	[tilespmem:s12], [sflag:$0x1] =	stream.linear.gather [hbm4b:s9+s3], $0x4000, $0x38;
	[tilespmem:$0x19400] =	vst v63  }
0x19: {  	_ =	swait.ge [sflag:s11], $0x4000  }
0x1a: {  	[sflag:s11] =	ssyncset.done $0x0  }
0x1b: {  	s15 =	simm.s32 $0x0;
	[sflag:s11] =	ssyncadd.s32 $0xFFFFC000  }
0x1c: {  	[spmem:s2] =	stream.indirect.scatter.add.f32 [tilespmem:s12], [sflag:$0x1], $0x80, s15, s13, $0xb8;
	[tilespmem:$0x19400] =	vst v63  }
0x1d: {  	_ =	swait.ge [sflag:s11], $0x4000  }
0x1e: {  	s16 =	smov.u32 s9;
	s15 =	simm.s32 $0x200;
	[sflag:s11] =	ssyncset.done $0x0  }
.LBB2_2:
0x1f: {  	p0 =	sne.s32 s15, $0x4E00;
	[sflag:s11] =	ssyncadd.s32 $0xFFFFC000;
	s16 =	sadd.s32 $0x800, s16  }
0x20: {  	[tilespmem:s12], [sflag:$0x1] =	stream.linear.gather [hbm4b:s16+s3], $0x4000, $0x38;
	[tilespmem:$0x19400] =	vst v63  }
0x21: {  	s17 =	smov.u32 s15;
	s15 =	sadd.s32 $0x200, s15;
	_ =	swait.ge [sflag:s11], $0x4000  }
.Ltmp0:
0x22: {  	[sflag:s11] =	ssyncset.done $0x0;
	(pc) =	sbr.rel @p0 .LBB2_2-.Ltmp0, $4  }
0x23: {  	s17 =	sshra.s32 s17, $0x2;
	[sflag:s11] =	ssyncadd.s32 $0xFFFFC000  }
0x24: {  	[spmem:s2] =	stream.indirect.scatter.add.f32 [tilespmem:s12], [sflag:$0x1], $0x80, s17, s13, $0xb8;
	[tilespmem:$0x19400] =	vst v63  }
0x25: {  	_ =	swait.ge [sflag:s11], $0x4000  }
0x26: {  	[sflag:s11] =	ssyncset.done $0x0  }
0x27: {  	s14 =	sadd.s32 $0x1, s14  }
0x28: {  	[sflag:s11] =	ssyncadd.s32 $0xFFFFC000;
	p0 =	sne.s32 s14, s8  }
.Ltmp1:
0x29: {  	[bflag:$0x0] =	sbarrier.arrive $0xFFFF;
	(pc) =	sbr.rel @p0 .LBB2_1-.Ltmp1, $4  }
0x2a: {  	[hbm:s7], [sflag:s5] =	dma.local [spmem:s10], $0x2800  }
0x2b: {  	_ =	swait.ge [sflag:s11], $0x2800  }
0x2c: {  	[sflag:s11] =	ssyncset.done $0x0  }
0x2d: {  	[sflag:s11] =	ssyncadd.s32 $0xFFFFD800  }
0x2e: {  	_ =	sfence.sel $0x180000  }
0x2f: {  	[bflag:$0x0] =	sbarrier.arrive $0xFFFF  }
0x30: {  	p0 =	sne.s32 s0, $0x0;
	_ =	strace $0x9000004D  }
0x31: {  	s0 =	sadd.s32 @!p0 $0x100000, s1;
	[bflag:$0x2] =	sbarrier.arrive $0xFFFF  }
0x32: {  	[sflag:s0] =	ssyncadd.tile.s32 @!p0 $0x1;
	_ =	shalt  }
.Lfunc_end2:
_tile_overlayer_lowered:
.L_overlay_start_2:
0x33: {  	(tag) =	ssettag $0x2  }
0x34: {  	s0 =	rddreg [dreg:$0x0];
	s2 =	stileid.u32  }
0x35: {  	s1 =	rddreg [dreg:$0x1];
	p0 =	sne.s32 s2, $0x0  }
0x36: {  	s3 =	rddreg [dreg:$0x2];
	[bflag:$0x3] =	sbarrier.arrive $0xFFFF;
	s2 =	simm.s32 @!p0 $0x1C01  }
0x37: {  	[timem:s3], [sflag:s2] =	dma.local @!p0 [hbm:s0], s1  }
0x38: {  	s0 =	simm.s32 @!p0 $0x1  }
0x39: {  	_ =	swait.ge @!p0 [sflag:s0], s1  }
0x3a: {  	s1 =	ssub.s32 @!p0 $0x0, s1;
	[sflag:s0] =	ssyncset.done @!p0 $0x0  }
0x3b: {  	[sflag:s0] =	ssyncadd.s32 @!p0 s1  }
0x3c: {  	[bflag:$0x3] =	sbarrier.arrive $0xFFFF  }
0x3d: {  	_ =	shalt  }

// kernel: kernel.13.cloned.1.call-start
scs
__scs_entry_jumppad:
0x0: {  	(pc) =	sbr.rel $0x88, $3  }
0x1: {  	(tag) =	ssettag $0x0;
	lr =	simm.s32 $0x1  }
0x2: {  	[smem:$0x3F95] =	sst lr;
	_ =	strace $0xD0000000  }
0x3: {  	_ = 	snop  }
0x4: {  	_ = 	snop  }
0x5: {  	_ = 	snop  }
0x6: {  	_ = 	snop  }
0x7: {  	_ = 	snop  }
__scs_overlays_trampoline_lowered:
0x8: {  	[smem:$0x3FA4] =	sst s0  }
0x9: {  	[smem:$0x3FA5] =	sst s1  }
0xa: {  	[smem:$0x3FA6] =	sst s2  }
0xb: {  	[smem:$0x3FA7] =	sst s3  }
0xc: {  	[smem:$0x3FA8] =	sst s4  }
0xd: {  	[smem:$0x3FA9] =	sst s5  }
0xe: {  	[smem:$0x3FAA] =	sst s6  }
0xf: {  	[smem:$0x3FAB] =	sst s7  }
0x10: {  	[smem:$0x3FAC] =	sst s8  }
0x11: {  	[smem:$0x3FAD] =	sst s9;
	s0 =	simm.s32 @!p0 $0x0  }
0x12: {  	s1 =	sld [smem:$0x3F93];
	s0 =	simm.s32 @p0 $0x1  }
0x13: {  	[smem:$0x3FAE] =	sst s0;
	s0 =	simm.s32 @!p1 $0x0  }
0x14: {  	s2 =	sld [smem:$0x3F92];
	s0 =	simm.s32 @p1 $0x1  }
0x15: {  	[smem:$0x3FAF] =	sst s0;
	s0 =	simm.s32 @!p2 $0x0  }
0x16: {  	s3 =	sld [smem:$0x3FDB];
	s0 =	simm.s32 @p2 $0x1  }
0x17: {  	s4 =	simm.s32 $0x1BF5;
	[smem:$0x3FB1] =	sst s0  }
0x18: {  	s0 =	sld [smem:$0x3F94];
	_ =	swait.ge [sflag:s4], $0x0  }
0x19: {  	s7 =	sld [smem:$0x3F95]  }
0x1a: {  	s8 =	sadd.s32 $0xFFFFE003, lr  }
0x1b: {  	s9 =	sadd.s32 $0xFFFFFEF7, lr;
	s5 =	simm.s32 $0xFFFFFFFF;
	p2 =	slt.u32 s8, $0xFFFFF086  }
0x1c: {  	p1 =	slt.u32 s9, $0xF7A;
	s5 =	simm.s32 @!p2 $0x0  }
0x1d: {  	s5 =	simm.s32 @p1 $0x1;
	p0 =	seq.s32 s7, s2  }
0x1e: {  	s7 =	smul.u32 @!p0 $0xF7A, s2;
	p2 =	seq.s32 @!p0 s5, $0x0  }
0x1f: {  	s9 =	smul.u32 $0xF7A, s1;
	s8 =	simm.s32 @!p0 $0x1BF5;
	p2 =	por !p2, p0  }
0x20: {  	[sflag:s8] =	ssyncset.s32 @!p0 $0xFFFFF086;
	s6 =	sadd.s32 @!p0 s3, s7;
	s7 =	simm.s32 @!p0 $0x108  }
0x21: {  	s3 =	sadd.s32 s3, s9;
	s6 =	sadd.s32 @!p0 $0x88, s6;
	s7 =	simm.s32 @p2 $0x1082  }
0x22: {  	[simem:s7], [sflag:s8] =	dma.local @!p0 [hbm:s6], $0xF7A  }
0x23: {  	s9 =	sor.u32 $0xD0000000, s2;
	s6 =	simm.s32 $0x108;
	_ =	swait.ge @!p0 [sflag:s8], $0x0  }
0x24: {  	s3 =	sadd.s32 $0x88, s3;
	s6 =	simm.s32 @!p1 $0x1082;
	[sflag:s4] =	ssyncset.s32 $0xFFFFF086  }
0x25: {  	[simem:s6], [sflag:s4] =	dma.local [hbm:s3], $0xF7A  }
0x26: {  	[smem:$0x3F95] =	sst s1;
	(tag) =	ssettag s2;
	_ =	strace s9  }
0x27: {  	s1 =	sld [smem:$0x3FA5]  }
0x28: {  	s2 =	sld [smem:$0x3FA6]  }
0x29: {  	s4 =	sld [smem:$0x3FA8]  }
0x2a: {  	p0 =	seq.s32 s5, $0x0;
	s5 =	sld [smem:$0x3FA9]  }
0x2b: {  	s6 =	sld [smem:$0x3FAA]  }
0x2c: {  	s7 =	sld [smem:$0x3FAB]  }
0x2d: {  	s3 =	simm.s32 $0x108;
	s8 =	sld [smem:$0x3FAC]  }
0x2e: {  	s3 =	simm.s32 @!p0 $0x1082;
	s9 =	sld [smem:$0x3FAD]  }
0x2f: {  	lr =	sadd.s32 s0, s3;
	s0 =	sld [smem:$0x3FA4]  }
0x30: {  	s3 =	sld [smem:$0x3FA7]  }
0x31: {  	[smem:$0x3FB0] =	sst s10  }
0x32: {  	s10 =	sld [smem:$0x3FAE];
	_ =	sdelay $0x3  }
0x33: {  	p0 =	seq.s32 s10, $0x1;
	s10 =	sld [smem:$0x3FB0];
	_ =	sdelay $0x3  }
0x34: {  	[smem:$0x3FB0] =	sst s10  }
0x35: {  	s10 =	sld [smem:$0x3FAF];
	_ =	sdelay $0x3  }
0x36: {  	p1 =	seq.s32 s10, $0x1;
	s10 =	sld [smem:$0x3FB0];
	_ =	sdelay $0x3  }
0x37: {  	[smem:$0x3FB0] =	sst s10  }
0x38: {  	s10 =	sld [smem:$0x3FB1]  }
0x39: {  	_ = 	snop;
	(pc) =	sbr.ind lr, $3  }
0x3a: {  	_ = 	snop  }
0x3b: {  	_ = 	snop  }
0x3c: {  	p2 =	seq.s32 s10, $0x1;
	s10 =	sld [smem:$0x3FB0]  }
0x3d: {  	_ =	shalt  }
0x3e: {  	_ =	shalt  }
0x3f: {  	_ =	shalt  }
0x40: {  	_ =	shalt  }
0x41: {  	_ =	shalt  }
0x42: {  	_ =	shalt  }
0x43: {  	_ =	shalt  }
0x44: {  	_ =	shalt  }
0x45: {  	_ =	shalt  }
0x46: {  	_ =	shalt  }
0x47: {  	_ =	shalt  }
0x48: {  	_ =	shalt  }
0x49: {  	_ =	shalt  }
0x4a: {  	_ =	shalt  }
0x4b: {  	_ =	shalt  }
0x4c: {  	_ =	shalt  }
0x4d: {  	_ =	shalt  }
0x4e: {  	_ =	shalt  }
0x4f: {  	_ =	shalt  }
0x50: {  	_ =	shalt  }
0x51: {  	_ =	shalt  }
0x52: {  	_ =	shalt  }
0x53: {  	_ =	shalt  }
0x54: {  	_ =	shalt  }
0x55: {  	_ =	shalt  }
0x56: {  	_ =	shalt  }
0x57: {  	_ =	shalt  }
0x58: {  	_ =	shalt  }
0x59: {  	_ =	shalt  }
0x5a: {  	_ =	shalt  }
0x5b: {  	_ =	shalt  }
0x5c: {  	_ =	shalt  }
0x5d: {  	_ =	shalt  }
0x5e: {  	_ =	shalt  }
0x5f: {  	_ =	shalt  }
0x60: {  	_ =	shalt  }
0x61: {  	_ =	shalt  }
0x62: {  	_ =	shalt  }
0x63: {  	_ =	shalt  }
0x64: {  	_ =	shalt  }
0x65: {  	_ =	shalt  }
0x66: {  	_ =	shalt  }
0x67: {  	_ =	shalt  }
0x68: {  	_ =	shalt  }
0x69: {  	_ =	shalt  }
0x6a: {  	_ =	shalt  }
0x6b: {  	_ =	shalt  }
0x6c: {  	_ =	shalt  }
0x6d: {  	_ =	shalt  }
0x6e: {  	_ =	shalt  }
0x6f: {  	_ =	shalt  }
0x70: {  	_ =	shalt  }
0x71: {  	_ =	shalt  }
0x72: {  	_ =	shalt  }
0x73: {  	_ =	shalt  }
0x74: {  	_ =	shalt  }
0x75: {  	_ =	shalt  }
0x76: {  	_ =	shalt  }
0x77: {  	_ =	shalt  }
0x78: {  	_ =	shalt  }
0x79: {  	_ =	shalt  }
0x7a: {  	_ =	shalt  }
0x7b: {  	_ =	shalt  }
0x7c: {  	_ =	shalt  }
0x7d: {  	_ =	shalt  }
0x7e: {  	_ =	shalt  }
0x7f: {  	_ =	shalt  }
0x80: {  	_ =	shalt  }
0x81: {  	_ =	shalt  }
0x82: {  	_ =	shalt  }
0x83: {  	_ =	shalt  }
0x84: {  	_ =	shalt  }
0x85: {  	_ =	shalt  }
0x86: {  	_ =	shalt  }
0x87: {  	_ =	shalt  }
.Lfunc_end0:
.L_simem_size_0:
called_computation.2_lowered:
.L_overlay_start_0:
0x88: {  	s2 =	sld [smem:$0x3FD9]  }
0x89: {  	s3 =	sld [smem:$0x3FFE];
	_ =	sdelay $0x1  }
0x8a: {  	s1 =	srdreg.scid  }
0x8b: {  	s0 =	sand.u32 $0x1, s1  }
0x8c: {  	s17 =	sshll.u32 s0, $0xA;
	s2 =	sadd.s32 s3, s2  }
0x8d: {  	s2 =	sadd.s32 s2, s17  }
0x8e: {  	[smem:$0x3FBC] =	sst s2  }
0x8f: {  	_ = 	snop  }
0x90: {  	(tm) =	ssettm $0x1  }
0x91: {  	s18 =	sld [smem:$0x3FFB];
	_ =	sdelay $0x3  }
0x92: {  	_ =	strace s18  }
0x93: {  	s2 =	sld [smem:$0x3FFC];
	_ =	sdelay $0x3  }
0x94: {  	_ =	strace s2  }
0x95: {  	s2 =	sld [smem:$0x3FFD];
	_ =	sdelay $0x3  }
0x96: {  	_ =	strace s2  }
0x97: {  	_ =	strace $0x8FFFFFFF  }
0x98: {  	s19 =	sld [smem:$0x3FDB];
	_ =	sdelay $0x1  }
0x99: {  	s20 =	simm.s32 $_scs_section_size  }
0x9a: {  	s4 =	simm.s32 $_size__tile_overlayer_lowered;
	s5 =	simm.s32 $_tile_overlayer_lowered  }
0x9b: {  	s6 =	simm.s32 $0x1BFF;
	s21 =	sshll.u32 s5, $0x1;
	s3 =	sadd.s32 s20, s19  }
0x9c: {  	s22 =	simm.s32 $0x0;
	s4 =	sshll.u32 s4, $0x1;
	s5 =	sadd.s32 s21, s3  }
0x9d: {  	[timem:s22], [sflag:s6] =	dma.local [hbm:s5], s4  }
0x9e: {  	_ =	swait.ge [sflag:s6], s4  }
0x9f: {  	s4 =	ssub.s32 $0x0, s4;
	[sflag:s6] =	ssyncset.done $0x0  }
0xa0: {  	[sflag:s6] =	ssyncadd.s32 s4;
	_ =	sdelay $0x1  }
0xa1: {  	s23 =	simm.s32 $0x1B8B  }
0xa2: {  	_ =	swait.ge [sflag:s23], $0x1  }
0xa3: {  	[sflag:s23] =	ssyncset.done $0x0  }
0xa4: {  	[sflag:s23] =	ssyncadd.s32 $0xFFFFFFFF  }
0xa5: {  	s4 =	sld [smem:$0x0]  }
0xa6: {  	s5 =	sand.u32 $0xFFFFFFFE, s1  }
0xa7: {  	p0 =	sne.s32 s1, s5  }
0xa8: {  	s5 =	sshll.u32 @p0 s5, $0xE  }
0xa9: {  	s5 =	sadd.s32 @p0 $0x11B8D, s5;
	s6 =	sshll.u32 @p0 s4, $0x11  }
0xaa: {  	s5 =	sor.u32 @p0 s6, s5  }
0xab: {  	[sflag:s5] =	ssyncadd.remote.s32 @p0 $0x1;
	_ =	sdelay $0x1  }
0xac: {  	s5 =	simm.s32 @p0 $0x1B8D  }
0xad: {  	_ =	swait.eq @p0 [sflag:s5], $0x1  }
0xae: {  	[sflag:s5] =	ssyncadd.s32 @p0 $0xFFFFFFFF  }
0xaf: {  	s6 =	sshll.u32 @!p0 s1, $0xE  }
0xb0: {  	s6 =	sor.u32 @!p0 $0x4000, s6;
	s5 =	simm.s32 @!p0 $0x1B8D  }
0xb1: {  	s4 =	sshll.u32 @!p0 s4, $0x11;
	s6 =	sadd.s32 @!p0 $0x11B8D, s6;
	_ =	swait.eq @!p0 [sflag:s5], $0x1  }
0xb2: {  	s4 =	sor.u32 @!p0 s4, s6;
	[sflag:s5] =	ssyncadd.s32 @!p0 $0xFFFFFFFF  }
0xb3: {  	s25 =	simm.s32 $0x1B8E;
	s24 =	sld [smem:$0x3FFE];
	[sflag:s4] =	ssyncadd.remote.s32 @!p0 $0x1  }
0xb4: {  	s26 =	simm.s32 $execute0_lowered;
	[smem:$0x3FD2] =	sst s25  }
0xb5: {  	s5 =	sshll.u32 s26, $0x1;
	_ =	strace $0x80000049;
	[dreg:$0x1] =	wrdreg $0xFFFFFFFF  }
0xb6: {  	s28 =	simm.s32 $_size_execute0_lowered;
	s3 =	sadd.s32 s3, s5;
	[dreg:$0x0] =	wrdreg $0x0  }
0xb7: {  	s5 =	sshll.u32 s28, $0x1;
	[dreg:$0x2] =	wrdreg s3  }
0xb8: {  	[dreg:$0x3] =	wrdreg s5  }
0xb9: {  	[dreg:$0x4] =	wrdreg $0xC0  }
0xba: {  	_ =	task [dreg:s22], $0x5FFFF  }
0xbb: {  	[dreg:$0x1] =	wrdreg $0xFFFFFFFF  }
0xbc: {  	[dreg:$0x0] =	wrdreg $0x60  }
0xbd: {  	[dreg:$0x2] =	wrdreg s24  }
0xbe: {  	[dreg:$0x3] =	wrdreg $0xA9000  }
0xbf: {  	[dreg:$0x4] =	wrdreg $0x9  }
0xc0: {  	_ =	task.clear_ibuf [dreg:s22], $0x5FFFF;
	_ =	strace $0x90000049  }
0xc1: {  	s29 =	simm.s32 $0x9;
	_ =	strace $0x8000004B  }
0xc2: {  	_ =	swait.ge [sflag:s29], $0x1  }
0xc3: {  	[sflag:s29] =	ssyncadd.s32 $0xFFFFFFFF  }
0xc4: {  	_ =	strace $0x9000004B  }
0xc5: {  	_ =	sfence  }
0xc6: {  	s30 =	sld [smem:$0x0];
	_ =	sdelay $0x2  }
0xc7: {  	s31 =	sshll.u32 s1, $0xD;
	s1 =	sshrl.u32 s1, $0x2  }
0xc8: {  	s4 =	sand.u32 $0x4000, s31;
	s1 =	sadd.s32 s1, s30  }
0xc9: {  	s0 =	sor.u32 s4, s0;
	s1 =	sshll.u32 s1, $0x11  }
0xca: {  	s0 =	sor.u32 s1, s0  }
0xcb: {  	s0 =	sadd.s32 $0x8F2B, s0  }
0xcc: {  	[sflag:s0] =	ssyncadd.remote.s32 $0x1  }
0xcd: {  	_ =	sfence.sel $0xFFFF  }
0xce: {  	[dreg:$0x0] =	wrdreg $0xFFFFFFFF;
	(pc) =	sbr.abs _section_cstart, $3  }
0xcf: {  	[dreg:$0x1] =	wrdreg $0xFFFFFFFF  }
0xd0: {  	_ =	task.clear_ibuf [dreg:s22], $0x2FFFF;
	_ =	strace $0x9FFFFFFF  }
0xd1: {  	(tm) =	ssettm $0x7FFFFFFF  }
tec
execute0_lowered:
.L_overlay_start_1:
0x0: {  	(tag) =	ssettag $0x1  }
0x1: {  	s0 =	rddreg [dreg:$0x0]  }
0x2: {  	s2 =	rddreg [dreg:$0x1];
	s3 =	simm.s32 $0x0  }
0x3: {  	s8 =	stileid.u32;
	s1 =	srdreg.scid;
	s18 =	simm.s32 $0x100  }
0x4: {  	s28 =	simm.s32 $0x6900;
	s29 =	simm.s32 $0x2;
	s31 =	simm.s32 $0x5  }
0x5: {  	s14 =	simm.s32 $0x0;
	s4 =	smul.u32 $0x500, s8;
	s5 =	sadd.s32 $0x535600, s0  }
0x6: {  	[smem:$0x7FF] =	sst s3;
	s6 =	sadd.s32 $0x50D600, s0;
	s13 =	smul.u32 $0x50000, s8  }
0x7: {  	s1 =	sand.u32 $0x1, s1;
	s7 =	sadd.s32 $0x508600, s0;
	s20 =	smul.u32 $0x14000, s8  }
0x8: {  	s9 =	sadd.s32 $0x55D600, s0;
	s25 =	smul.u32 $0x2800, s8;
	s30 =	sshll.u32 s8, $0x6  }
0x9: {  	_ =	strace $0x8000004A;
	s11 =	ssub.s32 $0x2, s1;
	[dreg:$0x3] =	wrdreg s9  }
0xa: {  	p0 =	seq.s32 s1, $0x1;
	s10 =	sadd.s32 s4, s0;
	s12 =	sshrl.u32 s11, $0x1  }
0xb: {  	s0 =	sadd.s32 $0x55FE00, s0;
	s22 =	sshrl.u32 s13, $0x2;
	s23 =	sshrl.u32 s20, $0x3  }
0xc: {  	[dreg:$0x7] =	wrdreg s25;
	s20 =	sor.u32 $0x1C07, s30;
	s25 =	simm.s32 $0x1  }
0xd: {  	[dreg:$0x4] =	wrdreg s0;
	s19 =	ssub.s32 s11, s12;
	s21 =	sadd.s32 $0x503600, s10  }
0xe: {  	s1 =	sadd.s32 s22, s2;
	s11 =	sadd.s32 s7, s4;
	s26 =	sadd.s32 $0x28000, s23  }
.Ltmp0:
0xf: {  	s22 =	simm.s32 $0x80;
	s23 =	simm.s32 $0x3;
	(pc) =	sbr.rel .LBB2_1-.Ltmp0, $4  }
0x10: {  	s0 =	simm.s32 $0x6;
	[dreg:$0x5] =	wrdreg s21;
	s24 =	sadd.s32 $0x10, s11  }
0x11: {  	[dreg:$0x8] =	wrdreg s26;
	s15 =	smax.u32 s19, $0x1;
	s16 =	sadd.s32 $0x20, s11  }
0x12: {  	s17 =	sadd.s32 $0x30, s11;
	s19 =	simm.s32 $0x7;
	s21 =	sshrl.u32 s1, $0x3  }
0x13: {  	s26 =	simm.s32 $0x4;
	[dreg:$0x6] =	wrdreg s24;
	s24 =	simm.s32 $0x2900  }
.LBB2_7:
0x14: {  	[sflag:s31] =	ssyncadd.s32 $0xFFFFC000  }
0x15: {  	[tilespmem:s24], [sflag:$0x1] =	stream.indirect.gather [hbm4b:s6+s22], $0x80, s3, s22, $0xb8;
	[tilespmem:$0x1E900] =	vst v63  }
0x16: {  	_ =	swait.ge [sflag:s25], $0x4000  }
0x17: {  	[sflag:s25] =	ssyncset.done $0x0  }
0x18: {  	s1 =	simm.s32 $0x2800;
	[sflag:s25] =	ssyncadd.s32 $0xFFFFC000  }
0x19: {  	[spmem:s2] =	stream.indirect.scatter.add.f32 [tilespmem:s24], [sflag:$0x5], $0x80, s1, s22, $0xb8;
	[tilespmem:$0x1E900] =	vst v63  }
0x1a: {  	_ =	swait.ge [sflag:s26], $0x80  }
0x1b: {  	[sflag:s26] =	ssyncset.done $0x0  }
0x1c: {  	[sflag:s26] =	ssyncadd.s32 $0xFFFFFF80  }
0x1d: {  	_ =	swait.ge [sflag:s0], $0x4000  }
0x1e: {  	[sflag:s0] =	ssyncset.done $0x0  }
0x1f: {  	[sflag:s0] =	ssyncadd.s32 $0xFFFFC000  }
0x20: {  	[tilespmem:s28], [sflag:$0x2] =	stream.indirect.gather [hbm4b:s6+s22], $0x80, s22, s22, $0xb8;
	[tilespmem:$0x1E900] =	vst v63  }
0x21: {  	_ =	swait.ge [sflag:s29], $0x4000  }
0x22: {  	[sflag:s29] =	ssyncset.done $0x0  }
0x23: {  	s30 =	simm.s32 $0x2880;
	s1 =	rddreg [dreg:$0x8];
	[sflag:s29] =	ssyncadd.s32 $0xFFFFC000  }
0x24: {  	[spmem:s2] =	stream.indirect.scatter.add.f32 [tilespmem:s28], [sflag:$0x6], $0x80, s30, s22, $0xb8;
	[tilespmem:$0x1E900] =	vst v63  }
.LBB2_8:
0x25: {  	_ =	swait.ge [sflag:s31], $0x4000  }
0x26: {  	[sflag:s31] =	ssyncset.done $0x0  }
0x27: {  	[sflag:s31] =	ssyncadd.s32 $0xFFFFC000  }
0x28: {  	_ =	swait.ge [sflag:s0], $0x4000  }
0x29: {  	s14 =	sadd.s32 $0x1, s14;
	[sflag:s0] =	ssyncset.done $0x0  }
0x2a: {  	p1 =	sne.s32 s14, s15;
	s8 =	rddreg [dreg:$0x4];
	[sflag:s0] =	ssyncadd.s32 $0xFFFFC000  }
.Ltmp1:
0x2b: {  	s1 =	sadd.s32 s8, s1;
	[bflag:$0x0] =	sbarrier.arrive $0xFFFF;
	(pc) =	sbr.rel @!p1 .LBB2_9-.Ltmp1, $4  }
0x2c: {  	[hbm:s1], [sflag:s20] =	dma.local [spmem:s21], $0x2800  }
0x2d: {  	_ =	swait.ge [sflag:s19], $0x2800  }
0x2e: {  	[sflag:s19] =	ssyncset.done $0x0  }
0x2f: {  	[sflag:s19] =	ssyncadd.s32 $0xFFFFD800  }
.LBB2_1:
0x30: {  	s1 =	rddreg [dreg:$0x5]  }
0x31: {  	[tilespmem:s18], [sflag:$0x7] =	stream.linear.gather [hbm4b:s1+s3], $0x2800, $0x38;
	[tilespmem:$0x1E900] =	vst v63  }
0x32: {  	_ =	swait.ge [sflag:s19], $0x2800  }
0x33: {  	[sflag:s19] =	ssyncset.done $0x0  }
0x34: {  	s13 =	rddreg [dreg:$0x3];
	[sflag:s19] =	ssyncadd.s32 $0xFFFFD800  }
0x35: {  	[spmem:s21], [sflag:s20] =	dma.local [hbm:s13], $0x2800  }
0x36: {  	_ =	swait.ge [sflag:s19], $0x2800  }
0x37: {  	[sflag:s19] =	ssyncset.done $0x0  }
0x38: {  	[sflag:s19] =	ssyncadd.s32 $0xFFFFD800  }
0x39: {  	[bflag:$0x0] =	sbarrier.arrive $0xFFFF  }
0x3a: {  	[tilespmem:s3], [sflag:$0x3] =	stream.linear.gather [hbm4b:s11+s3], $0x80, $0x38;
	[tilespmem:$0x1E900] =	vst v63  }
.Ltmp2:
0x3b: {  	s30 =	rddreg [dreg:$0x6];
	(pc) =	sbr.rel @!p0 .LBB2_2-.Ltmp2, $4  }
0x3c: {  	[tilespmem:s22], [sflag:$0x4] =	stream.linear.gather [hbm4b:s30+s3], $0x80, $0x38;
	[tilespmem:$0x1E900] =	vst v63  }
0x3d: {  	_ =	swait.ge [sflag:s23], $0x80  }
0x3e: {  	[sflag:s23] =	ssyncset.done $0x0  }
0x3f: {  	[sflag:s23] =	ssyncadd.s32 $0xFFFFFF80  }
0x40: {  	[tilespmem:s24], [sflag:$0x1] =	stream.indirect.gather [hbm4b:s6+s22], $0x80, s3, s22, $0xb8;
	[tilespmem:$0x1E900] =	vst v63  }
0x41: {  	_ =	swait.ge [sflag:s25], $0x4000  }
0x42: {  	[sflag:s25] =	ssyncset.done $0x0  }
0x43: {  	[sflag:s25] =	ssyncadd.s32 $0xFFFFC000  }
0x44: {  	[spmem:s2] =	stream.indirect.scatter.add.f32 [tilespmem:s24], [sflag:$0x5], $0x80, s18, s22, $0xb8;
	[tilespmem:$0x1E900] =	vst v63  }
0x45: {  	_ = 	snop  }
0x46: {  	[tilespmem:s3], [sflag:$0x3] =	stream.linear.gather [hbm4b:s16+s3], $0x80, $0x38;
	[tilespmem:$0x1E900] =	vst v63  }
0x47: {  	_ =	swait.ge [sflag:s26], $0x80  }
0x48: {  	[sflag:s26] =	ssyncset.done $0x0  }
0x49: {  	[sflag:s26] =	ssyncadd.s32 $0xFFFFFF80  }
0x4a: {  	[tilespmem:s28], [sflag:$0x2] =	stream.indirect.gather [hbm4b:s6+s22], $0x80, s22, s22, $0xb8;
	[tilespmem:$0x1E900] =	vst v63  }
0x4b: {  	_ =	swait.ge [sflag:s29], $0x4000  }
0x4c: {  	[sflag:s29] =	ssyncset.done $0x0  }
0x4d: {  	s1 =	simm.s32 $0x180;
	[sflag:s29] =	ssyncadd.s32 $0xFFFFC000  }
0x4e: {  	[spmem:s2] =	stream.indirect.scatter.add.f32 [tilespmem:s28], [sflag:$0x6], $0x80, s1, s22, $0xb8;
	[tilespmem:$0x1E900] =	vst v63  }
0x4f: {  	_ = 	snop  }
0x50: {  	[tilespmem:s22], [sflag:$0x4] =	stream.linear.gather [hbm4b:s17+s3], $0x80, $0x38;
	[tilespmem:$0x1E900] =	vst v63  }
0x51: {  	_ =	swait.ge [sflag:s23], $0x80  }
0x52: {  	[sflag:s23] =	ssyncset.done $0x0  }
0x53: {  	[sflag:s23] =	ssyncadd.s32 $0xFFFFFF80  }
0x54: {  	_ =	swait.ge [sflag:s31], $0x4000  }
0x55: {  	[sflag:s31] =	ssyncset.done $0x0  }
0x56: {  	s12 =	sadd.s32 $0x50, s4;
	[sflag:s31] =	ssyncadd.s32 $0xFFFFC000  }
0x57: {  	[tilespmem:s24], [sflag:$0x1] =	stream.indirect.gather [hbm4b:s6+s22], $0x80, s3, s22, $0xb8;
	[tilespmem:$0x1E900] =	vst v63  }
0x58: {  	s8 =	simm.s32 $0x40;
	s10 =	simm.s32 $0x200;
	_ =	swait.ge [sflag:s25], $0x4000  }
0x59: {  	s9 =	sadd.s32 $0xFFFFFFF0, s12;
	s8 =	sand.u32 $0x60, s8;
	[sflag:s25] =	ssyncset.done $0x0  }
0x5a: {  	s9 =	sand.u32 $0xFF80, s9;
	s8 =	sadd.s32 s7, s8;
	[sflag:s25] =	ssyncadd.s32 $0xFFFFC000  }
0x5b: {  	[spmem:s2] =	stream.indirect.scatter.add.f32 [tilespmem:s24], [sflag:$0x5], $0x80, s10, s22, $0xb8;
	[tilespmem:$0x1E900] =	vst v63  }
0x5c: {  	s8 =	sadd.s32 s9, s8  }
0x5d: {  	[tilespmem:s3], [sflag:$0x3] =	stream.linear.gather [hbm4b:s8+s3], $0x80, $0x38;
	[tilespmem:$0x1E900] =	vst v63  }
0x5e: {  	_ =	swait.ge [sflag:s26], $0x80  }
0x5f: {  	[sflag:s26] =	ssyncset.done $0x0  }
0x60: {  	[sflag:s26] =	ssyncadd.s32 $0xFFFFFF80  }
0x61: {  	_ =	swait.ge [sflag:s0], $0x4000  }
0x62: {  	[sflag:s0] =	ssyncset.done $0x0  }
0x63: {  	[sflag:s0] =	ssyncadd.s32 $0xFFFFC000  }
0x64: {  	[tilespmem:s28], [sflag:$0x2] =	stream.indirect.gather [hbm4b:s6+s22], $0x80, s22, s22, $0xb8;
	[tilespmem:$0x1E900] =	vst v63  }
0x65: {  	s13 =	simm.s32 $0x50;
	_ =	swait.ge [sflag:s29], $0x4000  }
0x66: {  	s30 =	simm.s32 $0x280;
	s8 =	sand.u32 $0x70, s13;
	[sflag:s29] =	ssyncset.done $0x0  }
0x67: {  	s1 =	sand.u32 $0xFF80, s12;
	s8 =	sadd.s32 s7, s8;
	[sflag:s29] =	ssyncadd.s32 $0xFFFFC000  }
0x68: {  	[spmem:s2] =	stream.indirect.scatter.add.f32 [tilespmem:s28], [sflag:$0x6], $0x80, s30, s22, $0xb8;
	[tilespmem:$0x1E900] =	vst v63  }
0x69: {  	s1 =	sadd.s32 s1, s8  }
0x6a: {  	[tilespmem:s22], [sflag:$0x4] =	stream.linear.gather [hbm4b:s1+s3], $0x80, $0x38;
	[tilespmem:$0x1E900] =	vst v63  }
0x6b: {  	_ =	swait.ge [sflag:s23], $0x80  }
0x6c: {  	[sflag:s23] =	ssyncset.done $0x0  }
0x6d: {  	[sflag:s23] =	ssyncadd.s32 $0xFFFFFF80  }
0x6e: {  	_ =	swait.ge [sflag:s31], $0x4000  }
0x6f: {  	s1 =	simm.s32 $0x70;
	[sflag:s31] =	ssyncset.done $0x0  }
.LBB2_6:
0x70: {  	p1 =	sne.s32 s1, $0x4F0;
	[sflag:s31] =	ssyncadd.s32 $0xFFFFC000;
	s30 =	sadd.s32 $0x100, s30  }
0x71: {  	[tilespmem:s24], [sflag:$0x1] =	stream.indirect.gather [hbm4b:s6+s22], $0x80, s3, s22, $0xb8;
	[tilespmem:$0x1E900] =	vst v63  }
0x72: {  	s8 =	smov.u32 s1;
	s1 =	sadd.s32 $0x20, s1;
	_ =	swait.ge [sflag:s25], $0x4000  }
0x73: {  	s9 =	sadd.s32 s8, s4;
	s10 =	sadd.s32 $0xFFFFFFF0, s8;
	[sflag:s25] =	ssyncset.done $0x0  }
0x74: {  	s12 =	sadd.s32 $0xFFFFFFF0, s9;
	s10 =	sand.u32 $0x60, s10;
	[sflag:s25] =	ssyncadd.s32 $0xFFFFC000  }
0x75: {  	s13 =	sadd.s32 $0xFFFFFF80, s30;
	s12 =	sand.u32 $0xFF80, s12;
	s10 =	sadd.s32 s7, s10  }
0x76: {  	[spmem:s2] =	stream.indirect.scatter.add.f32 [tilespmem:s24], [sflag:$0x5], $0x80, s13, s22, $0xb8;
	[tilespmem:$0x1E900] =	vst v63  }
0x77: {  	s9 =	sand.u32 $0xFF80, s9;
	s10 =	sadd.s32 s12, s10  }
0x78: {  	[tilespmem:s3], [sflag:$0x3] =	stream.linear.gather [hbm4b:s10+s3], $0x80, $0x38;
	[tilespmem:$0x1E900] =	vst v63  }
0x79: {  	_ =	swait.ge [sflag:s26], $0x80  }
0x7a: {  	[sflag:s26] =	ssyncset.done $0x0  }
0x7b: {  	[sflag:s26] =	ssyncadd.s32 $0xFFFFFF80  }
0x7c: {  	_ =	swait.ge [sflag:s0], $0x4000  }
0x7d: {  	[sflag:s0] =	ssyncset.done $0x0  }
0x7e: {  	[sflag:s0] =	ssyncadd.s32 $0xFFFFC000  }
0x7f: {  	[tilespmem:s28], [sflag:$0x2] =	stream.indirect.gather [hbm4b:s6+s22], $0x80, s22, s22, $0xb8;
	[tilespmem:$0x1E900] =	vst v63  }
0x80: {  	s8 =	sand.u32 $0x70, s8;
	_ =	swait.ge [sflag:s29], $0x4000  }
0x81: {  	s8 =	sadd.s32 s7, s8;
	[sflag:s29] =	ssyncset.done $0x0  }
0x82: {  	s8 =	sadd.s32 s9, s8;
	[sflag:s29] =	ssyncadd.s32 $0xFFFFC000  }
0x83: {  	[spmem:s2] =	stream.indirect.scatter.add.f32 [tilespmem:s28], [sflag:$0x6], $0x80, s30, s22, $0xb8;
	[tilespmem:$0x1E900] =	vst v63  }
0x84: {  	_ = 	snop  }
0x85: {  	[tilespmem:s22], [sflag:$0x4] =	stream.linear.gather [hbm4b:s8+s3], $0x80, $0x38;
	[tilespmem:$0x1E900] =	vst v63  }
.Ltmp3:
0x86: {  	_ =	swait.ge [sflag:s23], $0x80;
	(pc) =	sbr.rel @p1 .LBB2_6-.Ltmp3, $4  }
0x87: {  	[sflag:s23] =	ssyncset.done $0x0  }
0x88: {  	[sflag:s23] =	ssyncadd.s32 $0xFFFFFF80  }
0x89: {  	_ =	swait.ge [sflag:s31], $0x4000  }
0x8a: {  	[sflag:s31] =	ssyncset.done $0x0  }
.Ltmp4:
0x8b: {  	_ = 	snop;
	(pc) =	sbr.rel .LBB2_7-.Ltmp4, $1  }
0x8c: {  	_ =	sdelay $0x3  }
.LBB2_2:
0x8d: {  	[tilespmem:s24], [sflag:$0x1] =	stream.indirect.gather [hbm4b:s5+s22], $0x80, s3, s22, $0xb8;
	[tilespmem:$0x1E900] =	vst v63  }
0x8e: {  	_ =	swait.ge [sflag:s25], $0x4000  }
0x8f: {  	[sflag:s25] =	ssyncset.done $0x0  }
0x90: {  	[sflag:s25] =	ssyncadd.s32 $0xFFFFC000  }
0x91: {  	[spmem:s2] =	stream.indirect.scatter.add.f32 [tilespmem:s24], [sflag:$0x5], $0x80, s18, s22, $0xb8;
	[tilespmem:$0x1E900] =	vst v63  }
0x92: {  	_ = 	snop  }
0x93: {  	[tilespmem:s3], [sflag:$0x3] =	stream.linear.gather [hbm4b:s16+s3], $0x80, $0x38;
	[tilespmem:$0x1E900] =	vst v63  }
0x94: {  	_ =	swait.ge [sflag:s26], $0x80  }
0x95: {  	[sflag:s26] =	ssyncset.done $0x0  }
0x96: {  	[sflag:s26] =	ssyncadd.s32 $0xFFFFFF80  }
0x97: {  	[tilespmem:s28], [sflag:$0x2] =	stream.indirect.gather [hbm4b:s5+s22], $0x80, s22, s22, $0xb8;
	[tilespmem:$0x1E900] =	vst v63  }
0x98: {  	_ =	swait.ge [sflag:s29], $0x4000  }
0x99: {  	[sflag:s29] =	ssyncset.done $0x0  }
0x9a: {  	s1 =	simm.s32 $0x180;
	[sflag:s29] =	ssyncadd.s32 $0xFFFFC000  }
0x9b: {  	[spmem:s2] =	stream.indirect.scatter.add.f32 [tilespmem:s28], [sflag:$0x6], $0x80, s1, s22, $0xb8;
	[tilespmem:$0x1E900] =	vst v63  }
0x9c: {  	_ = 	snop  }
0x9d: {  	[tilespmem:s22], [sflag:$0x4] =	stream.linear.gather [hbm4b:s17+s3], $0x80, $0x38;
	[tilespmem:$0x1E900] =	vst v63  }
0x9e: {  	_ =	swait.ge [sflag:s23], $0x80  }
0x9f: {  	[sflag:s23] =	ssyncset.done $0x0  }
0xa0: {  	[sflag:s23] =	ssyncadd.s32 $0xFFFFFF80  }
0xa1: {  	_ =	swait.ge [sflag:s31], $0x4000  }
0xa2: {  	[sflag:s31] =	ssyncset.done $0x0  }
0xa3: {  	s10 =	sadd.s32 $0x50, s4;
	[sflag:s31] =	ssyncadd.s32 $0xFFFFC000  }
0xa4: {  	[tilespmem:s24], [sflag:$0x1] =	stream.indirect.gather [hbm4b:s5+s22], $0x80, s3, s22, $0xb8;
	[tilespmem:$0x1E900] =	vst v63  }
0xa5: {  	s30 =	simm.s32 $0x40;
	s8 =	simm.s32 $0x200;
	_ =	swait.ge [sflag:s25], $0x4000  }
0xa6: {  	s13 =	sadd.s32 $0xFFFFFFF0, s10;
	s30 =	sand.u32 $0x60, s30;
	[sflag:s25] =	ssyncset.done $0x0  }
0xa7: {  	s13 =	sand.u32 $0xFF80, s13;
	s30 =	sadd.s32 s7, s30;
	[sflag:s25] =	ssyncadd.s32 $0xFFFFC000  }
0xa8: {  	[spmem:s2] =	stream.indirect.scatter.add.f32 [tilespmem:s24], [sflag:$0x5], $0x80, s8, s22, $0xb8;
	[tilespmem:$0x1E900] =	vst v63  }
0xa9: {  	s12 =	sadd.s32 s13, s30  }
0xaa: {  	[tilespmem:s3], [sflag:$0x3] =	stream.linear.gather [hbm4b:s12+s3], $0x80, $0x38;
	[tilespmem:$0x1E900] =	vst v63  }
0xab: {  	_ =	swait.ge [sflag:s26], $0x80  }
0xac: {  	[sflag:s26] =	ssyncset.done $0x0  }
0xad: {  	[sflag:s26] =	ssyncadd.s32 $0xFFFFFF80  }
0xae: {  	_ =	swait.ge [sflag:s0], $0x4000  }
0xaf: {  	[sflag:s0] =	ssyncset.done $0x0  }
0xb0: {  	[sflag:s0] =	ssyncadd.s32 $0xFFFFC000  }
0xb1: {  	[tilespmem:s28], [sflag:$0x2] =	stream.indirect.gather [hbm4b:s5+s22], $0x80, s22, s22, $0xb8;
	[tilespmem:$0x1E900] =	vst v63  }
0xb2: {  	s13 =	simm.s32 $0x50;
	_ =	swait.ge [sflag:s29], $0x4000  }
0xb3: {  	s30 =	simm.s32 $0x280;
	s8 =	sand.u32 $0x70, s13;
	[sflag:s29] =	ssyncset.done $0x0  }
0xb4: {  	s1 =	sand.u32 $0xFF80, s10;
	s8 =	sadd.s32 s7, s8;
	[sflag:s29] =	ssyncadd.s32 $0xFFFFC000  }
0xb5: {  	[spmem:s2] =	stream.indirect.scatter.add.f32 [tilespmem:s28], [sflag:$0x6], $0x80, s30, s22, $0xb8;
	[tilespmem:$0x1E900] =	vst v63  }
0xb6: {  	s1 =	sadd.s32 s1, s8  }
0xb7: {  	[tilespmem:s22], [sflag:$0x4] =	stream.linear.gather [hbm4b:s1+s3], $0x80, $0x38;
	[tilespmem:$0x1E900] =	vst v63  }
0xb8: {  	_ =	swait.ge [sflag:s23], $0x80  }
0xb9: {  	[sflag:s23] =	ssyncset.done $0x0  }
0xba: {  	[sflag:s23] =	ssyncadd.s32 $0xFFFFFF80  }
0xbb: {  	_ =	swait.ge [sflag:s31], $0x4000  }
0xbc: {  	s1 =	simm.s32 $0x70;
	[sflag:s31] =	ssyncset.done $0x0  }
.LBB2_3:
0xbd: {  	p1 =	seq.s32 s1, $0x4F0;
	[sflag:s31] =	ssyncadd.s32 $0xFFFFC000;
	s30 =	sadd.s32 $0x100, s30  }
0xbe: {  	[tilespmem:s24], [sflag:$0x1] =	stream.indirect.gather [hbm4b:s5+s22], $0x80, s3, s22, $0xb8;
	[tilespmem:$0x1E900] =	vst v63  }
0xbf: {  	s8 =	smov.u32 s1;
	s1 =	sadd.s32 $0x20, s1;
	_ =	swait.ge [sflag:s25], $0x4000  }
0xc0: {  	s13 =	sadd.s32 s8, s4;
	s9 =	sadd.s32 $0xFFFFFFF0, s8;
	[sflag:s25] =	ssyncset.done $0x0  }
0xc1: {  	s10 =	sadd.s32 $0xFFFFFFF0, s13;
	s9 =	sand.u32 $0x60, s9;
	[sflag:s25] =	ssyncadd.s32 $0xFFFFC000  }
0xc2: {  	s12 =	sadd.s32 $0xFFFFFF80, s30;
	s10 =	sand.u32 $0xFF80, s10;
	s9 =	sadd.s32 s7, s9  }
0xc3: {  	[spmem:s2] =	stream.indirect.scatter.add.f32 [tilespmem:s24], [sflag:$0x5], $0x80, s12, s22, $0xb8;
	[tilespmem:$0x1E900] =	vst v63  }
0xc4: {  	s9 =	sadd.s32 s10, s9;
	s10 =	sand.u32 $0xFF80, s13  }
0xc5: {  	[tilespmem:s3], [sflag:$0x3] =	stream.linear.gather [hbm4b:s9+s3], $0x80, $0x38;
	[tilespmem:$0x1E900] =	vst v63  }
0xc6: {  	_ =	swait.ge [sflag:s26], $0x80  }
0xc7: {  	[sflag:s26] =	ssyncset.done $0x0  }
0xc8: {  	[sflag:s26] =	ssyncadd.s32 $0xFFFFFF80  }
0xc9: {  	_ =	swait.ge [sflag:s0], $0x4000  }
0xca: {  	[sflag:s0] =	ssyncset.done $0x0  }
0xcb: {  	[sflag:s0] =	ssyncadd.s32 $0xFFFFC000  }
0xcc: {  	[tilespmem:s28], [sflag:$0x2] =	stream.indirect.gather [hbm4b:s5+s22], $0x80, s22, s22, $0xb8;
	[tilespmem:$0x1E900] =	vst v63  }
0xcd: {  	s8 =	sand.u32 $0x70, s8;
	_ =	swait.ge [sflag:s29], $0x4000  }
0xce: {  	s8 =	sadd.s32 s7, s8;
	[sflag:s29] =	ssyncset.done $0x0  }
0xcf: {  	s8 =	sadd.s32 s10, s8;
	[sflag:s29] =	ssyncadd.s32 $0xFFFFC000  }
0xd0: {  	[spmem:s2] =	stream.indirect.scatter.add.f32 [tilespmem:s28], [sflag:$0x6], $0x80, s30, s22, $0xb8;
	[tilespmem:$0x1E900] =	vst v63  }
0xd1: {  	_ = 	snop  }
0xd2: {  	[tilespmem:s22], [sflag:$0x4] =	stream.linear.gather [hbm4b:s8+s3], $0x80, $0x38;
	[tilespmem:$0x1E900] =	vst v63  }
.Ltmp5:
0xd3: {  	_ =	swait.ge [sflag:s23], $0x80;
	(pc) =	sbr.rel @!p1 .LBB2_3-.Ltmp5, $4  }
0xd4: {  	[sflag:s23] =	ssyncset.done $0x0  }
0xd5: {  	[sflag:s23] =	ssyncadd.s32 $0xFFFFFF80  }
0xd6: {  	_ =	swait.ge [sflag:s31], $0x4000  }
0xd7: {  	[sflag:s31] =	ssyncset.done $0x0  }
0xd8: {  	[sflag:s31] =	ssyncadd.s32 $0xFFFFC000  }
0xd9: {  	[tilespmem:s24], [sflag:$0x1] =	stream.indirect.gather [hbm4b:s5+s22], $0x80, s3, s22, $0xb8;
	[tilespmem:$0x1E900] =	vst v63  }
0xda: {  	_ =	swait.ge [sflag:s25], $0x4000  }
0xdb: {  	[sflag:s25] =	ssyncset.done $0x0  }
0xdc: {  	s1 =	simm.s32 $0x2800;
	[sflag:s25] =	ssyncadd.s32 $0xFFFFC000  }
0xdd: {  	[spmem:s2] =	stream.indirect.scatter.add.f32 [tilespmem:s24], [sflag:$0x5], $0x80, s1, s22, $0xb8;
	[tilespmem:$0x1E900] =	vst v63  }
0xde: {  	_ =	swait.ge [sflag:s26], $0x80  }
0xdf: {  	[sflag:s26] =	ssyncset.done $0x0  }
0xe0: {  	[sflag:s26] =	ssyncadd.s32 $0xFFFFFF80  }
0xe1: {  	_ =	swait.ge [sflag:s0], $0x4000  }
0xe2: {  	[sflag:s0] =	ssyncset.done $0x0  }
0xe3: {  	[sflag:s0] =	ssyncadd.s32 $0xFFFFC000  }
0xe4: {  	[tilespmem:s28], [sflag:$0x2] =	stream.indirect.gather [hbm4b:s5+s22], $0x80, s22, s22, $0xb8;
	[tilespmem:$0x1E900] =	vst v63  }
.Ltmp6:
0xe5: {  	_ = 	snop;
	(pc) =	sbr.rel .LBB2_8-.Ltmp6, $4  }
0xe6: {  	_ =	swait.ge [sflag:s29], $0x4000  }
0xe7: {  	[sflag:s29] =	ssyncset.done $0x0  }
0xe8: {  	s30 =	simm.s32 $0x2880;
	s1 =	rddreg [dreg:$0x7];
	[sflag:s29] =	ssyncadd.s32 $0xFFFFC000  }
0xe9: {  	[spmem:s2] =	stream.indirect.scatter.add.f32 [tilespmem:s28], [sflag:$0x6], $0x80, s30, s22, $0xb8;
	[tilespmem:$0x1E900] =	vst v63  }
.LBB2_9:
0xea: {  	_ =	sfence.sel $0x180000  }
0xeb: {  	[bflag:$0x0] =	sbarrier.arrive $0xFFFF  }
0xec: {  	_ =	strace $0x9000004A  }
0xed: {  	s0 =	stileid.u32;
	[bflag:$0x2] =	sbarrier.arrive $0xFFFF  }
0xee: {  	p0 =	sne.s32 s0, $0x0;
	s0 =	rddreg [dreg:$0x2]  }
0xef: {  	s0 =	sadd.s32 @!p0 $0x100000, s0  }
0xf0: {  	[sflag:s0] =	ssyncadd.tile.s32 @!p0 $0x1;
	_ =	shalt  }
.Lfunc_end2:
_tile_overlayer_lowered:
.L_overlay_start_2:
0xf1: {  	(tag) =	ssettag $0x2  }
0xf2: {  	s0 =	rddreg [dreg:$0x0];
	s2 =	stileid.u32  }
0xf3: {  	s1 =	rddreg [dreg:$0x1];
	p0 =	sne.s32 s2, $0x0  }
0xf4: {  	s3 =	rddreg [dreg:$0x2];
	[bflag:$0x3] =	sbarrier.arrive $0xFFFF;
	s2 =	simm.s32 @!p0 $0x1C07  }
0xf5: {  	[timem:s3], [sflag:s2] =	dma.local @!p0 [hbm:s0], s1  }
0xf6: {  	s0 =	simm.s32 @!p0 $0x7  }
0xf7: {  	_ =	swait.ge @!p0 [sflag:s0], s1  }
0xf8: {  	s1 =	ssub.s32 @!p0 $0x0, s1;
	[sflag:s0] =	ssyncset.done @!p0 $0x0  }
0xf9: {  	[sflag:s0] =	ssyncadd.s32 @!p0 s1  }
0xfa: {  	[bflag:$0x3] =	sbarrier.arrive $0xFFFF  }
0xfb: {  	_ =	shalt  }

// kernel: kernel.16.cloned.1.call-start
scs
__scs_entry_jumppad:
0x0: {  	(pc) =	sbr.rel $0x88, $3  }
0x1: {  	(tag) =	ssettag $0x0;
	lr =	simm.s32 $0x1  }
0x2: {  	[smem:$0x3F95] =	sst lr;
	_ =	strace $0xD0000000  }
0x3: {  	_ = 	snop  }
0x4: {  	_ = 	snop  }
0x5: {  	_ = 	snop  }
0x6: {  	_ = 	snop  }
0x7: {  	_ = 	snop  }
__scs_overlays_trampoline_lowered:
0x8: {  	[smem:$0x3FA4] =	sst s0  }
0x9: {  	[smem:$0x3FA5] =	sst s1  }
0xa: {  	[smem:$0x3FA6] =	sst s2  }
0xb: {  	[smem:$0x3FA7] =	sst s3  }
0xc: {  	[smem:$0x3FA8] =	sst s4  }
0xd: {  	[smem:$0x3FA9] =	sst s5  }
0xe: {  	[smem:$0x3FAA] =	sst s6  }
0xf: {  	[smem:$0x3FAB] =	sst s7  }
0x10: {  	[smem:$0x3FAC] =	sst s8  }
0x11: {  	[smem:$0x3FAD] =	sst s9;
	s0 =	simm.s32 @!p0 $0x0  }
0x12: {  	s1 =	sld [smem:$0x3F93];
	s0 =	simm.s32 @p0 $0x1  }
0x13: {  	[smem:$0x3FAE] =	sst s0;
	s0 =	simm.s32 @!p1 $0x0  }
0x14: {  	s2 =	sld [smem:$0x3F92];
	s0 =	simm.s32 @p1 $0x1  }
0x15: {  	[smem:$0x3FAF] =	sst s0;
	s0 =	simm.s32 @!p2 $0x0  }
0x16: {  	s3 =	sld [smem:$0x3FDB];
	s0 =	simm.s32 @p2 $0x1  }
0x17: {  	s4 =	simm.s32 $0x1BF5;
	[smem:$0x3FB1] =	sst s0  }
0x18: {  	s0 =	sld [smem:$0x3F94];
	_ =	swait.ge [sflag:s4], $0x0  }
0x19: {  	s7 =	sld [smem:$0x3F95]  }
0x1a: {  	s8 =	sadd.s32 $0xFFFFE003, lr  }
0x1b: {  	s9 =	sadd.s32 $0xFFFFFEF7, lr;
	s5 =	simm.s32 $0xFFFFFFFF;
	p2 =	slt.u32 s8, $0xFFFFF086  }
0x1c: {  	p1 =	slt.u32 s9, $0xF7A;
	s5 =	simm.s32 @!p2 $0x0  }
0x1d: {  	s5 =	simm.s32 @p1 $0x1;
	p0 =	seq.s32 s7, s2  }
0x1e: {  	s7 =	smul.u32 @!p0 $0xF7A, s2;
	p2 =	seq.s32 @!p0 s5, $0x0  }
0x1f: {  	s9 =	smul.u32 $0xF7A, s1;
	s8 =	simm.s32 @!p0 $0x1BF5;
	p2 =	por !p2, p0  }
0x20: {  	[sflag:s8] =	ssyncset.s32 @!p0 $0xFFFFF086;
	s6 =	sadd.s32 @!p0 s3, s7;
	s7 =	simm.s32 @!p0 $0x108  }
0x21: {  	s3 =	sadd.s32 s3, s9;
	s6 =	sadd.s32 @!p0 $0x88, s6;
	s7 =	simm.s32 @p2 $0x1082  }
0x22: {  	[simem:s7], [sflag:s8] =	dma.local @!p0 [hbm:s6], $0xF7A  }
0x23: {  	s9 =	sor.u32 $0xD0000000, s2;
	s6 =	simm.s32 $0x108;
	_ =	swait.ge @!p0 [sflag:s8], $0x0  }
0x24: {  	s3 =	sadd.s32 $0x88, s3;
	s6 =	simm.s32 @!p1 $0x1082;
	[sflag:s4] =	ssyncset.s32 $0xFFFFF086  }
0x25: {  	[simem:s6], [sflag:s4] =	dma.local [hbm:s3], $0xF7A  }
0x26: {  	[smem:$0x3F95] =	sst s1;
	(tag) =	ssettag s2;
	_ =	strace s9  }
0x27: {  	s1 =	sld [smem:$0x3FA5]  }
0x28: {  	s2 =	sld [smem:$0x3FA6]  }
0x29: {  	s4 =	sld [smem:$0x3FA8]  }
0x2a: {  	p0 =	seq.s32 s5, $0x0;
	s5 =	sld [smem:$0x3FA9]  }
0x2b: {  	s6 =	sld [smem:$0x3FAA]  }
0x2c: {  	s7 =	sld [smem:$0x3FAB]  }
0x2d: {  	s3 =	simm.s32 $0x108;
	s8 =	sld [smem:$0x3FAC]  }
0x2e: {  	s3 =	simm.s32 @!p0 $0x1082;
	s9 =	sld [smem:$0x3FAD]  }
0x2f: {  	lr =	sadd.s32 s0, s3;
	s0 =	sld [smem:$0x3FA4]  }
0x30: {  	s3 =	sld [smem:$0x3FA7]  }
0x31: {  	[smem:$0x3FB0] =	sst s10  }
0x32: {  	s10 =	sld [smem:$0x3FAE];
	_ =	sdelay $0x3  }
0x33: {  	p0 =	seq.s32 s10, $0x1;
	s10 =	sld [smem:$0x3FB0];
	_ =	sdelay $0x3  }
0x34: {  	[smem:$0x3FB0] =	sst s10  }
0x35: {  	s10 =	sld [smem:$0x3FAF];
	_ =	sdelay $0x3  }
0x36: {  	p1 =	seq.s32 s10, $0x1;
	s10 =	sld [smem:$0x3FB0];
	_ =	sdelay $0x3  }
0x37: {  	[smem:$0x3FB0] =	sst s10  }
0x38: {  	s10 =	sld [smem:$0x3FB1]  }
0x39: {  	_ = 	snop;
	(pc) =	sbr.ind lr, $3  }
0x3a: {  	_ = 	snop  }
0x3b: {  	_ = 	snop  }
0x3c: {  	p2 =	seq.s32 s10, $0x1;
	s10 =	sld [smem:$0x3FB0]  }
0x3d: {  	_ =	shalt  }
0x3e: {  	_ =	shalt  }
0x3f: {  	_ =	shalt  }
0x40: {  	_ =	shalt  }
0x41: {  	_ =	shalt  }
0x42: {  	_ =	shalt  }
0x43: {  	_ =	shalt  }
0x44: {  	_ =	shalt  }
0x45: {  	_ =	shalt  }
0x46: {  	_ =	shalt  }
0x47: {  	_ =	shalt  }
0x48: {  	_ =	shalt  }
0x49: {  	_ =	shalt  }
0x4a: {  	_ =	shalt  }
0x4b: {  	_ =	shalt  }
0x4c: {  	_ =	shalt  }
0x4d: {  	_ =	shalt  }
0x4e: {  	_ =	shalt  }
0x4f: {  	_ =	shalt  }
0x50: {  	_ =	shalt  }
0x51: {  	_ =	shalt  }
0x52: {  	_ =	shalt  }
0x53: {  	_ =	shalt  }
0x54: {  	_ =	shalt  }
0x55: {  	_ =	shalt  }
0x56: {  	_ =	shalt  }
0x57: {  	_ =	shalt  }
0x58: {  	_ =	shalt  }
0x59: {  	_ =	shalt  }
0x5a: {  	_ =	shalt  }
0x5b: {  	_ =	shalt  }
0x5c: {  	_ =	shalt  }
0x5d: {  	_ =	shalt  }
0x5e: {  	_ =	shalt  }
0x5f: {  	_ =	shalt  }
0x60: {  	_ =	shalt  }
0x61: {  	_ =	shalt  }
0x62: {  	_ =	shalt  }
0x63: {  	_ =	shalt  }
0x64: {  	_ =	shalt  }
0x65: {  	_ =	shalt  }
0x66: {  	_ =	shalt  }
0x67: {  	_ =	shalt  }
0x68: {  	_ =	shalt  }
0x69: {  	_ =	shalt  }
0x6a: {  	_ =	shalt  }
0x6b: {  	_ =	shalt  }
0x6c: {  	_ =	shalt  }
0x6d: {  	_ =	shalt  }
0x6e: {  	_ =	shalt  }
0x6f: {  	_ =	shalt  }
0x70: {  	_ =	shalt  }
0x71: {  	_ =	shalt  }
0x72: {  	_ =	shalt  }
0x73: {  	_ =	shalt  }
0x74: {  	_ =	shalt  }
0x75: {  	_ =	shalt  }
0x76: {  	_ =	shalt  }
0x77: {  	_ =	shalt  }
0x78: {  	_ =	shalt  }
0x79: {  	_ =	shalt  }
0x7a: {  	_ =	shalt  }
0x7b: {  	_ =	shalt  }
0x7c: {  	_ =	shalt  }
0x7d: {  	_ =	shalt  }
0x7e: {  	_ =	shalt  }
0x7f: {  	_ =	shalt  }
0x80: {  	_ =	shalt  }
0x81: {  	_ =	shalt  }
0x82: {  	_ =	shalt  }
0x83: {  	_ =	shalt  }
0x84: {  	_ =	shalt  }
0x85: {  	_ =	shalt  }
0x86: {  	_ =	shalt  }
0x87: {  	_ =	shalt  }
.Lfunc_end0:
.L_simem_size_0:
called_computation.3_lowered:
.L_overlay_start_0:
0x88: {  	s2 =	sld [smem:$0x3FD9]  }
0x89: {  	s3 =	sld [smem:$0x3FFE];
	_ =	sdelay $0x1  }
0x8a: {  	s1 =	srdreg.scid  }
0x8b: {  	s0 =	sand.u32 $0x1, s1  }
0x8c: {  	s16 =	sshll.u32 s0, $0xA;
	s2 =	sadd.s32 s3, s2  }
0x8d: {  	s2 =	sadd.s32 s2, s16  }
0x8e: {  	[smem:$0x3FBC] =	sst s2  }
0x8f: {  	_ = 	snop  }
0x90: {  	(tm) =	ssettm $0x1  }
0x91: {  	s17 =	sld [smem:$0x3FFB];
	_ =	sdelay $0x3  }
0x92: {  	_ =	strace s17  }
0x93: {  	s2 =	sld [smem:$0x3FFC];
	_ =	sdelay $0x3  }
0x94: {  	_ =	strace s2  }
0x95: {  	s2 =	sld [smem:$0x3FFD];
	_ =	sdelay $0x3  }
0x96: {  	_ =	strace s2  }
0x97: {  	_ =	strace $0x8FFFFFFF  }
0x98: {  	s18 =	sld [smem:$0x3FDB];
	_ =	sdelay $0x1  }
0x99: {  	s19 =	simm.s32 $_scs_section_size  }
0x9a: {  	s4 =	simm.s32 $_size__tile_overlayer_lowered;
	s5 =	simm.s32 $_tile_overlayer_lowered  }
0x9b: {  	s22 =	simm.s32 $0x1BFF;
	s21 =	sshll.u32 s5, $0x1;
	s2 =	sadd.s32 s19, s18  }
0x9c: {  	s6 =	simm.s32 $0x0;
	s20 =	sshll.u32 s4, $0x1;
	s4 =	sadd.s32 s21, s2  }
0x9d: {  	[timem:s6], [sflag:s22] =	dma.local [hbm:s4], s20  }
0x9e: {  	_ =	swait.ge [sflag:s22], s20  }
0x9f: {  	s3 =	ssub.s32 $0x0, s20;
	[sflag:s22] =	ssyncset.done $0x0  }
0xa0: {  	[sflag:s22] =	ssyncadd.s32 s3;
	_ =	sdelay $0x1  }
0xa1: {  	s23 =	simm.s32 $0x1B8B  }
0xa2: {  	_ =	swait.ge [sflag:s23], $0x1  }
0xa3: {  	[sflag:s23] =	ssyncset.done $0x0  }
0xa4: {  	s25 =	simm.s32 $0x1B8E;
	s24 =	sld [smem:$0x3FFE];
	[sflag:s23] =	ssyncadd.s32 $0xFFFFFFFF  }
0xa5: {  	s26 =	simm.s32 $execute0_lowered;
	[smem:$0x3FD2] =	sst s25  }
0xa6: {  	s4 =	sshll.u32 s26, $0x1;
	_ =	strace $0x8000004F;
	[dreg:$0x1] =	wrdreg $0xFFFFFFFF  }
0xa7: {  	s28 =	simm.s32 $_size_execute0_lowered;
	s2 =	sadd.s32 s2, s4;
	[dreg:$0x0] =	wrdreg $0x0  }
0xa8: {  	s4 =	sshll.u32 s28, $0x1;
	[dreg:$0x2] =	wrdreg s2  }
0xa9: {  	[dreg:$0x3] =	wrdreg s4  }
0xaa: {  	[dreg:$0x4] =	wrdreg $0xC0  }
0xab: {  	_ =	task [dreg:s6], $0x5FFFF  }
0xac: {  	[dreg:$0x1] =	wrdreg $0xFFFFFFFF  }
0xad: {  	[dreg:$0x0] =	wrdreg $0x60  }
0xae: {  	[dreg:$0x2] =	wrdreg s24  }
0xaf: {  	[dreg:$0x3] =	wrdreg $0xA9000  }
0xb0: {  	[dreg:$0x4] =	wrdreg $0x9  }
0xb1: {  	_ =	task.clear_ibuf [dreg:s6], $0x5FFFF;
	_ =	strace $0x9000004F  }
0xb2: {  	s29 =	simm.s32 $0x9;
	_ =	strace $0x80000051  }
0xb3: {  	_ =	swait.ge [sflag:s29], $0x1  }
0xb4: {  	[sflag:s29] =	ssyncadd.s32 $0xFFFFFFFF  }
0xb5: {  	_ =	strace $0x90000051  }
0xb6: {  	_ =	sfence  }
0xb7: {  	s30 =	sld [smem:$0x0];
	_ =	sdelay $0x2  }
0xb8: {  	s31 =	sshll.u32 s1, $0xD;
	s1 =	sshrl.u32 s1, $0x2  }
0xb9: {  	s3 =	sand.u32 $0x4000, s31;
	s1 =	sadd.s32 s1, s30  }
0xba: {  	s0 =	sor.u32 s3, s0;
	s1 =	sshll.u32 s1, $0x11  }
0xbb: {  	s0 =	sor.u32 s1, s0  }
0xbc: {  	s0 =	sadd.s32 $0x8F2B, s0  }
0xbd: {  	[sflag:s0] =	ssyncadd.remote.s32 $0x1  }
0xbe: {  	_ =	sfence.sel $0xFFFF  }
0xbf: {  	[dreg:$0x0] =	wrdreg $0xFFFFFFFF;
	(pc) =	sbr.abs _section_cstart, $3  }
0xc0: {  	[dreg:$0x1] =	wrdreg $0xFFFFFFFF  }
0xc1: {  	_ =	task.clear_ibuf [dreg:s6], $0x2FFFF;
	_ =	strace $0x9FFFFFFF  }
0xc2: {  	(tm) =	ssettm $0x7FFFFFFF  }
0xc3: {  	_ =	shalt  }
tec
execute0_lowered:
.L_overlay_start_1:
0x0: {  	(tag) =	ssettag $0x1  }
0x1: {  	s0 =	rddreg [dreg:$0x0]  }
0x2: {  	s1 =	rddreg [dreg:$0x1];
	s3 =	simm.s32 $0x0;
	s10 =	stileid.u32  }
0x3: {  	s2 =	srdreg.scid;
	s28 =	simm.s32 $0x3;
	s29 =	simm.s32 $0x2900  }
0x4: {  	s30 =	simm.s32 $0x1;
	s31 =	simm.s32 $0x4;
	[smem:$0x7FF] =	sst s3  }
0x5: {  	s4 =	sadd.s32 $0x11B600, s0;
	s5 =	sadd.s32 $0xF3600, s0;
	s6 =	smul.u32 $0x500, s10  }
0x6: {  	s16 =	simm.s32 $0x5;
	s7 =	sadd.s32 $0x535600, s0;
	s8 =	sadd.s32 $0x50D600, s0  }
0x7: {  	s18 =	simm.s32 $0x6;
	s9 =	sadd.s32 $0x508600, s0;
	s12 =	sadd.s32 $0x55D600, s0  }
0x8: {  	s2 =	sand.u32 $0x1, s2;
	s13 =	smul.u32 $0x50000, s10;
	s14 =	sadd.s32 $0x143600, s0  }
0x9: {  	s15 =	smul.u32 $0x14000, s10;
	s26 =	sshll.u32 s10, $0x6;
	_ =	strace $0x80000050  }
0xa: {  	[dreg:$0x3] =	wrdreg s12;
	s19 =	ssub.s32 $0x2, s2;
	p0 =	seq.s32 s2, $0x1  }
0xb: {  	[dreg:$0x4] =	wrdreg s14;
	s11 =	sadd.s32 s6, s0;
	s20 =	sshrl.u32 s19, $0x1  }
0xc: {  	s21 =	sshrl.u32 s13, $0x2;
	s13 =	sadd.s32 s9, s6;
	s22 =	sshrl.u32 s15, $0x3  }
0xd: {  	s24 =	sadd.s32 $0x140000, s15;
	s25 =	sadd.s32 $0x3C0000, s15;
	s0 =	ssub.s32 s19, s20  }
0xe: {  	s11 =	sadd.s32 $0x503600, s11;
	s2 =	sadd.s32 s21, s1;
	[dreg:$0x8] =	wrdreg s24  }
0xf: {  	s23 =	sadd.s32 $0x10, s13;
	[dreg:$0xa] =	wrdreg s25;
	s20 =	sadd.s32 $0x20, s13  }
0x10: {  	s21 =	sadd.s32 $0x30, s13;
	s24 =	sor.u32 $0x1C07, s26;
	s26 =	simm.s32 $0x80  }
.Ltmp0:
0x11: {  	s19 =	simm.s32 $0x0;
	[dreg:$0x5] =	wrdreg s11;
	(pc) =	sbr.rel .LBB2_1-.Ltmp0, $4  }
0x12: {  	[dreg:$0x6] =	wrdreg s23;
	s11 =	sadd.s32 s14, s22;
	s0 =	smax.u32 s0, $0x1  }
0x13: {  	s23 =	simm.s32 $0x7;
	s25 =	sshrl.u32 s2, $0x3;
	[dreg:$0x7] =	wrdreg s11  }
0x14: {  	s2 =	simm.s32 $0x2;
	s11 =	sadd.s32 $0x50000, s11;
	[dreg:$0xb] =	wrdreg s0  }
0x15: {  	s0 =	simm.s32 $0x6900;
	[dreg:$0x9] =	wrdreg s11;
	s11 =	simm.s32 $0x100  }
.LBB2_11:
0x16: {  	[sflag:s16] =	ssyncadd.s32 $0xFFFFC000  }
0x17: {  	[tilespmem:s29], [sflag:$0x1] =	stream.indirect.gather [hbm4b:s8+s26], $0x80, s3, s26, $0xb8;
	[tilespmem:$0x1E900] =	vst v63  }
0x18: {  	_ =	swait.ge [sflag:s30], $0x4000  }
0x19: {  	[sflag:s30] =	ssyncset.done $0x0  }
0x1a: {  	s10 =	simm.s32 $0x2800;
	[sflag:s30] =	ssyncadd.s32 $0xFFFFC000  }
0x1b: {  	[spmem:s1] =	stream.indirect.scatter.add.f32 [tilespmem:s29], [sflag:$0x5], $0x80, s10, s26, $0xb8;
	[tilespmem:$0x1E900] =	vst v63  }
0x1c: {  	_ =	swait.ge [sflag:s31], $0x80  }
0x1d: {  	[sflag:s31] =	ssyncset.done $0x0  }
0x1e: {  	[sflag:s31] =	ssyncadd.s32 $0xFFFFFF80  }
0x1f: {  	_ =	swait.ge [sflag:s18], $0x4000  }
0x20: {  	[sflag:s18] =	ssyncset.done $0x0  }
0x21: {  	[sflag:s18] =	ssyncadd.s32 $0xFFFFC000  }
0x22: {  	[tilespmem:s0], [sflag:$0x2] =	stream.indirect.gather [hbm4b:s8+s26], $0x80, s26, s26, $0xb8;
	[tilespmem:$0x1E900] =	vst v63  }
0x23: {  	_ =	swait.ge [sflag:s2], $0x4000  }
0x24: {  	[sflag:s2] =	ssyncset.done $0x0  }
0x25: {  	s22 =	simm.s32 $0x2880;
	s11 =	rddreg [dreg:$0xa];
	[sflag:s2] =	ssyncadd.s32 $0xFFFFC000  }
0x26: {  	[spmem:s1] =	stream.indirect.scatter.add.f32 [tilespmem:s0], [sflag:$0x6], $0x80, s22, s26, $0xb8;
	[tilespmem:$0x1E900] =	vst v63  }
.LBB2_12:
0x27: {  	_ =	swait.ge [sflag:s16], $0x4000  }
0x28: {  	[sflag:s16] =	ssyncset.done $0x0  }
0x29: {  	[sflag:s16] =	ssyncadd.s32 $0xFFFFC000  }
0x2a: {  	_ =	swait.ge [sflag:s18], $0x4000  }
0x2b: {  	[sflag:s18] =	ssyncset.done $0x0  }
0x2c: {  	s10 =	sshrl.u32 s11, $0x3;
	s17 =	rddreg [dreg:$0x4];
	[sflag:s18] =	ssyncadd.s32 $0xFFFFC000  }
0x2d: {  	s10 =	sadd.s32 s17, s10;
	[bflag:$0x0] =	sbarrier.arrive $0xFFFF  }
0x2e: {  	[hbm:s10], [sflag:s24] =	dma.local [spmem:s25], $0x2800  }
0x2f: {  	_ =	swait.ge [sflag:s23], $0x2800  }
0x30: {  	s19 =	sadd.s32 $0x1, s19;
	s22 =	rddreg [dreg:$0xb]  }
0x31: {  	p1 =	sne.s32 s19, s22  }
.Ltmp1:
0x32: {  	_ = 	snop;
	(pc) =	sbr.rel @!p1 .LBB2_13-.Ltmp1, $3  }
0x33: {  	_ =	sdelay $0x1  }
0x34: {  	[sflag:s23] =	ssyncset.done $0x0  }
0x35: {  	s11 =	simm.s32 $0x100;
	[sflag:s23] =	ssyncadd.s32 $0xFFFFD800  }
.LBB2_1:
0x36: {  	s10 =	rddreg [dreg:$0x5]  }
0x37: {  	[tilespmem:s11], [sflag:$0x7] =	stream.linear.gather [hbm4b:s10+s3], $0x2800, $0x38;
	[tilespmem:$0x1E900] =	vst v63  }
0x38: {  	_ =	swait.ge [sflag:s23], $0x2800  }
0x39: {  	[sflag:s23] =	ssyncset.done $0x0  }
0x3a: {  	s17 =	rddreg [dreg:$0x3];
	[sflag:s23] =	ssyncadd.s32 $0xFFFFD800  }
0x3b: {  	[spmem:s25], [sflag:s24] =	dma.local [hbm:s17], $0x2800  }
0x3c: {  	_ =	swait.ge [sflag:s23], $0x2800  }
0x3d: {  	[sflag:s23] =	ssyncset.done $0x0  }
0x3e: {  	[sflag:s23] =	ssyncadd.s32 $0xFFFFD800  }
0x3f: {  	[bflag:$0x0] =	sbarrier.arrive $0xFFFF  }
0x40: {  	[tilespmem:s3], [sflag:$0x3] =	stream.linear.gather [hbm4b:s13+s3], $0x80, $0x38;
	[tilespmem:$0x1E900] =	vst v63  }
.Ltmp2:
0x41: {  	s22 =	rddreg [dreg:$0x6];
	(pc) =	sbr.rel @!p0 .LBB2_2-.Ltmp2, $4  }
0x42: {  	[tilespmem:s26], [sflag:$0x4] =	stream.linear.gather [hbm4b:s22+s3], $0x80, $0x38;
	[tilespmem:$0x1E900] =	vst v63  }
0x43: {  	_ =	swait.ge [sflag:s28], $0x80  }
0x44: {  	[sflag:s28] =	ssyncset.done $0x0  }
0x45: {  	[sflag:s28] =	ssyncadd.s32 $0xFFFFFF80  }
0x46: {  	[tilespmem:s29], [sflag:$0x1] =	stream.indirect.gather [hbm4b:s7+s26], $0x80, s3, s26, $0xb8;
	[tilespmem:$0x1E900] =	vst v63  }
0x47: {  	_ =	swait.ge [sflag:s30], $0x4000  }
0x48: {  	[sflag:s30] =	ssyncset.done $0x0  }
0x49: {  	[sflag:s30] =	ssyncadd.s32 $0xFFFFC000  }
0x4a: {  	[spmem:s1] =	stream.indirect.scatter.add.f32 [tilespmem:s29], [sflag:$0x5], $0x80, s11, s26, $0xb8;
	[tilespmem:$0x1E900] =	vst v63  }
0x4b: {  	_ = 	snop  }
0x4c: {  	[tilespmem:s3], [sflag:$0x3] =	stream.linear.gather [hbm4b:s20+s3], $0x80, $0x38;
	[tilespmem:$0x1E900] =	vst v63  }
0x4d: {  	_ =	swait.ge [sflag:s31], $0x80  }
0x4e: {  	[sflag:s31] =	ssyncset.done $0x0  }
0x4f: {  	[sflag:s31] =	ssyncadd.s32 $0xFFFFFF80  }
0x50: {  	[tilespmem:s0], [sflag:$0x2] =	stream.indirect.gather [hbm4b:s7+s26], $0x80, s26, s26, $0xb8;
	[tilespmem:$0x1E900] =	vst v63  }
0x51: {  	_ =	swait.ge [sflag:s2], $0x4000  }
0x52: {  	[sflag:s2] =	ssyncset.done $0x0  }
0x53: {  	s10 =	simm.s32 $0x180;
	[sflag:s2] =	ssyncadd.s32 $0xFFFFC000  }
0x54: {  	[spmem:s1] =	stream.indirect.scatter.add.f32 [tilespmem:s0], [sflag:$0x6], $0x80, s10, s26, $0xb8;
	[tilespmem:$0x1E900] =	vst v63  }
0x55: {  	_ = 	snop  }
0x56: {  	[tilespmem:s26], [sflag:$0x4] =	stream.linear.gather [hbm4b:s21+s3], $0x80, $0x38;
	[tilespmem:$0x1E900] =	vst v63  }
0x57: {  	_ =	swait.ge [sflag:s28], $0x80  }
0x58: {  	[sflag:s28] =	ssyncset.done $0x0  }
0x59: {  	[sflag:s28] =	ssyncadd.s32 $0xFFFFFF80  }
0x5a: {  	_ =	swait.ge [sflag:s16], $0x4000  }
0x5b: {  	[sflag:s16] =	ssyncset.done $0x0  }
0x5c: {  	s15 =	sadd.s32 $0x50, s6;
	[sflag:s16] =	ssyncadd.s32 $0xFFFFC000  }
0x5d: {  	[tilespmem:s29], [sflag:$0x1] =	stream.indirect.gather [hbm4b:s7+s26], $0x80, s3, s26, $0xb8;
	[tilespmem:$0x1E900] =	vst v63  }
0x5e: {  	s17 =	simm.s32 $0x40;
	s14 =	simm.s32 $0x200;
	_ =	swait.ge [sflag:s30], $0x4000  }
0x5f: {  	s12 =	sadd.s32 $0xFFFFFFF0, s15;
	s11 =	sand.u32 $0x60, s17;
	[sflag:s30] =	ssyncset.done $0x0  }
0x60: {  	s12 =	sand.u32 $0xFF80, s12;
	s11 =	sadd.s32 s9, s11;
	[sflag:s30] =	ssyncadd.s32 $0xFFFFC000  }
0x61: {  	[spmem:s1] =	stream.indirect.scatter.add.f32 [tilespmem:s29], [sflag:$0x5], $0x80, s14, s26, $0xb8;
	[tilespmem:$0x1E900] =	vst v63  }
0x62: {  	s11 =	sadd.s32 s12, s11  }
0x63: {  	[tilespmem:s3], [sflag:$0x3] =	stream.linear.gather [hbm4b:s11+s3], $0x80, $0x38;
	[tilespmem:$0x1E900] =	vst v63  }
0x64: {  	_ =	swait.ge [sflag:s31], $0x80  }
0x65: {  	[sflag:s31] =	ssyncset.done $0x0  }
0x66: {  	[sflag:s31] =	ssyncadd.s32 $0xFFFFFF80  }
0x67: {  	_ =	swait.ge [sflag:s18], $0x4000  }
0x68: {  	[sflag:s18] =	ssyncset.done $0x0  }
0x69: {  	[sflag:s18] =	ssyncadd.s32 $0xFFFFC000  }
0x6a: {  	[tilespmem:s0], [sflag:$0x2] =	stream.indirect.gather [hbm4b:s7+s26], $0x80, s26, s26, $0xb8;
	[tilespmem:$0x1E900] =	vst v63  }
0x6b: {  	s22 =	simm.s32 $0x50;
	_ =	swait.ge [sflag:s2], $0x4000  }
0x6c: {  	s17 =	simm.s32 $0x280;
	s11 =	sand.u32 $0x70, s22;
	[sflag:s2] =	ssyncset.done $0x0  }
0x6d: {  	s10 =	sand.u32 $0xFF80, s15;
	s11 =	sadd.s32 s9, s11;
	[sflag:s2] =	ssyncadd.s32 $0xFFFFC000  }
0x6e: {  	[spmem:s1] =	stream.indirect.scatter.add.f32 [tilespmem:s0], [sflag:$0x6], $0x80, s17, s26, $0xb8;
	[tilespmem:$0x1E900] =	vst v63  }
0x6f: {  	s10 =	sadd.s32 s10, s11  }
0x70: {  	[tilespmem:s26], [sflag:$0x4] =	stream.linear.gather [hbm4b:s10+s3], $0x80, $0x38;
	[tilespmem:$0x1E900] =	vst v63  }
0x71: {  	_ =	swait.ge [sflag:s28], $0x80  }
0x72: {  	[sflag:s28] =	ssyncset.done $0x0  }
0x73: {  	[sflag:s28] =	ssyncadd.s32 $0xFFFFFF80  }
0x74: {  	_ =	swait.ge [sflag:s16], $0x4000  }
0x75: {  	s11 =	simm.s32 $0x70;
	[sflag:s16] =	ssyncset.done $0x0  }
.LBB2_8:
0x76: {  	p1 =	sne.s32 s11, $0x4F0;
	[sflag:s16] =	ssyncadd.s32 $0xFFFFC000;
	s17 =	sadd.s32 $0x100, s17  }
0x77: {  	[tilespmem:s29], [sflag:$0x1] =	stream.indirect.gather [hbm4b:s7+s26], $0x80, s3, s26, $0xb8;
	[tilespmem:$0x1E900] =	vst v63  }
0x78: {  	s10 =	smov.u32 s11;
	s11 =	sadd.s32 $0x20, s11;
	_ =	swait.ge [sflag:s30], $0x4000  }
0x79: {  	s12 =	sadd.s32 s10, s6;
	s14 =	sadd.s32 $0xFFFFFFF0, s10;
	[sflag:s30] =	ssyncset.done $0x0  }
0x7a: {  	s15 =	sadd.s32 $0xFFFFFFF0, s12;
	s14 =	sand.u32 $0x60, s14;
	[sflag:s30] =	ssyncadd.s32 $0xFFFFC000  }
0x7b: {  	s22 =	sadd.s32 $0xFFFFFF80, s17;
	s15 =	sand.u32 $0xFF80, s15;
	s14 =	sadd.s32 s9, s14  }
0x7c: {  	[spmem:s1] =	stream.indirect.scatter.add.f32 [tilespmem:s29], [sflag:$0x5], $0x80, s22, s26, $0xb8;
	[tilespmem:$0x1E900] =	vst v63  }
0x7d: {  	s12 =	sand.u32 $0xFF80, s12;
	s14 =	sadd.s32 s15, s14  }
0x7e: {  	[tilespmem:s3], [sflag:$0x3] =	stream.linear.gather [hbm4b:s14+s3], $0x80, $0x38;
	[tilespmem:$0x1E900] =	vst v63  }
0x7f: {  	_ =	swait.ge [sflag:s31], $0x80  }
0x80: {  	[sflag:s31] =	ssyncset.done $0x0  }
0x81: {  	[sflag:s31] =	ssyncadd.s32 $0xFFFFFF80  }
0x82: {  	_ =	swait.ge [sflag:s18], $0x4000  }
0x83: {  	[sflag:s18] =	ssyncset.done $0x0  }
0x84: {  	[sflag:s18] =	ssyncadd.s32 $0xFFFFC000  }
0x85: {  	[tilespmem:s0], [sflag:$0x2] =	stream.indirect.gather [hbm4b:s7+s26], $0x80, s26, s26, $0xb8;
	[tilespmem:$0x1E900] =	vst v63  }
0x86: {  	s10 =	sand.u32 $0x70, s10;
	_ =	swait.ge [sflag:s2], $0x4000  }
0x87: {  	s10 =	sadd.s32 s9, s10;
	[sflag:s2] =	ssyncset.done $0x0  }
0x88: {  	s10 =	sadd.s32 s12, s10;
	[sflag:s2] =	ssyncadd.s32 $0xFFFFC000  }
0x89: {  	[spmem:s1] =	stream.indirect.scatter.add.f32 [tilespmem:s0], [sflag:$0x6], $0x80, s17, s26, $0xb8;
	[tilespmem:$0x1E900] =	vst v63  }
0x8a: {  	_ = 	snop  }
0x8b: {  	[tilespmem:s26], [sflag:$0x4] =	stream.linear.gather [hbm4b:s10+s3], $0x80, $0x38;
	[tilespmem:$0x1E900] =	vst v63  }
.Ltmp3:
0x8c: {  	_ =	swait.ge [sflag:s28], $0x80;
	(pc) =	sbr.rel @p1 .LBB2_8-.Ltmp3, $4  }
0x8d: {  	[sflag:s28] =	ssyncset.done $0x0  }
0x8e: {  	[sflag:s28] =	ssyncadd.s32 $0xFFFFFF80  }
0x8f: {  	_ =	swait.ge [sflag:s16], $0x4000  }
0x90: {  	[sflag:s16] =	ssyncset.done $0x0  }
0x91: {  	[sflag:s16] =	ssyncadd.s32 $0xFFFFC000  }
0x92: {  	[tilespmem:s29], [sflag:$0x1] =	stream.indirect.gather [hbm4b:s7+s26], $0x80, s3, s26, $0xb8;
	[tilespmem:$0x1E900] =	vst v63  }
0x93: {  	_ =	swait.ge [sflag:s30], $0x4000  }
0x94: {  	[sflag:s30] =	ssyncset.done $0x0  }
0x95: {  	s10 =	simm.s32 $0x2800;
	[sflag:s30] =	ssyncadd.s32 $0xFFFFC000  }
0x96: {  	[spmem:s1] =	stream.indirect.scatter.add.f32 [tilespmem:s29], [sflag:$0x5], $0x80, s10, s26, $0xb8;
	[tilespmem:$0x1E900] =	vst v63  }
0x97: {  	_ =	swait.ge [sflag:s31], $0x80  }
0x98: {  	[sflag:s31] =	ssyncset.done $0x0  }
0x99: {  	[sflag:s31] =	ssyncadd.s32 $0xFFFFFF80  }
0x9a: {  	_ =	swait.ge [sflag:s18], $0x4000  }
0x9b: {  	[sflag:s18] =	ssyncset.done $0x0  }
0x9c: {  	[sflag:s18] =	ssyncadd.s32 $0xFFFFC000  }
0x9d: {  	[tilespmem:s0], [sflag:$0x2] =	stream.indirect.gather [hbm4b:s7+s26], $0x80, s26, s26, $0xb8;
	[tilespmem:$0x1E900] =	vst v63  }
0x9e: {  	_ =	swait.ge [sflag:s2], $0x4000  }
0x9f: {  	[sflag:s2] =	ssyncset.done $0x0  }
0xa0: {  	s15 =	simm.s32 $0x2880;
	[sflag:s2] =	ssyncadd.s32 $0xFFFFC000  }
0xa1: {  	[spmem:s1] =	stream.indirect.scatter.add.f32 [tilespmem:s0], [sflag:$0x6], $0x80, s15, s26, $0xb8;
	[tilespmem:$0x1E900] =	vst v63  }
0xa2: {  	_ =	swait.ge [sflag:s16], $0x4000  }
0xa3: {  	[sflag:s16] =	ssyncset.done $0x0  }
0xa4: {  	[sflag:s16] =	ssyncadd.s32 $0xFFFFC000  }
0xa5: {  	_ =	swait.ge [sflag:s18], $0x4000  }
0xa6: {  	[sflag:s18] =	ssyncset.done $0x0  }
0xa7: {  	[sflag:s18] =	ssyncadd.s32 $0xFFFFC000  }
0xa8: {  	[bflag:$0x0] =	sbarrier.arrive $0xFFFF  }
0xa9: {  	s17 =	rddreg [dreg:$0x9]  }
0xaa: {  	[hbm:s17], [sflag:s24] =	dma.local [spmem:s25], $0x2800  }
0xab: {  	_ =	swait.ge [sflag:s23], $0x2800  }
0xac: {  	[sflag:s23] =	ssyncset.done $0x0  }
0xad: {  	s22 =	rddreg [dreg:$0x3];
	[sflag:s23] =	ssyncadd.s32 $0xFFFFD800  }
0xae: {  	[spmem:s25], [sflag:s24] =	dma.local [hbm:s22], $0x2800  }
0xaf: {  	_ =	swait.ge [sflag:s23], $0x2800  }
0xb0: {  	[sflag:s23] =	ssyncset.done $0x0  }
0xb1: {  	[sflag:s23] =	ssyncadd.s32 $0xFFFFD800  }
0xb2: {  	[bflag:$0x0] =	sbarrier.arrive $0xFFFF  }
0xb3: {  	[tilespmem:s3], [sflag:$0x3] =	stream.linear.gather [hbm4b:s13+s3], $0x80, $0x38;
	[tilespmem:$0x1E900] =	vst v63  }
0xb4: {  	s11 =	rddreg [dreg:$0x6]  }
0xb5: {  	[tilespmem:s26], [sflag:$0x4] =	stream.linear.gather [hbm4b:s11+s3], $0x80, $0x38;
	[tilespmem:$0x1E900] =	vst v63  }
0xb6: {  	_ =	swait.ge [sflag:s28], $0x80  }
0xb7: {  	[sflag:s28] =	ssyncset.done $0x0  }
0xb8: {  	[sflag:s28] =	ssyncadd.s32 $0xFFFFFF80  }
0xb9: {  	[tilespmem:s29], [sflag:$0x1] =	stream.indirect.gather [hbm4b:s8+s26], $0x80, s3, s26, $0xb8;
	[tilespmem:$0x1E900] =	vst v63  }
0xba: {  	_ =	swait.ge [sflag:s30], $0x4000  }
0xbb: {  	[sflag:s30] =	ssyncset.done $0x0  }
0xbc: {  	s12 =	simm.s32 $0x100;
	[sflag:s30] =	ssyncadd.s32 $0xFFFFC000  }
0xbd: {  	[spmem:s1] =	stream.indirect.scatter.add.f32 [tilespmem:s29], [sflag:$0x5], $0x80, s12, s26, $0xb8;
	[tilespmem:$0x1E900] =	vst v63  }
0xbe: {  	_ = 	snop  }
0xbf: {  	[tilespmem:s3], [sflag:$0x3] =	stream.linear.gather [hbm4b:s20+s3], $0x80, $0x38;
	[tilespmem:$0x1E900] =	vst v63  }
0xc0: {  	_ =	swait.ge [sflag:s31], $0x80  }
0xc1: {  	[sflag:s31] =	ssyncset.done $0x0  }
0xc2: {  	[sflag:s31] =	ssyncadd.s32 $0xFFFFFF80  }
0xc3: {  	[tilespmem:s0], [sflag:$0x2] =	stream.indirect.gather [hbm4b:s8+s26], $0x80, s26, s26, $0xb8;
	[tilespmem:$0x1E900] =	vst v63  }
0xc4: {  	_ =	swait.ge [sflag:s2], $0x4000  }
0xc5: {  	[sflag:s2] =	ssyncset.done $0x0  }
0xc6: {  	s14 =	simm.s32 $0x180;
	[sflag:s2] =	ssyncadd.s32 $0xFFFFC000  }
0xc7: {  	[spmem:s1] =	stream.indirect.scatter.add.f32 [tilespmem:s0], [sflag:$0x6], $0x80, s14, s26, $0xb8;
	[tilespmem:$0x1E900] =	vst v63  }
0xc8: {  	_ = 	snop  }
0xc9: {  	[tilespmem:s26], [sflag:$0x4] =	stream.linear.gather [hbm4b:s21+s3], $0x80, $0x38;
	[tilespmem:$0x1E900] =	vst v63  }
0xca: {  	_ =	swait.ge [sflag:s28], $0x80  }
0xcb: {  	[sflag:s28] =	ssyncset.done $0x0  }
0xcc: {  	[sflag:s28] =	ssyncadd.s32 $0xFFFFFF80  }
0xcd: {  	_ =	swait.ge [sflag:s16], $0x4000  }
0xce: {  	[sflag:s16] =	ssyncset.done $0x0  }
0xcf: {  	[sflag:s16] =	ssyncadd.s32 $0xFFFFC000  }
0xd0: {  	[tilespmem:s29], [sflag:$0x1] =	stream.indirect.gather [hbm4b:s8+s26], $0x80, s3, s26, $0xb8;
	[tilespmem:$0x1E900] =	vst v63  }
0xd1: {  	s15 =	sadd.s32 $0x50, s6;
	_ =	swait.ge [sflag:s30], $0x4000  }
0xd2: {  	s17 =	sadd.s32 $0xFFFFFFF0, s15;
	s11 =	simm.s32 $0x40;
	[sflag:s30] =	ssyncset.done $0x0  }
0xd3: {  	s11 =	sand.u32 $0x60, s11;
	s12 =	simm.s32 $0x200;
	[sflag:s30] =	ssyncadd.s32 $0xFFFFC000  }
0xd4: {  	[spmem:s1] =	stream.indirect.scatter.add.f32 [tilespmem:s29], [sflag:$0x5], $0x80, s12, s26, $0xb8;
	[tilespmem:$0x1E900] =	vst v63  }
0xd5: {  	s11 =	sadd.s32 s9, s11;
	s12 =	sand.u32 $0xFF80, s17  }
0xd6: {  	s11 =	sadd.s32 s12, s11  }
0xd7: {  	[tilespmem:s3], [sflag:$0x3] =	stream.linear.gather [hbm4b:s11+s3], $0x80, $0x38;
	[tilespmem:$0x1E900] =	vst v63  }
0xd8: {  	_ =	swait.ge [sflag:s31], $0x80  }
0xd9: {  	[sflag:s31] =	ssyncset.done $0x0  }
0xda: {  	[sflag:s31] =	ssyncadd.s32 $0xFFFFFF80  }
0xdb: {  	_ =	swait.ge [sflag:s18], $0x4000  }
0xdc: {  	[sflag:s18] =	ssyncset.done $0x0  }
0xdd: {  	[sflag:s18] =	ssyncadd.s32 $0xFFFFC000  }
0xde: {  	[tilespmem:s0], [sflag:$0x2] =	stream.indirect.gather [hbm4b:s8+s26], $0x80, s26, s26, $0xb8;
	[tilespmem:$0x1E900] =	vst v63  }
0xdf: {  	s22 =	simm.s32 $0x50;
	_ =	swait.ge [sflag:s2], $0x4000  }
0xe0: {  	s10 =	sand.u32 $0xFF80, s15;
	s11 =	sand.u32 $0x70, s22;
	[sflag:s2] =	ssyncset.done $0x0  }
0xe1: {  	s17 =	simm.s32 $0x280;
	s11 =	sadd.s32 s9, s11;
	[sflag:s2] =	ssyncadd.s32 $0xFFFFC000  }
0xe2: {  	[spmem:s1] =	stream.indirect.scatter.add.f32 [tilespmem:s0], [sflag:$0x6], $0x80, s17, s26, $0xb8;
	[tilespmem:$0x1E900] =	vst v63  }
0xe3: {  	s10 =	sadd.s32 s10, s11  }
0xe4: {  	[tilespmem:s26], [sflag:$0x4] =	stream.linear.gather [hbm4b:s10+s3], $0x80, $0x38;
	[tilespmem:$0x1E900] =	vst v63  }
0xe5: {  	_ =	swait.ge [sflag:s28], $0x80  }
0xe6: {  	[sflag:s28] =	ssyncset.done $0x0  }
0xe7: {  	[sflag:s28] =	ssyncadd.s32 $0xFFFFFF80  }
0xe8: {  	_ =	swait.ge [sflag:s16], $0x4000  }
0xe9: {  	s11 =	simm.s32 $0x70;
	[sflag:s16] =	ssyncset.done $0x0  }
.LBB2_10:
0xea: {  	p1 =	sne.s32 s11, $0x4F0;
	[sflag:s16] =	ssyncadd.s32 $0xFFFFC000;
	s17 =	sadd.s32 $0x100, s17  }
0xeb: {  	[tilespmem:s29], [sflag:$0x1] =	stream.indirect.gather [hbm4b:s8+s26], $0x80, s3, s26, $0xb8;
	[tilespmem:$0x1E900] =	vst v63  }
0xec: {  	s10 =	smov.u32 s11;
	s11 =	sadd.s32 $0x20, s11;
	_ =	swait.ge [sflag:s30], $0x4000  }
0xed: {  	s12 =	sadd.s32 s10, s6;
	s14 =	sadd.s32 $0xFFFFFFF0, s10;
	[sflag:s30] =	ssyncset.done $0x0  }
0xee: {  	s15 =	sadd.s32 $0xFFFFFFF0, s12;
	s14 =	sand.u32 $0x60, s14;
	[sflag:s30] =	ssyncadd.s32 $0xFFFFC000  }
0xef: {  	s22 =	sadd.s32 $0xFFFFFF80, s17;
	s15 =	sand.u32 $0xFF80, s15;
	s14 =	sadd.s32 s9, s14  }
0xf0: {  	[spmem:s1] =	stream.indirect.scatter.add.f32 [tilespmem:s29], [sflag:$0x5], $0x80, s22, s26, $0xb8;
	[tilespmem:$0x1E900] =	vst v63  }
0xf1: {  	s12 =	sand.u32 $0xFF80, s12;
	s14 =	sadd.s32 s15, s14  }
0xf2: {  	[tilespmem:s3], [sflag:$0x3] =	stream.linear.gather [hbm4b:s14+s3], $0x80, $0x38;
	[tilespmem:$0x1E900] =	vst v63  }
0xf3: {  	_ =	swait.ge [sflag:s31], $0x80  }
0xf4: {  	[sflag:s31] =	ssyncset.done $0x0  }
0xf5: {  	[sflag:s31] =	ssyncadd.s32 $0xFFFFFF80  }
0xf6: {  	_ =	swait.ge [sflag:s18], $0x4000  }
0xf7: {  	[sflag:s18] =	ssyncset.done $0x0  }
0xf8: {  	[sflag:s18] =	ssyncadd.s32 $0xFFFFC000  }
0xf9: {  	[tilespmem:s0], [sflag:$0x2] =	stream.indirect.gather [hbm4b:s8+s26], $0x80, s26, s26, $0xb8;
	[tilespmem:$0x1E900] =	vst v63  }
0xfa: {  	s10 =	sand.u32 $0x70, s10;
	_ =	swait.ge [sflag:s2], $0x4000  }
0xfb: {  	s10 =	sadd.s32 s9, s10;
	[sflag:s2] =	ssyncset.done $0x0  }
0xfc: {  	s10 =	sadd.s32 s12, s10;
	[sflag:s2] =	ssyncadd.s32 $0xFFFFC000  }
0xfd: {  	[spmem:s1] =	stream.indirect.scatter.add.f32 [tilespmem:s0], [sflag:$0x6], $0x80, s17, s26, $0xb8;
	[tilespmem:$0x1E900] =	vst v63  }
0xfe: {  	_ = 	snop  }
0xff: {  	[tilespmem:s26], [sflag:$0x4] =	stream.linear.gather [hbm4b:s10+s3], $0x80, $0x38;
	[tilespmem:$0x1E900] =	vst v63  }
.Ltmp4:
0x100: {  	_ =	swait.ge [sflag:s28], $0x80;
	(pc) =	sbr.rel @p1 .LBB2_10-.Ltmp4, $4  }
0x101: {  	[sflag:s28] =	ssyncset.done $0x0  }
0x102: {  	[sflag:s28] =	ssyncadd.s32 $0xFFFFFF80  }
0x103: {  	_ =	swait.ge [sflag:s16], $0x4000  }
0x104: {  	[sflag:s16] =	ssyncset.done $0x0  }
.Ltmp5:
0x105: {  	_ = 	snop;
	(pc) =	sbr.rel .LBB2_11-.Ltmp5, $1  }
0x106: {  	_ =	sdelay $0x3  }
.LBB2_2:
0x107: {  	[tilespmem:s29], [sflag:$0x1] =	stream.indirect.gather [hbm4b:s4+s26], $0x80, s3, s26, $0xb8;
	[tilespmem:$0x1E900] =	vst v63  }
0x108: {  	_ =	swait.ge [sflag:s30], $0x4000  }
0x109: {  	[sflag:s30] =	ssyncset.done $0x0  }
0x10a: {  	[sflag:s30] =	ssyncadd.s32 $0xFFFFC000  }
0x10b: {  	[spmem:s1] =	stream.indirect.scatter.add.f32 [tilespmem:s29], [sflag:$0x5], $0x80, s11, s26, $0xb8;
	[tilespmem:$0x1E900] =	vst v63  }
0x10c: {  	_ = 	snop  }
0x10d: {  	[tilespmem:s3], [sflag:$0x3] =	stream.linear.gather [hbm4b:s20+s3], $0x80, $0x38;
	[tilespmem:$0x1E900] =	vst v63  }
0x10e: {  	_ =	swait.ge [sflag:s31], $0x80  }
0x10f: {  	[sflag:s31] =	ssyncset.done $0x0  }
0x110: {  	[sflag:s31] =	ssyncadd.s32 $0xFFFFFF80  }
0x111: {  	[tilespmem:s0], [sflag:$0x2] =	stream.indirect.gather [hbm4b:s4+s26], $0x80, s26, s26, $0xb8;
	[tilespmem:$0x1E900] =	vst v63  }
0x112: {  	_ =	swait.ge [sflag:s2], $0x4000  }
0x113: {  	[sflag:s2] =	ssyncset.done $0x0  }
0x114: {  	s10 =	simm.s32 $0x180;
	[sflag:s2] =	ssyncadd.s32 $0xFFFFC000  }
0x115: {  	[spmem:s1] =	stream.indirect.scatter.add.f32 [tilespmem:s0], [sflag:$0x6], $0x80, s10, s26, $0xb8;
	[tilespmem:$0x1E900] =	vst v63  }
0x116: {  	_ = 	snop  }
0x117: {  	[tilespmem:s26], [sflag:$0x4] =	stream.linear.gather [hbm4b:s21+s3], $0x80, $0x38;
	[tilespmem:$0x1E900] =	vst v63  }
0x118: {  	_ =	swait.ge [sflag:s28], $0x80  }
0x119: {  	[sflag:s28] =	ssyncset.done $0x0  }
0x11a: {  	[sflag:s28] =	ssyncadd.s32 $0xFFFFFF80  }
0x11b: {  	_ =	swait.ge [sflag:s16], $0x4000  }
0x11c: {  	[sflag:s16] =	ssyncset.done $0x0  }
0x11d: {  	s14 =	sadd.s32 $0x50, s6;
	[sflag:s16] =	ssyncadd.s32 $0xFFFFC000  }
0x11e: {  	[tilespmem:s29], [sflag:$0x1] =	stream.indirect.gather [hbm4b:s4+s26], $0x80, s3, s26, $0xb8;
	[tilespmem:$0x1E900] =	vst v63  }
0x11f: {  	s17 =	simm.s32 $0x40;
	s12 =	simm.s32 $0x200;
	_ =	swait.ge [sflag:s30], $0x4000  }
0x120: {  	s15 =	sadd.s32 $0xFFFFFFF0, s14;
	s17 =	sand.u32 $0x60, s17;
	[sflag:s30] =	ssyncset.done $0x0  }
0x121: {  	s15 =	sand.u32 $0xFF80, s15;
	s17 =	sadd.s32 s9, s17;
	[sflag:s30] =	ssyncadd.s32 $0xFFFFC000  }
0x122: {  	[spmem:s1] =	stream.indirect.scatter.add.f32 [tilespmem:s29], [sflag:$0x5], $0x80, s12, s26, $0xb8;
	[tilespmem:$0x1E900] =	vst v63  }
0x123: {  	s17 =	sadd.s32 s15, s17  }
0x124: {  	[tilespmem:s3], [sflag:$0x3] =	stream.linear.gather [hbm4b:s17+s3], $0x80, $0x38;
	[tilespmem:$0x1E900] =	vst v63  }
0x125: {  	_ =	swait.ge [sflag:s31], $0x80  }
0x126: {  	[sflag:s31] =	ssyncset.done $0x0  }
0x127: {  	[sflag:s31] =	ssyncadd.s32 $0xFFFFFF80  }
0x128: {  	_ =	swait.ge [sflag:s18], $0x4000  }
0x129: {  	[sflag:s18] =	ssyncset.done $0x0  }
0x12a: {  	[sflag:s18] =	ssyncadd.s32 $0xFFFFC000  }
0x12b: {  	[tilespmem:s0], [sflag:$0x2] =	stream.indirect.gather [hbm4b:s4+s26], $0x80, s26, s26, $0xb8;
	[tilespmem:$0x1E900] =	vst v63  }
0x12c: {  	s22 =	simm.s32 $0x50;
	_ =	swait.ge [sflag:s2], $0x4000  }
0x12d: {  	s11 =	sand.u32 $0xFF80, s14;
	s12 =	sand.u32 $0x70, s22;
	[sflag:s2] =	ssyncset.done $0x0  }
0x12e: {  	s12 =	sadd.s32 s9, s12;
	s17 =	simm.s32 $0x280;
	[sflag:s2] =	ssyncadd.s32 $0xFFFFC000  }
0x12f: {  	[spmem:s1] =	stream.indirect.scatter.add.f32 [tilespmem:s0], [sflag:$0x6], $0x80, s17, s26, $0xb8;
	[tilespmem:$0x1E900] =	vst v63  }
0x130: {  	s11 =	sadd.s32 s11, s12  }
0x131: {  	[tilespmem:s26], [sflag:$0x4] =	stream.linear.gather [hbm4b:s11+s3], $0x80, $0x38;
	[tilespmem:$0x1E900] =	vst v63  }
0x132: {  	_ =	swait.ge [sflag:s28], $0x80  }
0x133: {  	[sflag:s28] =	ssyncset.done $0x0  }
0x134: {  	[sflag:s28] =	ssyncadd.s32 $0xFFFFFF80  }
0x135: {  	_ =	swait.ge [sflag:s16], $0x4000  }
0x136: {  	s11 =	simm.s32 $0x70;
	[sflag:s16] =	ssyncset.done $0x0  }
.LBB2_3:
0x137: {  	p1 =	sne.s32 s11, $0x4F0;
	[sflag:s16] =	ssyncadd.s32 $0xFFFFC000;
	s17 =	sadd.s32 $0x100, s17  }
0x138: {  	[tilespmem:s29], [sflag:$0x1] =	stream.indirect.gather [hbm4b:s4+s26], $0x80, s3, s26, $0xb8;
	[tilespmem:$0x1E900] =	vst v63  }
0x139: {  	s12 =	smov.u32 s11;
	s11 =	sadd.s32 $0x20, s11;
	_ =	swait.ge [sflag:s30], $0x4000  }
0x13a: {  	s15 =	sadd.s32 s12, s6;
	s22 =	sadd.s32 $0xFFFFFFF0, s12;
	[sflag:s30] =	ssyncset.done $0x0  }
0x13b: {  	s10 =	sadd.s32 $0xFFFFFFF0, s15;
	s22 =	sand.u32 $0x60, s22;
	[sflag:s30] =	ssyncadd.s32 $0xFFFFC000  }
0x13c: {  	s14 =	sadd.s32 $0xFFFFFF80, s17;
	s10 =	sand.u32 $0xFF80, s10;
	s22 =	sadd.s32 s9, s22  }
0x13d: {  	[spmem:s1] =	stream.indirect.scatter.add.f32 [tilespmem:s29], [sflag:$0x5], $0x80, s14, s26, $0xb8;
	[tilespmem:$0x1E900] =	vst v63  }
0x13e: {  	s10 =	sadd.s32 s10, s22;
	s14 =	sand.u32 $0xFF80, s15  }
0x13f: {  	[tilespmem:s3], [sflag:$0x3] =	stream.linear.gather [hbm4b:s10+s3], $0x80, $0x38;
	[tilespmem:$0x1E900] =	vst v63  }
0x140: {  	_ =	swait.ge [sflag:s31], $0x80  }
0x141: {  	[sflag:s31] =	ssyncset.done $0x0  }
0x142: {  	[sflag:s31] =	ssyncadd.s32 $0xFFFFFF80  }
0x143: {  	_ =	swait.ge [sflag:s18], $0x4000  }
0x144: {  	[sflag:s18] =	ssyncset.done $0x0  }
0x145: {  	[sflag:s18] =	ssyncadd.s32 $0xFFFFC000  }
0x146: {  	[tilespmem:s0], [sflag:$0x2] =	stream.indirect.gather [hbm4b:s4+s26], $0x80, s26, s26, $0xb8;
	[tilespmem:$0x1E900] =	vst v63  }
0x147: {  	s10 =	sand.u32 $0x70, s12;
	_ =	swait.ge [sflag:s2], $0x4000  }
0x148: {  	s10 =	sadd.s32 s9, s10;
	[sflag:s2] =	ssyncset.done $0x0  }
0x149: {  	s10 =	sadd.s32 s14, s10;
	[sflag:s2] =	ssyncadd.s32 $0xFFFFC000  }
0x14a: {  	[spmem:s1] =	stream.indirect.scatter.add.f32 [tilespmem:s0], [sflag:$0x6], $0x80, s17, s26, $0xb8;
	[tilespmem:$0x1E900] =	vst v63  }
0x14b: {  	_ = 	snop  }
0x14c: {  	[tilespmem:s26], [sflag:$0x4] =	stream.linear.gather [hbm4b:s10+s3], $0x80, $0x38;
	[tilespmem:$0x1E900] =	vst v63  }
.Ltmp6:
0x14d: {  	_ =	swait.ge [sflag:s28], $0x80;
	(pc) =	sbr.rel @p1 .LBB2_3-.Ltmp6, $4  }
0x14e: {  	[sflag:s28] =	ssyncset.done $0x0  }
0x14f: {  	[sflag:s28] =	ssyncadd.s32 $0xFFFFFF80  }
0x150: {  	_ =	swait.ge [sflag:s16], $0x4000  }
0x151: {  	[sflag:s16] =	ssyncset.done $0x0  }
0x152: {  	[sflag:s16] =	ssyncadd.s32 $0xFFFFC000  }
0x153: {  	[tilespmem:s29], [sflag:$0x1] =	stream.indirect.gather [hbm4b:s4+s26], $0x80, s3, s26, $0xb8;
	[tilespmem:$0x1E900] =	vst v63  }
0x154: {  	_ =	swait.ge [sflag:s30], $0x4000  }
0x155: {  	[sflag:s30] =	ssyncset.done $0x0  }
0x156: {  	s10 =	simm.s32 $0x2800;
	[sflag:s30] =	ssyncadd.s32 $0xFFFFC000  }
0x157: {  	[spmem:s1] =	stream.indirect.scatter.add.f32 [tilespmem:s29], [sflag:$0x5], $0x80, s10, s26, $0xb8;
	[tilespmem:$0x1E900] =	vst v63  }
0x158: {  	_ =	swait.ge [sflag:s31], $0x80  }
0x159: {  	[sflag:s31] =	ssyncset.done $0x0  }
0x15a: {  	[sflag:s31] =	ssyncadd.s32 $0xFFFFFF80  }
0x15b: {  	_ =	swait.ge [sflag:s18], $0x4000  }
0x15c: {  	[sflag:s18] =	ssyncset.done $0x0  }
0x15d: {  	[sflag:s18] =	ssyncadd.s32 $0xFFFFC000  }
0x15e: {  	[tilespmem:s0], [sflag:$0x2] =	stream.indirect.gather [hbm4b:s4+s26], $0x80, s26, s26, $0xb8;
	[tilespmem:$0x1E900] =	vst v63  }
0x15f: {  	_ =	swait.ge [sflag:s2], $0x4000  }
0x160: {  	[sflag:s2] =	ssyncset.done $0x0  }
0x161: {  	s15 =	simm.s32 $0x2880;
	[sflag:s2] =	ssyncadd.s32 $0xFFFFC000  }
0x162: {  	[spmem:s1] =	stream.indirect.scatter.add.f32 [tilespmem:s0], [sflag:$0x6], $0x80, s15, s26, $0xb8;
	[tilespmem:$0x1E900] =	vst v63  }
0x163: {  	_ =	swait.ge [sflag:s16], $0x4000  }
0x164: {  	[sflag:s16] =	ssyncset.done $0x0  }
0x165: {  	[sflag:s16] =	ssyncadd.s32 $0xFFFFC000  }
0x166: {  	_ =	swait.ge [sflag:s18], $0x4000  }
0x167: {  	[sflag:s18] =	ssyncset.done $0x0  }
0x168: {  	[sflag:s18] =	ssyncadd.s32 $0xFFFFC000  }
0x169: {  	[bflag:$0x0] =	sbarrier.arrive $0xFFFF  }
0x16a: {  	s17 =	rddreg [dreg:$0x7]  }
0x16b: {  	[hbm:s17], [sflag:s24] =	dma.local [spmem:s25], $0x2800  }
0x16c: {  	_ =	swait.ge [sflag:s23], $0x2800  }
0x16d: {  	[sflag:s23] =	ssyncset.done $0x0  }
0x16e: {  	s22 =	rddreg [dreg:$0x3];
	[sflag:s23] =	ssyncadd.s32 $0xFFFFD800  }
0x16f: {  	[spmem:s25], [sflag:s24] =	dma.local [hbm:s22], $0x2800  }
0x170: {  	_ =	swait.ge [sflag:s23], $0x2800  }
0x171: {  	[sflag:s23] =	ssyncset.done $0x0  }
0x172: {  	[sflag:s23] =	ssyncadd.s32 $0xFFFFD800  }
0x173: {  	[bflag:$0x0] =	sbarrier.arrive $0xFFFF  }
0x174: {  	[tilespmem:s3], [sflag:$0x3] =	stream.linear.gather [hbm4b:s13+s3], $0x80, $0x38;
	[tilespmem:$0x1E900] =	vst v63  }
0x175: {  	s11 =	rddreg [dreg:$0x6]  }
0x176: {  	[tilespmem:s26], [sflag:$0x4] =	stream.linear.gather [hbm4b:s11+s3], $0x80, $0x38;
	[tilespmem:$0x1E900] =	vst v63  }
0x177: {  	_ =	swait.ge [sflag:s28], $0x80  }
0x178: {  	[sflag:s28] =	ssyncset.done $0x0  }
0x179: {  	[sflag:s28] =	ssyncadd.s32 $0xFFFFFF80  }
0x17a: {  	[tilespmem:s29], [sflag:$0x1] =	stream.indirect.gather [hbm4b:s5+s26], $0x80, s3, s26, $0xb8;
	[tilespmem:$0x1E900] =	vst v63  }
0x17b: {  	_ =	swait.ge [sflag:s30], $0x4000  }
0x17c: {  	[sflag:s30] =	ssyncset.done $0x0  }
0x17d: {  	s12 =	simm.s32 $0x100;
	[sflag:s30] =	ssyncadd.s32 $0xFFFFC000  }
0x17e: {  	[spmem:s1] =	stream.indirect.scatter.add.f32 [tilespmem:s29], [sflag:$0x5], $0x80, s12, s26, $0xb8;
	[tilespmem:$0x1E900] =	vst v63  }
0x17f: {  	_ = 	snop  }
0x180: {  	[tilespmem:s3], [sflag:$0x3] =	stream.linear.gather [hbm4b:s20+s3], $0x80, $0x38;
	[tilespmem:$0x1E900] =	vst v63  }
0x181: {  	_ =	swait.ge [sflag:s31], $0x80  }
0x182: {  	[sflag:s31] =	ssyncset.done $0x0  }
0x183: {  	[sflag:s31] =	ssyncadd.s32 $0xFFFFFF80  }
0x184: {  	[tilespmem:s0], [sflag:$0x2] =	stream.indirect.gather [hbm4b:s5+s26], $0x80, s26, s26, $0xb8;
	[tilespmem:$0x1E900] =	vst v63  }
0x185: {  	_ =	swait.ge [sflag:s2], $0x4000  }
0x186: {  	[sflag:s2] =	ssyncset.done $0x0  }
0x187: {  	s14 =	simm.s32 $0x180;
	[sflag:s2] =	ssyncadd.s32 $0xFFFFC000  }
0x188: {  	[spmem:s1] =	stream.indirect.scatter.add.f32 [tilespmem:s0], [sflag:$0x6], $0x80, s14, s26, $0xb8;
	[tilespmem:$0x1E900] =	vst v63  }
0x189: {  	_ = 	snop  }
0x18a: {  	[tilespmem:s26], [sflag:$0x4] =	stream.linear.gather [hbm4b:s21+s3], $0x80, $0x38;
	[tilespmem:$0x1E900] =	vst v63  }
0x18b: {  	_ =	swait.ge [sflag:s28], $0x80  }
0x18c: {  	[sflag:s28] =	ssyncset.done $0x0  }
0x18d: {  	[sflag:s28] =	ssyncadd.s32 $0xFFFFFF80  }
0x18e: {  	_ =	swait.ge [sflag:s16], $0x4000  }
0x18f: {  	[sflag:s16] =	ssyncset.done $0x0  }
0x190: {  	[sflag:s16] =	ssyncadd.s32 $0xFFFFC000  }
0x191: {  	[tilespmem:s29], [sflag:$0x1] =	stream.indirect.gather [hbm4b:s5+s26], $0x80, s3, s26, $0xb8;
	[tilespmem:$0x1E900] =	vst v63  }
0x192: {  	s15 =	sadd.s32 $0x50, s6;
	_ =	swait.ge [sflag:s30], $0x4000  }
0x193: {  	s17 =	sadd.s32 $0xFFFFFFF0, s15;
	s11 =	simm.s32 $0x40;
	[sflag:s30] =	ssyncset.done $0x0  }
0x194: {  	s11 =	sand.u32 $0x60, s11;
	s12 =	simm.s32 $0x200;
	[sflag:s30] =	ssyncadd.s32 $0xFFFFC000  }
0x195: {  	[spmem:s1] =	stream.indirect.scatter.add.f32 [tilespmem:s29], [sflag:$0x5], $0x80, s12, s26, $0xb8;
	[tilespmem:$0x1E900] =	vst v63  }
0x196: {  	s11 =	sadd.s32 s9, s11;
	s12 =	sand.u32 $0xFF80, s17  }
0x197: {  	s11 =	sadd.s32 s12, s11  }
0x198: {  	[tilespmem:s3], [sflag:$0x3] =	stream.linear.gather [hbm4b:s11+s3], $0x80, $0x38;
	[tilespmem:$0x1E900] =	vst v63  }
0x199: {  	_ =	swait.ge [sflag:s31], $0x80  }
0x19a: {  	[sflag:s31] =	ssyncset.done $0x0  }
0x19b: {  	[sflag:s31] =	ssyncadd.s32 $0xFFFFFF80  }
0x19c: {  	_ =	swait.ge [sflag:s18], $0x4000  }
0x19d: {  	[sflag:s18] =	ssyncset.done $0x0  }
0x19e: {  	[sflag:s18] =	ssyncadd.s32 $0xFFFFC000  }
0x19f: {  	[tilespmem:s0], [sflag:$0x2] =	stream.indirect.gather [hbm4b:s5+s26], $0x80, s26, s26, $0xb8;
	[tilespmem:$0x1E900] =	vst v63  }
0x1a0: {  	s22 =	simm.s32 $0x50;
	_ =	swait.ge [sflag:s2], $0x4000  }
0x1a1: {  	s10 =	sand.u32 $0xFF80, s15;
	s11 =	sand.u32 $0x70, s22;
	[sflag:s2] =	ssyncset.done $0x0  }
0x1a2: {  	s17 =	simm.s32 $0x280;
	s11 =	sadd.s32 s9, s11;
	[sflag:s2] =	ssyncadd.s32 $0xFFFFC000  }
0x1a3: {  	[spmem:s1] =	stream.indirect.scatter.add.f32 [tilespmem:s0], [sflag:$0x6], $0x80, s17, s26, $0xb8;
	[tilespmem:$0x1E900] =	vst v63  }
0x1a4: {  	s10 =	sadd.s32 s10, s11  }
0x1a5: {  	[tilespmem:s26], [sflag:$0x4] =	stream.linear.gather [hbm4b:s10+s3], $0x80, $0x38;
	[tilespmem:$0x1E900] =	vst v63  }
0x1a6: {  	_ =	swait.ge [sflag:s28], $0x80  }
0x1a7: {  	[sflag:s28] =	ssyncset.done $0x0  }
0x1a8: {  	[sflag:s28] =	ssyncadd.s32 $0xFFFFFF80  }
0x1a9: {  	_ =	swait.ge [sflag:s16], $0x4000  }
0x1aa: {  	s11 =	simm.s32 $0x70;
	[sflag:s16] =	ssyncset.done $0x0  }
.LBB2_5:
0x1ab: {  	p1 =	seq.s32 s11, $0x4F0;
	[sflag:s16] =	ssyncadd.s32 $0xFFFFC000;
	s17 =	sadd.s32 $0x100, s17  }
0x1ac: {  	[tilespmem:s29], [sflag:$0x1] =	stream.indirect.gather [hbm4b:s5+s26], $0x80, s3, s26, $0xb8;
	[tilespmem:$0x1E900] =	vst v63  }
0x1ad: {  	s10 =	smov.u32 s11;
	s11 =	sadd.s32 $0x20, s11;
	_ =	swait.ge [sflag:s30], $0x4000  }
0x1ae: {  	s12 =	sadd.s32 s10, s6;
	s14 =	sadd.s32 $0xFFFFFFF0, s10;
	[sflag:s30] =	ssyncset.done $0x0  }
0x1af: {  	s15 =	sadd.s32 $0xFFFFFFF0, s12;
	s14 =	sand.u32 $0x60, s14;
	[sflag:s30] =	ssyncadd.s32 $0xFFFFC000  }
0x1b0: {  	s22 =	sadd.s32 $0xFFFFFF80, s17;
	s15 =	sand.u32 $0xFF80, s15;
	s14 =	sadd.s32 s9, s14  }
0x1b1: {  	[spmem:s1] =	stream.indirect.scatter.add.f32 [tilespmem:s29], [sflag:$0x5], $0x80, s22, s26, $0xb8;
	[tilespmem:$0x1E900] =	vst v63  }
0x1b2: {  	s12 =	sand.u32 $0xFF80, s12;
	s14 =	sadd.s32 s15, s14  }
0x1b3: {  	[tilespmem:s3], [sflag:$0x3] =	stream.linear.gather [hbm4b:s14+s3], $0x80, $0x38;
	[tilespmem:$0x1E900] =	vst v63  }
0x1b4: {  	_ =	swait.ge [sflag:s31], $0x80  }
0x1b5: {  	[sflag:s31] =	ssyncset.done $0x0  }
0x1b6: {  	[sflag:s31] =	ssyncadd.s32 $0xFFFFFF80  }
0x1b7: {  	_ =	swait.ge [sflag:s18], $0x4000  }
0x1b8: {  	[sflag:s18] =	ssyncset.done $0x0  }
0x1b9: {  	[sflag:s18] =	ssyncadd.s32 $0xFFFFC000  }
0x1ba: {  	[tilespmem:s0], [sflag:$0x2] =	stream.indirect.gather [hbm4b:s5+s26], $0x80, s26, s26, $0xb8;
	[tilespmem:$0x1E900] =	vst v63  }
0x1bb: {  	s10 =	sand.u32 $0x70, s10;
	_ =	swait.ge [sflag:s2], $0x4000  }
0x1bc: {  	s10 =	sadd.s32 s9, s10;
	[sflag:s2] =	ssyncset.done $0x0  }
0x1bd: {  	s10 =	sadd.s32 s12, s10;
	[sflag:s2] =	ssyncadd.s32 $0xFFFFC000  }
0x1be: {  	[spmem:s1] =	stream.indirect.scatter.add.f32 [tilespmem:s0], [sflag:$0x6], $0x80, s17, s26, $0xb8;
	[tilespmem:$0x1E900] =	vst v63  }
0x1bf: {  	_ = 	snop  }
0x1c0: {  	[tilespmem:s26], [sflag:$0x4] =	stream.linear.gather [hbm4b:s10+s3], $0x80, $0x38;
	[tilespmem:$0x1E900] =	vst v63  }
.Ltmp7:
0x1c1: {  	_ =	swait.ge [sflag:s28], $0x80;
	(pc) =	sbr.rel @!p1 .LBB2_5-.Ltmp7, $4  }
0x1c2: {  	[sflag:s28] =	ssyncset.done $0x0  }
0x1c3: {  	[sflag:s28] =	ssyncadd.s32 $0xFFFFFF80  }
0x1c4: {  	_ =	swait.ge [sflag:s16], $0x4000  }
0x1c5: {  	[sflag:s16] =	ssyncset.done $0x0  }
0x1c6: {  	[sflag:s16] =	ssyncadd.s32 $0xFFFFC000  }
0x1c7: {  	[tilespmem:s29], [sflag:$0x1] =	stream.indirect.gather [hbm4b:s5+s26], $0x80, s3, s26, $0xb8;
	[tilespmem:$0x1E900] =	vst v63  }
0x1c8: {  	_ =	swait.ge [sflag:s30], $0x4000  }
0x1c9: {  	[sflag:s30] =	ssyncset.done $0x0  }
0x1ca: {  	s10 =	simm.s32 $0x2800;
	[sflag:s30] =	ssyncadd.s32 $0xFFFFC000  }
0x1cb: {  	[spmem:s1] =	stream.indirect.scatter.add.f32 [tilespmem:s29], [sflag:$0x5], $0x80, s10, s26, $0xb8;
	[tilespmem:$0x1E900] =	vst v63  }
0x1cc: {  	_ =	swait.ge [sflag:s31], $0x80  }
0x1cd: {  	[sflag:s31] =	ssyncset.done $0x0  }
0x1ce: {  	[sflag:s31] =	ssyncadd.s32 $0xFFFFFF80  }
0x1cf: {  	_ =	swait.ge [sflag:s18], $0x4000  }
0x1d0: {  	[sflag:s18] =	ssyncset.done $0x0  }
0x1d1: {  	[sflag:s18] =	ssyncadd.s32 $0xFFFFC000  }
0x1d2: {  	[tilespmem:s0], [sflag:$0x2] =	stream.indirect.gather [hbm4b:s5+s26], $0x80, s26, s26, $0xb8;
	[tilespmem:$0x1E900] =	vst v63  }
.Ltmp8:
0x1d3: {  	_ = 	snop;
	(pc) =	sbr.rel .LBB2_12-.Ltmp8, $4  }
0x1d4: {  	_ =	swait.ge [sflag:s2], $0x4000  }
0x1d5: {  	[sflag:s2] =	ssyncset.done $0x0  }
0x1d6: {  	s22 =	simm.s32 $0x2880;
	s11 =	rddreg [dreg:$0x8];
	[sflag:s2] =	ssyncadd.s32 $0xFFFFC000  }
0x1d7: {  	[spmem:s1] =	stream.indirect.scatter.add.f32 [tilespmem:s0], [sflag:$0x6], $0x80, s22, s26, $0xb8;
	[tilespmem:$0x1E900] =	vst v63  }
.LBB2_13:
0x1d8: {  	_ =	sfence.sel $0x180000  }
0x1d9: {  	[bflag:$0x0] =	sbarrier.arrive $0xFFFF  }
0x1da: {  	_ =	strace $0x90000050  }
0x1db: {  	s0 =	stileid.u32;
	[bflag:$0x2] =	sbarrier.arrive $0xFFFF  }
0x1dc: {  	p0 =	sne.s32 s0, $0x0;
	s0 =	rddreg [dreg:$0x2]  }
0x1dd: {  	s0 =	sadd.s32 @!p0 $0x100000, s0  }
0x1de: {  	[sflag:s0] =	ssyncadd.tile.s32 @!p0 $0x1;
	_ =	shalt  }
.Lfunc_end2:
_tile_overlayer_lowered:
.L_overlay_start_2:
0x1df: {  	(tag) =	ssettag $0x2  }
0x1e0: {  	s0 =	rddreg [dreg:$0x0];
	s2 =	stileid.u32  }
0x1e1: {  	s1 =	rddreg [dreg:$0x1];
	p0 =	sne.s32 s2, $0x0  }
0x1e2: {  	s3 =	rddreg [dreg:$0x2];
	[bflag:$0x3] =	sbarrier.arrive $0xFFFF;
	s2 =	simm.s32 @!p0 $0x1C07  }
0x1e3: {  	[timem:s3], [sflag:s2] =	dma.local @!p0 [hbm:s0], s1  }
0x1e4: {  	s0 =	simm.s32 @!p0 $0x7  }
0x1e5: {  	_ =	swait.ge @!p0 [sflag:s0], s1  }
0x1e6: {  	s1 =	ssub.s32 @!p0 $0x0, s1;
	[sflag:s0] =	ssyncset.done @!p0 $0x0  }
0x1e7: {  	[sflag:s0] =	ssyncadd.s32 @!p0 s1  }
0x1e8: {  	[bflag:$0x3] =	sbarrier.arrive $0xFFFF  }
0x1e9: {  	_ =	shalt  }

// kernel: kernel.19.cloned.1.call-start
scs
__scs_entry_jumppad:
0x0: {  	(pc) =	sbr.rel $0x88, $3  }
0x1: {  	(tag) =	ssettag $0x0;
	lr =	simm.s32 $0x1  }
0x2: {  	[smem:$0x3F95] =	sst lr;
	_ =	strace $0xD0000000  }
0x3: {  	_ = 	snop  }
0x4: {  	_ = 	snop  }
0x5: {  	_ = 	snop  }
0x6: {  	_ = 	snop  }
0x7: {  	_ = 	snop  }
__scs_overlays_trampoline_lowered:
0x8: {  	[smem:$0x3FA4] =	sst s0  }
0x9: {  	[smem:$0x3FA5] =	sst s1  }
0xa: {  	[smem:$0x3FA6] =	sst s2  }
0xb: {  	[smem:$0x3FA7] =	sst s3  }
0xc: {  	[smem:$0x3FA8] =	sst s4  }
0xd: {  	[smem:$0x3FA9] =	sst s5  }
0xe: {  	[smem:$0x3FAA] =	sst s6  }
0xf: {  	[smem:$0x3FAB] =	sst s7  }
0x10: {  	[smem:$0x3FAC] =	sst s8  }
0x11: {  	[smem:$0x3FAD] =	sst s9;
	s0 =	simm.s32 @!p0 $0x0  }
0x12: {  	s1 =	sld [smem:$0x3F93];
	s0 =	simm.s32 @p0 $0x1  }
0x13: {  	[smem:$0x3FAE] =	sst s0;
	s0 =	simm.s32 @!p1 $0x0  }
0x14: {  	s2 =	sld [smem:$0x3F92];
	s0 =	simm.s32 @p1 $0x1  }
0x15: {  	[smem:$0x3FAF] =	sst s0;
	s0 =	simm.s32 @!p2 $0x0  }
0x16: {  	s3 =	sld [smem:$0x3FDB];
	s0 =	simm.s32 @p2 $0x1  }
0x17: {  	s4 =	simm.s32 $0x1BF5;
	[smem:$0x3FB1] =	sst s0  }
0x18: {  	s0 =	sld [smem:$0x3F94];
	_ =	swait.ge [sflag:s4], $0x0  }
0x19: {  	s7 =	sld [smem:$0x3F95]  }
0x1a: {  	s8 =	sadd.s32 $0xFFFFE003, lr  }
0x1b: {  	s9 =	sadd.s32 $0xFFFFFEF7, lr;
	s5 =	simm.s32 $0xFFFFFFFF;
	p2 =	slt.u32 s8, $0xFFFFF086  }
0x1c: {  	p1 =	slt.u32 s9, $0xF7A;
	s5 =	simm.s32 @!p2 $0x0  }
0x1d: {  	s5 =	simm.s32 @p1 $0x1;
	p0 =	seq.s32 s7, s2  }
0x1e: {  	s7 =	smul.u32 @!p0 $0xF7A, s2;
	p2 =	seq.s32 @!p0 s5, $0x0  }
0x1f: {  	s9 =	smul.u32 $0xF7A, s1;
	s8 =	simm.s32 @!p0 $0x1BF5;
	p2 =	por !p2, p0  }
0x20: {  	[sflag:s8] =	ssyncset.s32 @!p0 $0xFFFFF086;
	s6 =	sadd.s32 @!p0 s3, s7;
	s7 =	simm.s32 @!p0 $0x108  }
0x21: {  	s3 =	sadd.s32 s3, s9;
	s6 =	sadd.s32 @!p0 $0x88, s6;
	s7 =	simm.s32 @p2 $0x1082  }
0x22: {  	[simem:s7], [sflag:s8] =	dma.local @!p0 [hbm:s6], $0xF7A  }
0x23: {  	s9 =	sor.u32 $0xD0000000, s2;
	s6 =	simm.s32 $0x108;
	_ =	swait.ge @!p0 [sflag:s8], $0x0  }
0x24: {  	s3 =	sadd.s32 $0x88, s3;
	s6 =	simm.s32 @!p1 $0x1082;
	[sflag:s4] =	ssyncset.s32 $0xFFFFF086  }
0x25: {  	[simem:s6], [sflag:s4] =	dma.local [hbm:s3], $0xF7A  }
0x26: {  	[smem:$0x3F95] =	sst s1;
	(tag) =	ssettag s2;
	_ =	strace s9  }
0x27: {  	s1 =	sld [smem:$0x3FA5]  }
0x28: {  	s2 =	sld [smem:$0x3FA6]  }
0x29: {  	s4 =	sld [smem:$0x3FA8]  }
0x2a: {  	p0 =	seq.s32 s5, $0x0;
	s5 =	sld [smem:$0x3FA9]  }
0x2b: {  	s6 =	sld [smem:$0x3FAA]  }
0x2c: {  	s7 =	sld [smem:$0x3FAB]  }
0x2d: {  	s3 =	simm.s32 $0x108;
	s8 =	sld [smem:$0x3FAC]  }
0x2e: {  	s3 =	simm.s32 @!p0 $0x1082;
	s9 =	sld [smem:$0x3FAD]  }
0x2f: {  	lr =	sadd.s32 s0, s3;
	s0 =	sld [smem:$0x3FA4]  }
0x30: {  	s3 =	sld [smem:$0x3FA7]  }
0x31: {  	[smem:$0x3FB0] =	sst s10  }
0x32: {  	s10 =	sld [smem:$0x3FAE];
	_ =	sdelay $0x3  }
0x33: {  	p0 =	seq.s32 s10, $0x1;
	s10 =	sld [smem:$0x3FB0];
	_ =	sdelay $0x3  }
0x34: {  	[smem:$0x3FB0] =	sst s10  }
0x35: {  	s10 =	sld [smem:$0x3FAF];
	_ =	sdelay $0x3  }
0x36: {  	p1 =	seq.s32 s10, $0x1;
	s10 =	sld [smem:$0x3FB0];
	_ =	sdelay $0x3  }
0x37: {  	[smem:$0x3FB0] =	sst s10  }
0x38: {  	s10 =	sld [smem:$0x3FB1]  }
0x39: {  	_ = 	snop;
	(pc) =	sbr.ind lr, $3  }
0x3a: {  	_ = 	snop  }
0x3b: {  	_ = 	snop  }
0x3c: {  	p2 =	seq.s32 s10, $0x1;
	s10 =	sld [smem:$0x3FB0]  }
0x3d: {  	_ =	shalt  }
0x3e: {  	_ =	shalt  }
0x3f: {  	_ =	shalt  }
0x40: {  	_ =	shalt  }
0x41: {  	_ =	shalt  }
0x42: {  	_ =	shalt  }
0x43: {  	_ =	shalt  }
0x44: {  	_ =	shalt  }
0x45: {  	_ =	shalt  }
0x46: {  	_ =	shalt  }
0x47: {  	_ =	shalt  }
0x48: {  	_ =	shalt  }
0x49: {  	_ =	shalt  }
0x4a: {  	_ =	shalt  }
0x4b: {  	_ =	shalt  }
0x4c: {  	_ =	shalt  }
0x4d: {  	_ =	shalt  }
0x4e: {  	_ =	shalt  }
0x4f: {  	_ =	shalt  }
0x50: {  	_ =	shalt  }
0x51: {  	_ =	shalt  }
0x52: {  	_ =	shalt  }
0x53: {  	_ =	shalt  }
0x54: {  	_ =	shalt  }
0x55: {  	_ =	shalt  }
0x56: {  	_ =	shalt  }
0x57: {  	_ =	shalt  }
0x58: {  	_ =	shalt  }
0x59: {  	_ =	shalt  }
0x5a: {  	_ =	shalt  }
0x5b: {  	_ =	shalt  }
0x5c: {  	_ =	shalt  }
0x5d: {  	_ =	shalt  }
0x5e: {  	_ =	shalt  }
0x5f: {  	_ =	shalt  }
0x60: {  	_ =	shalt  }
0x61: {  	_ =	shalt  }
0x62: {  	_ =	shalt  }
0x63: {  	_ =	shalt  }
0x64: {  	_ =	shalt  }
0x65: {  	_ =	shalt  }
0x66: {  	_ =	shalt  }
0x67: {  	_ =	shalt  }
0x68: {  	_ =	shalt  }
0x69: {  	_ =	shalt  }
0x6a: {  	_ =	shalt  }
0x6b: {  	_ =	shalt  }
0x6c: {  	_ =	shalt  }
0x6d: {  	_ =	shalt  }
0x6e: {  	_ =	shalt  }
0x6f: {  	_ =	shalt  }
0x70: {  	_ =	shalt  }
0x71: {  	_ =	shalt  }
0x72: {  	_ =	shalt  }
0x73: {  	_ =	shalt  }
0x74: {  	_ =	shalt  }
0x75: {  	_ =	shalt  }
0x76: {  	_ =	shalt  }
0x77: {  	_ =	shalt  }
0x78: {  	_ =	shalt  }
0x79: {  	_ =	shalt  }
0x7a: {  	_ =	shalt  }
0x7b: {  	_ =	shalt  }
0x7c: {  	_ =	shalt  }
0x7d: {  	_ =	shalt  }
0x7e: {  	_ =	shalt  }
0x7f: {  	_ =	shalt  }
0x80: {  	_ =	shalt  }
0x81: {  	_ =	shalt  }
0x82: {  	_ =	shalt  }
0x83: {  	_ =	shalt  }
0x84: {  	_ =	shalt  }
0x85: {  	_ =	shalt  }
0x86: {  	_ =	shalt  }
0x87: {  	_ =	shalt  }
.Lfunc_end0:
.L_simem_size_0:
called_computation.4_lowered:
.L_overlay_start_0:
0x88: {  	s2 =	sld [smem:$0x3FD9]  }
0x89: {  	s3 =	sld [smem:$0x3FFE];
	_ =	sdelay $0x1  }
0x8a: {  	s1 =	srdreg.scid  }
0x8b: {  	s0 =	sand.u32 $0x1, s1  }
0x8c: {  	s16 =	sshll.u32 s0, $0xA;
	s2 =	sadd.s32 s3, s2  }
0x8d: {  	s2 =	sadd.s32 s2, s16  }
0x8e: {  	[smem:$0x3FBC] =	sst s2  }
0x8f: {  	_ = 	snop  }
0x90: {  	(tm) =	ssettm $0x1  }
0x91: {  	s17 =	sld [smem:$0x3FFB];
	_ =	sdelay $0x3  }
0x92: {  	_ =	strace s17  }
0x93: {  	s2 =	sld [smem:$0x3FFC];
	_ =	sdelay $0x3  }
0x94: {  	_ =	strace s2  }
0x95: {  	s2 =	sld [smem:$0x3FFD];
	_ =	sdelay $0x3  }
0x96: {  	_ =	strace s2  }
0x97: {  	_ =	strace $0x8FFFFFFF  }
0x98: {  	s18 =	sld [smem:$0x3FDB];
	_ =	sdelay $0x1  }
0x99: {  	s19 =	simm.s32 $_scs_section_size  }
0x9a: {  	s4 =	simm.s32 $_size__tile_overlayer_lowered;
	s5 =	simm.s32 $_tile_overlayer_lowered  }
0x9b: {  	s22 =	simm.s32 $0x1BFF;
	s21 =	sshll.u32 s5, $0x1;
	s2 =	sadd.s32 s19, s18  }
0x9c: {  	s6 =	simm.s32 $0x0;
	s20 =	sshll.u32 s4, $0x1;
	s4 =	sadd.s32 s21, s2  }
0x9d: {  	[timem:s6], [sflag:s22] =	dma.local [hbm:s4], s20  }
0x9e: {  	_ =	swait.ge [sflag:s22], s20  }
0x9f: {  	s3 =	ssub.s32 $0x0, s20;
	[sflag:s22] =	ssyncset.done $0x0  }
0xa0: {  	[sflag:s22] =	ssyncadd.s32 s3;
	_ =	sdelay $0x1  }
0xa1: {  	s23 =	simm.s32 $0x1B8B  }
0xa2: {  	_ =	swait.ge [sflag:s23], $0x1  }
0xa3: {  	[sflag:s23] =	ssyncset.done $0x0  }
0xa4: {  	s25 =	simm.s32 $0x1B8E;
	s24 =	sld [smem:$0x3FFE];
	[sflag:s23] =	ssyncadd.s32 $0xFFFFFFFF  }
0xa5: {  	s26 =	simm.s32 $execute0_lowered;
	[smem:$0x3FD2] =	sst s25  }
0xa6: {  	s4 =	sshll.u32 s26, $0x1;
	_ =	strace $0x80000052;
	[dreg:$0x1] =	wrdreg $0xFFFFFFFF  }
0xa7: {  	s28 =	simm.s32 $_size_execute0_lowered;
	s2 =	sadd.s32 s2, s4;
	[dreg:$0x0] =	wrdreg $0x0  }
0xa8: {  	s4 =	sshll.u32 s28, $0x1;
	[dreg:$0x2] =	wrdreg s2  }
0xa9: {  	[dreg:$0x3] =	wrdreg s4  }
0xaa: {  	[dreg:$0x4] =	wrdreg $0xC0  }
0xab: {  	_ =	task [dreg:s6], $0x5FFFF  }
0xac: {  	[dreg:$0x1] =	wrdreg $0xFFFFFFFF  }
0xad: {  	[dreg:$0x0] =	wrdreg $0x60  }
0xae: {  	[dreg:$0x2] =	wrdreg s24  }
0xaf: {  	[dreg:$0x3] =	wrdreg $0xA9000  }
0xb0: {  	[dreg:$0x4] =	wrdreg $0x9  }
0xb1: {  	_ =	task.clear_ibuf [dreg:s6], $0x5FFFF;
	_ =	strace $0x90000052  }
0xb2: {  	s29 =	simm.s32 $0x9;
	_ =	strace $0x80000054  }
0xb3: {  	_ =	swait.ge [sflag:s29], $0x1  }
0xb4: {  	[sflag:s29] =	ssyncadd.s32 $0xFFFFFFFF  }
0xb5: {  	_ =	strace $0x90000054  }
0xb6: {  	_ =	sfence  }
0xb7: {  	s30 =	sld [smem:$0x0];
	_ =	sdelay $0x2  }
0xb8: {  	s31 =	sshll.u32 s1, $0xD;
	s1 =	sshrl.u32 s1, $0x2  }
0xb9: {  	s3 =	sand.u32 $0x4000, s31;
	s1 =	sadd.s32 s1, s30  }
0xba: {  	s0 =	sor.u32 s3, s0;
	s1 =	sshll.u32 s1, $0x11  }
0xbb: {  	s0 =	sor.u32 s1, s0  }
0xbc: {  	s0 =	sadd.s32 $0x8F2B, s0  }
0xbd: {  	[sflag:s0] =	ssyncadd.remote.s32 $0x1  }
0xbe: {  	_ =	sfence.sel $0xFFFF  }
0xbf: {  	[dreg:$0x0] =	wrdreg $0xFFFFFFFF;
	(pc) =	sbr.abs _section_cstart, $3  }
0xc0: {  	[dreg:$0x1] =	wrdreg $0xFFFFFFFF  }
0xc1: {  	_ =	task.clear_ibuf [dreg:s6], $0x2FFFF;
	_ =	strace $0x9FFFFFFF  }
0xc2: {  	(tm) =	ssettm $0x7FFFFFFF  }
0xc3: {  	_ =	shalt  }
tec
execute0_lowered:
.L_overlay_start_1:
0x0: {  	(tag) =	ssettag $0x1  }
0x1: {  	s0 =	rddreg [dreg:$0x0]  }
0x2: {  	s1 =	rddreg [dreg:$0x1];
	s3 =	simm.s32 $0x0;
	s10 =	stileid.u32  }
0x3: {  	s2 =	srdreg.scid;
	s28 =	simm.s32 $0x3;
	s29 =	simm.s32 $0x2900  }
0x4: {  	s30 =	simm.s32 $0x1;
	s31 =	simm.s32 $0x4;
	s16 =	simm.s32 $0x5  }
0x5: {  	s18 =	simm.s32 $0x6;
	[smem:$0x7FF] =	sst s3;
	s4 =	sadd.s32 $0x2B600, s0  }
0x6: {  	s5 =	sadd.s32 $0x3600, s0;
	s6 =	smul.u32 $0x500, s10;
	s7 =	sadd.s32 $0x535600, s0  }
0x7: {  	s8 =	sadd.s32 $0x50D600, s0;
	s9 =	sadd.s32 $0x508600, s0;
	s2 =	sand.u32 $0x1, s2  }
0x8: {  	s12 =	sadd.s32 $0x55D600, s0;
	s13 =	smul.u32 $0x50000, s10;
	s14 =	sadd.s32 $0x53600, s0  }
0x9: {  	s15 =	smul.u32 $0x14000, s10;
	s26 =	sshll.u32 s10, $0x6;
	_ =	strace $0x80000053  }
0xa: {  	[dreg:$0x3] =	wrdreg s12;
	s19 =	ssub.s32 $0x2, s2;
	p0 =	seq.s32 s2, $0x1  }
0xb: {  	[dreg:$0x4] =	wrdreg s14;
	s11 =	sadd.s32 s6, s0;
	s20 =	sshrl.u32 s19, $0x1  }
0xc: {  	s21 =	sshrl.u32 s13, $0x2;
	s13 =	sadd.s32 s9, s6;
	s22 =	sshrl.u32 s15, $0x3  }
0xd: {  	s24 =	sadd.s32 $0x140000, s15;
	s25 =	sadd.s32 $0x3C0000, s15;
	s0 =	ssub.s32 s19, s20  }
0xe: {  	s11 =	sadd.s32 $0x503600, s11;
	s2 =	sadd.s32 s21, s1;
	[dreg:$0x8] =	wrdreg s24  }
0xf: {  	s23 =	sadd.s32 $0x10, s13;
	[dreg:$0xa] =	wrdreg s25;
	s20 =	sadd.s32 $0x20, s13  }
0x10: {  	s21 =	sadd.s32 $0x30, s13;
	s24 =	sor.u32 $0x1C07, s26;
	s26 =	simm.s32 $0x80  }
.Ltmp0:
0x11: {  	s19 =	simm.s32 $0x0;
	[dreg:$0x5] =	wrdreg s11;
	(pc) =	sbr.rel .LBB2_1-.Ltmp0, $4  }
0x12: {  	[dreg:$0x6] =	wrdreg s23;
	s11 =	sadd.s32 s14, s22;
	s0 =	smax.u32 s0, $0x1  }
0x13: {  	s23 =	simm.s32 $0x7;
	s25 =	sshrl.u32 s2, $0x3;
	[dreg:$0x7] =	wrdreg s11  }
0x14: {  	s2 =	simm.s32 $0x2;
	s11 =	sadd.s32 $0x50000, s11;
	[dreg:$0xb] =	wrdreg s0  }
0x15: {  	s0 =	simm.s32 $0x6900;
	[dreg:$0x9] =	wrdreg s11;
	s11 =	simm.s32 $0x100  }
.LBB2_11:
0x16: {  	[sflag:s16] =	ssyncadd.s32 $0xFFFFC000  }
0x17: {  	[tilespmem:s29], [sflag:$0x1] =	stream.indirect.gather [hbm4b:s8+s26], $0x80, s3, s26, $0xb8;
	[tilespmem:$0x1E900] =	vst v63  }
0x18: {  	_ =	swait.ge [sflag:s30], $0x4000  }
0x19: {  	[sflag:s30] =	ssyncset.done $0x0  }
0x1a: {  	s10 =	simm.s32 $0x2800;
	[sflag:s30] =	ssyncadd.s32 $0xFFFFC000  }
0x1b: {  	[spmem:s1] =	stream.indirect.scatter.add.f32 [tilespmem:s29], [sflag:$0x5], $0x80, s10, s26, $0xb8;
	[tilespmem:$0x1E900] =	vst v63  }
0x1c: {  	_ =	swait.ge [sflag:s31], $0x80  }
0x1d: {  	[sflag:s31] =	ssyncset.done $0x0  }
0x1e: {  	[sflag:s31] =	ssyncadd.s32 $0xFFFFFF80  }
0x1f: {  	_ =	swait.ge [sflag:s18], $0x4000  }
0x20: {  	[sflag:s18] =	ssyncset.done $0x0  }
0x21: {  	[sflag:s18] =	ssyncadd.s32 $0xFFFFC000  }
0x22: {  	[tilespmem:s0], [sflag:$0x2] =	stream.indirect.gather [hbm4b:s8+s26], $0x80, s26, s26, $0xb8;
	[tilespmem:$0x1E900] =	vst v63  }
0x23: {  	_ =	swait.ge [sflag:s2], $0x4000  }
0x24: {  	[sflag:s2] =	ssyncset.done $0x0  }
0x25: {  	s22 =	simm.s32 $0x2880;
	s11 =	rddreg [dreg:$0xa];
	[sflag:s2] =	ssyncadd.s32 $0xFFFFC000  }
0x26: {  	[spmem:s1] =	stream.indirect.scatter.add.f32 [tilespmem:s0], [sflag:$0x6], $0x80, s22, s26, $0xb8;
	[tilespmem:$0x1E900] =	vst v63  }
.LBB2_12:
0x27: {  	_ =	swait.ge [sflag:s16], $0x4000  }
0x28: {  	[sflag:s16] =	ssyncset.done $0x0  }
0x29: {  	[sflag:s16] =	ssyncadd.s32 $0xFFFFC000  }
0x2a: {  	_ =	swait.ge [sflag:s18], $0x4000  }
0x2b: {  	[sflag:s18] =	ssyncset.done $0x0  }
0x2c: {  	s10 =	sshrl.u32 s11, $0x3;
	s17 =	rddreg [dreg:$0x4];
	[sflag:s18] =	ssyncadd.s32 $0xFFFFC000  }
0x2d: {  	s10 =	sadd.s32 s17, s10;
	[bflag:$0x0] =	sbarrier.arrive $0xFFFF  }
0x2e: {  	[hbm:s10], [sflag:s24] =	dma.local [spmem:s25], $0x2800  }
0x2f: {  	_ =	swait.ge [sflag:s23], $0x2800  }
0x30: {  	s19 =	sadd.s32 $0x1, s19;
	s22 =	rddreg [dreg:$0xb]  }
0x31: {  	p1 =	sne.s32 s19, s22  }
.Ltmp1:
0x32: {  	_ = 	snop;
	(pc) =	sbr.rel @!p1 .LBB2_13-.Ltmp1, $3  }
0x33: {  	_ =	sdelay $0x1  }
0x34: {  	[sflag:s23] =	ssyncset.done $0x0  }
0x35: {  	s11 =	simm.s32 $0x100;
	[sflag:s23] =	ssyncadd.s32 $0xFFFFD800  }
.LBB2_1:
0x36: {  	s10 =	rddreg [dreg:$0x5]  }
0x37: {  	[tilespmem:s11], [sflag:$0x7] =	stream.linear.gather [hbm4b:s10+s3], $0x2800, $0x38;
	[tilespmem:$0x1E900] =	vst v63  }
0x38: {  	_ =	swait.ge [sflag:s23], $0x2800  }
0x39: {  	[sflag:s23] =	ssyncset.done $0x0  }
0x3a: {  	s17 =	rddreg [dreg:$0x3];
	[sflag:s23] =	ssyncadd.s32 $0xFFFFD800  }
0x3b: {  	[spmem:s25], [sflag:s24] =	dma.local [hbm:s17], $0x2800  }
0x3c: {  	_ =	swait.ge [sflag:s23], $0x2800  }
0x3d: {  	[sflag:s23] =	ssyncset.done $0x0  }
0x3e: {  	[sflag:s23] =	ssyncadd.s32 $0xFFFFD800  }
0x3f: {  	[bflag:$0x0] =	sbarrier.arrive $0xFFFF  }
0x40: {  	[tilespmem:s3], [sflag:$0x3] =	stream.linear.gather [hbm4b:s13+s3], $0x80, $0x38;
	[tilespmem:$0x1E900] =	vst v63  }
.Ltmp2:
0x41: {  	s22 =	rddreg [dreg:$0x6];
	(pc) =	sbr.rel @!p0 .LBB2_2-.Ltmp2, $4  }
0x42: {  	[tilespmem:s26], [sflag:$0x4] =	stream.linear.gather [hbm4b:s22+s3], $0x80, $0x38;
	[tilespmem:$0x1E900] =	vst v63  }
0x43: {  	_ =	swait.ge [sflag:s28], $0x80  }
0x44: {  	[sflag:s28] =	ssyncset.done $0x0  }
0x45: {  	[sflag:s28] =	ssyncadd.s32 $0xFFFFFF80  }
0x46: {  	[tilespmem:s29], [sflag:$0x1] =	stream.indirect.gather [hbm4b:s7+s26], $0x80, s3, s26, $0xb8;
	[tilespmem:$0x1E900] =	vst v63  }
0x47: {  	_ =	swait.ge [sflag:s30], $0x4000  }
0x48: {  	[sflag:s30] =	ssyncset.done $0x0  }
0x49: {  	[sflag:s30] =	ssyncadd.s32 $0xFFFFC000  }
0x4a: {  	[spmem:s1] =	stream.indirect.scatter.add.f32 [tilespmem:s29], [sflag:$0x5], $0x80, s11, s26, $0xb8;
	[tilespmem:$0x1E900] =	vst v63  }
0x4b: {  	_ = 	snop  }
0x4c: {  	[tilespmem:s3], [sflag:$0x3] =	stream.linear.gather [hbm4b:s20+s3], $0x80, $0x38;
	[tilespmem:$0x1E900] =	vst v63  }
0x4d: {  	_ =	swait.ge [sflag:s31], $0x80  }
0x4e: {  	[sflag:s31] =	ssyncset.done $0x0  }
0x4f: {  	[sflag:s31] =	ssyncadd.s32 $0xFFFFFF80  }
0x50: {  	[tilespmem:s0], [sflag:$0x2] =	stream.indirect.gather [hbm4b:s7+s26], $0x80, s26, s26, $0xb8;
	[tilespmem:$0x1E900] =	vst v63  }
0x51: {  	_ =	swait.ge [sflag:s2], $0x4000  }
0x52: {  	[sflag:s2] =	ssyncset.done $0x0  }
0x53: {  	s10 =	simm.s32 $0x180;
	[sflag:s2] =	ssyncadd.s32 $0xFFFFC000  }
0x54: {  	[spmem:s1] =	stream.indirect.scatter.add.f32 [tilespmem:s0], [sflag:$0x6], $0x80, s10, s26, $0xb8;
	[tilespmem:$0x1E900] =	vst v63  }
0x55: {  	_ = 	snop  }
0x56: {  	[tilespmem:s26], [sflag:$0x4] =	stream.linear.gather [hbm4b:s21+s3], $0x80, $0x38;
	[tilespmem:$0x1E900] =	vst v63  }
0x57: {  	_ =	swait.ge [sflag:s28], $0x80  }
0x58: {  	[sflag:s28] =	ssyncset.done $0x0  }
0x59: {  	[sflag:s28] =	ssyncadd.s32 $0xFFFFFF80  }
0x5a: {  	_ =	swait.ge [sflag:s16], $0x4000  }
0x5b: {  	[sflag:s16] =	ssyncset.done $0x0  }
0x5c: {  	s15 =	sadd.s32 $0x50, s6;
	[sflag:s16] =	ssyncadd.s32 $0xFFFFC000  }
0x5d: {  	[tilespmem:s29], [sflag:$0x1] =	stream.indirect.gather [hbm4b:s7+s26], $0x80, s3, s26, $0xb8;
	[tilespmem:$0x1E900] =	vst v63  }
0x5e: {  	s17 =	simm.s32 $0x40;
	s14 =	simm.s32 $0x200;
	_ =	swait.ge [sflag:s30], $0x4000  }
0x5f: {  	s12 =	sadd.s32 $0xFFFFFFF0, s15;
	s11 =	sand.u32 $0x60, s17;
	[sflag:s30] =	ssyncset.done $0x0  }
0x60: {  	s12 =	sand.u32 $0xFF80, s12;
	s11 =	sadd.s32 s9, s11;
	[sflag:s30] =	ssyncadd.s32 $0xFFFFC000  }
0x61: {  	[spmem:s1] =	stream.indirect.scatter.add.f32 [tilespmem:s29], [sflag:$0x5], $0x80, s14, s26, $0xb8;
	[tilespmem:$0x1E900] =	vst v63  }
0x62: {  	s11 =	sadd.s32 s12, s11  }
0x63: {  	[tilespmem:s3], [sflag:$0x3] =	stream.linear.gather [hbm4b:s11+s3], $0x80, $0x38;
	[tilespmem:$0x1E900] =	vst v63  }
0x64: {  	_ =	swait.ge [sflag:s31], $0x80  }
0x65: {  	[sflag:s31] =	ssyncset.done $0x0  }
0x66: {  	[sflag:s31] =	ssyncadd.s32 $0xFFFFFF80  }
0x67: {  	_ =	swait.ge [sflag:s18], $0x4000  }
0x68: {  	[sflag:s18] =	ssyncset.done $0x0  }
0x69: {  	[sflag:s18] =	ssyncadd.s32 $0xFFFFC000  }
0x6a: {  	[tilespmem:s0], [sflag:$0x2] =	stream.indirect.gather [hbm4b:s7+s26], $0x80, s26, s26, $0xb8;
	[tilespmem:$0x1E900] =	vst v63  }
0x6b: {  	s22 =	simm.s32 $0x50;
	_ =	swait.ge [sflag:s2], $0x4000  }
0x6c: {  	s17 =	simm.s32 $0x280;
	s11 =	sand.u32 $0x70, s22;
	[sflag:s2] =	ssyncset.done $0x0  }
0x6d: {  	s10 =	sand.u32 $0xFF80, s15;
	s11 =	sadd.s32 s9, s11;
	[sflag:s2] =	ssyncadd.s32 $0xFFFFC000  }
0x6e: {  	[spmem:s1] =	stream.indirect.scatter.add.f32 [tilespmem:s0], [sflag:$0x6], $0x80, s17, s26, $0xb8;
	[tilespmem:$0x1E900] =	vst v63  }
0x6f: {  	s10 =	sadd.s32 s10, s11  }
0x70: {  	[tilespmem:s26], [sflag:$0x4] =	stream.linear.gather [hbm4b:s10+s3], $0x80, $0x38;
	[tilespmem:$0x1E900] =	vst v63  }
0x71: {  	_ =	swait.ge [sflag:s28], $0x80  }
0x72: {  	[sflag:s28] =	ssyncset.done $0x0  }
0x73: {  	[sflag:s28] =	ssyncadd.s32 $0xFFFFFF80  }
0x74: {  	_ =	swait.ge [sflag:s16], $0x4000  }
0x75: {  	s11 =	simm.s32 $0x70;
	[sflag:s16] =	ssyncset.done $0x0  }
.LBB2_8:
0x76: {  	p1 =	sne.s32 s11, $0x4F0;
	[sflag:s16] =	ssyncadd.s32 $0xFFFFC000;
	s17 =	sadd.s32 $0x100, s17  }
0x77: {  	[tilespmem:s29], [sflag:$0x1] =	stream.indirect.gather [hbm4b:s7+s26], $0x80, s3, s26, $0xb8;
	[tilespmem:$0x1E900] =	vst v63  }
0x78: {  	s10 =	smov.u32 s11;
	s11 =	sadd.s32 $0x20, s11;
	_ =	swait.ge [sflag:s30], $0x4000  }
0x79: {  	s12 =	sadd.s32 s10, s6;
	s14 =	sadd.s32 $0xFFFFFFF0, s10;
	[sflag:s30] =	ssyncset.done $0x0  }
0x7a: {  	s15 =	sadd.s32 $0xFFFFFFF0, s12;
	s14 =	sand.u32 $0x60, s14;
	[sflag:s30] =	ssyncadd.s32 $0xFFFFC000  }
0x7b: {  	s22 =	sadd.s32 $0xFFFFFF80, s17;
	s15 =	sand.u32 $0xFF80, s15;
	s14 =	sadd.s32 s9, s14  }
0x7c: {  	[spmem:s1] =	stream.indirect.scatter.add.f32 [tilespmem:s29], [sflag:$0x5], $0x80, s22, s26, $0xb8;
	[tilespmem:$0x1E900] =	vst v63  }
0x7d: {  	s12 =	sand.u32 $0xFF80, s12;
	s14 =	sadd.s32 s15, s14  }
0x7e: {  	[tilespmem:s3], [sflag:$0x3] =	stream.linear.gather [hbm4b:s14+s3], $0x80, $0x38;
	[tilespmem:$0x1E900] =	vst v63  }
0x7f: {  	_ =	swait.ge [sflag:s31], $0x80  }
0x80: {  	[sflag:s31] =	ssyncset.done $0x0  }
0x81: {  	[sflag:s31] =	ssyncadd.s32 $0xFFFFFF80  }
0x82: {  	_ =	swait.ge [sflag:s18], $0x4000  }
0x83: {  	[sflag:s18] =	ssyncset.done $0x0  }
0x84: {  	[sflag:s18] =	ssyncadd.s32 $0xFFFFC000  }
0x85: {  	[tilespmem:s0], [sflag:$0x2] =	stream.indirect.gather [hbm4b:s7+s26], $0x80, s26, s26, $0xb8;
	[tilespmem:$0x1E900] =	vst v63  }
0x86: {  	s10 =	sand.u32 $0x70, s10;
	_ =	swait.ge [sflag:s2], $0x4000  }
0x87: {  	s10 =	sadd.s32 s9, s10;
	[sflag:s2] =	ssyncset.done $0x0  }
0x88: {  	s10 =	sadd.s32 s12, s10;
	[sflag:s2] =	ssyncadd.s32 $0xFFFFC000  }
0x89: {  	[spmem:s1] =	stream.indirect.scatter.add.f32 [tilespmem:s0], [sflag:$0x6], $0x80, s17, s26, $0xb8;
	[tilespmem:$0x1E900] =	vst v63  }
0x8a: {  	_ = 	snop  }
0x8b: {  	[tilespmem:s26], [sflag:$0x4] =	stream.linear.gather [hbm4b:s10+s3], $0x80, $0x38;
	[tilespmem:$0x1E900] =	vst v63  }
.Ltmp3:
0x8c: {  	_ =	swait.ge [sflag:s28], $0x80;
	(pc) =	sbr.rel @p1 .LBB2_8-.Ltmp3, $4  }
0x8d: {  	[sflag:s28] =	ssyncset.done $0x0  }
0x8e: {  	[sflag:s28] =	ssyncadd.s32 $0xFFFFFF80  }
0x8f: {  	_ =	swait.ge [sflag:s16], $0x4000  }
0x90: {  	[sflag:s16] =	ssyncset.done $0x0  }
0x91: {  	[sflag:s16] =	ssyncadd.s32 $0xFFFFC000  }
0x92: {  	[tilespmem:s29], [sflag:$0x1] =	stream.indirect.gather [hbm4b:s7+s26], $0x80, s3, s26, $0xb8;
	[tilespmem:$0x1E900] =	vst v63  }
0x93: {  	_ =	swait.ge [sflag:s30], $0x4000  }
0x94: {  	[sflag:s30] =	ssyncset.done $0x0  }
0x95: {  	s10 =	simm.s32 $0x2800;
	[sflag:s30] =	ssyncadd.s32 $0xFFFFC000  }
0x96: {  	[spmem:s1] =	stream.indirect.scatter.add.f32 [tilespmem:s29], [sflag:$0x5], $0x80, s10, s26, $0xb8;
	[tilespmem:$0x1E900] =	vst v63  }
0x97: {  	_ =	swait.ge [sflag:s31], $0x80  }
0x98: {  	[sflag:s31] =	ssyncset.done $0x0  }
0x99: {  	[sflag:s31] =	ssyncadd.s32 $0xFFFFFF80  }
0x9a: {  	_ =	swait.ge [sflag:s18], $0x4000  }
0x9b: {  	[sflag:s18] =	ssyncset.done $0x0  }
0x9c: {  	[sflag:s18] =	ssyncadd.s32 $0xFFFFC000  }
0x9d: {  	[tilespmem:s0], [sflag:$0x2] =	stream.indirect.gather [hbm4b:s7+s26], $0x80, s26, s26, $0xb8;
	[tilespmem:$0x1E900] =	vst v63  }
0x9e: {  	_ =	swait.ge [sflag:s2], $0x4000  }
0x9f: {  	[sflag:s2] =	ssyncset.done $0x0  }
0xa0: {  	s15 =	simm.s32 $0x2880;
	[sflag:s2] =	ssyncadd.s32 $0xFFFFC000  }
0xa1: {  	[spmem:s1] =	stream.indirect.scatter.add.f32 [tilespmem:s0], [sflag:$0x6], $0x80, s15, s26, $0xb8;
	[tilespmem:$0x1E900] =	vst v63  }
0xa2: {  	_ =	swait.ge [sflag:s16], $0x4000  }
0xa3: {  	[sflag:s16] =	ssyncset.done $0x0  }
0xa4: {  	[sflag:s16] =	ssyncadd.s32 $0xFFFFC000  }
0xa5: {  	_ =	swait.ge [sflag:s18], $0x4000  }
0xa6: {  	[sflag:s18] =	ssyncset.done $0x0  }
0xa7: {  	[sflag:s18] =	ssyncadd.s32 $0xFFFFC000  }
0xa8: {  	[bflag:$0x0] =	sbarrier.arrive $0xFFFF  }
0xa9: {  	s17 =	rddreg [dreg:$0x9]  }
0xaa: {  	[hbm:s17], [sflag:s24] =	dma.local [spmem:s25], $0x2800  }
0xab: {  	_ =	swait.ge [sflag:s23], $0x2800  }
0xac: {  	[sflag:s23] =	ssyncset.done $0x0  }
0xad: {  	s22 =	rddreg [dreg:$0x3];
	[sflag:s23] =	ssyncadd.s32 $0xFFFFD800  }
0xae: {  	[spmem:s25], [sflag:s24] =	dma.local [hbm:s22], $0x2800  }
0xaf: {  	_ =	swait.ge [sflag:s23], $0x2800  }
0xb0: {  	[sflag:s23] =	ssyncset.done $0x0  }
0xb1: {  	[sflag:s23] =	ssyncadd.s32 $0xFFFFD800  }
0xb2: {  	[bflag:$0x0] =	sbarrier.arrive $0xFFFF  }
0xb3: {  	[tilespmem:s3], [sflag:$0x3] =	stream.linear.gather [hbm4b:s13+s3], $0x80, $0x38;
	[tilespmem:$0x1E900] =	vst v63  }
0xb4: {  	s11 =	rddreg [dreg:$0x6]  }
0xb5: {  	[tilespmem:s26], [sflag:$0x4] =	stream.linear.gather [hbm4b:s11+s3], $0x80, $0x38;
	[tilespmem:$0x1E900] =	vst v63  }
0xb6: {  	_ =	swait.ge [sflag:s28], $0x80  }
0xb7: {  	[sflag:s28] =	ssyncset.done $0x0  }
0xb8: {  	[sflag:s28] =	ssyncadd.s32 $0xFFFFFF80  }
0xb9: {  	[tilespmem:s29], [sflag:$0x1] =	stream.indirect.gather [hbm4b:s8+s26], $0x80, s3, s26, $0xb8;
	[tilespmem:$0x1E900] =	vst v63  }
0xba: {  	_ =	swait.ge [sflag:s30], $0x4000  }
0xbb: {  	[sflag:s30] =	ssyncset.done $0x0  }
0xbc: {  	s12 =	simm.s32 $0x100;
	[sflag:s30] =	ssyncadd.s32 $0xFFFFC000  }
0xbd: {  	[spmem:s1] =	stream.indirect.scatter.add.f32 [tilespmem:s29], [sflag:$0x5], $0x80, s12, s26, $0xb8;
	[tilespmem:$0x1E900] =	vst v63  }
0xbe: {  	_ = 	snop  }
0xbf: {  	[tilespmem:s3], [sflag:$0x3] =	stream.linear.gather [hbm4b:s20+s3], $0x80, $0x38;
	[tilespmem:$0x1E900] =	vst v63  }
0xc0: {  	_ =	swait.ge [sflag:s31], $0x80  }
0xc1: {  	[sflag:s31] =	ssyncset.done $0x0  }
0xc2: {  	[sflag:s31] =	ssyncadd.s32 $0xFFFFFF80  }
0xc3: {  	[tilespmem:s0], [sflag:$0x2] =	stream.indirect.gather [hbm4b:s8+s26], $0x80, s26, s26, $0xb8;
	[tilespmem:$0x1E900] =	vst v63  }
0xc4: {  	_ =	swait.ge [sflag:s2], $0x4000  }
0xc5: {  	[sflag:s2] =	ssyncset.done $0x0  }
0xc6: {  	s14 =	simm.s32 $0x180;
	[sflag:s2] =	ssyncadd.s32 $0xFFFFC000  }
0xc7: {  	[spmem:s1] =	stream.indirect.scatter.add.f32 [tilespmem:s0], [sflag:$0x6], $0x80, s14, s26, $0xb8;
	[tilespmem:$0x1E900] =	vst v63  }
0xc8: {  	_ = 	snop  }
0xc9: {  	[tilespmem:s26], [sflag:$0x4] =	stream.linear.gather [hbm4b:s21+s3], $0x80, $0x38;
	[tilespmem:$0x1E900] =	vst v63  }
0xca: {  	_ =	swait.ge [sflag:s28], $0x80  }
0xcb: {  	[sflag:s28] =	ssyncset.done $0x0  }
0xcc: {  	[sflag:s28] =	ssyncadd.s32 $0xFFFFFF80  }
0xcd: {  	_ =	swait.ge [sflag:s16], $0x4000  }
0xce: {  	[sflag:s16] =	ssyncset.done $0x0  }
0xcf: {  	[sflag:s16] =	ssyncadd.s32 $0xFFFFC000  }
0xd0: {  	[tilespmem:s29], [sflag:$0x1] =	stream.indirect.gather [hbm4b:s8+s26], $0x80, s3, s26, $0xb8;
	[tilespmem:$0x1E900] =	vst v63  }
0xd1: {  	s15 =	sadd.s32 $0x50, s6;
	_ =	swait.ge [sflag:s30], $0x4000  }
0xd2: {  	s17 =	sadd.s32 $0xFFFFFFF0, s15;
	s11 =	simm.s32 $0x40;
	[sflag:s30] =	ssyncset.done $0x0  }
0xd3: {  	s11 =	sand.u32 $0x60, s11;
	s12 =	simm.s32 $0x200;
	[sflag:s30] =	ssyncadd.s32 $0xFFFFC000  }
0xd4: {  	[spmem:s1] =	stream.indirect.scatter.add.f32 [tilespmem:s29], [sflag:$0x5], $0x80, s12, s26, $0xb8;
	[tilespmem:$0x1E900] =	vst v63  }
0xd5: {  	s11 =	sadd.s32 s9, s11;
	s12 =	sand.u32 $0xFF80, s17  }
0xd6: {  	s11 =	sadd.s32 s12, s11  }
0xd7: {  	[tilespmem:s3], [sflag:$0x3] =	stream.linear.gather [hbm4b:s11+s3], $0x80, $0x38;
	[tilespmem:$0x1E900] =	vst v63  }
0xd8: {  	_ =	swait.ge [sflag:s31], $0x80  }
0xd9: {  	[sflag:s31] =	ssyncset.done $0x0  }
0xda: {  	[sflag:s31] =	ssyncadd.s32 $0xFFFFFF80  }
0xdb: {  	_ =	swait.ge [sflag:s18], $0x4000  }
0xdc: {  	[sflag:s18] =	ssyncset.done $0x0  }
0xdd: {  	[sflag:s18] =	ssyncadd.s32 $0xFFFFC000  }
0xde: {  	[tilespmem:s0], [sflag:$0x2] =	stream.indirect.gather [hbm4b:s8+s26], $0x80, s26, s26, $0xb8;
	[tilespmem:$0x1E900] =	vst v63  }
0xdf: {  	s22 =	simm.s32 $0x50;
	_ =	swait.ge [sflag:s2], $0x4000  }
0xe0: {  	s10 =	sand.u32 $0xFF80, s15;
	s11 =	sand.u32 $0x70, s22;
	[sflag:s2] =	ssyncset.done $0x0  }
0xe1: {  	s17 =	simm.s32 $0x280;
	s11 =	sadd.s32 s9, s11;
	[sflag:s2] =	ssyncadd.s32 $0xFFFFC000  }
0xe2: {  	[spmem:s1] =	stream.indirect.scatter.add.f32 [tilespmem:s0], [sflag:$0x6], $0x80, s17, s26, $0xb8;
	[tilespmem:$0x1E900] =	vst v63  }
0xe3: {  	s10 =	sadd.s32 s10, s11  }
0xe4: {  	[tilespmem:s26], [sflag:$0x4] =	stream.linear.gather [hbm4b:s10+s3], $0x80, $0x38;
	[tilespmem:$0x1E900] =	vst v63  }
0xe5: {  	_ =	swait.ge [sflag:s28], $0x80  }
0xe6: {  	[sflag:s28] =	ssyncset.done $0x0  }
0xe7: {  	[sflag:s28] =	ssyncadd.s32 $0xFFFFFF80  }
0xe8: {  	_ =	swait.ge [sflag:s16], $0x4000  }
0xe9: {  	s11 =	simm.s32 $0x70;
	[sflag:s16] =	ssyncset.done $0x0  }
.LBB2_10:
0xea: {  	p1 =	sne.s32 s11, $0x4F0;
	[sflag:s16] =	ssyncadd.s32 $0xFFFFC000;
	s17 =	sadd.s32 $0x100, s17  }
0xeb: {  	[tilespmem:s29], [sflag:$0x1] =	stream.indirect.gather [hbm4b:s8+s26], $0x80, s3, s26, $0xb8;
	[tilespmem:$0x1E900] =	vst v63  }
0xec: {  	s10 =	smov.u32 s11;
	s11 =	sadd.s32 $0x20, s11;
	_ =	swait.ge [sflag:s30], $0x4000  }
0xed: {  	s12 =	sadd.s32 s10, s6;
	s14 =	sadd.s32 $0xFFFFFFF0, s10;
	[sflag:s30] =	ssyncset.done $0x0  }
0xee: {  	s15 =	sadd.s32 $0xFFFFFFF0, s12;
	s14 =	sand.u32 $0x60, s14;
	[sflag:s30] =	ssyncadd.s32 $0xFFFFC000  }
0xef: {  	s22 =	sadd.s32 $0xFFFFFF80, s17;
	s15 =	sand.u32 $0xFF80, s15;
	s14 =	sadd.s32 s9, s14  }
0xf0: {  	[spmem:s1] =	stream.indirect.scatter.add.f32 [tilespmem:s29], [sflag:$0x5], $0x80, s22, s26, $0xb8;
	[tilespmem:$0x1E900] =	vst v63  }
0xf1: {  	s12 =	sand.u32 $0xFF80, s12;
	s14 =	sadd.s32 s15, s14  }
0xf2: {  	[tilespmem:s3], [sflag:$0x3] =	stream.linear.gather [hbm4b:s14+s3], $0x80, $0x38;
	[tilespmem:$0x1E900] =	vst v63  }
0xf3: {  	_ =	swait.ge [sflag:s31], $0x80  }
0xf4: {  	[sflag:s31] =	ssyncset.done $0x0  }
0xf5: {  	[sflag:s31] =	ssyncadd.s32 $0xFFFFFF80  }
0xf6: {  	_ =	swait.ge [sflag:s18], $0x4000  }
0xf7: {  	[sflag:s18] =	ssyncset.done $0x0  }
0xf8: {  	[sflag:s18] =	ssyncadd.s32 $0xFFFFC000  }
0xf9: {  	[tilespmem:s0], [sflag:$0x2] =	stream.indirect.gather [hbm4b:s8+s26], $0x80, s26, s26, $0xb8;
	[tilespmem:$0x1E900] =	vst v63  }
0xfa: {  	s10 =	sand.u32 $0x70, s10;
	_ =	swait.ge [sflag:s2], $0x4000  }
0xfb: {  	s10 =	sadd.s32 s9, s10;
	[sflag:s2] =	ssyncset.done $0x0  }
0xfc: {  	s10 =	sadd.s32 s12, s10;
	[sflag:s2] =	ssyncadd.s32 $0xFFFFC000  }
0xfd: {  	[spmem:s1] =	stream.indirect.scatter.add.f32 [tilespmem:s0], [sflag:$0x6], $0x80, s17, s26, $0xb8;
	[tilespmem:$0x1E900] =	vst v63  }
0xfe: {  	_ = 	snop  }
0xff: {  	[tilespmem:s26], [sflag:$0x4] =	stream.linear.gather [hbm4b:s10+s3], $0x80, $0x38;
	[tilespmem:$0x1E900] =	vst v63  }
.Ltmp4:
0x100: {  	_ =	swait.ge [sflag:s28], $0x80;
	(pc) =	sbr.rel @p1 .LBB2_10-.Ltmp4, $4  }
0x101: {  	[sflag:s28] =	ssyncset.done $0x0  }
0x102: {  	[sflag:s28] =	ssyncadd.s32 $0xFFFFFF80  }
0x103: {  	_ =	swait.ge [sflag:s16], $0x4000  }
0x104: {  	[sflag:s16] =	ssyncset.done $0x0  }
.Ltmp5:
0x105: {  	_ = 	snop;
	(pc) =	sbr.rel .LBB2_11-.Ltmp5, $1  }
0x106: {  	_ =	sdelay $0x3  }
.LBB2_2:
0x107: {  	[tilespmem:s29], [sflag:$0x1] =	stream.indirect.gather [hbm4b:s4+s26], $0x80, s3, s26, $0xb8;
	[tilespmem:$0x1E900] =	vst v63  }
0x108: {  	_ =	swait.ge [sflag:s30], $0x4000  }
0x109: {  	[sflag:s30] =	ssyncset.done $0x0  }
0x10a: {  	[sflag:s30] =	ssyncadd.s32 $0xFFFFC000  }
0x10b: {  	[spmem:s1] =	stream.indirect.scatter.add.f32 [tilespmem:s29], [sflag:$0x5], $0x80, s11, s26, $0xb8;
	[tilespmem:$0x1E900] =	vst v63  }
0x10c: {  	_ = 	snop  }
0x10d: {  	[tilespmem:s3], [sflag:$0x3] =	stream.linear.gather [hbm4b:s20+s3], $0x80, $0x38;
	[tilespmem:$0x1E900] =	vst v63  }
0x10e: {  	_ =	swait.ge [sflag:s31], $0x80  }
0x10f: {  	[sflag:s31] =	ssyncset.done $0x0  }
0x110: {  	[sflag:s31] =	ssyncadd.s32 $0xFFFFFF80  }
0x111: {  	[tilespmem:s0], [sflag:$0x2] =	stream.indirect.gather [hbm4b:s4+s26], $0x80, s26, s26, $0xb8;
	[tilespmem:$0x1E900] =	vst v63  }
0x112: {  	_ =	swait.ge [sflag:s2], $0x4000  }
0x113: {  	[sflag:s2] =	ssyncset.done $0x0  }
0x114: {  	s10 =	simm.s32 $0x180;
	[sflag:s2] =	ssyncadd.s32 $0xFFFFC000  }
0x115: {  	[spmem:s1] =	stream.indirect.scatter.add.f32 [tilespmem:s0], [sflag:$0x6], $0x80, s10, s26, $0xb8;
	[tilespmem:$0x1E900] =	vst v63  }
0x116: {  	_ = 	snop  }
0x117: {  	[tilespmem:s26], [sflag:$0x4] =	stream.linear.gather [hbm4b:s21+s3], $0x80, $0x38;
	[tilespmem:$0x1E900] =	vst v63  }
0x118: {  	_ =	swait.ge [sflag:s28], $0x80  }
0x119: {  	[sflag:s28] =	ssyncset.done $0x0  }
0x11a: {  	[sflag:s28] =	ssyncadd.s32 $0xFFFFFF80  }
0x11b: {  	_ =	swait.ge [sflag:s16], $0x4000  }
0x11c: {  	[sflag:s16] =	ssyncset.done $0x0  }
0x11d: {  	s14 =	sadd.s32 $0x50, s6;
	[sflag:s16] =	ssyncadd.s32 $0xFFFFC000  }
0x11e: {  	[tilespmem:s29], [sflag:$0x1] =	stream.indirect.gather [hbm4b:s4+s26], $0x80, s3, s26, $0xb8;
	[tilespmem:$0x1E900] =	vst v63  }
0x11f: {  	s17 =	simm.s32 $0x40;
	s12 =	simm.s32 $0x200;
	_ =	swait.ge [sflag:s30], $0x4000  }
0x120: {  	s15 =	sadd.s32 $0xFFFFFFF0, s14;
	s17 =	sand.u32 $0x60, s17;
	[sflag:s30] =	ssyncset.done $0x0  }
0x121: {  	s15 =	sand.u32 $0xFF80, s15;
	s17 =	sadd.s32 s9, s17;
	[sflag:s30] =	ssyncadd.s32 $0xFFFFC000  }
0x122: {  	[spmem:s1] =	stream.indirect.scatter.add.f32 [tilespmem:s29], [sflag:$0x5], $0x80, s12, s26, $0xb8;
	[tilespmem:$0x1E900] =	vst v63  }
0x123: {  	s17 =	sadd.s32 s15, s17  }
0x124: {  	[tilespmem:s3], [sflag:$0x3] =	stream.linear.gather [hbm4b:s17+s3], $0x80, $0x38;
	[tilespmem:$0x1E900] =	vst v63  }
0x125: {  	_ =	swait.ge [sflag:s31], $0x80  }
0x126: {  	[sflag:s31] =	ssyncset.done $0x0  }
0x127: {  	[sflag:s31] =	ssyncadd.s32 $0xFFFFFF80  }
0x128: {  	_ =	swait.ge [sflag:s18], $0x4000  }
0x129: {  	[sflag:s18] =	ssyncset.done $0x0  }
0x12a: {  	[sflag:s18] =	ssyncadd.s32 $0xFFFFC000  }
0x12b: {  	[tilespmem:s0], [sflag:$0x2] =	stream.indirect.gather [hbm4b:s4+s26], $0x80, s26, s26, $0xb8;
	[tilespmem:$0x1E900] =	vst v63  }
0x12c: {  	s22 =	simm.s32 $0x50;
	_ =	swait.ge [sflag:s2], $0x4000  }
0x12d: {  	s11 =	sand.u32 $0xFF80, s14;
	s12 =	sand.u32 $0x70, s22;
	[sflag:s2] =	ssyncset.done $0x0  }
0x12e: {  	s12 =	sadd.s32 s9, s12;
	s17 =	simm.s32 $0x280;
	[sflag:s2] =	ssyncadd.s32 $0xFFFFC000  }
0x12f: {  	[spmem:s1] =	stream.indirect.scatter.add.f32 [tilespmem:s0], [sflag:$0x6], $0x80, s17, s26, $0xb8;
	[tilespmem:$0x1E900] =	vst v63  }
0x130: {  	s11 =	sadd.s32 s11, s12  }
0x131: {  	[tilespmem:s26], [sflag:$0x4] =	stream.linear.gather [hbm4b:s11+s3], $0x80, $0x38;
	[tilespmem:$0x1E900] =	vst v63  }
0x132: {  	_ =	swait.ge [sflag:s28], $0x80  }
0x133: {  	[sflag:s28] =	ssyncset.done $0x0  }
0x134: {  	[sflag:s28] =	ssyncadd.s32 $0xFFFFFF80  }
0x135: {  	_ =	swait.ge [sflag:s16], $0x4000  }
0x136: {  	s11 =	simm.s32 $0x70;
	[sflag:s16] =	ssyncset.done $0x0  }
.LBB2_3:
0x137: {  	p1 =	sne.s32 s11, $0x4F0;
	[sflag:s16] =	ssyncadd.s32 $0xFFFFC000;
	s17 =	sadd.s32 $0x100, s17  }
0x138: {  	[tilespmem:s29], [sflag:$0x1] =	stream.indirect.gather [hbm4b:s4+s26], $0x80, s3, s26, $0xb8;
	[tilespmem:$0x1E900] =	vst v63  }
0x139: {  	s12 =	smov.u32 s11;
	s11 =	sadd.s32 $0x20, s11;
	_ =	swait.ge [sflag:s30], $0x4000  }
0x13a: {  	s15 =	sadd.s32 s12, s6;
	s22 =	sadd.s32 $0xFFFFFFF0, s12;
	[sflag:s30] =	ssyncset.done $0x0  }
0x13b: {  	s10 =	sadd.s32 $0xFFFFFFF0, s15;
	s22 =	sand.u32 $0x60, s22;
	[sflag:s30] =	ssyncadd.s32 $0xFFFFC000  }
0x13c: {  	s14 =	sadd.s32 $0xFFFFFF80, s17;
	s10 =	sand.u32 $0xFF80, s10;
	s22 =	sadd.s32 s9, s22  }
0x13d: {  	[spmem:s1] =	stream.indirect.scatter.add.f32 [tilespmem:s29], [sflag:$0x5], $0x80, s14, s26, $0xb8;
	[tilespmem:$0x1E900] =	vst v63  }
0x13e: {  	s10 =	sadd.s32 s10, s22;
	s14 =	sand.u32 $0xFF80, s15  }
0x13f: {  	[tilespmem:s3], [sflag:$0x3] =	stream.linear.gather [hbm4b:s10+s3], $0x80, $0x38;
	[tilespmem:$0x1E900] =	vst v63  }
0x140: {  	_ =	swait.ge [sflag:s31], $0x80  }
0x141: {  	[sflag:s31] =	ssyncset.done $0x0  }
0x142: {  	[sflag:s31] =	ssyncadd.s32 $0xFFFFFF80  }
0x143: {  	_ =	swait.ge [sflag:s18], $0x4000  }
0x144: {  	[sflag:s18] =	ssyncset.done $0x0  }
0x145: {  	[sflag:s18] =	ssyncadd.s32 $0xFFFFC000  }
0x146: {  	[tilespmem:s0], [sflag:$0x2] =	stream.indirect.gather [hbm4b:s4+s26], $0x80, s26, s26, $0xb8;
	[tilespmem:$0x1E900] =	vst v63  }
0x147: {  	s10 =	sand.u32 $0x70, s12;
	_ =	swait.ge [sflag:s2], $0x4000  }
0x148: {  	s10 =	sadd.s32 s9, s10;
	[sflag:s2] =	ssyncset.done $0x0  }
0x149: {  	s10 =	sadd.s32 s14, s10;
	[sflag:s2] =	ssyncadd.s32 $0xFFFFC000  }
0x14a: {  	[spmem:s1] =	stream.indirect.scatter.add.f32 [tilespmem:s0], [sflag:$0x6], $0x80, s17, s26, $0xb8;
	[tilespmem:$0x1E900] =	vst v63  }
0x14b: {  	_ = 	snop  }
0x14c: {  	[tilespmem:s26], [sflag:$0x4] =	stream.linear.gather [hbm4b:s10+s3], $0x80, $0x38;
	[tilespmem:$0x1E900] =	vst v63  }
.Ltmp6:
0x14d: {  	_ =	swait.ge [sflag:s28], $0x80;
	(pc) =	sbr.rel @p1 .LBB2_3-.Ltmp6, $4  }
0x14e: {  	[sflag:s28] =	ssyncset.done $0x0  }
0x14f: {  	[sflag:s28] =	ssyncadd.s32 $0xFFFFFF80  }
0x150: {  	_ =	swait.ge [sflag:s16], $0x4000  }
0x151: {  	[sflag:s16] =	ssyncset.done $0x0  }
0x152: {  	[sflag:s16] =	ssyncadd.s32 $0xFFFFC000  }
0x153: {  	[tilespmem:s29], [sflag:$0x1] =	stream.indirect.gather [hbm4b:s4+s26], $0x80, s3, s26, $0xb8;
	[tilespmem:$0x1E900] =	vst v63  }
0x154: {  	_ =	swait.ge [sflag:s30], $0x4000  }
0x155: {  	[sflag:s30] =	ssyncset.done $0x0  }
0x156: {  	s10 =	simm.s32 $0x2800;
	[sflag:s30] =	ssyncadd.s32 $0xFFFFC000  }
0x157: {  	[spmem:s1] =	stream.indirect.scatter.add.f32 [tilespmem:s29], [sflag:$0x5], $0x80, s10, s26, $0xb8;
	[tilespmem:$0x1E900] =	vst v63  }
0x158: {  	_ =	swait.ge [sflag:s31], $0x80  }
0x159: {  	[sflag:s31] =	ssyncset.done $0x0  }
0x15a: {  	[sflag:s31] =	ssyncadd.s32 $0xFFFFFF80  }
0x15b: {  	_ =	swait.ge [sflag:s18], $0x4000  }
0x15c: {  	[sflag:s18] =	ssyncset.done $0x0  }
0x15d: {  	[sflag:s18] =	ssyncadd.s32 $0xFFFFC000  }
0x15e: {  	[tilespmem:s0], [sflag:$0x2] =	stream.indirect.gather [hbm4b:s4+s26], $0x80, s26, s26, $0xb8;
	[tilespmem:$0x1E900] =	vst v63  }
0x15f: {  	_ =	swait.ge [sflag:s2], $0x4000  }
0x160: {  	[sflag:s2] =	ssyncset.done $0x0  }
0x161: {  	s15 =	simm.s32 $0x2880;
	[sflag:s2] =	ssyncadd.s32 $0xFFFFC000  }
0x162: {  	[spmem:s1] =	stream.indirect.scatter.add.f32 [tilespmem:s0], [sflag:$0x6], $0x80, s15, s26, $0xb8;
	[tilespmem:$0x1E900] =	vst v63  }
0x163: {  	_ =	swait.ge [sflag:s16], $0x4000  }
0x164: {  	[sflag:s16] =	ssyncset.done $0x0  }
0x165: {  	[sflag:s16] =	ssyncadd.s32 $0xFFFFC000  }
0x166: {  	_ =	swait.ge [sflag:s18], $0x4000  }
0x167: {  	[sflag:s18] =	ssyncset.done $0x0  }
0x168: {  	[sflag:s18] =	ssyncadd.s32 $0xFFFFC000  }
0x169: {  	[bflag:$0x0] =	sbarrier.arrive $0xFFFF  }
0x16a: {  	s17 =	rddreg [dreg:$0x7]  }
0x16b: {  	[hbm:s17], [sflag:s24] =	dma.local [spmem:s25], $0x2800  }
0x16c: {  	_ =	swait.ge [sflag:s23], $0x2800  }
0x16d: {  	[sflag:s23] =	ssyncset.done $0x0  }
0x16e: {  	s22 =	rddreg [dreg:$0x3];
	[sflag:s23] =	ssyncadd.s32 $0xFFFFD800  }
0x16f: {  	[spmem:s25], [sflag:s24] =	dma.local [hbm:s22], $0x2800  }
0x170: {  	_ =	swait.ge [sflag:s23], $0x2800  }
0x171: {  	[sflag:s23] =	ssyncset.done $0x0  }
0x172: {  	[sflag:s23] =	ssyncadd.s32 $0xFFFFD800  }
0x173: {  	[bflag:$0x0] =	sbarrier.arrive $0xFFFF  }
0x174: {  	[tilespmem:s3], [sflag:$0x3] =	stream.linear.gather [hbm4b:s13+s3], $0x80, $0x38;
	[tilespmem:$0x1E900] =	vst v63  }
0x175: {  	s11 =	rddreg [dreg:$0x6]  }
0x176: {  	[tilespmem:s26], [sflag:$0x4] =	stream.linear.gather [hbm4b:s11+s3], $0x80, $0x38;
	[tilespmem:$0x1E900] =	vst v63  }
0x177: {  	_ =	swait.ge [sflag:s28], $0x80  }
0x178: {  	[sflag:s28] =	ssyncset.done $0x0  }
0x179: {  	[sflag:s28] =	ssyncadd.s32 $0xFFFFFF80  }
0x17a: {  	[tilespmem:s29], [sflag:$0x1] =	stream.indirect.gather [hbm4b:s5+s26], $0x80, s3, s26, $0xb8;
	[tilespmem:$0x1E900] =	vst v63  }
0x17b: {  	_ =	swait.ge [sflag:s30], $0x4000  }
0x17c: {  	[sflag:s30] =	ssyncset.done $0x0  }
0x17d: {  	s12 =	simm.s32 $0x100;
	[sflag:s30] =	ssyncadd.s32 $0xFFFFC000  }
0x17e: {  	[spmem:s1] =	stream.indirect.scatter.add.f32 [tilespmem:s29], [sflag:$0x5], $0x80, s12, s26, $0xb8;
	[tilespmem:$0x1E900] =	vst v63  }
0x17f: {  	_ = 	snop  }
0x180: {  	[tilespmem:s3], [sflag:$0x3] =	stream.linear.gather [hbm4b:s20+s3], $0x80, $0x38;
	[tilespmem:$0x1E900] =	vst v63  }
0x181: {  	_ =	swait.ge [sflag:s31], $0x80  }
0x182: {  	[sflag:s31] =	ssyncset.done $0x0  }
0x183: {  	[sflag:s31] =	ssyncadd.s32 $0xFFFFFF80  }
0x184: {  	[tilespmem:s0], [sflag:$0x2] =	stream.indirect.gather [hbm4b:s5+s26], $0x80, s26, s26, $0xb8;
	[tilespmem:$0x1E900] =	vst v63  }
0x185: {  	_ =	swait.ge [sflag:s2], $0x4000  }
0x186: {  	[sflag:s2] =	ssyncset.done $0x0  }
0x187: {  	s14 =	simm.s32 $0x180;
	[sflag:s2] =	ssyncadd.s32 $0xFFFFC000  }
0x188: {  	[spmem:s1] =	stream.indirect.scatter.add.f32 [tilespmem:s0], [sflag:$0x6], $0x80, s14, s26, $0xb8;
	[tilespmem:$0x1E900] =	vst v63  }
0x189: {  	_ = 	snop  }
0x18a: {  	[tilespmem:s26], [sflag:$0x4] =	stream.linear.gather [hbm4b:s21+s3], $0x80, $0x38;
	[tilespmem:$0x1E900] =	vst v63  }
0x18b: {  	_ =	swait.ge [sflag:s28], $0x80  }
0x18c: {  	[sflag:s28] =	ssyncset.done $0x0  }
0x18d: {  	[sflag:s28] =	ssyncadd.s32 $0xFFFFFF80  }
0x18e: {  	_ =	swait.ge [sflag:s16], $0x4000  }
0x18f: {  	[sflag:s16] =	ssyncset.done $0x0  }
0x190: {  	[sflag:s16] =	ssyncadd.s32 $0xFFFFC000  }
0x191: {  	[tilespmem:s29], [sflag:$0x1] =	stream.indirect.gather [hbm4b:s5+s26], $0x80, s3, s26, $0xb8;
	[tilespmem:$0x1E900] =	vst v63  }
0x192: {  	s15 =	sadd.s32 $0x50, s6;
	_ =	swait.ge [sflag:s30], $0x4000  }
0x193: {  	s17 =	sadd.s32 $0xFFFFFFF0, s15;
	s11 =	simm.s32 $0x40;
	[sflag:s30] =	ssyncset.done $0x0  }
0x194: {  	s11 =	sand.u32 $0x60, s11;
	s12 =	simm.s32 $0x200;
	[sflag:s30] =	ssyncadd.s32 $0xFFFFC000  }
0x195: {  	[spmem:s1] =	stream.indirect.scatter.add.f32 [tilespmem:s29], [sflag:$0x5], $0x80, s12, s26, $0xb8;
	[tilespmem:$0x1E900] =	vst v63  }
0x196: {  	s11 =	sadd.s32 s9, s11;
	s12 =	sand.u32 $0xFF80, s17  }
0x197: {  	s11 =	sadd.s32 s12, s11  }
0x198: {  	[tilespmem:s3], [sflag:$0x3] =	stream.linear.gather [hbm4b:s11+s3], $0x80, $0x38;
	[tilespmem:$0x1E900] =	vst v63  }
0x199: {  	_ =	swait.ge [sflag:s31], $0x80  }
0x19a: {  	[sflag:s31] =	ssyncset.done $0x0  }
0x19b: {  	[sflag:s31] =	ssyncadd.s32 $0xFFFFFF80  }
0x19c: {  	_ =	swait.ge [sflag:s18], $0x4000  }
0x19d: {  	[sflag:s18] =	ssyncset.done $0x0  }
0x19e: {  	[sflag:s18] =	ssyncadd.s32 $0xFFFFC000  }
0x19f: {  	[tilespmem:s0], [sflag:$0x2] =	stream.indirect.gather [hbm4b:s5+s26], $0x80, s26, s26, $0xb8;
	[tilespmem:$0x1E900] =	vst v63  }
0x1a0: {  	s22 =	simm.s32 $0x50;
	_ =	swait.ge [sflag:s2], $0x4000  }
0x1a1: {  	s10 =	sand.u32 $0xFF80, s15;
	s11 =	sand.u32 $0x70, s22;
	[sflag:s2] =	ssyncset.done $0x0  }
0x1a2: {  	s17 =	simm.s32 $0x280;
	s11 =	sadd.s32 s9, s11;
	[sflag:s2] =	ssyncadd.s32 $0xFFFFC000  }
0x1a3: {  	[spmem:s1] =	stream.indirect.scatter.add.f32 [tilespmem:s0], [sflag:$0x6], $0x80, s17, s26, $0xb8;
	[tilespmem:$0x1E900] =	vst v63  }
0x1a4: {  	s10 =	sadd.s32 s10, s11  }
0x1a5: {  	[tilespmem:s26], [sflag:$0x4] =	stream.linear.gather [hbm4b:s10+s3], $0x80, $0x38;
	[tilespmem:$0x1E900] =	vst v63  }
0x1a6: {  	_ =	swait.ge [sflag:s28], $0x80  }
0x1a7: {  	[sflag:s28] =	ssyncset.done $0x0  }
0x1a8: {  	[sflag:s28] =	ssyncadd.s32 $0xFFFFFF80  }
0x1a9: {  	_ =	swait.ge [sflag:s16], $0x4000  }
0x1aa: {  	s11 =	simm.s32 $0x70;
	[sflag:s16] =	ssyncset.done $0x0  }
.LBB2_5:
0x1ab: {  	p1 =	seq.s32 s11, $0x4F0;
	[sflag:s16] =	ssyncadd.s32 $0xFFFFC000;
	s17 =	sadd.s32 $0x100, s17  }
0x1ac: {  	[tilespmem:s29], [sflag:$0x1] =	stream.indirect.gather [hbm4b:s5+s26], $0x80, s3, s26, $0xb8;
	[tilespmem:$0x1E900] =	vst v63  }
0x1ad: {  	s10 =	smov.u32 s11;
	s11 =	sadd.s32 $0x20, s11;
	_ =	swait.ge [sflag:s30], $0x4000  }
0x1ae: {  	s12 =	sadd.s32 s10, s6;
	s14 =	sadd.s32 $0xFFFFFFF0, s10;
	[sflag:s30] =	ssyncset.done $0x0  }
0x1af: {  	s15 =	sadd.s32 $0xFFFFFFF0, s12;
	s14 =	sand.u32 $0x60, s14;
	[sflag:s30] =	ssyncadd.s32 $0xFFFFC000  }
0x1b0: {  	s22 =	sadd.s32 $0xFFFFFF80, s17;
	s15 =	sand.u32 $0xFF80, s15;
	s14 =	sadd.s32 s9, s14  }
0x1b1: {  	[spmem:s1] =	stream.indirect.scatter.add.f32 [tilespmem:s29], [sflag:$0x5], $0x80, s22, s26, $0xb8;
	[tilespmem:$0x1E900] =	vst v63  }
0x1b2: {  	s12 =	sand.u32 $0xFF80, s12;
	s14 =	sadd.s32 s15, s14  }
0x1b3: {  	[tilespmem:s3], [sflag:$0x3] =	stream.linear.gather [hbm4b:s14+s3], $0x80, $0x38;
	[tilespmem:$0x1E900] =	vst v63  }
0x1b4: {  	_ =	swait.ge [sflag:s31], $0x80  }
0x1b5: {  	[sflag:s31] =	ssyncset.done $0x0  }
0x1b6: {  	[sflag:s31] =	ssyncadd.s32 $0xFFFFFF80  }
0x1b7: {  	_ =	swait.ge [sflag:s18], $0x4000  }
0x1b8: {  	[sflag:s18] =	ssyncset.done $0x0  }
0x1b9: {  	[sflag:s18] =	ssyncadd.s32 $0xFFFFC000  }
0x1ba: {  	[tilespmem:s0], [sflag:$0x2] =	stream.indirect.gather [hbm4b:s5+s26], $0x80, s26, s26, $0xb8;
	[tilespmem:$0x1E900] =	vst v63  }
0x1bb: {  	s10 =	sand.u32 $0x70, s10;
	_ =	swait.ge [sflag:s2], $0x4000  }
0x1bc: {  	s10 =	sadd.s32 s9, s10;
	[sflag:s2] =	ssyncset.done $0x0  }
0x1bd: {  	s10 =	sadd.s32 s12, s10;
	[sflag:s2] =	ssyncadd.s32 $0xFFFFC000  }
0x1be: {  	[spmem:s1] =	stream.indirect.scatter.add.f32 [tilespmem:s0], [sflag:$0x6], $0x80, s17, s26, $0xb8;
	[tilespmem:$0x1E900] =	vst v63  }
0x1bf: {  	_ = 	snop  }
0x1c0: {  	[tilespmem:s26], [sflag:$0x4] =	stream.linear.gather [hbm4b:s10+s3], $0x80, $0x38;
	[tilespmem:$0x1E900] =	vst v63  }
.Ltmp7:
0x1c1: {  	_ =	swait.ge [sflag:s28], $0x80;
	(pc) =	sbr.rel @!p1 .LBB2_5-.Ltmp7, $4  }
0x1c2: {  	[sflag:s28] =	ssyncset.done $0x0  }
0x1c3: {  	[sflag:s28] =	ssyncadd.s32 $0xFFFFFF80  }
0x1c4: {  	_ =	swait.ge [sflag:s16], $0x4000  }
0x1c5: {  	[sflag:s16] =	ssyncset.done $0x0  }
0x1c6: {  	[sflag:s16] =	ssyncadd.s32 $0xFFFFC000  }
0x1c7: {  	[tilespmem:s29], [sflag:$0x1] =	stream.indirect.gather [hbm4b:s5+s26], $0x80, s3, s26, $0xb8;
	[tilespmem:$0x1E900] =	vst v63  }
0x1c8: {  	_ =	swait.ge [sflag:s30], $0x4000  }
0x1c9: {  	[sflag:s30] =	ssyncset.done $0x0  }
0x1ca: {  	s10 =	simm.s32 $0x2800;
	[sflag:s30] =	ssyncadd.s32 $0xFFFFC000  }
0x1cb: {  	[spmem:s1] =	stream.indirect.scatter.add.f32 [tilespmem:s29], [sflag:$0x5], $0x80, s10, s26, $0xb8;
	[tilespmem:$0x1E900] =	vst v63  }
0x1cc: {  	_ =	swait.ge [sflag:s31], $0x80  }
0x1cd: {  	[sflag:s31] =	ssyncset.done $0x0  }
0x1ce: {  	[sflag:s31] =	ssyncadd.s32 $0xFFFFFF80  }
0x1cf: {  	_ =	swait.ge [sflag:s18], $0x4000  }
0x1d0: {  	[sflag:s18] =	ssyncset.done $0x0  }
0x1d1: {  	[sflag:s18] =	ssyncadd.s32 $0xFFFFC000  }
0x1d2: {  	[tilespmem:s0], [sflag:$0x2] =	stream.indirect.gather [hbm4b:s5+s26], $0x80, s26, s26, $0xb8;
	[tilespmem:$0x1E900] =	vst v63  }
.Ltmp8:
0x1d3: {  	_ = 	snop;
	(pc) =	sbr.rel .LBB2_12-.Ltmp8, $4  }
0x1d4: {  	_ =	swait.ge [sflag:s2], $0x4000  }
0x1d5: {  	[sflag:s2] =	ssyncset.done $0x0  }
0x1d6: {  	s22 =	simm.s32 $0x2880;
	s11 =	rddreg [dreg:$0x8];
	[sflag:s2] =	ssyncadd.s32 $0xFFFFC000  }
0x1d7: {  	[spmem:s1] =	stream.indirect.scatter.add.f32 [tilespmem:s0], [sflag:$0x6], $0x80, s22, s26, $0xb8;
	[tilespmem:$0x1E900] =	vst v63  }
.LBB2_13:
0x1d8: {  	_ =	sfence.sel $0x180000  }
0x1d9: {  	[bflag:$0x0] =	sbarrier.arrive $0xFFFF  }
0x1da: {  	_ =	strace $0x90000053  }
0x1db: {  	s0 =	stileid.u32;
	[bflag:$0x2] =	sbarrier.arrive $0xFFFF  }
0x1dc: {  	p0 =	sne.s32 s0, $0x0;
	s0 =	rddreg [dreg:$0x2]  }
0x1dd: {  	s0 =	sadd.s32 @!p0 $0x100000, s0  }
0x1de: {  	[sflag:s0] =	ssyncadd.tile.s32 @!p0 $0x1;
	_ =	shalt  }
.Lfunc_end2:
_tile_overlayer_lowered:
.L_overlay_start_2:
0x1df: {  	(tag) =	ssettag $0x2  }
0x1e0: {  	s0 =	rddreg [dreg:$0x0];
	s2 =	stileid.u32  }
0x1e1: {  	s1 =	rddreg [dreg:$0x1];
	p0 =	sne.s32 s2, $0x0  }
0x1e2: {  	s3 =	rddreg [dreg:$0x2];
	[bflag:$0x3] =	sbarrier.arrive $0xFFFF;
	s2 =	simm.s32 @!p0 $0x1C07  }
0x1e3: {  	[timem:s3], [sflag:s2] =	dma.local @!p0 [hbm:s0], s1  }
0x1e4: {  	s0 =	simm.s32 @!p0 $0x7  }
0x1e5: {  	_ =	swait.ge @!p0 [sflag:s0], s1  }
0x1e6: {  	s1 =	ssub.s32 @!p0 $0x0, s1;
	[sflag:s0] =	ssyncset.done @!p0 $0x0  }
0x1e7: {  	[sflag:s0] =	ssyncadd.s32 @!p0 s1  }
0x1e8: {  	[bflag:$0x3] =	sbarrier.arrive $0xFFFF  }
0x1e9: {  	_ =	shalt  }

// kernel: sparse-core-data-format-call.cloned.1.call-start
scs
called_computation_lowered:
.L_overlay_start_0:
0x0: {  	s1 =	sld [smem:$0x3FD9]  }
0x1: {  	s2 =	sld [smem:$0x3FFE];
	_ =	sdelay $0x1  }
0x2: {  	s3 =	srdreg.scid  }
0x3: {  	s0 =	sand.u32 $0x1, s3  }
0x4: {  	s17 =	sshll.u32 s0, $0xA;
	s1 =	sadd.s32 s2, s1  }
0x5: {  	s1 =	sadd.s32 s1, s17  }
0x6: {  	[smem:$0x3FBC] =	sst s1  }
0x7: {  	_ = 	snop  }
0x8: {  	(tm) =	ssettm $0x1  }
0x9: {  	s18 =	sld [smem:$0x3FFB];
	_ =	sdelay $0x3  }
0xa: {  	_ =	strace s18  }
0xb: {  	s1 =	sld [smem:$0x3FFC];
	_ =	sdelay $0x3  }
0xc: {  	_ =	strace s1  }
0xd: {  	s1 =	sld [smem:$0x3FFD];
	_ =	sdelay $0x3  }
0xe: {  	_ =	strace s1  }
0xf: {  	_ =	strace $0x8FFFFFFF  }
0x10: {  	s19 =	sld [smem:$0x3FDB];
	_ =	sdelay $0x1  }
0x11: {  	s20 =	simm.s32 $_scs_section_size  }
0x12: {  	s4 =	simm.s32 $_size__tile_overlayer_lowered;
	s5 =	simm.s32 $_tile_overlayer_lowered  }
0x13: {  	s23 =	simm.s32 $0x1BFF;
	s22 =	sshll.u32 s5, $0x1;
	s1 =	sadd.s32 s20, s19  }
0x14: {  	s6 =	simm.s32 $0x0;
	s21 =	sshll.u32 s4, $0x1;
	s4 =	sadd.s32 s22, s1  }
0x15: {  	[timem:s6], [sflag:s23] =	dma.local [hbm:s4], s21  }
0x16: {  	_ =	swait.ge [sflag:s23], s21  }
0x17: {  	s2 =	ssub.s32 $0x0, s21;
	[sflag:s23] =	ssyncset.done $0x0  }
0x18: {  	[sflag:s23] =	ssyncadd.s32 s2;
	_ =	sdelay $0x1  }
0x19: {  	s24 =	simm.s32 $0x1B8B  }
0x1a: {  	_ =	swait.ge [sflag:s24], $0x1  }
0x1b: {  	[sflag:s24] =	ssyncset.done $0x0  }
0x1c: {  	s26 =	simm.s32 $0x1B8E;
	s25 =	sld [smem:$0x3FFE];
	[sflag:s24] =	ssyncadd.s32 $0xFFFFFFFF  }
0x1d: {  	s27 =	simm.s32 $execute0_lowered;
	[smem:$0x3FD2] =	sst s26  }
0x1e: {  	s4 =	sshll.u32 s27, $0x1;
	_ =	strace $0x80000046;
	[dreg:$0x1] =	wrdreg $0xFFFFFFFF  }
0x1f: {  	s28 =	simm.s32 $_size_execute0_lowered;
	s1 =	sadd.s32 s1, s4;
	[dreg:$0x0] =	wrdreg $0x0  }
0x20: {  	s4 =	sshll.u32 s28, $0x1;
	[dreg:$0x2] =	wrdreg s1  }
0x21: {  	[dreg:$0x3] =	wrdreg s4  }
0x22: {  	[dreg:$0x4] =	wrdreg $0xC0  }
0x23: {  	_ =	task [dreg:s6], $0x5FFFF  }
0x24: {  	[dreg:$0x1] =	wrdreg $0xFFFFFFFF  }
0x25: {  	[dreg:$0x0] =	wrdreg $0x60  }
0x26: {  	[dreg:$0x2] =	wrdreg s25  }
0x27: {  	[dreg:$0x3] =	wrdreg $0xA  }
0x28: {  	_ =	task.clear_ibuf [dreg:s6], $0x4FFFF;
	_ =	strace $0x90000046  }
0x29: {  	s29 =	simm.s32 $0xA;
	_ =	strace $0x80000048  }
0x2a: {  	_ =	swait.ge [sflag:s29], $0x1  }
0x2b: {  	[sflag:s29] =	ssyncadd.s32 $0xFFFFFFFF  }
0x2c: {  	_ =	strace $0x90000048  }
0x2d: {  	_ =	sfence  }
0x2e: {  	s30 =	sld [smem:$0x0];
	_ =	sdelay $0x2  }
0x2f: {  	s31 =	sshll.u32 s3, $0xD;
	s3 =	sshrl.u32 s3, $0x2  }
0x30: {  	s2 =	sand.u32 $0x4000, s31;
	s1 =	sadd.s32 s3, s30  }
0x31: {  	s0 =	sor.u32 s2, s0;
	s1 =	sshll.u32 s1, $0x11  }
0x32: {  	s0 =	sor.u32 s1, s0  }
0x33: {  	s0 =	sadd.s32 $0x8F2B, s0  }
0x34: {  	[sflag:s0] =	ssyncadd.remote.s32 $0x1  }
0x35: {  	_ =	sfence.sel $0xFFFF  }
0x36: {  	[dreg:$0x0] =	wrdreg $0xFFFFFFFF;
	(pc) =	sbr.abs _section_cstart, $3  }
0x37: {  	[dreg:$0x1] =	wrdreg $0xFFFFFFFF  }
0x38: {  	_ =	task.clear_ibuf [dreg:s6], $0x2FFFF;
	_ =	strace $0x9FFFFFFF  }
0x39: {  	(tm) =	ssettm $0x7FFFFFFF  }
tec
execute0_lowered:
.L_overlay_start_1:
0x0: {  	(tag) =	ssettag $0x1  }
0x1: {  	s0 =	srdreg.scid  }
0x2: {  	s5 =	rddreg [dreg:$0x0];
	s1 =	sshll.u32 s0, $0x4  }
0x3: {  	s4 =	simm.s32 $0x1;
	s0 =	stileid.u32;
	s1 =	sand.u32 $0x10, s1  }
0x4: {  	s8 =	simm.s32 $0x2;
	s12 =	simm.s32 $0x0;
	s2 =	sor.u32 s0, s1  }
0x5: {  	s11 =	simm.s32 $0x0;
	s9 =	simm.s32 $0x0;
	s2 =	sshll.u32 s2, $0x7  }
0x6: {  	s10 =	simm.s32 $0x0;
	s3 =	sadd.s32 $0x3600, s5;
	s6 =	ssub.s32 $0x28000, s2  }
.Ltmp0:
0x7: {  	s1 =	rddreg [dreg:$0x1];
	s7 =	sand.u32 $0xF80, s6;
	(pc) =	sbr.rel .LBB1_1-.Ltmp0, $4  }
0x8: {  	_ =	strace $0x80000047;
	p0 =	sne.s32 s7, $0x0;
	s7 =	simm.s32 $0x1  }
0x9: {  	[sflag:s4] =	ssyncpa.u1 $0x0;
	s6 =	sshrl.u32 s6, $0xC;
	s7 =	simm.s32 @!p0 $0x0  }
0xa: {  	s5 =	sadd.s32 $0x283600, s5;
	[sflag:s8] =	ssyncpa.u1 $0x0;
	s6 =	sadd.s32 s7, s6  }
0xb: {  	s8 =	smov.u32 s2;
	p0 =	por $0x0, $0x0;
	s7 =	sadd.s32 $0x1, s6  }
.LBB1_4:
0xc: {  	s12 =	sshll.u32 s12, $0x7;
	s18 =	sshll.u32 s11, $0x3  }
0xd: {  	v5 =	vld [tilespmem:s16+$0xFFFFFFD0];
	[tilespmem:s15+$0x2040 ss:$0x81] =	vst.msk $0xffff, v4;
	s19 =	sand.u32 $0xFFFFFC00, s12;
	s18 =	sand.u32 $0xFFFFFC00, s18  }
0xe: {  	v58 =	vld [tilespmem:s16+$0xFFFFFFE0];
	[tilespmem:s15+$0x2850 ss:$0x81] =	vst.msk $0xffff, v3;
	s12 =	sand.u32 $0x380, s12;
	s18 =	sadd.s32 s18, s19  }
0xf: {  	s17 =	sshra.s32 s17, $0x2;
	v59 =	vld [tilespmem:s16+$0xFFFFFFF0];
	[tilespmem:s15+$0x3060 ss:$0x81] =	vst.msk $0xffff, v2;
	s12 =	sor.u32 s12, s18  }
0x10: {  	v60 =	vld [tilespmem:s16+$0x0];
	[tilespmem:s15+$0x0 ss:$0x81] =	vst.msk $0xffff, v0;
	s14 =	sadd.s32 s17, s14;
	s12 =	sshrl.u32 s12, $0x7  }
0x11: {  	v61 =	vld [tilespmem:s16+$0x10];
	[tilespmem:s14+$0x3870 ss:$0x81] =	vst.msk $0xffff, v1;
	s28 =	smulhi.u32 $0xCCCCCD, s12  }
0x12: {  	v62 =	vld [tilespmem:s16+$0x20];
	[tilespmem:s14+$0x810 ss:$0x81] =	vst.msk $0xffff, v5  }
0x13: {  	v63 =	vld [tilespmem:s16+$0xFFFFFFC0];
	[tilespmem:s14+$0x1020 ss:$0x81] =	vst.msk $0xffff, v58;
	s15 =	sshrl.u32 s28, $0x9  }
0x14: {  	[tilespmem:s14+$0x1830 ss:$0x81] =	vst.msk $0xffff, v59;
	s15 =	smul.u32 $0x28000, s15  }
0x15: {  	s29 =	sshrl.u32 s11, $0x3;
	[tilespmem:s14+$0x2040 ss:$0x81] =	vst.msk $0xffff, v60  }
0x16: {  	s30 =	sand.u32 $0xF, s29;
	[tilespmem:s14+$0x2850 ss:$0x81] =	vst.msk $0xffff, v61;
	s12 =	ssub.s32 s12, s15  }
0x17: {  	[tilespmem:s14+$0x3060 ss:$0x81] =	vst.msk $0xffff, v62;
	s15 =	sadd.s32 s5, s30;
	s12 =	sshll.u32 s12, $0x4  }
0x18: {  	s31 =	sand.u32 $0x7, s11;
	[tilespmem:s14+$0x0 ss:$0x81] =	vst.msk $0xffff, v63;
	s12 =	sadd.s32 s12, s15  }
0x19: {  	[hbm4b:s12+s31] =	stream.linear.scatter [tilespmem:s13], [sflag:$0x2], $0x4000, $0x20;
	[tilespmem:$0x10100] =	vst v63  }
.LBB1_5:
0x1a: {  	s13 =	sadd.s32 $0x1000, s8  }
0x1b: {  	s11 =	sadd.s32 $0x80, s9;
	s15 =	smov.u32 s9;
	p2 =	sgt.s32 s13, $0x27FFF  }
0x1c: {  	s15 =	smov.u32 @p2 s11  }
0x1d: {  	s13 =	smov.u32 @p2 s2;
	p2 =	sgt.s32 s15, $0x7F  }
0x1e: {  	s15 =	simm.s32 @p2 $0x0;
	p2 =	sne.s32 s10, s7  }
.Ltmp1:
0x1f: {  	p1 =	slt.u32 s10, $0x2;
	(pc) =	sbr.rel @!p2 .LBB1_6-.Ltmp1, $4  }
0x20: {  	s14 =	simm.s32 @!p1 $0x2  }
0x21: {  	s12 =	smov.u32 s8;
	p0 =	por !p0, !p0;
	_ =	swait.ge @!p1 [sflag:s14], $0x4000  }
0x22: {  	s11 =	smov.u32 s9;
	[sflag:s14] =	ssyncset.done @!p1 $0x0;
	s8 =	smov.u32 s13  }
0x23: {  	s10 =	sadd.s32 $0x1, s10;
	[sflag:s14] =	ssyncadd.s32 @!p1 $0xFFFFC000;
	s9 =	smov.u32 s15  }
.LBB1_1:
0x24: {  	p1 =	sge.u32 s10, s6  }
0x25: {  	s13 =	sshrl.u32 @!p1 s9, $0x3  }
0x26: {  	s14 =	sshll.u32 @!p1 s8, $0x3;
	s15 =	sshll.u32 @!p1 s9, $0x7;
	s13 =	smul.u32 @!p1 $0x140000, s13  }
0x27: {  	s16 =	sand.u32 @!p1 $0x7F, s8;
	s14 =	sand.u32 @!p1 $0xFFFFFC00, s14;
	s15 =	sand.u32 @!p1 $0x380, s15  }
0x28: {  	s13 =	sadd.s32 @!p1 s13, s14;
	s14 =	sor.u32 @!p1 s16, s15  }
0x29: {  	s14 =	sor.u32 @!p1 s13, s14  }
0x2a: {  	s15 =	smulhi.u32 @!p1 $0xCCCCCCCD, s14;
	_ =	sdelay $0x1  }
0x2b: {  	s13 =	smulhi.u32 @!p1 $0xCCCCCCCD, s13;
	s15 =	sshrl.u32 @!p1 s15, $0x11  }
0x2c: {  	s15 =	smul.u32 @!p1 $0x28000, s15  }
0x2d: {  	s31 =	sadd.s32 $0xFFFFFFFF, s10;
	s16 =	sxor.u32 @!p1 $0xFFFFFFFF, s10;
	s13 =	sshrl.u32 @!p1 s13, $0x11  }
0x2e: {  	s16 =	sshll.u32 @!p1 s16, $0xE;
	s13 =	sand.u32 @!p1 $0x7F, s13;
	s14 =	ssub.s32 @!p1 s14, s15  }
0x2f: {  	s13 =	smul.u32 @!p1 $0x5000, s13;
	s15 =	sshrl.u32 @!p1 s14, $0x3;
	s14 =	sand.u32 @!p1 $0x7, s14  }
0x30: {  	s16 =	sand.u32 @!p1 $0x4000, s16;
	s15 =	sadd.s32 @!p1 s3, s15;
	s14 =	sshll.u32 @!p1 s14, $0x12  }
0x31: {  	s13 =	sadd.s32 @!p1 s13, s15;
	s14 =	sor.u32 @!p1 $0x400, s14;
	s15 =	simm.s32 @!p1 $0x140000  }
0x32: {  	[tilespmem:s16], [sflag:$0x1] =	stream.strided.gather @!p1 [hbm4b:s13+s14], $0x4000, s15, s14, $0x38;
	[tilespmem:$0x10100] =	vst v63  }
0x33: {  	p1 =	sge.u32 s31, s6  }
.Ltmp2:
0x34: {  	_ = 	snop;
	(pc) =	sbr.rel @p1 .LBB1_5-.Ltmp2, $1  }
0x35: {  	_ =	sdelay $0x3  }
0x36: {  	s13 =	simm.s32 $0x1  }
0x37: {  	_ =	swait.ge [sflag:s4], $0x4000;
	s13 =	simm.s32 @!p0 $0x0  }
0x38: {  	[sflag:s4] =	ssyncset.done $0x0;
	s14 =	sshll.u32 s13, $0xE  }
0x39: {  	[sflag:s4] =	ssyncadd.s32 $0xFFFFC000;
	s16 =	sor.u32 $0x40, s14  }
0x3a: {  	s13 =	smul.u32 $0x10200, s13;
	v0 =	vld [tilespmem:s16+$0x30]  }
0x3b: {  	v1 =	vld [tilespmem:s16+$0xFFFFFFD0]  }
0x3c: {  	s13 =	sshrl.u32 s13, $0x2;
	v5 =	vld [tilespmem:s16+$0xFFFFFFE0]  }
0x3d: {  	v6 =	vld [tilespmem:s16+$0xFFFFFFF0];
	s14 =	sor.u32 $0x8000, s13  }
0x3e: {  	s31 =	sand.u32 $0x1, s10;
	v4 =	vld [tilespmem:s16+$0x0];
	s15 =	sadd.s32 $0x0, s14  }
0x3f: {  	v3 =	vld [tilespmem:s16+$0x10];
	s13 =	smul.u32 $0x10200, s31;
	[tilespmem:s15+$0x3870 ss:$0x81] =	vst.msk $0xffff, v0  }
0x40: {  	v2 =	vld [tilespmem:s16+$0x20];
	[tilespmem:s15+$0x810 ss:$0x81] =	vst.msk $0xffff, v1  }
0x41: {  	s13 =	sshrl.u32 s13, $0x2;
	v0 =	vld [tilespmem:s16+$0xFFFFFFC0];
	[tilespmem:s15+$0x1020 ss:$0x81] =	vst.msk $0xffff, v5;
	s16 =	sadd.s32 $0x80, s16  }
0x42: {  	s17 =	simm.s32 $0x4;
	s18 =	simm.s32 $0x8;
	s13 =	sor.u32 $0x8000, s13;
	[tilespmem:s15+$0x1830 ss:$0x81] =	vst.msk $0xffff, v6;
	v1 =	vld [tilespmem:s16+$0x30]  }
.LBB1_3:
0x43: {  	p1 =	sne.s32 s18, $0x1FC;
	v5 =	vld [tilespmem:s16+$0xFFFFFFD0];
	[tilespmem:s15+$0x2040 ss:$0x81] =	vst.msk $0xffff, v4  }
0x44: {  	v6 =	vld [tilespmem:s16+$0xFFFFFFE0];
	[tilespmem:s15+$0x2850 ss:$0x81] =	vst.msk $0xffff, v3  }
0x45: {  	s19 =	sshra.s32 s17, $0x2;
	s17 =	smov.u32 s18;
	v7 =	vld [tilespmem:s16+$0xFFFFFFF0];
	[tilespmem:s15+$0x3060 ss:$0x81] =	vst.msk $0xffff, v2  }
.Ltmp3:
0x46: {  	v4 =	vld [tilespmem:s16+$0x0];
	[tilespmem:s15+$0x0 ss:$0x81] =	vst.msk $0xffff, v0;
	s15 =	sadd.s32 s19, s14;
	(pc) =	sbr.rel @p1 .LBB1_3-.Ltmp3, $4  }
0x47: {  	v3 =	vld [tilespmem:s16+$0x10];
	[tilespmem:s15+$0x3870 ss:$0x81] =	vst.msk $0xffff, v1  }
0x48: {  	[tilespmem:s15+$0x810 ss:$0x81] =	vst.msk $0xffff, v5;
	v2 =	vld [tilespmem:s16+$0x20]  }
0x49: {  	v0 =	vld [tilespmem:s16+$0xFFFFFFC0];
	[tilespmem:s15+$0x1020 ss:$0x81] =	vst.msk $0xffff, v6;
	s16 =	sadd.s32 $0x80, s16  }
0x4a: {  	s18 =	sadd.s32 $0x4, s18;
	v1 =	vld [tilespmem:s16+$0x30];
	[tilespmem:s15+$0x1830 ss:$0x81] =	vst.msk $0xffff, v7  }
.Ltmp4:
0x4b: {  	_ = 	snop;
	(pc) =	sbr.rel .LBB1_4-.Ltmp4, $1  }
0x4c: {  	_ =	sdelay $0x3  }
.LBB1_6:
0x4d: {  	_ =	sfence.sel $0x180000  }
0x4e: {  	s2 =	simm.s32 $0x1;
	[bflag:$0x0] =	sbarrier.arrive $0xFFFF  }
0x4f: {  	s31 =	simm.s32 $0x2;
	[sflag:s2] =	ssyncpa.u1 $0x1  }
0x50: {  	[sflag:s31] =	ssyncpa.u1 $0x1  }
0x51: {  	p0 =	sne.s32 s0, $0x0;
	_ =	strace $0x90000047  }
0x52: {  	s0 =	sadd.s32 @!p0 $0x100000, s1;
	[bflag:$0x2] =	sbarrier.arrive $0xFFFF  }
0x53: {  	[sflag:s0] =	ssyncadd.tile.s32 @!p0 $0x1;
	_ =	shalt  }
.Lfunc_end1:
_tile_overlayer_lowered:
.L_overlay_start_2:
0x54: {  	(tag) =	ssettag $0x2  }
0x55: {  	s0 =	rddreg [dreg:$0x0];
	s2 =	stileid.u32  }
0x56: {  	s1 =	rddreg [dreg:$0x1];
	p0 =	sne.s32 s2, $0x0  }
0x57: {  	s3 =	rddreg [dreg:$0x2];
	[bflag:$0x3] =	sbarrier.arrive $0xFFFF;
	s2 =	simm.s32 @!p0 $0x1C01  }
0x58: {  	[timem:s3], [sflag:s2] =	dma.local @!p0 [hbm:s0], s1  }
0x59: {  	s0 =	simm.s32 @!p0 $0x1  }
0x5a: {  	_ =	swait.ge @!p0 [sflag:s0], s1  }
0x5b: {  	s1 =	ssub.s32 @!p0 $0x0, s1;
	[sflag:s0] =	ssyncset.done @!p0 $0x0  }
0x5c: {  	[sflag:s0] =	ssyncadd.s32 @!p0 s1  }
0x5d: {  	[bflag:$0x3] =	sbarrier.arrive $0xFFFF  }
0x5e: {  	_ =	shalt  }

</sc_bundles>
